<compile_context>
chip_gen: v7x
topology: tpu7x:2x2x1
jax: 0.10.2.dev20260603
libtpu: 0.0.44.dev20260713+nightly
codegen_flags: <defaults>
</compile_context>

<pallas_src>
import functools

import jax
import jax.numpy as jnp
from jax import lax
from jax.experimental import pallas as pl
from jax.experimental.pallas import tpu as pltpu
from jax.experimental.pallas import tpu_sc as plsc

N = 10000
E = 320000
DIM = 128
R = 20
NBASE = 10

NS = 16
BATCH = 128
NBATCH = 160
CB = 8
NCHUNK = NBATCH // CB
EPT = NBATCH * BATCH
E_PAD = NS * EPT
NPAD = 10240
RPW = NPAD // NS
KPAD = 204800
ZPW = KPAD // NS
LANES = 16

_mesh = plsc.VectorSubcoreMesh(
    core_axis_name="c", subcore_axis_name="s", num_cores=1)



def _wr_body(comp_ref, w2_ref, out_ref):
    out_ref[...] = jnp.dot(comp_ref[...], w2_ref[...],
                           preferred_element_type=jnp.float32)


def _y_body(x_ref, w_ref, y_ref):
    y_ref[0] = jnp.dot(x_ref[...], w_ref[0],
                       preferred_element_type=jnp.float32)


def _inv_body(c_ref, o_ref):
    o_ref[...] = 1.0 / jnp.maximum(c_ref[...], 1.0)


def _final_body(p_ref, yr_ref, b_ref, o_ref):
    o_ref[...] = p_ref[...] + yr_ref[...] + b_ref[...]



@functools.partial(
    pl.kernel,
    mesh=_mesh,
    compiler_params=pltpu.CompilerParams(needs_layout_passes=False),
    out_type=jax.ShapeDtypeStruct((KPAD,), jnp.float32),
    scratch_types=[
        pltpu.VMEM((CB, BATCH), jnp.int32),
        pltpu.VMEM((CB, BATCH), jnp.int32),
        pltpu.VMEM((BATCH,), jnp.float32),
        pltpu.VMEM_SHARED((KPAD,), jnp.float32),
        pltpu.SemaphoreType.DMA,
    ],
)
def _counts_k(dst_hbm, typ_hbm, zk_hbm, out_hbm, dstv, typv, onesv, acc, sem):
    s = lax.axis_index("s")

    pltpu.sync_copy(zk_hbm.at[pl.ds(s * ZPW, ZPW)], acc.at[pl.ds(s * ZPW, ZPW)])

    for k in range(BATCH // LANES):
        onesv[pl.ds(k * LANES, LANES)] = jnp.full((LANES,), 1.0, jnp.float32)

    plsc.subcore_barrier()

    def chunk_body(ci, _):
        pltpu.sync_copy(dst_hbm.at[s, ci], dstv)
        pltpu.sync_copy(typ_hbm.at[s, ci], typv)

        def key_body(b, _):
            for k in range(BATCH // LANES):
                sl = pl.ds(k * LANES, LANES)
                typv[b, sl] = dstv[b, sl] * R + typv[b, sl]
            return 0

        lax.fori_loop(0, CB, key_body, 0)

        descs = [
            pltpu.async_copy(onesv, acc.at[typv.at[b]], sem, add=True)
            for b in range(CB)
        ]
        for d in descs:
            d.wait()
        return 0

    lax.fori_loop(0, NCHUNK, chunk_body, 0)
    plsc.subcore_barrier()

    pltpu.sync_copy(acc.at[pl.ds(s * ZPW, ZPW)], out_hbm.at[pl.ds(s * ZPW, ZPW)])


@functools.partial(
    pl.kernel,
    mesh=_mesh,
    compiler_params=pltpu.CompilerParams(needs_layout_passes=False),
    out_type=jax.ShapeDtypeStruct((NPAD, DIM), jnp.float32),
    scratch_types=[
        pltpu.VMEM((CB, BATCH), jnp.int32),
        pltpu.VMEM((CB, BATCH), jnp.int32),
        pltpu.VMEM((CB, BATCH), jnp.int32),
        pltpu.VMEM((BATCH, DIM), jnp.float32),
        pltpu.VMEM((BATCH, DIM), jnp.float32),
        pltpu.VMEM((BATCH,), jnp.float32),
        pltpu.VMEM((BATCH,), jnp.float32),
        pltpu.VMEM_SHARED((NPAD, DIM), jnp.float32),
        pltpu.SemaphoreType.DMA,
        pltpu.SemaphoreType.DMA,
        pltpu.SemaphoreType.DMA,
        pltpu.SemaphoreType.DMA,
        pltpu.SemaphoreType.DMA,
        pltpu.SemaphoreType.DMA,
    ],
)
def _msg_k(src_hbm, typ_hbm, dst_hbm, y_hbm, inv_hbm, zn_hbm, out_hbm,
           srcv, typv, dstv, rows0, rows1, inv0, inv1, acc,
           gs0, gs1, is0, is1, ss0, ss1):
    s = lax.axis_index("s")

    pltpu.sync_copy(zn_hbm.at[pl.ds(s * RPW, RPW)], acc.at[pl.ds(s * RPW, RPW)])
    plsc.subcore_barrier()

    rows = [rows0, rows1]
    invv = [inv0, inv1]
    gsem = [gs0, gs1]
    isem = [is0, is1]
    ssem = [ss0, ss1]

    def chunk_body(ci, _):
        pltpu.sync_copy(src_hbm.at[s, ci], srcv)
        pltpu.sync_copy(typ_hbm.at[s, ci], typv)
        pltpu.sync_copy(dst_hbm.at[s, ci], dstv)

        def idx_body(b, _):
            for k in range(BATCH // LANES):
                sl = pl.ds(k * LANES, LANES)
                a = srcv[b, sl]
                t = typv[b, sl]
                srcv[b, sl] = t * N + a
                typv[b, sl] = dstv[b, sl] * R + t
            return 0

        lax.fori_loop(0, CB, idx_body, 0)

        def issue(b):
            p = b % 2
            g = pltpu.async_copy(y_hbm.at[srcv.at[b]], rows[p], gsem[p])
            h = pltpu.async_copy(inv_hbm.at[typv.at[b]], invv[p], isem[p])
            return g, h

        def scale(p):
            rbuf, ibuf = rows[p], invv[p]
            UNROLL = 4

            def scale_body(q, _):
                e0 = q * UNROLL
                for u in range(UNROLL):
                    e = e0 + u
                    sv = plsc.load_gather(
                        ibuf, [jnp.full((LANES,), e, jnp.int32)])
                    for k in range(DIM // LANES):
                        sl = pl.ds(k * LANES, LANES)
                        rbuf[e, sl] = rbuf[e, sl] * sv
                return 0

            lax.fori_loop(0, BATCH // UNROLL, scale_body, 0)

        pend = [issue(0), issue(1)]
        scat = [None, None]
        for b in range(CB):
            p = b % 2
            g, h = pend[p]
            g.wait()
            h.wait()
            scale(p)
            scat[p] = pltpu.async_copy(rows[p], acc.at[dstv.at[b]], ssem[p],
                                       add=True)
            scat[p].wait()
            if b + 2 < CB:
                pend[p] = issue(b + 2)
        return 0

    lax.fori_loop(0, NCHUNK, chunk_body, 0)
    plsc.subcore_barrier()

    pltpu.sync_copy(acc.at[pl.ds(s * RPW, RPW)], out_hbm.at[pl.ds(s * RPW, RPW)])



def kernel(x, edge_index, edge_type, comp, weight, root, bias):
    pad = E_PAD - E
    src = jnp.concatenate(
        [edge_index[0], jnp.zeros((pad,), jnp.int32)]
    ).reshape(NS, NCHUNK, CB, BATCH)
    dst = jnp.concatenate(
        [edge_index[1], jnp.full((pad,), NPAD - 1, jnp.int32)]
    ).reshape(NS, NCHUNK, CB, BATCH)
    typ = jnp.concatenate(
        [edge_type, jnp.zeros((pad,), jnp.int32)]
    ).reshape(NS, NCHUNK, CB, BATCH)

    wr20 = pl.pallas_call(
        _wr_body,
        out_shape=jax.ShapeDtypeStruct((R, DIM * DIM), jnp.float32),
    )(comp, weight.reshape(NBASE, DIM * DIM))
    wr_all = jnp.concatenate(
        [wr20.reshape(R, DIM, DIM), root[None]], axis=0)

    XB = 1000
    y = pl.pallas_call(
        _y_body,
        grid=(N // XB, R + 1),
        in_specs=[
            pl.BlockSpec((XB, DIM), lambda j, r: (j, 0)),
            pl.BlockSpec((1, DIM, DIM), lambda j, r: (r, 0, 0)),
        ],
        out_specs=pl.BlockSpec((1, XB, DIM), lambda j, r: (r, j, 0)),
        out_shape=jax.ShapeDtypeStruct((R + 1, N, DIM), jnp.float32),
    )(x, wr_all)
    y_flat = y.reshape((R + 1) * N, DIM)

    zeros_k = jnp.zeros((KPAD,), jnp.float32)
    counts = _counts_k(dst, typ, zeros_k)

    inv = pl.pallas_call(
        _inv_body,
        out_shape=jax.ShapeDtypeStruct((KPAD // DIM, DIM), jnp.float32),
    )(counts.reshape(KPAD // DIM, DIM))
    inv_flat = inv.reshape(KPAD)

    zeros_n = jnp.zeros((NPAD, DIM), jnp.float32)
    msg = _msg_k(src, typ, dst, y_flat, inv_flat, zeros_n)

    OB = 400
    out = pl.pallas_call(
        _final_body,
        grid=(N // OB,),
        in_specs=[
            pl.BlockSpec((OB, DIM), lambda j: (j, 0)),
            pl.BlockSpec((OB, DIM), lambda j: (j, 0)),
            pl.BlockSpec((1, DIM), lambda j: (0, 0)),
        ],
        out_specs=pl.BlockSpec((OB, DIM), lambda j: (j, 0)),
        out_shape=jax.ShapeDtypeStruct((N, DIM), jnp.float32),
    )(msg, y_flat[R * N:(R + 1) * N], bias.reshape(1, DIM))
    return out

# --- scband reference (transcript-rebuilt; emitter-appended) ---
"""Pipeline reference for scband-conv-dgn-16286515986845 (READ-ONLY COPY).

The authoritative reference and input builder live on the scoring server;
editing this copy changes nothing except your own understanding.
"""

import jax, jax.numpy as jnp
import numpy as np

N = 10000
E = 320000
IN_DIM = 128
OUT_DIM = 128
NUM_REL = 20
NUM_BASES = 10


def setup_inputs(seed: int = 0) -> dict:
    key = jax.random.key(seed)
    ks = jax.random.split(key, 8)
    x = jax.random.normal(ks[0], (N, IN_DIM), dtype=jnp.float32)
    edge_index = jax.random.randint(ks[1], (2, E), 0, N, dtype=jnp.int32)
    edge_type = jax.random.randint(ks[2], (E,), 0, NUM_REL, dtype=jnp.int32)
    # RGCNConv(in=128, out=128, num_relations=20, num_bases=10) parameters
    comp = jax.random.normal(ks[3], (NUM_REL, NUM_BASES), dtype=jnp.float32) * 0.1
    weight = jax.random.normal(ks[4], (NUM_BASES, IN_DIM, OUT_DIM), dtype=jnp.float32) * (1.0 / np.sqrt(IN_DIM))
    root = jax.random.normal(ks[5], (IN_DIM, OUT_DIM), dtype=jnp.float32) * (1.0 / np.sqrt(IN_DIM))
    bias = jnp.zeros((OUT_DIM,), dtype=jnp.float32)
    return {"x": x, "edge_index": edge_index, "edge_type": edge_type,
            "comp": comp, "weight": weight, "root": root, "bias": bias}


def reference(x, edge_index, edge_type, comp, weight, root, bias):
    # Single-layer ConvDGN with type='rgcn', empty hidden_sizes_list:
    # forward runs one RGCNConv on ((x, x_target=x), edge_index, edge_type).
    # num_conv == 1 so no relu/dropout after the last (only) layer.
    n = x.shape[0]
    # basis decomposition: W_r = sum_b comp[r, b] * weight[b]
    Wr = jnp.einsum('rb,bio->rio', comp, weight)  # [R, in, out]
    src = edge_index[0]
    dst = edge_index[1]
    x_src = jnp.take(x, src, axis=0)  # gather [E, in]
    out = jnp.zeros((n, Wr.shape[2]), dtype=x.dtype)
    for r in range(NUM_REL):
        m = (edge_type == r).astype(x.dtype)  # [E]
        s = jax.ops.segment_sum(x_src * m[:, None], dst, num_segments=n)  # [n, in]
        c = jax.ops.segment_sum(m, dst, num_segments=n)  # [n]
        h = s / jnp.maximum(c, 1.0)[:, None]  # per-relation mean aggregation (PyG aggr='mean')
        out = out + h @ Wr[r]
    out = out + x @ root + bias  # root transform of x_target (= x) plus bias
    return out

if __name__ == "__main__":
    import jax
    _d = setup_inputs()
    print(jax.jit(kernel)(*tuple(_d.values())))

</pallas_src>

<mosaic_0001>
#map = affine_map<(d0, d1) -> (0, 0, 0, 0)>
#map1 = affine_map<(d0, d1) -> (0, 0)>
#map2 = affine_map<(d0, d1) -> (0)>
module attributes {stable_mosaic.version = 14 : i64} {
  func.func @_msg_k(%arg0: i32, %arg1: i32, %arg2: memref<16x20x8x128xi32, #tpu.memory_space<hbm>>, %arg3: memref<16x20x8x128xi32, #tpu.memory_space<hbm>>, %arg4: memref<16x20x8x128xi32, #tpu.memory_space<hbm>>, %arg5: memref<210000x128xf32, #tpu.memory_space<hbm>>, %arg6: memref<204800xf32, #tpu.memory_space<hbm>>, %arg7: memref<10240x128xf32, #tpu.memory_space<hbm>>, %arg8: memref<10240x128xf32, #tpu.memory_space<hbm>>, %arg9: memref<8x128xi32, #tpu.memory_space<vmem>>, %arg10: memref<8x128xi32, #tpu.memory_space<vmem>>, %arg11: memref<8x128xi32, #tpu.memory_space<vmem>>, %arg12: memref<128x128xf32, #tpu.memory_space<vmem>>, %arg13: memref<128x128xf32, #tpu.memory_space<vmem>>, %arg14: memref<128xf32, #tpu.memory_space<vmem>>, %arg15: memref<128xf32, #tpu.memory_space<vmem>>, %arg16: memref<10240x128xf32, #tpu.memory_space<vmem_shared>>, %arg17: memref<!tpu.dma_semaphore, #tpu.memory_space<semaphore_mem>>, %arg18: memref<!tpu.dma_semaphore, #tpu.memory_space<semaphore_mem>>, %arg19: memref<!tpu.dma_semaphore, #tpu.memory_space<semaphore_mem>>, %arg20: memref<!tpu.dma_semaphore, #tpu.memory_space<semaphore_mem>>, %arg21: memref<!tpu.dma_semaphore, #tpu.memory_space<semaphore_mem>>, %arg22: memref<!tpu.dma_semaphore, #tpu.memory_space<semaphore_mem>>) attributes {dimension_semantics = [#tpu.dimension_semantics<core_parallel>, #tpu.dimension_semantics<subcore_parallel>], iteration_bounds = array<i64: 1, 16>, scalar_prefetch = 0 : i64, scratch_operands = 14 : i64, tpu.core_type = #tpu.core_type<sc_vector_subcore>, window_params = [{transform_indices = #map}, {transform_indices = #map}, {transform_indices = #map}, {transform_indices = #map1}, {transform_indices = #map2}, {transform_indices = #map1}, {transform_indices = #map1}]} {
    %mul3A = arith.constant 640 : i32
    %mul3A_0 = arith.muli %arg1, %mul3A : i32
    %mul3A_1 = arith.constant 640 : i32
    %mul3A_2 = arith.muli %arg1, %mul3A_1 : i32
    "tpu.region"() ({
      %run_scoped3A = tpu.sem_alloc : memref<!tpu.dma_semaphore, #tpu.memory_space<semaphore_mem>>
      %dma_start3A = arith.constant 0 : i32
      %dma_start3A_14 = tpu.memref_slice %arg16[%mul3A_2, %dma_start3A] : memref<10240x128xf32, #tpu.memory_space<vmem_shared>> -> memref<640x128xf32, #tpu.memory_space<vmem_shared>>
      %dma_start3A_15 = arith.constant 0 : i32
      %dma_start3A_16 = tpu.memref_slice %arg7[%mul3A_0, %dma_start3A_15] : memref<10240x128xf32, #tpu.memory_space<hbm>> -> memref<640x128xf32, #tpu.memory_space<hbm>>
      tpu.enqueue_dma source(%dma_start3A_16 : memref<640x128xf32, #tpu.memory_space<hbm>>) target(%dma_start3A_14 : memref<640x128xf32, #tpu.memory_space<vmem_shared>>) target_semaphore(%run_scoped3A : memref<!tpu.dma_semaphore, #tpu.memory_space<semaphore_mem>>)
      %dma_wait3A = arith.constant 0 : i32
      %dma_wait3A_17 = tpu.memref_slice %arg16[%mul3A_2, %dma_wait3A] : memref<10240x128xf32, #tpu.memory_space<vmem_shared>> -> memref<640x128xf32, #tpu.memory_space<vmem_shared>>
      %dma_wait3A_18 = arith.constant 0 : i32
      %dma_wait3A_19 = tpu.memref_slice %arg7[%mul3A_0, %dma_wait3A_18] : memref<10240x128xf32, #tpu.memory_space<hbm>> -> memref<640x128xf32, #tpu.memory_space<hbm>>
      tpu.wait_dma2 semaphore(%run_scoped3A : memref<!tpu.dma_semaphore, #tpu.memory_space<semaphore_mem>>) src(%dma_wait3A_19 : memref<640x128xf32, #tpu.memory_space<hbm>>) dst(%dma_wait3A_17 : memref<640x128xf32, #tpu.memory_space<vmem_shared>>)
      tpu.yield
    }) : () -> ()
    %barrier3A = arith.constant 0 : index
    tpu.barrier barrier_id(%barrier3A)
    %scan3A = arith.constant 0 : i32
    %scan3A_3 = arith.constant 0 : i32
    %scan3A_4 = arith.constant 20 : i32
    %scan3A_5 = arith.addi %scan3A_3, %scan3A_4 : i32
    %scan3A_6 = arith.constant 1 : i32
    %scan3A_7 = scf.for %scan3A_14 = %scan3A_3 to %scan3A_5 step %scan3A_6 iter_args(%scan3A_15 = %scan3A) -> (i32)  : i32 {
      "tpu.region"() ({
        %run_scoped3A = tpu.sem_alloc : memref<!tpu.dma_semaphore, #tpu.memory_space<semaphore_mem>>
        %dma_start3A_398 = arith.constant 0 : i32
        %dma_start3A_399 = arith.constant 0 : i32
        %dma_start3A_400 = tpu.memref_slice %arg2[%arg1, %scan3A_14, %dma_start3A_398, %dma_start3A_399] : memref<16x20x8x128xi32, #tpu.memory_space<hbm>> -> memref<1x1x8x128xi32, #tpu.memory_space<hbm>>
        %dma_start3A_401 = tpu.memref_squeeze %dma_start3A_400 : memref<1x1x8x128xi32, #tpu.memory_space<hbm>> -> memref<8x128xi32, #tpu.memory_space<hbm>>
        %dma_start3A_402 = arith.constant 0 : i32
        %dma_start3A_403 = arith.constant 0 : i32
        %dma_start3A_404 = tpu.memref_slice %arg2[%arg1, %scan3A_14, %dma_start3A_402, %dma_start3A_403] : memref<16x20x8x128xi32, #tpu.memory_space<hbm>> -> memref<1x1x8x128xi32, #tpu.memory_space<hbm>>
        %dma_start3A_405 = tpu.memref_squeeze %dma_start3A_404 : memref<1x1x8x128xi32, #tpu.memory_space<hbm>> -> memref<8x128xi32, #tpu.memory_space<hbm>>
        tpu.enqueue_dma source(%dma_start3A_405 : memref<8x128xi32, #tpu.memory_space<hbm>>) target(%arg9 : memref<8x128xi32, #tpu.memory_space<vmem>>) target_semaphore(%run_scoped3A : memref<!tpu.dma_semaphore, #tpu.memory_space<semaphore_mem>>)
        %dma_wait3A_406 = arith.constant 0 : i32
        %dma_wait3A_407 = arith.constant 0 : i32
        %dma_wait3A_408 = tpu.memref_slice %arg2[%arg1, %scan3A_14, %dma_wait3A_406, %dma_wait3A_407] : memref<16x20x8x128xi32, #tpu.memory_space<hbm>> -> memref<1x1x8x128xi32, #tpu.memory_space<hbm>>
        %dma_wait3A_409 = tpu.memref_squeeze %dma_wait3A_408 : memref<1x1x8x128xi32, #tpu.memory_space<hbm>> -> memref<8x128xi32, #tpu.memory_space<hbm>>
        %dma_wait3A_410 = arith.constant 0 : i32
        %dma_wait3A_411 = arith.constant 0 : i32
        %dma_wait3A_412 = tpu.memref_slice %arg2[%arg1, %scan3A_14, %dma_wait3A_410, %dma_wait3A_411] : memref<16x20x8x128xi32, #tpu.memory_space<hbm>> -> memref<1x1x8x128xi32, #tpu.memory_space<hbm>>
        %dma_wait3A_413 = tpu.memref_squeeze %dma_wait3A_412 : memref<1x1x8x128xi32, #tpu.memory_space<hbm>> -> memref<8x128xi32, #tpu.memory_space<hbm>>
        tpu.wait_dma2 semaphore(%run_scoped3A : memref<!tpu.dma_semaphore, #tpu.memory_space<semaphore_mem>>) src(%dma_wait3A_413 : memref<8x128xi32, #tpu.memory_space<hbm>>) dst(%arg9 : memref<8x128xi32, #tpu.memory_space<vmem>>)
        tpu.yield
      }) : () -> ()
      "tpu.region"() ({
        %run_scoped3A = tpu.sem_alloc : memref<!tpu.dma_semaphore, #tpu.memory_space<semaphore_mem>>
        %dma_start3A_398 = arith.constant 0 : i32
        %dma_start3A_399 = arith.constant 0 : i32
        %dma_start3A_400 = tpu.memref_slice %arg3[%arg1, %scan3A_14, %dma_start3A_398, %dma_start3A_399] : memref<16x20x8x128xi32, #tpu.memory_space<hbm>> -> memref<1x1x8x128xi32, #tpu.memory_space<hbm>>
        %dma_start3A_401 = tpu.memref_squeeze %dma_start3A_400 : memref<1x1x8x128xi32, #tpu.memory_space<hbm>> -> memref<8x128xi32, #tpu.memory_space<hbm>>
        %dma_start3A_402 = arith.constant 0 : i32
        %dma_start3A_403 = arith.constant 0 : i32
        %dma_start3A_404 = tpu.memref_slice %arg3[%arg1, %scan3A_14, %dma_start3A_402, %dma_start3A_403] : memref<16x20x8x128xi32, #tpu.memory_space<hbm>> -> memref<1x1x8x128xi32, #tpu.memory_space<hbm>>
        %dma_start3A_405 = tpu.memref_squeeze %dma_start3A_404 : memref<1x1x8x128xi32, #tpu.memory_space<hbm>> -> memref<8x128xi32, #tpu.memory_space<hbm>>
        tpu.enqueue_dma source(%dma_start3A_405 : memref<8x128xi32, #tpu.memory_space<hbm>>) target(%arg10 : memref<8x128xi32, #tpu.memory_space<vmem>>) target_semaphore(%run_scoped3A : memref<!tpu.dma_semaphore, #tpu.memory_space<semaphore_mem>>)
        %dma_wait3A_406 = arith.constant 0 : i32
        %dma_wait3A_407 = arith.constant 0 : i32
        %dma_wait3A_408 = tpu.memref_slice %arg3[%arg1, %scan3A_14, %dma_wait3A_406, %dma_wait3A_407] : memref<16x20x8x128xi32, #tpu.memory_space<hbm>> -> memref<1x1x8x128xi32, #tpu.memory_space<hbm>>
        %dma_wait3A_409 = tpu.memref_squeeze %dma_wait3A_408 : memref<1x1x8x128xi32, #tpu.memory_space<hbm>> -> memref<8x128xi32, #tpu.memory_space<hbm>>
        %dma_wait3A_410 = arith.constant 0 : i32
        %dma_wait3A_411 = arith.constant 0 : i32
        %dma_wait3A_412 = tpu.memref_slice %arg3[%arg1, %scan3A_14, %dma_wait3A_410, %dma_wait3A_411] : memref<16x20x8x128xi32, #tpu.memory_space<hbm>> -> memref<1x1x8x128xi32, #tpu.memory_space<hbm>>
        %dma_wait3A_413 = tpu.memref_squeeze %dma_wait3A_412 : memref<1x1x8x128xi32, #tpu.memory_space<hbm>> -> memref<8x128xi32, #tpu.memory_space<hbm>>
        tpu.wait_dma2 semaphore(%run_scoped3A : memref<!tpu.dma_semaphore, #tpu.memory_space<semaphore_mem>>) src(%dma_wait3A_413 : memref<8x128xi32, #tpu.memory_space<hbm>>) dst(%arg10 : memref<8x128xi32, #tpu.memory_space<vmem>>)
        tpu.yield
      }) : () -> ()
      "tpu.region"() ({
        %run_scoped3A = tpu.sem_alloc : memref<!tpu.dma_semaphore, #tpu.memory_space<semaphore_mem>>
        %dma_start3A_398 = arith.constant 0 : i32
        %dma_start3A_399 = arith.constant 0 : i32
        %dma_start3A_400 = tpu.memref_slice %arg4[%arg1, %scan3A_14, %dma_start3A_398, %dma_start3A_399] : memref<16x20x8x128xi32, #tpu.memory_space<hbm>> -> memref<1x1x8x128xi32, #tpu.memory_space<hbm>>
        %dma_start3A_401 = tpu.memref_squeeze %dma_start3A_400 : memref<1x1x8x128xi32, #tpu.memory_space<hbm>> -> memref<8x128xi32, #tpu.memory_space<hbm>>
        %dma_start3A_402 = arith.constant 0 : i32
        %dma_start3A_403 = arith.constant 0 : i32
        %dma_start3A_404 = tpu.memref_slice %arg4[%arg1, %scan3A_14, %dma_start3A_402, %dma_start3A_403] : memref<16x20x8x128xi32, #tpu.memory_space<hbm>> -> memref<1x1x8x128xi32, #tpu.memory_space<hbm>>
        %dma_start3A_405 = tpu.memref_squeeze %dma_start3A_404 : memref<1x1x8x128xi32, #tpu.memory_space<hbm>> -> memref<8x128xi32, #tpu.memory_space<hbm>>
        tpu.enqueue_dma source(%dma_start3A_405 : memref<8x128xi32, #tpu.memory_space<hbm>>) target(%arg11 : memref<8x128xi32, #tpu.memory_space<vmem>>) target_semaphore(%run_scoped3A : memref<!tpu.dma_semaphore, #tpu.memory_space<semaphore_mem>>)
        %dma_wait3A_406 = arith.constant 0 : i32
        %dma_wait3A_407 = arith.constant 0 : i32
        %dma_wait3A_408 = tpu.memref_slice %arg4[%arg1, %scan3A_14, %dma_wait3A_406, %dma_wait3A_407] : memref<16x20x8x128xi32, #tpu.memory_space<hbm>> -> memref<1x1x8x128xi32, #tpu.memory_space<hbm>>
        %dma_wait3A_409 = tpu.memref_squeeze %dma_wait3A_408 : memref<1x1x8x128xi32, #tpu.memory_space<hbm>> -> memref<8x128xi32, #tpu.memory_space<hbm>>
        %dma_wait3A_410 = arith.constant 0 : i32
        %dma_wait3A_411 = arith.constant 0 : i32
        %dma_wait3A_412 = tpu.memref_slice %arg4[%arg1, %scan3A_14, %dma_wait3A_410, %dma_wait3A_411] : memref<16x20x8x128xi32, #tpu.memory_space<hbm>> -> memref<1x1x8x128xi32, #tpu.memory_space<hbm>>
        %dma_wait3A_413 = tpu.memref_squeeze %dma_wait3A_412 : memref<1x1x8x128xi32, #tpu.memory_space<hbm>> -> memref<8x128xi32, #tpu.memory_space<hbm>>
        tpu.wait_dma2 semaphore(%run_scoped3A : memref<!tpu.dma_semaphore, #tpu.memory_space<semaphore_mem>>) src(%dma_wait3A_413 : memref<8x128xi32, #tpu.memory_space<hbm>>) dst(%arg11 : memref<8x128xi32, #tpu.memory_space<vmem>>)
        tpu.yield
      }) : () -> ()
      %scan3A_16 = arith.constant 0 : i32
      %scan3A_17 = arith.constant 0 : i32
      %scan3A_18 = arith.constant 8 : i32
      %scan3A_19 = arith.addi %scan3A_17, %scan3A_18 : i32
      %scan3A_20 = arith.constant 1 : i32
      %scan3A_21 = scf.for %scan3A_398 = %scan3A_17 to %scan3A_19 step %scan3A_20 iter_args(%scan3A_399 = %scan3A_16) -> (i32)  : i32 {
        %get3A = arith.index_cast %scan3A_398 : i32 to index
        %get3A_400 = arith.constant 0 : index
        %get3A_401 = tpu.vector_load %arg9[%get3A, %get3A_400] {strides = array<i32>} : memref<8x128xi32, #tpu.memory_space<vmem>>, vector<16xi32>,
        %get3A_402 = arith.index_cast %scan3A_398 : i32 to index
        %get3A_403 = arith.constant 0 : index
        %get3A_404 = tpu.vector_load %arg10[%get3A_402, %get3A_403] {strides = array<i32>} : memref<8x128xi32, #tpu.memory_space<vmem>>, vector<16xi32>,
        %mul3A_405 = arith.constant 10000 : i32
        %mul3A_406 = vector.broadcast %mul3A_405 : i32 to vector<16xi32>
        %mul3A_407 = arith.muli %get3A_404, %mul3A_406 : vector<16xi32>
        %add3A = arith.addi %mul3A_407, %get3A_401 : vector<16xi32>
        %swap3A = arith.index_cast %scan3A_398 : i32 to index
        %swap3A_408 = arith.constant 0 : index
        %swap3A_409 = tpu.vector_load %arg9[%swap3A, %swap3A_408] {strides = array<i32>} : memref<8x128xi32, #tpu.memory_space<vmem>>, vector<16xi32>,
        tpu.vector_store %arg9[%swap3A, %swap3A_408], %add3A {strides = array<i32>} : memref<8x128xi32, #tpu.memory_space<vmem>>, vector<16xi32>,
        %get3A_410 = arith.index_cast %scan3A_398 : i32 to index
        %get3A_411 = arith.constant 0 : index
        %get3A_412 = tpu.vector_load %arg11[%get3A_410, %get3A_411] {strides = array<i32>} : memref<8x128xi32, #tpu.memory_space<vmem>>, vector<16xi32>,
        %mul3A_413 = arith.constant 20 : i32
        %mul3A_414 = vector.broadcast %mul3A_413 : i32 to vector<16xi32>
        %mul3A_415 = arith.muli %get3A_412, %mul3A_414 : vector<16xi32>
        %add3A_416 = arith.addi %mul3A_415, %get3A_404 : vector<16xi32>
        %swap3A_417 = arith.index_cast %scan3A_398 : i32 to index
        %swap3A_418 = arith.constant 0 : index
        %swap3A_419 = tpu.vector_load %arg10[%swap3A_417, %swap3A_418] {strides = array<i32>} : memref<8x128xi32, #tpu.memory_space<vmem>>, vector<16xi32>,
        tpu.vector_store %arg10[%swap3A_417, %swap3A_418], %add3A_416 {strides = array<i32>} : memref<8x128xi32, #tpu.memory_space<vmem>>, vector<16xi32>,
        %get3A_420 = arith.index_cast %scan3A_398 : i32 to index
        %get3A_421 = arith.constant 16 : index
        %get3A_422 = tpu.vector_load %arg9[%get3A_420, %get3A_421] {strides = array<i32>} : memref<8x128xi32, #tpu.memory_space<vmem>>, vector<16xi32>,
        %get3A_423 = arith.index_cast %scan3A_398 : i32 to index
        %get3A_424 = arith.constant 16 : index
        %get3A_425 = tpu.vector_load %arg10[%get3A_423, %get3A_424] {strides = array<i32>} : memref<8x128xi32, #tpu.memory_space<vmem>>, vector<16xi32>,
        %mul3A_426 = arith.constant 10000 : i32
        %mul3A_427 = vector.broadcast %mul3A_426 : i32 to vector<16xi32>
        %mul3A_428 = arith.muli %get3A_425, %mul3A_427 : vector<16xi32>
        %add3A_429 = arith.addi %mul3A_428, %get3A_422 : vector<16xi32>
        %swap3A_430 = arith.index_cast %scan3A_398 : i32 to index
        %swap3A_431 = arith.constant 16 : index
        %swap3A_432 = tpu.vector_load %arg9[%swap3A_430, %swap3A_431] {strides = array<i32>} : memref<8x128xi32, #tpu.memory_space<vmem>>, vector<16xi32>,
        tpu.vector_store %arg9[%swap3A_430, %swap3A_431], %add3A_429 {strides = array<i32>} : memref<8x128xi32, #tpu.memory_space<vmem>>, vector<16xi32>,
        %get3A_433 = arith.index_cast %scan3A_398 : i32 to index
        %get3A_434 = arith.constant 16 : index
        %get3A_435 = tpu.vector_load %arg11[%get3A_433, %get3A_434] {strides = array<i32>} : memref<8x128xi32, #tpu.memory_space<vmem>>, vector<16xi32>,
        %mul3A_436 = arith.constant 20 : i32
        %mul3A_437 = vector.broadcast %mul3A_436 : i32 to vector<16xi32>
        %mul3A_438 = arith.muli %get3A_435, %mul3A_437 : vector<16xi32>
        %add3A_439 = arith.addi %mul3A_438, %get3A_425 : vector<16xi32>
        %swap3A_440 = arith.index_cast %scan3A_398 : i32 to index
        %swap3A_441 = arith.constant 16 : index
        %swap3A_442 = tpu.vector_load %arg10[%swap3A_440, %swap3A_441] {strides = array<i32>} : memref<8x128xi32, #tpu.memory_space<vmem>>, vector<16xi32>,
        tpu.vector_store %arg10[%swap3A_440, %swap3A_441], %add3A_439 {strides = array<i32>} : memref<8x128xi32, #tpu.memory_space<vmem>>, vector<16xi32>,
        %get3A_443 = arith.index_cast %scan3A_398 : i32 to index
        %get3A_444 = arith.constant 32 : index
        %get3A_445 = tpu.vector_load %arg9[%get3A_443, %get3A_444] {strides = array<i32>} : memref<8x128xi32, #tpu.memory_space<vmem>>, vector<16xi32>,
        %get3A_446 = arith.index_cast %scan3A_398 : i32 to index
        %get3A_447 = arith.constant 32 : index
        %get3A_448 = tpu.vector_load %arg10[%get3A_446, %get3A_447] {strides = array<i32>} : memref<8x128xi32, #tpu.memory_space<vmem>>, vector<16xi32>,
        %mul3A_449 = arith.constant 10000 : i32
        %mul3A_450 = vector.broadcast %mul3A_449 : i32 to vector<16xi32>
        %mul3A_451 = arith.muli %get3A_448, %mul3A_450 : vector<16xi32>
        %add3A_452 = arith.addi %mul3A_451, %get3A_445 : vector<16xi32>
        %swap3A_453 = arith.index_cast %scan3A_398 : i32 to index
        %swap3A_454 = arith.constant 32 : index
        %swap3A_455 = tpu.vector_load %arg9[%swap3A_453, %swap3A_454] {strides = array<i32>} : memref<8x128xi32, #tpu.memory_space<vmem>>, vector<16xi32>,
        tpu.vector_store %arg9[%swap3A_453, %swap3A_454], %add3A_452 {strides = array<i32>} : memref<8x128xi32, #tpu.memory_space<vmem>>, vector<16xi32>,
        %get3A_456 = arith.index_cast %scan3A_398 : i32 to index
        %get3A_457 = arith.constant 32 : index
        %get3A_458 = tpu.vector_load %arg11[%get3A_456, %get3A_457] {strides = array<i32>} : memref<8x128xi32, #tpu.memory_space<vmem>>, vector<16xi32>,
        %mul3A_459 = arith.constant 20 : i32
        %mul3A_460 = vector.broadcast %mul3A_459 : i32 to vector<16xi32>
        %mul3A_461 = arith.muli %get3A_458, %mul3A_460 : vector<16xi32>
        %add3A_462 = arith.addi %mul3A_461, %get3A_448 : vector<16xi32>
        %swap3A_463 = arith.index_cast %scan3A_398 : i32 to index
        %swap3A_464 = arith.constant 32 : index
        %swap3A_465 = tpu.vector_load %arg10[%swap3A_463, %swap3A_464] {strides = array<i32>} : memref<8x128xi32, #tpu.memory_space<vmem>>, vector<16xi32>,
        tpu.vector_store %arg10[%swap3A_463, %swap3A_464], %add3A_462 {strides = array<i32>} : memref<8x128xi32, #tpu.memory_space<vmem>>, vector<16xi32>,
        %get3A_466 = arith.index_cast %scan3A_398 : i32 to index
        %get3A_467 = arith.constant 48 : index
        %get3A_468 = tpu.vector_load %arg9[%get3A_466, %get3A_467] {strides = array<i32>} : memref<8x128xi32, #tpu.memory_space<vmem>>, vector<16xi32>,
        %get3A_469 = arith.index_cast %scan3A_398 : i32 to index
        %get3A_470 = arith.constant 48 : index
        %get3A_471 = tpu.vector_load %arg10[%get3A_469, %get3A_470] {strides = array<i32>} : memref<8x128xi32, #tpu.memory_space<vmem>>, vector<16xi32>,
        %mul3A_472 = arith.constant 10000 : i32
        %mul3A_473 = vector.broadcast %mul3A_472 : i32 to vector<16xi32>
        %mul3A_474 = arith.muli %get3A_471, %mul3A_473 : vector<16xi32>
        %add3A_475 = arith.addi %mul3A_474, %get3A_468 : vector<16xi32>
        %swap3A_476 = arith.index_cast %scan3A_398 : i32 to index
        %swap3A_477 = arith.constant 48 : index
        %swap3A_478 = tpu.vector_load %arg9[%swap3A_476, %swap3A_477] {strides = array<i32>} : memref<8x128xi32, #tpu.memory_space<vmem>>, vector<16xi32>,
        tpu.vector_store %arg9[%swap3A_476, %swap3A_477], %add3A_475 {strides = array<i32>} : memref<8x128xi32, #tpu.memory_space<vmem>>, vector<16xi32>,
        %get3A_479 = arith.index_cast %scan3A_398 : i32 to index
        %get3A_480 = arith.constant 48 : index
        %get3A_481 = tpu.vector_load %arg11[%get3A_479, %get3A_480] {strides = array<i32>} : memref<8x128xi32, #tpu.memory_space<vmem>>, vector<16xi32>,
        %mul3A_482 = arith.constant 20 : i32
        %mul3A_483 = vector.broadcast %mul3A_482 : i32 to vector<16xi32>
        %mul3A_484 = arith.muli %get3A_481, %mul3A_483 : vector<16xi32>
        %add3A_485 = arith.addi %mul3A_484, %get3A_471 : vector<16xi32>
        %swap3A_486 = arith.index_cast %scan3A_398 : i32 to index
        %swap3A_487 = arith.constant 48 : index
        %swap3A_488 = tpu.vector_load %arg10[%swap3A_486, %swap3A_487] {strides = array<i32>} : memref<8x128xi32, #tpu.memory_space<vmem>>, vector<16xi32>,
        tpu.vector_store %arg10[%swap3A_486, %swap3A_487], %add3A_485 {strides = array<i32>} : memref<8x128xi32, #tpu.memory_space<vmem>>, vector<16xi32>,
        %get3A_489 = arith.index_cast %scan3A_398 : i32 to index
        %get3A_490 = arith.constant 64 : index
        %get3A_491 = tpu.vector_load %arg9[%get3A_489, %get3A_490] {strides = array<i32>} : memref<8x128xi32, #tpu.memory_space<vmem>>, vector<16xi32>,
        %get3A_492 = arith.index_cast %scan3A_398 : i32 to index
        %get3A_493 = arith.constant 64 : index
        %get3A_494 = tpu.vector_load %arg10[%get3A_492, %get3A_493] {strides = array<i32>} : memref<8x128xi32, #tpu.memory_space<vmem>>, vector<16xi32>,
        %mul3A_495 = arith.constant 10000 : i32
        %mul3A_496 = vector.broadcast %mul3A_495 : i32 to vector<16xi32>
        %mul3A_497 = arith.muli %get3A_494, %mul3A_496 : vector<16xi32>
        %add3A_498 = arith.addi %mul3A_497, %get3A_491 : vector<16xi32>
        %swap3A_499 = arith.index_cast %scan3A_398 : i32 to index
        %swap3A_500 = arith.constant 64 : index
        %swap3A_501 = tpu.vector_load %arg9[%swap3A_499, %swap3A_500] {strides = array<i32>} : memref<8x128xi32, #tpu.memory_space<vmem>>, vector<16xi32>,
        tpu.vector_store %arg9[%swap3A_499, %swap3A_500], %add3A_498 {strides = array<i32>} : memref<8x128xi32, #tpu.memory_space<vmem>>, vector<16xi32>,
        %get3A_502 = arith.index_cast %scan3A_398 : i32 to index
        %get3A_503 = arith.constant 64 : index
        %get3A_504 = tpu.vector_load %arg11[%get3A_502, %get3A_503] {strides = array<i32>} : memref<8x128xi32, #tpu.memory_space<vmem>>, vector<16xi32>,
        %mul3A_505 = arith.constant 20 : i32
        %mul3A_506 = vector.broadcast %mul3A_505 : i32 to vector<16xi32>
        %mul3A_507 = arith.muli %get3A_504, %mul3A_506 : vector<16xi32>
        %add3A_508 = arith.addi %mul3A_507, %get3A_494 : vector<16xi32>
        %swap3A_509 = arith.index_cast %scan3A_398 : i32 to index
        %swap3A_510 = arith.constant 64 : index
        %swap3A_511 = tpu.vector_load %arg10[%swap3A_509, %swap3A_510] {strides = array<i32>} : memref<8x128xi32, #tpu.memory_space<vmem>>, vector<16xi32>,
        tpu.vector_store %arg10[%swap3A_509, %swap3A_510], %add3A_508 {strides = array<i32>} : memref<8x128xi32, #tpu.memory_space<vmem>>, vector<16xi32>,
        %get3A_512 = arith.index_cast %scan3A_398 : i32 to index
        %get3A_513 = arith.constant 80 : index
        %get3A_514 = tpu.vector_load %arg9[%get3A_512, %get3A_513] {strides = array<i32>} : memref<8x128xi32, #tpu.memory_space<vmem>>, vector<16xi32>,
        %get3A_515 = arith.index_cast %scan3A_398 : i32 to index
        %get3A_516 = arith.constant 80 : index
        %get3A_517 = tpu.vector_load %arg10[%get3A_515, %get3A_516] {strides = array<i32>} : memref<8x128xi32, #tpu.memory_space<vmem>>, vector<16xi32>,
        %mul3A_518 = arith.constant 10000 : i32
        %mul3A_519 = vector.broadcast %mul3A_518 : i32 to vector<16xi32>
        %mul3A_520 = arith.muli %get3A_517, %mul3A_519 : vector<16xi32>
        %add3A_521 = arith.addi %mul3A_520, %get3A_514 : vector<16xi32>
        %swap3A_522 = arith.index_cast %scan3A_398 : i32 to index
        %swap3A_523 = arith.constant 80 : index
        %swap3A_524 = tpu.vector_load %arg9[%swap3A_522, %swap3A_523] {strides = array<i32>} : memref<8x128xi32, #tpu.memory_space<vmem>>, vector<16xi32>,
        tpu.vector_store %arg9[%swap3A_522, %swap3A_523], %add3A_521 {strides = array<i32>} : memref<8x128xi32, #tpu.memory_space<vmem>>, vector<16xi32>,
        %get3A_525 = arith.index_cast %scan3A_398 : i32 to index
        %get3A_526 = arith.constant 80 : index
        %get3A_527 = tpu.vector_load %arg11[%get3A_525, %get3A_526] {strides = array<i32>} : memref<8x128xi32, #tpu.memory_space<vmem>>, vector<16xi32>,
        %mul3A_528 = arith.constant 20 : i32
        %mul3A_529 = vector.broadcast %mul3A_528 : i32 to vector<16xi32>
        %mul3A_530 = arith.muli %get3A_527, %mul3A_529 : vector<16xi32>
        %add3A_531 = arith.addi %mul3A_530, %get3A_517 : vector<16xi32>
        %swap3A_532 = arith.index_cast %scan3A_398 : i32 to index
        %swap3A_533 = arith.constant 80 : index
        %swap3A_534 = tpu.vector_load %arg10[%swap3A_532, %swap3A_533] {strides = array<i32>} : memref<8x128xi32, #tpu.memory_space<vmem>>, vector<16xi32>,
        tpu.vector_store %arg10[%swap3A_532, %swap3A_533], %add3A_531 {strides = array<i32>} : memref<8x128xi32, #tpu.memory_space<vmem>>, vector<16xi32>,
        %get3A_535 = arith.index_cast %scan3A_398 : i32 to index
        %get3A_536 = arith.constant 96 : index
        %get3A_537 = tpu.vector_load %arg9[%get3A_535, %get3A_536] {strides = array<i32>} : memref<8x128xi32, #tpu.memory_space<vmem>>, vector<16xi32>,
        %get3A_538 = arith.index_cast %scan3A_398 : i32 to index
        %get3A_539 = arith.constant 96 : index
        %get3A_540 = tpu.vector_load %arg10[%get3A_538, %get3A_539] {strides = array<i32>} : memref<8x128xi32, #tpu.memory_space<vmem>>, vector<16xi32>,
        %mul3A_541 = arith.constant 10000 : i32
        %mul3A_542 = vector.broadcast %mul3A_541 : i32 to vector<16xi32>
        %mul3A_543 = arith.muli %get3A_540, %mul3A_542 : vector<16xi32>
        %add3A_544 = arith.addi %mul3A_543, %get3A_537 : vector<16xi32>
        %swap3A_545 = arith.index_cast %scan3A_398 : i32 to index
        %swap3A_546 = arith.constant 96 : index
        %swap3A_547 = tpu.vector_load %arg9[%swap3A_545, %swap3A_546] {strides = array<i32>} : memref<8x128xi32, #tpu.memory_space<vmem>>, vector<16xi32>,
        tpu.vector_store %arg9[%swap3A_545, %swap3A_546], %add3A_544 {strides = array<i32>} : memref<8x128xi32, #tpu.memory_space<vmem>>, vector<16xi32>,
        %get3A_548 = arith.index_cast %scan3A_398 : i32 to index
        %get3A_549 = arith.constant 96 : index
        %get3A_550 = tpu.vector_load %arg11[%get3A_548, %get3A_549] {strides = array<i32>} : memref<8x128xi32, #tpu.memory_space<vmem>>, vector<16xi32>,
        %mul3A_551 = arith.constant 20 : i32
        %mul3A_552 = vector.broadcast %mul3A_551 : i32 to vector<16xi32>
        %mul3A_553 = arith.muli %get3A_550, %mul3A_552 : vector<16xi32>
        %add3A_554 = arith.addi %mul3A_553, %get3A_540 : vector<16xi32>
        %swap3A_555 = arith.index_cast %scan3A_398 : i32 to index
        %swap3A_556 = arith.constant 96 : index
        %swap3A_557 = tpu.vector_load %arg10[%swap3A_555, %swap3A_556] {strides = array<i32>} : memref<8x128xi32, #tpu.memory_space<vmem>>, vector<16xi32>,
        tpu.vector_store %arg10[%swap3A_555, %swap3A_556], %add3A_554 {strides = array<i32>} : memref<8x128xi32, #tpu.memory_space<vmem>>, vector<16xi32>,
        %get3A_558 = arith.index_cast %scan3A_398 : i32 to index
        %get3A_559 = arith.constant 112 : index
        %get3A_560 = tpu.vector_load %arg9[%get3A_558, %get3A_559] {strides = array<i32>} : memref<8x128xi32, #tpu.memory_space<vmem>>, vector<16xi32>,
        %get3A_561 = arith.index_cast %scan3A_398 : i32 to index
        %get3A_562 = arith.constant 112 : index
        %get3A_563 = tpu.vector_load %arg10[%get3A_561, %get3A_562] {strides = array<i32>} : memref<8x128xi32, #tpu.memory_space<vmem>>, vector<16xi32>,
        %mul3A_564 = arith.constant 10000 : i32
        %mul3A_565 = vector.broadcast %mul3A_564 : i32 to vector<16xi32>
        %mul3A_566 = arith.muli %get3A_563, %mul3A_565 : vector<16xi32>
        %add3A_567 = arith.addi %mul3A_566, %get3A_560 : vector<16xi32>
        %swap3A_568 = arith.index_cast %scan3A_398 : i32 to index
        %swap3A_569 = arith.constant 112 : index
        %swap3A_570 = tpu.vector_load %arg9[%swap3A_568, %swap3A_569] {strides = array<i32>} : memref<8x128xi32, #tpu.memory_space<vmem>>, vector<16xi32>,
        tpu.vector_store %arg9[%swap3A_568, %swap3A_569], %add3A_567 {strides = array<i32>} : memref<8x128xi32, #tpu.memory_space<vmem>>, vector<16xi32>,
        %get3A_571 = arith.index_cast %scan3A_398 : i32 to index
        %get3A_572 = arith.constant 112 : index
        %get3A_573 = tpu.vector_load %arg11[%get3A_571, %get3A_572] {strides = array<i32>} : memref<8x128xi32, #tpu.memory_space<vmem>>, vector<16xi32>,
        %mul3A_574 = arith.constant 20 : i32
        %mul3A_575 = vector.broadcast %mul3A_574 : i32 to vector<16xi32>
        %mul3A_576 = arith.muli %get3A_573, %mul3A_575 : vector<16xi32>
        %add3A_577 = arith.addi %mul3A_576, %get3A_563 : vector<16xi32>
        %swap3A_578 = arith.index_cast %scan3A_398 : i32 to index
        %swap3A_579 = arith.constant 112 : index
        %swap3A_580 = tpu.vector_load %arg10[%swap3A_578, %swap3A_579] {strides = array<i32>} : memref<8x128xi32, #tpu.memory_space<vmem>>, vector<16xi32>,
        tpu.vector_store %arg10[%swap3A_578, %swap3A_579], %add3A_577 {strides = array<i32>} : memref<8x128xi32, #tpu.memory_space<vmem>>, vector<16xi32>,
        %scan3A_581 = arith.constant 0 : i32
        scf.yield %scan3A_581 : i32
      }
      %scan3A_22 = arith.constant 8 : i32
      %dma_start3A = arith.constant 0 : i32
      %dma_start3A_23 = arith.constant 0 : i32
      %dma_start3A_24 = tpu.memref_slice %arg9[%dma_start3A, %dma_start3A_23] : memref<8x128xi32, #tpu.memory_space<vmem>> -> memref<1x128xi32, #tpu.memory_space<vmem>>
      %dma_start3A_25 = tpu.memref_squeeze %dma_start3A_24 : memref<1x128xi32, #tpu.memory_space<vmem>> -> memref<128xi32, #tpu.memory_space<vmem>>
      %dma_start3A_26 = arith.constant 0 : i32
      %dma_start3A_27 = arith.constant 0 : i32
      %dma_start3A_28 = tpu.memref_slice %arg5[%dma_start3A_26, %dma_start3A_27] : memref<210000x128xf32, #tpu.memory_space<hbm>> -> memref<210000x128xf32, #tpu.memory_space<hbm>>
      tpu.enqueue_indirect_dma source(%dma_start3A_28 : memref<210000x128xf32, #tpu.memory_space<hbm>>) target(%arg12 : memref<128x128xf32, #tpu.memory_space<vmem>>) offsets(%dma_start3A_25 : memref<128xi32, #tpu.memory_space<vmem>>) semaphore(%arg17 : memref<!tpu.dma_semaphore, #tpu.memory_space<semaphore_mem>>)
      %dma_start3A_29 = arith.constant 0 : i32
      %dma_start3A_30 = arith.constant 0 : i32
      %dma_start3A_31 = tpu.memref_slice %arg10[%dma_start3A_29, %dma_start3A_30] : memref<8x128xi32, #tpu.memory_space<vmem>> -> memref<1x128xi32, #tpu.memory_space<vmem>>
      %dma_start3A_32 = tpu.memref_squeeze %dma_start3A_31 : memref<1x128xi32, #tpu.memory_space<vmem>> -> memref<128xi32, #tpu.memory_space<vmem>>
      %dma_start3A_33 = arith.constant 0 : i32
      %dma_start3A_34 = tpu.memref_slice %arg6[%dma_start3A_33] : memref<204800xf32, #tpu.memory_space<hbm>> -> memref<204800xf32, #tpu.memory_space<hbm>>
      tpu.enqueue_indirect_dma source(%dma_start3A_34 : memref<204800xf32, #tpu.memory_space<hbm>>) target(%arg14 : memref<128xf32, #tpu.memory_space<vmem>>) offsets(%dma_start3A_32 : memref<128xi32, #tpu.memory_space<vmem>>) semaphore(%arg19 : memref<!tpu.dma_semaphore, #tpu.memory_space<semaphore_mem>>)
      %dma_start3A_35 = arith.constant 1 : i32
      %dma_start3A_36 = arith.constant 0 : i32
      %dma_start3A_37 = tpu.memref_slice %arg9[%dma_start3A_35, %dma_start3A_36] : memref<8x128xi32, #tpu.memory_space<vmem>> -> memref<1x128xi32, #tpu.memory_space<vmem>>
      %dma_start3A_38 = tpu.memref_squeeze %dma_start3A_37 : memref<1x128xi32, #tpu.memory_space<vmem>> -> memref<128xi32, #tpu.memory_space<vmem>>
      %dma_start3A_39 = arith.constant 0 : i32
      %dma_start3A_40 = arith.constant 0 : i32
      %dma_start3A_41 = tpu.memref_slice %arg5[%dma_start3A_39, %dma_start3A_40] : memref<210000x128xf32, #tpu.memory_space<hbm>> -> memref<210000x128xf32, #tpu.memory_space<hbm>>
      tpu.enqueue_indirect_dma source(%dma_start3A_41 : memref<210000x128xf32, #tpu.memory_space<hbm>>) target(%arg13 : memref<128x128xf32, #tpu.memory_space<vmem>>) offsets(%dma_start3A_38 : memref<128xi32, #tpu.memory_space<vmem>>) semaphore(%arg18 : memref<!tpu.dma_semaphore, #tpu.memory_space<semaphore_mem>>)
      %dma_start3A_42 = arith.constant 1 : i32
      %dma_start3A_43 = arith.constant 0 : i32
      %dma_start3A_44 = tpu.memref_slice %arg10[%dma_start3A_42, %dma_start3A_43] : memref<8x128xi32, #tpu.memory_space<vmem>> -> memref<1x128xi32, #tpu.memory_space<vmem>>
      %dma_start3A_45 = tpu.memref_squeeze %dma_start3A_44 : memref<1x128xi32, #tpu.memory_space<vmem>> -> memref<128xi32, #tpu.memory_space<vmem>>
      %dma_start3A_46 = arith.constant 0 : i32
      %dma_start3A_47 = tpu.memref_slice %arg6[%dma_start3A_46] : memref<204800xf32, #tpu.memory_space<hbm>> -> memref<204800xf32, #tpu.memory_space<hbm>>
      tpu.enqueue_indirect_dma source(%dma_start3A_47 : memref<204800xf32, #tpu.memory_space<hbm>>) target(%arg15 : memref<128xf32, #tpu.memory_space<vmem>>) offsets(%dma_start3A_45 : memref<128xi32, #tpu.memory_space<vmem>>) semaphore(%arg20 : memref<!tpu.dma_semaphore, #tpu.memory_space<semaphore_mem>>)
      %dma_wait3A = arith.constant 0 : i32
      %dma_wait3A_48 = arith.constant 0 : i32
      %dma_wait3A_49 = tpu.memref_slice %arg9[%dma_wait3A, %dma_wait3A_48] : memref<8x128xi32, #tpu.memory_space<vmem>> -> memref<1x128xi32, #tpu.memory_space<vmem>>
      %dma_wait3A_50 = tpu.memref_squeeze %dma_wait3A_49 : memref<1x128xi32, #tpu.memory_space<vmem>> -> memref<128xi32, #tpu.memory_space<vmem>>
      %dma_wait3A_51 = arith.constant 0 : i32
      %dma_wait3A_52 = arith.constant 0 : i32
      %dma_wait3A_53 = tpu.memref_slice %arg5[%dma_wait3A_51, %dma_wait3A_52] : memref<210000x128xf32, #tpu.memory_space<hbm>> -> memref<210000x128xf32, #tpu.memory_space<hbm>>
      tpu.wait_indirect_dma semaphore(%arg17 : memref<!tpu.dma_semaphore, #tpu.memory_space<semaphore_mem>>) src(%dma_wait3A_53 : memref<210000x128xf32, #tpu.memory_space<hbm>>) dst(%arg12 : memref<128x128xf32, #tpu.memory_space<vmem>>)
      %dma_wait3A_54 = arith.constant 0 : i32
      %dma_wait3A_55 = arith.constant 0 : i32
      %dma_wait3A_56 = tpu.memref_slice %arg10[%dma_wait3A_54, %dma_wait3A_55] : memref<8x128xi32, #tpu.memory_space<vmem>> -> memref<1x128xi32, #tpu.memory_space<vmem>>
      %dma_wait3A_57 = tpu.memref_squeeze %dma_wait3A_56 : memref<1x128xi32, #tpu.memory_space<vmem>> -> memref<128xi32, #tpu.memory_space<vmem>>
      %dma_wait3A_58 = arith.constant 0 : i32
      %dma_wait3A_59 = tpu.memref_slice %arg6[%dma_wait3A_58] : memref<204800xf32, #tpu.memory_space<hbm>> -> memref<204800xf32, #tpu.memory_space<hbm>>
      tpu.wait_indirect_dma semaphore(%arg19 : memref<!tpu.dma_semaphore, #tpu.memory_space<semaphore_mem>>) src(%dma_wait3A_59 : memref<204800xf32, #tpu.memory_space<hbm>>) dst(%arg14 : memref<128xf32, #tpu.memory_space<vmem>>)
      %scan3A_60 = arith.constant 0 : i32
      %scan3A_61 = arith.constant 0 : i32
      %scan3A_62 = arith.constant 32 : i32
      %scan3A_63 = arith.addi %scan3A_61, %scan3A_62 : i32
      %scan3A_64 = arith.constant 1 : i32
      %scan3A_65 = scf.for %scan3A_398 = %scan3A_61 to %scan3A_63 step %scan3A_64 iter_args(%scan3A_399 = %scan3A_60) -> (i32)  : i32 {
        %mul3A_400 = arith.constant 4 : i32
        %mul3A_401 = arith.muli %scan3A_398, %mul3A_400 : i32
        %add3A = arith.constant 0 : i32
        %add3A_402 = arith.addi %mul3A_401, %add3A : i32
        %broadcast_in_dim3A = vector.broadcast %add3A_402 : i32 to vector<16xi32>
        %gather3A = tpu.vector_load_idx %arg14[%broadcast_in_dim3A] : memref<128xf32, #tpu.memory_space<vmem>>[vector<16xi32>], vector<16xf32>,
        %get3A = arith.index_cast %add3A_402 : i32 to index
        %get3A_403 = arith.constant 0 : index
        %get3A_404 = tpu.vector_load %arg12[%get3A, %get3A_403] {strides = array<i32>} : memref<128x128xf32, #tpu.memory_space<vmem>>, vector<16xf32>,
        %mul3A_405 = arith.mulf %get3A_404, %gather3A : vector<16xf32>
        %swap3A = arith.index_cast %add3A_402 : i32 to index
        %swap3A_406 = arith.constant 0 : index
        %swap3A_407 = tpu.vector_load %arg12[%swap3A, %swap3A_406] {strides = array<i32>} : memref<128x128xf32, #tpu.memory_space<vmem>>, vector<16xf32>,
        tpu.vector_store %arg12[%swap3A, %swap3A_406], %mul3A_405 {strides = array<i32>} : memref<128x128xf32, #tpu.memory_space<vmem>>, vector<16xf32>,
        %get3A_408 = arith.index_cast %add3A_402 : i32 to index
        %get3A_409 = arith.constant 16 : index
        %get3A_410 = tpu.vector_load %arg12[%get3A_408, %get3A_409] {strides = array<i32>} : memref<128x128xf32, #tpu.memory_space<vmem>>, vector<16xf32>,
        %mul3A_411 = arith.mulf %get3A_410, %gather3A : vector<16xf32>
        %swap3A_412 = arith.index_cast %add3A_402 : i32 to index
        %swap3A_413 = arith.constant 16 : index
        %swap3A_414 = tpu.vector_load %arg12[%swap3A_412, %swap3A_413] {strides = array<i32>} : memref<128x128xf32, #tpu.memory_space<vmem>>, vector<16xf32>,
        tpu.vector_store %arg12[%swap3A_412, %swap3A_413], %mul3A_411 {strides = array<i32>} : memref<128x128xf32, #tpu.memory_space<vmem>>, vector<16xf32>,
        %get3A_415 = arith.index_cast %add3A_402 : i32 to index
        %get3A_416 = arith.constant 32 : index
        %get3A_417 = tpu.vector_load %arg12[%get3A_415, %get3A_416] {strides = array<i32>} : memref<128x128xf32, #tpu.memory_space<vmem>>, vector<16xf32>,
        %mul3A_418 = arith.mulf %get3A_417, %gather3A : vector<16xf32>
        %swap3A_419 = arith.index_cast %add3A_402 : i32 to index
        %swap3A_420 = arith.constant 32 : index
        %swap3A_421 = tpu.vector_load %arg12[%swap3A_419, %swap3A_420] {strides = array<i32>} : memref<128x128xf32, #tpu.memory_space<vmem>>, vector<16xf32>,
        tpu.vector_store %arg12[%swap3A_419, %swap3A_420], %mul3A_418 {strides = array<i32>} : memref<128x128xf32, #tpu.memory_space<vmem>>, vector<16xf32>,
        %get3A_422 = arith.index_cast %add3A_402 : i32 to index
        %get3A_423 = arith.constant 48 : index
        %get3A_424 = tpu.vector_load %arg12[%get3A_422, %get3A_423] {strides = array<i32>} : memref<128x128xf32, #tpu.memory_space<vmem>>, vector<16xf32>,
        %mul3A_425 = arith.mulf %get3A_424, %gather3A : vector<16xf32>
        %swap3A_426 = arith.index_cast %add3A_402 : i32 to index
        %swap3A_427 = arith.constant 48 : index
        %swap3A_428 = tpu.vector_load %arg12[%swap3A_426, %swap3A_427] {strides = array<i32>} : memref<128x128xf32, #tpu.memory_space<vmem>>, vector<16xf32>,
        tpu.vector_store %arg12[%swap3A_426, %swap3A_427], %mul3A_425 {strides = array<i32>} : memref<128x128xf32, #tpu.memory_space<vmem>>, vector<16xf32>,
        %get3A_429 = arith.index_cast %add3A_402 : i32 to index
        %get3A_430 = arith.constant 64 : index
        %get3A_431 = tpu.vector_load %arg12[%get3A_429, %get3A_430] {strides = array<i32>} : memref<128x128xf32, #tpu.memory_space<vmem>>, vector<16xf32>,
        %mul3A_432 = arith.mulf %get3A_431, %gather3A : vector<16xf32>
        %swap3A_433 = arith.index_cast %add3A_402 : i32 to index
        %swap3A_434 = arith.constant 64 : index
        %swap3A_435 = tpu.vector_load %arg12[%swap3A_433, %swap3A_434] {strides = array<i32>} : memref<128x128xf32, #tpu.memory_space<vmem>>, vector<16xf32>,
        tpu.vector_store %arg12[%swap3A_433, %swap3A_434], %mul3A_432 {strides = array<i32>} : memref<128x128xf32, #tpu.memory_space<vmem>>, vector<16xf32>,
        %get3A_436 = arith.index_cast %add3A_402 : i32 to index
        %get3A_437 = arith.constant 80 : index
        %get3A_438 = tpu.vector_load %arg12[%get3A_436, %get3A_437] {strides = array<i32>} : memref<128x128xf32, #tpu.memory_space<vmem>>, vector<16xf32>,
        %mul3A_439 = arith.mulf %get3A_438, %gather3A : vector<16xf32>
        %swap3A_440 = arith.index_cast %add3A_402 : i32 to index
        %swap3A_441 = arith.constant 80 : index
        %swap3A_442 = tpu.vector_load %arg12[%swap3A_440, %swap3A_441] {strides = array<i32>} : memref<128x128xf32, #tpu.memory_space<vmem>>, vector<16xf32>,
        tpu.vector_store %arg12[%swap3A_440, %swap3A_441], %mul3A_439 {strides = array<i32>} : memref<128x128xf32, #tpu.memory_space<vmem>>, vector<16xf32>,
        %get3A_443 = arith.index_cast %add3A_402 : i32 to index
        %get3A_444 = arith.constant 96 : index
        %get3A_445 = tpu.vector_load %arg12[%get3A_443, %get3A_444] {strides = array<i32>} : memref<128x128xf32, #tpu.memory_space<vmem>>, vector<16xf32>,
        %mul3A_446 = arith.mulf %get3A_445, %gather3A : vector<16xf32>
        %swap3A_447 = arith.index_cast %add3A_402 : i32 to index
        %swap3A_448 = arith.constant 96 : index
        %swap3A_449 = tpu.vector_load %arg12[%swap3A_447, %swap3A_448] {strides = array<i32>} : memref<128x128xf32, #tpu.memory_space<vmem>>, vector<16xf32>,
        tpu.vector_store %arg12[%swap3A_447, %swap3A_448], %mul3A_446 {strides = array<i32>} : memref<128x128xf32, #tpu.memory_space<vmem>>, vector<16xf32>,
        %get3A_450 = arith.index_cast %add3A_402 : i32 to index
        %get3A_451 = arith.constant 112 : index
        %get3A_452 = tpu.vector_load %arg12[%get3A_450, %get3A_451] {strides = array<i32>} : memref<128x128xf32, #tpu.memory_space<vmem>>, vector<16xf32>,
        %mul3A_453 = arith.mulf %get3A_452, %gather3A : vector<16xf32>
        %swap3A_454 = arith.index_cast %add3A_402 : i32 to index
        %swap3A_455 = arith.constant 112 : index
        %swap3A_456 = tpu.vector_load %arg12[%swap3A_454, %swap3A_455] {strides = array<i32>} : memref<128x128xf32, #tpu.memory_space<vmem>>, vector<16xf32>,
        tpu.vector_store %arg12[%swap3A_454, %swap3A_455], %mul3A_453 {strides = array<i32>} : memref<128x128xf32, #tpu.memory_space<vmem>>, vector<16xf32>,
        %add3A_457 = arith.constant 1 : i32
        %add3A_458 = arith.addi %mul3A_401, %add3A_457 : i32
        %broadcast_in_dim3A_459 = vector.broadcast %add3A_458 : i32 to vector<16xi32>
        %gather3A_460 = tpu.vector_load_idx %arg14[%broadcast_in_dim3A_459] : memref<128xf32, #tpu.memory_space<vmem>>[vector<16xi32>], vector<16xf32>,
        %get3A_461 = arith.index_cast %add3A_458 : i32 to index
        %get3A_462 = arith.constant 0 : index
        %get3A_463 = tpu.vector_load %arg12[%get3A_461, %get3A_462] {strides = array<i32>} : memref<128x128xf32, #tpu.memory_space<vmem>>, vector<16xf32>,
        %mul3A_464 = arith.mulf %get3A_463, %gather3A_460 : vector<16xf32>
        %swap3A_465 = arith.index_cast %add3A_458 : i32 to index
        %swap3A_466 = arith.constant 0 : index
        %swap3A_467 = tpu.vector_load %arg12[%swap3A_465, %swap3A_466] {strides = array<i32>} : memref<128x128xf32, #tpu.memory_space<vmem>>, vector<16xf32>,
        tpu.vector_store %arg12[%swap3A_465, %swap3A_466], %mul3A_464 {strides = array<i32>} : memref<128x128xf32, #tpu.memory_space<vmem>>, vector<16xf32>,
        %get3A_468 = arith.index_cast %add3A_458 : i32 to index
        %get3A_469 = arith.constant 16 : index
        %get3A_470 = tpu.vector_load %arg12[%get3A_468, %get3A_469] {strides = array<i32>} : memref<128x128xf32, #tpu.memory_space<vmem>>, vector<16xf32>,
        %mul3A_471 = arith.mulf %get3A_470, %gather3A_460 : vector<16xf32>
        %swap3A_472 = arith.index_cast %add3A_458 : i32 to index
        %swap3A_473 = arith.constant 16 : index
        %swap3A_474 = tpu.vector_load %arg12[%swap3A_472, %swap3A_473] {strides = array<i32>} : memref<128x128xf32, #tpu.memory_space<vmem>>, vector<16xf32>,
        tpu.vector_store %arg12[%swap3A_472, %swap3A_473], %mul3A_471 {strides = array<i32>} : memref<128x128xf32, #tpu.memory_space<vmem>>, vector<16xf32>,
        %get3A_475 = arith.index_cast %add3A_458 : i32 to index
        %get3A_476 = arith.constant 32 : index
        %get3A_477 = tpu.vector_load %arg12[%get3A_475, %get3A_476] {strides = array<i32>} : memref<128x128xf32, #tpu.memory_space<vmem>>, vector<16xf32>,
        %mul3A_478 = arith.mulf %get3A_477, %gather3A_460 : vector<16xf32>
        %swap3A_479 = arith.index_cast %add3A_458 : i32 to index
        %swap3A_480 = arith.constant 32 : index
        %swap3A_481 = tpu.vector_load %arg12[%swap3A_479, %swap3A_480] {strides = array<i32>} : memref<128x128xf32, #tpu.memory_space<vmem>>, vector<16xf32>,
        tpu.vector_store %arg12[%swap3A_479, %swap3A_480], %mul3A_478 {strides = array<i32>} : memref<128x128xf32, #tpu.memory_space<vmem>>, vector<16xf32>,
        %get3A_482 = arith.index_cast %add3A_458 : i32 to index
        %get3A_483 = arith.constant 48 : index
        %get3A_484 = tpu.vector_load %arg12[%get3A_482, %get3A_483] {strides = array<i32>} : memref<128x128xf32, #tpu.memory_space<vmem>>, vector<16xf32>,
        %mul3A_485 = arith.mulf %get3A_484, %gather3A_460 : vector<16xf32>
        %swap3A_486 = arith.index_cast %add3A_458 : i32 to index
        %swap3A_487 = arith.constant 48 : index
        %swap3A_488 = tpu.vector_load %arg12[%swap3A_486, %swap3A_487] {strides = array<i32>} : memref<128x128xf32, #tpu.memory_space<vmem>>, vector<16xf32>,
        tpu.vector_store %arg12[%swap3A_486, %swap3A_487], %mul3A_485 {strides = array<i32>} : memref<128x128xf32, #tpu.memory_space<vmem>>, vector<16xf32>,
        %get3A_489 = arith.index_cast %add3A_458 : i32 to index
        %get3A_490 = arith.constant 64 : index
        %get3A_491 = tpu.vector_load %arg12[%get3A_489, %get3A_490] {strides = array<i32>} : memref<128x128xf32, #tpu.memory_space<vmem>>, vector<16xf32>,
        %mul3A_492 = arith.mulf %get3A_491, %gather3A_460 : vector<16xf32>
        %swap3A_493 = arith.index_cast %add3A_458 : i32 to index
        %swap3A_494 = arith.constant 64 : index
        %swap3A_495 = tpu.vector_load %arg12[%swap3A_493, %swap3A_494] {strides = array<i32>} : memref<128x128xf32, #tpu.memory_space<vmem>>, vector<16xf32>,
        tpu.vector_store %arg12[%swap3A_493, %swap3A_494], %mul3A_492 {strides = array<i32>} : memref<128x128xf32, #tpu.memory_space<vmem>>, vector<16xf32>,
        %get3A_496 = arith.index_cast %add3A_458 : i32 to index
        %get3A_497 = arith.constant 80 : index
        %get3A_498 = tpu.vector_load %arg12[%get3A_496, %get3A_497] {strides = array<i32>} : memref<128x128xf32, #tpu.memory_space<vmem>>, vector<16xf32>,
        %mul3A_499 = arith.mulf %get3A_498, %gather3A_460 : vector<16xf32>
        %swap3A_500 = arith.index_cast %add3A_458 : i32 to index
        %swap3A_501 = arith.constant 80 : index
        %swap3A_502 = tpu.vector_load %arg12[%swap3A_500, %swap3A_501] {strides = array<i32>} : memref<128x128xf32, #tpu.memory_space<vmem>>, vector<16xf32>,
        tpu.vector_store %arg12[%swap3A_500, %swap3A_501], %mul3A_499 {strides = array<i32>} : memref<128x128xf32, #tpu.memory_space<vmem>>, vector<16xf32>,
        %get3A_503 = arith.index_cast %add3A_458 : i32 to index
        %get3A_504 = arith.constant 96 : index
        %get3A_505 = tpu.vector_load %arg12[%get3A_503, %get3A_504] {strides = array<i32>} : memref<128x128xf32, #tpu.memory_space<vmem>>, vector<16xf32>,
        %mul3A_506 = arith.mulf %get3A_505, %gather3A_460 : vector<16xf32>
        %swap3A_507 = arith.index_cast %add3A_458 : i32 to index
        %swap3A_508 = arith.constant 96 : index
        %swap3A_509 = tpu.vector_load %arg12[%swap3A_507, %swap3A_508] {strides = array<i32>} : memref<128x128xf32, #tpu.memory_space<vmem>>, vector<16xf32>,
        tpu.vector_store %arg12[%swap3A_507, %swap3A_508], %mul3A_506 {strides = array<i32>} : memref<128x128xf32, #tpu.memory_space<vmem>>, vector<16xf32>,
        %get3A_510 = arith.index_cast %add3A_458 : i32 to index
        %get3A_511 = arith.constant 112 : index
        %get3A_512 = tpu.vector_load %arg12[%get3A_510, %get3A_511] {strides = array<i32>} : memref<128x128xf32, #tpu.memory_space<vmem>>, vector<16xf32>,
        %mul3A_513 = arith.mulf %get3A_512, %gather3A_460 : vector<16xf32>
        %swap3A_514 = arith.index_cast %add3A_458 : i32 to index
        %swap3A_515 = arith.constant 112 : index
        %swap3A_516 = tpu.vector_load %arg12[%swap3A_514, %swap3A_515] {strides = array<i32>} : memref<128x128xf32, #tpu.memory_space<vmem>>, vector<16xf32>,
        tpu.vector_store %arg12[%swap3A_514, %swap3A_515], %mul3A_513 {strides = array<i32>} : memref<128x128xf32, #tpu.memory_space<vmem>>, vector<16xf32>,
        %add3A_517 = arith.constant 2 : i32
        %add3A_518 = arith.addi %mul3A_401, %add3A_517 : i32
        %broadcast_in_dim3A_519 = vector.broadcast %add3A_518 : i32 to vector<16xi32>
        %gather3A_520 = tpu.vector_load_idx %arg14[%broadcast_in_dim3A_519] : memref<128xf32, #tpu.memory_space<vmem>>[vector<16xi32>], vector<16xf32>,
        %get3A_521 = arith.index_cast %add3A_518 : i32 to index
        %get3A_522 = arith.constant 0 : index
        %get3A_523 = tpu.vector_load %arg12[%get3A_521, %get3A_522] {strides = array<i32>} : memref<128x128xf32, #tpu.memory_space<vmem>>, vector<16xf32>,
        %mul3A_524 = arith.mulf %get3A_523, %gather3A_520 : vector<16xf32>
        %swap3A_525 = arith.index_cast %add3A_518 : i32 to index
        %swap3A_526 = arith.constant 0 : index
        %swap3A_527 = tpu.vector_load %arg12[%swap3A_525, %swap3A_526] {strides = array<i32>} : memref<128x128xf32, #tpu.memory_space<vmem>>, vector<16xf32>,
        tpu.vector_store %arg12[%swap3A_525, %swap3A_526], %mul3A_524 {strides = array<i32>} : memref<128x128xf32, #tpu.memory_space<vmem>>, vector<16xf32>,
        %get3A_528 = arith.index_cast %add3A_518 : i32 to index
        %get3A_529 = arith.constant 16 : index
        %get3A_530 = tpu.vector_load %arg12[%get3A_528, %get3A_529] {strides = array<i32>} : memref<128x128xf32, #tpu.memory_space<vmem>>, vector<16xf32>,
        %mul3A_531 = arith.mulf %get3A_530, %gather3A_520 : vector<16xf32>
        %swap3A_532 = arith.index_cast %add3A_518 : i32 to index
        %swap3A_533 = arith.constant 16 : index
        %swap3A_534 = tpu.vector_load %arg12[%swap3A_532, %swap3A_533] {strides = array<i32>} : memref<128x128xf32, #tpu.memory_space<vmem>>, vector<16xf32>,
        tpu.vector_store %arg12[%swap3A_532, %swap3A_533], %mul3A_531 {strides = array<i32>} : memref<128x128xf32, #tpu.memory_space<vmem>>, vector<16xf32>,
        %get3A_535 = arith.index_cast %add3A_518 : i32 to index
        %get3A_536 = arith.constant 32 : index
        %get3A_537 = tpu.vector_load %arg12[%get3A_535, %get3A_536] {strides = array<i32>} : memref<128x128xf32, #tpu.memory_space<vmem>>, vector<16xf32>,
        %mul3A_538 = arith.mulf %get3A_537, %gather3A_520 : vector<16xf32>
        %swap3A_539 = arith.index_cast %add3A_518 : i32 to index
        %swap3A_540 = arith.constant 32 : index
        %swap3A_541 = tpu.vector_load %arg12[%swap3A_539, %swap3A_540] {strides = array<i32>} : memref<128x128xf32, #tpu.memory_space<vmem>>, vector<16xf32>,
        tpu.vector_store %arg12[%swap3A_539, %swap3A_540], %mul3A_538 {strides = array<i32>} : memref<128x128xf32, #tpu.memory_space<vmem>>, vector<16xf32>,
        %get3A_542 = arith.index_cast %add3A_518 : i32 to index
        %get3A_543 = arith.constant 48 : index
        %get3A_544 = tpu.vector_load %arg12[%get3A_542, %get3A_543] {strides = array<i32>} : memref<128x128xf32, #tpu.memory_space<vmem>>, vector<16xf32>,
        %mul3A_545 = arith.mulf %get3A_544, %gather3A_520 : vector<16xf32>
        %swap3A_546 = arith.index_cast %add3A_518 : i32 to index
        %swap3A_547 = arith.constant 48 : index
        %swap3A_548 = tpu.vector_load %arg12[%swap3A_546, %swap3A_547] {strides = array<i32>} : memref<128x128xf32, #tpu.memory_space<vmem>>, vector<16xf32>,
        tpu.vector_store %arg12[%swap3A_546, %swap3A_547], %mul3A_545 {strides = array<i32>} : memref<128x128xf32, #tpu.memory_space<vmem>>, vector<16xf32>,
        %get3A_549 = arith.index_cast %add3A_518 : i32 to index
        %get3A_550 = arith.constant 64 : index
        %get3A_551 = tpu.vector_load %arg12[%get3A_549, %get3A_550] {strides = array<i32>} : memref<128x128xf32, #tpu.memory_space<vmem>>, vector<16xf32>,
        %mul3A_552 = arith.mulf %get3A_551, %gather3A_520 : vector<16xf32>
        %swap3A_553 = arith.index_cast %add3A_518 : i32 to index
        %swap3A_554 = arith.constant 64 : index
        %swap3A_555 = tpu.vector_load %arg12[%swap3A_553, %swap3A_554] {strides = array<i32>} : memref<128x128xf32, #tpu.memory_space<vmem>>, vector<16xf32>,
        tpu.vector_store %arg12[%swap3A_553, %swap3A_554], %mul3A_552 {strides = array<i32>} : memref<128x128xf32, #tpu.memory_space<vmem>>, vector<16xf32>,
        %get3A_556 = arith.index_cast %add3A_518 : i32 to index
        %get3A_557 = arith.constant 80 : index
        %get3A_558 = tpu.vector_load %arg12[%get3A_556, %get3A_557] {strides = array<i32>} : memref<128x128xf32, #tpu.memory_space<vmem>>, vector<16xf32>,
        %mul3A_559 = arith.mulf %get3A_558, %gather3A_520 : vector<16xf32>
        %swap3A_560 = arith.index_cast %add3A_518 : i32 to index
        %swap3A_561 = arith.constant 80 : index
        %swap3A_562 = tpu.vector_load %arg12[%swap3A_560, %swap3A_561] {strides = array<i32>} : memref<128x128xf32, #tpu.memory_space<vmem>>, vector<16xf32>,
        tpu.vector_store %arg12[%swap3A_560, %swap3A_561], %mul3A_559 {strides = array<i32>} : memref<128x128xf32, #tpu.memory_space<vmem>>, vector<16xf32>,
        %get3A_563 = arith.index_cast %add3A_518 : i32 to index
        %get3A_564 = arith.constant 96 : index
        %get3A_565 = tpu.vector_load %arg12[%get3A_563, %get3A_564] {strides = array<i32>} : memref<128x128xf32, #tpu.memory_space<vmem>>, vector<16xf32>,
        %mul3A_566 = arith.mulf %get3A_565, %gather3A_520 : vector<16xf32>
        %swap3A_567 = arith.index_cast %add3A_518 : i32 to index
        %swap3A_568 = arith.constant 96 : index
        %swap3A_569 = tpu.vector_load %arg12[%swap3A_567, %swap3A_568] {strides = array<i32>} : memref<128x128xf32, #tpu.memory_space<vmem>>, vector<16xf32>,
        tpu.vector_store %arg12[%swap3A_567, %swap3A_568], %mul3A_566 {strides = array<i32>} : memref<128x128xf32, #tpu.memory_space<vmem>>, vector<16xf32>,
        %get3A_570 = arith.index_cast %add3A_518 : i32 to index
        %get3A_571 = arith.constant 112 : index
        %get3A_572 = tpu.vector_load %arg12[%get3A_570, %get3A_571] {strides = array<i32>} : memref<128x128xf32, #tpu.memory_space<vmem>>, vector<16xf32>,
        %mul3A_573 = arith.mulf %get3A_572, %gather3A_520 : vector<16xf32>
        %swap3A_574 = arith.index_cast %add3A_518 : i32 to index
        %swap3A_575 = arith.constant 112 : index
        %swap3A_576 = tpu.vector_load %arg12[%swap3A_574, %swap3A_575] {strides = array<i32>} : memref<128x128xf32, #tpu.memory_space<vmem>>, vector<16xf32>,
        tpu.vector_store %arg12[%swap3A_574, %swap3A_575], %mul3A_573 {strides = array<i32>} : memref<128x128xf32, #tpu.memory_space<vmem>>, vector<16xf32>,
        %add3A_577 = arith.constant 3 : i32
        %add3A_578 = arith.addi %mul3A_401, %add3A_577 : i32
        %broadcast_in_dim3A_579 = vector.broadcast %add3A_578 : i32 to vector<16xi32>
        %gather3A_580 = tpu.vector_load_idx %arg14[%broadcast_in_dim3A_579] : memref<128xf32, #tpu.memory_space<vmem>>[vector<16xi32>], vector<16xf32>,
        %get3A_581 = arith.index_cast %add3A_578 : i32 to index
        %get3A_582 = arith.constant 0 : index
        %get3A_583 = tpu.vector_load %arg12[%get3A_581, %get3A_582] {strides = array<i32>} : memref<128x128xf32, #tpu.memory_space<vmem>>, vector<16xf32>,
        %mul3A_584 = arith.mulf %get3A_583, %gather3A_580 : vector<16xf32>
        %swap3A_585 = arith.index_cast %add3A_578 : i32 to index
        %swap3A_586 = arith.constant 0 : index
        %swap3A_587 = tpu.vector_load %arg12[%swap3A_585, %swap3A_586] {strides = array<i32>} : memref<128x128xf32, #tpu.memory_space<vmem>>, vector<16xf32>,
        tpu.vector_store %arg12[%swap3A_585, %swap3A_586], %mul3A_584 {strides = array<i32>} : memref<128x128xf32, #tpu.memory_space<vmem>>, vector<16xf32>,
        %get3A_588 = arith.index_cast %add3A_578 : i32 to index
        %get3A_589 = arith.constant 16 : index
        %get3A_590 = tpu.vector_load %arg12[%get3A_588, %get3A_589] {strides = array<i32>} : memref<128x128xf32, #tpu.memory_space<vmem>>, vector<16xf32>,
        %mul3A_591 = arith.mulf %get3A_590, %gather3A_580 : vector<16xf32>
        %swap3A_592 = arith.index_cast %add3A_578 : i32 to index
        %swap3A_593 = arith.constant 16 : index
        %swap3A_594 = tpu.vector_load %arg12[%swap3A_592, %swap3A_593] {strides = array<i32>} : memref<128x128xf32, #tpu.memory_space<vmem>>, vector<16xf32>,
        tpu.vector_store %arg12[%swap3A_592, %swap3A_593], %mul3A_591 {strides = array<i32>} : memref<128x128xf32, #tpu.memory_space<vmem>>, vector<16xf32>,
        %get3A_595 = arith.index_cast %add3A_578 : i32 to index
        %get3A_596 = arith.constant 32 : index
        %get3A_597 = tpu.vector_load %arg12[%get3A_595, %get3A_596] {strides = array<i32>} : memref<128x128xf32, #tpu.memory_space<vmem>>, vector<16xf32>,
        %mul3A_598 = arith.mulf %get3A_597, %gather3A_580 : vector<16xf32>
        %swap3A_599 = arith.index_cast %add3A_578 : i32 to index
        %swap3A_600 = arith.constant 32 : index
        %swap3A_601 = tpu.vector_load %arg12[%swap3A_599, %swap3A_600] {strides = array<i32>} : memref<128x128xf32, #tpu.memory_space<vmem>>, vector<16xf32>,
        tpu.vector_store %arg12[%swap3A_599, %swap3A_600], %mul3A_598 {strides = array<i32>} : memref<128x128xf32, #tpu.memory_space<vmem>>, vector<16xf32>,
        %get3A_602 = arith.index_cast %add3A_578 : i32 to index
        %get3A_603 = arith.constant 48 : index
        %get3A_604 = tpu.vector_load %arg12[%get3A_602, %get3A_603] {strides = array<i32>} : memref<128x128xf32, #tpu.memory_space<vmem>>, vector<16xf32>,
        %mul3A_605 = arith.mulf %get3A_604, %gather3A_580 : vector<16xf32>
        %swap3A_606 = arith.index_cast %add3A_578 : i32 to index
        %swap3A_607 = arith.constant 48 : index
        %swap3A_608 = tpu.vector_load %arg12[%swap3A_606, %swap3A_607] {strides = array<i32>} : memref<128x128xf32, #tpu.memory_space<vmem>>, vector<16xf32>,
        tpu.vector_store %arg12[%swap3A_606, %swap3A_607], %mul3A_605 {strides = array<i32>} : memref<128x128xf32, #tpu.memory_space<vmem>>, vector<16xf32>,
        %get3A_609 = arith.index_cast %add3A_578 : i32 to index
        %get3A_610 = arith.constant 64 : index
        %get3A_611 = tpu.vector_load %arg12[%get3A_609, %get3A_610] {strides = array<i32>} : memref<128x128xf32, #tpu.memory_space<vmem>>, vector<16xf32>,
        %mul3A_612 = arith.mulf %get3A_611, %gather3A_580 : vector<16xf32>
        %swap3A_613 = arith.index_cast %add3A_578 : i32 to index
        %swap3A_614 = arith.constant 64 : index
        %swap3A_615 = tpu.vector_load %arg12[%swap3A_613, %swap3A_614] {strides = array<i32>} : memref<128x128xf32, #tpu.memory_space<vmem>>, vector<16xf32>,
        tpu.vector_store %arg12[%swap3A_613, %swap3A_614], %mul3A_612 {strides = array<i32>} : memref<128x128xf32, #tpu.memory_space<vmem>>, vector<16xf32>,
        %get3A_616 = arith.index_cast %add3A_578 : i32 to index
        %get3A_617 = arith.constant 80 : index
        %get3A_618 = tpu.vector_load %arg12[%get3A_616, %get3A_617] {strides = array<i32>} : memref<128x128xf32, #tpu.memory_space<vmem>>, vector<16xf32>,
        %mul3A_619 = arith.mulf %get3A_618, %gather3A_580 : vector<16xf32>
        %swap3A_620 = arith.index_cast %add3A_578 : i32 to index
        %swap3A_621 = arith.constant 80 : index
        %swap3A_622 = tpu.vector_load %arg12[%swap3A_620, %swap3A_621] {strides = array<i32>} : memref<128x128xf32, #tpu.memory_space<vmem>>, vector<16xf32>,
        tpu.vector_store %arg12[%swap3A_620, %swap3A_621], %mul3A_619 {strides = array<i32>} : memref<128x128xf32, #tpu.memory_space<vmem>>, vector<16xf32>,
        %get3A_623 = arith.index_cast %add3A_578 : i32 to index
        %get3A_624 = arith.constant 96 : index
        %get3A_625 = tpu.vector_load %arg12[%get3A_623, %get3A_624] {strides = array<i32>} : memref<128x128xf32, #tpu.memory_space<vmem>>, vector<16xf32>,
        %mul3A_626 = arith.mulf %get3A_625, %gather3A_580 : vector<16xf32>
        %swap3A_627 = arith.index_cast %add3A_578 : i32 to index
        %swap3A_628 = arith.constant 96 : index
        %swap3A_629 = tpu.vector_load %arg12[%swap3A_627, %swap3A_628] {strides = array<i32>} : memref<128x128xf32, #tpu.memory_space<vmem>>, vector<16xf32>,
        tpu.vector_store %arg12[%swap3A_627, %swap3A_628], %mul3A_626 {strides = array<i32>} : memref<128x128xf32, #tpu.memory_space<vmem>>, vector<16xf32>,
        %get3A_630 = arith.index_cast %add3A_578 : i32 to index
        %get3A_631 = arith.constant 112 : index
        %get3A_632 = tpu.vector_load %arg12[%get3A_630, %get3A_631] {strides = array<i32>} : memref<128x128xf32, #tpu.memory_space<vmem>>, vector<16xf32>,
        %mul3A_633 = arith.mulf %get3A_632, %gather3A_580 : vector<16xf32>
        %swap3A_634 = arith.index_cast %add3A_578 : i32 to index
        %swap3A_635 = arith.constant 112 : index
        %swap3A_636 = tpu.vector_load %arg12[%swap3A_634, %swap3A_635] {strides = array<i32>} : memref<128x128xf32, #tpu.memory_space<vmem>>, vector<16xf32>,
        tpu.vector_store %arg12[%swap3A_634, %swap3A_635], %mul3A_633 {strides = array<i32>} : memref<128x128xf32, #tpu.memory_space<vmem>>, vector<16xf32>,
        %scan3A_637 = arith.constant 0 : i32
        scf.yield %scan3A_637 : i32
      }
      %scan3A_66 = arith.constant 32 : i32
      %dma_start3A_67 = arith.constant 0 : i32
      %dma_start3A_68 = arith.constant 0 : i32
      %dma_start3A_69 = tpu.memref_slice %arg11[%dma_start3A_67, %dma_start3A_68] : memref<8x128xi32, #tpu.memory_space<vmem>> -> memref<1x128xi32, #tpu.memory_space<vmem>>
      %dma_start3A_70 = tpu.memref_squeeze %dma_start3A_69 : memref<1x128xi32, #tpu.memory_space<vmem>> -> memref<128xi32, #tpu.memory_space<vmem>>
      %dma_start3A_71 = arith.constant 0 : i32
      %dma_start3A_72 = arith.constant 0 : i32
      %dma_start3A_73 = tpu.memref_slice %arg16[%dma_start3A_71, %dma_start3A_72] : memref<10240x128xf32, #tpu.memory_space<vmem_shared>> -> memref<10240x128xf32, #tpu.memory_space<vmem_shared>>
      tpu.enqueue_indirect_dma source(%arg12 : memref<128x128xf32, #tpu.memory_space<vmem>>) target(%dma_start3A_73 : memref<10240x128xf32, #tpu.memory_space<vmem_shared>>) offsets(%dma_start3A_70 : memref<128xi32, #tpu.memory_space<vmem>>) semaphore(%arg21 : memref<!tpu.dma_semaphore, #tpu.memory_space<semaphore_mem>>) {add = true}
      %dma_wait3A_74 = arith.constant 0 : i32
      %dma_wait3A_75 = arith.constant 0 : i32
      %dma_wait3A_76 = tpu.memref_slice %arg11[%dma_wait3A_74, %dma_wait3A_75] : memref<8x128xi32, #tpu.memory_space<vmem>> -> memref<1x128xi32, #tpu.memory_space<vmem>>
      %dma_wait3A_77 = tpu.memref_squeeze %dma_wait3A_76 : memref<1x128xi32, #tpu.memory_space<vmem>> -> memref<128xi32, #tpu.memory_space<vmem>>
      %dma_wait3A_78 = arith.constant 0 : i32
      %dma_wait3A_79 = arith.constant 0 : i32
      %dma_wait3A_80 = tpu.memref_slice %arg16[%dma_wait3A_78, %dma_wait3A_79] : memref<10240x128xf32, #tpu.memory_space<vmem_shared>> -> memref<10240x128xf32, #tpu.memory_space<vmem_shared>>
      tpu.wait_indirect_dma semaphore(%arg21 : memref<!tpu.dma_semaphore, #tpu.memory_space<semaphore_mem>>) src(%arg12 : memref<128x128xf32, #tpu.memory_space<vmem>>) dst(%dma_wait3A_80 : memref<10240x128xf32, #tpu.memory_space<vmem_shared>>)
      %dma_start3A_81 = arith.constant 2 : i32
      %dma_start3A_82 = arith.constant 0 : i32
      %dma_start3A_83 = tpu.memref_slice %arg9[%dma_start3A_81, %dma_start3A_82] : memref<8x128xi32, #tpu.memory_space<vmem>> -> memref<1x128xi32, #tpu.memory_space<vmem>>
      %dma_start3A_84 = tpu.memref_squeeze %dma_start3A_83 : memref<1x128xi32, #tpu.memory_space<vmem>> -> memref<128xi32, #tpu.memory_space<vmem>>
      %dma_start3A_85 = arith.constant 0 : i32
      %dma_start3A_86 = arith.constant 0 : i32
      %dma_start3A_87 = tpu.memref_slice %arg5[%dma_start3A_85, %dma_start3A_86] : memref<210000x128xf32, #tpu.memory_space<hbm>> -> memref<210000x128xf32, #tpu.memory_space<hbm>>
      tpu.enqueue_indirect_dma source(%dma_start3A_87 : memref<210000x128xf32, #tpu.memory_space<hbm>>) target(%arg12 : memref<128x128xf32, #tpu.memory_space<vmem>>) offsets(%dma_start3A_84 : memref<128xi32, #tpu.memory_space<vmem>>) semaphore(%arg17 : memref<!tpu.dma_semaphore, #tpu.memory_space<semaphore_mem>>)
      %dma_start3A_88 = arith.constant 2 : i32
      %dma_start3A_89 = arith.constant 0 : i32
      %dma_start3A_90 = tpu.memref_slice %arg10[%dma_start3A_88, %dma_start3A_89] : memref<8x128xi32, #tpu.memory_space<vmem>> -> memref<1x128xi32, #tpu.memory_space<vmem>>
      %dma_start3A_91 = tpu.memref_squeeze %dma_start3A_90 : memref<1x128xi32, #tpu.memory_space<vmem>> -> memref<128xi32, #tpu.memory_space<vmem>>
      %dma_start3A_92 = arith.constant 0 : i32
      %dma_start3A_93 = tpu.memref_slice %arg6[%dma_start3A_92] : memref<204800xf32, #tpu.memory_space<hbm>> -> memref<204800xf32, #tpu.memory_space<hbm>>
      tpu.enqueue_indirect_dma source(%dma_start3A_93 : memref<204800xf32, #tpu.memory_space<hbm>>) target(%arg14 : memref<128xf32, #tpu.memory_space<vmem>>) offsets(%dma_start3A_91 : memref<128xi32, #tpu.memory_space<vmem>>) semaphore(%arg19 : memref<!tpu.dma_semaphore, #tpu.memory_space<semaphore_mem>>)
      %dma_wait3A_94 = arith.constant 1 : i32
      %dma_wait3A_95 = arith.constant 0 : i32
      %dma_wait3A_96 = tpu.memref_slice %arg9[%dma_wait3A_94, %dma_wait3A_95] : memref<8x128xi32, #tpu.memory_space<vmem>> -> memref<1x128xi32, #tpu.memory_space<vmem>>
      %dma_wait3A_97 = tpu.memref_squeeze %dma_wait3A_96 : memref<1x128xi32, #tpu.memory_space<vmem>> -> memref<128xi32, #tpu.memory_space<vmem>>
      %dma_wait3A_98 = arith.constant 0 : i32
      %dma_wait3A_99 = arith.constant 0 : i32
      %dma_wait3A_100 = tpu.memref_slice %arg5[%dma_wait3A_98, %dma_wait3A_99] : memref<210000x128xf32, #tpu.memory_space<hbm>> -> memref<210000x128xf32, #tpu.memory_space<hbm>>
      tpu.wait_indirect_dma semaphore(%arg18 : memref<!tpu.dma_semaphore, #tpu.memory_space<semaphore_mem>>) src(%dma_wait3A_100 : memref<210000x128xf32, #tpu.memory_space<hbm>>) dst(%arg13 : memref<128x128xf32, #tpu.memory_space<vmem>>)
      %dma_wait3A_101 = arith.constant 1 : i32
      %dma_wait3A_102 = arith.constant 0 : i32
      %dma_wait3A_103 = tpu.memref_slice %arg10[%dma_wait3A_101, %dma_wait3A_102] : memref<8x128xi32, #tpu.memory_space<vmem>> -> memref<1x128xi32, #tpu.memory_space<vmem>>
      %dma_wait3A_104 = tpu.memref_squeeze %dma_wait3A_103 : memref<1x128xi32, #tpu.memory_space<vmem>> -> memref<128xi32, #tpu.memory_space<vmem>>
      %dma_wait3A_105 = arith.constant 0 : i32
      %dma_wait3A_106 = tpu.memref_slice %arg6[%dma_wait3A_105] : memref<204800xf32, #tpu.memory_space<hbm>> -> memref<204800xf32, #tpu.memory_space<hbm>>
      tpu.wait_indirect_dma semaphore(%arg20 : memref<!tpu.dma_semaphore, #tpu.memory_space<semaphore_mem>>) src(%dma_wait3A_106 : memref<204800xf32, #tpu.memory_space<hbm>>) dst(%arg15 : memref<128xf32, #tpu.memory_space<vmem>>)
      %scan3A_107 = arith.constant 0 : i32
      %scan3A_108 = arith.constant 0 : i32
      %scan3A_109 = arith.constant 32 : i32
      %scan3A_110 = arith.addi %scan3A_108, %scan3A_109 : i32
      %scan3A_111 = arith.constant 1 : i32
      %scan3A_112 = scf.for %scan3A_398 = %scan3A_108 to %scan3A_110 step %scan3A_111 iter_args(%scan3A_399 = %scan3A_107) -> (i32)  : i32 {
        %mul3A_400 = arith.constant 4 : i32
        %mul3A_401 = arith.muli %scan3A_398, %mul3A_400 : i32
        %add3A = arith.constant 0 : i32
        %add3A_402 = arith.addi %mul3A_401, %add3A : i32
        %broadcast_in_dim3A = vector.broadcast %add3A_402 : i32 to vector<16xi32>
        %gather3A = tpu.vector_load_idx %arg15[%broadcast_in_dim3A] : memref<128xf32, #tpu.memory_space<vmem>>[vector<16xi32>], vector<16xf32>,
        %get3A = arith.index_cast %add3A_402 : i32 to index
        %get3A_403 = arith.constant 0 : index
        %get3A_404 = tpu.vector_load %arg13[%get3A, %get3A_403] {strides = array<i32>} : memref<128x128xf32, #tpu.memory_space<vmem>>, vector<16xf32>,
        %mul3A_405 = arith.mulf %get3A_404, %gather3A : vector<16xf32>
        %swap3A = arith.index_cast %add3A_402 : i32 to index
        %swap3A_406 = arith.constant 0 : index
        %swap3A_407 = tpu.vector_load %arg13[%swap3A, %swap3A_406] {strides = array<i32>} : memref<128x128xf32, #tpu.memory_space<vmem>>, vector<16xf32>,
        tpu.vector_store %arg13[%swap3A, %swap3A_406], %mul3A_405 {strides = array<i32>} : memref<128x128xf32, #tpu.memory_space<vmem>>, vector<16xf32>,
        %get3A_408 = arith.index_cast %add3A_402 : i32 to index
        %get3A_409 = arith.constant 16 : index
        %get3A_410 = tpu.vector_load %arg13[%get3A_408, %get3A_409] {strides = array<i32>} : memref<128x128xf32, #tpu.memory_space<vmem>>, vector<16xf32>,
        %mul3A_411 = arith.mulf %get3A_410, %gather3A : vector<16xf32>
        %swap3A_412 = arith.index_cast %add3A_402 : i32 to index
        %swap3A_413 = arith.constant 16 : index
        %swap3A_414 = tpu.vector_load %arg13[%swap3A_412, %swap3A_413] {strides = array<i32>} : memref<128x128xf32, #tpu.memory_space<vmem>>, vector<16xf32>,
        tpu.vector_store %arg13[%swap3A_412, %swap3A_413], %mul3A_411 {strides = array<i32>} : memref<128x128xf32, #tpu.memory_space<vmem>>, vector<16xf32>,
        %get3A_415 = arith.index_cast %add3A_402 : i32 to index
        %get3A_416 = arith.constant 32 : index
        %get3A_417 = tpu.vector_load %arg13[%get3A_415, %get3A_416] {strides = array<i32>} : memref<128x128xf32, #tpu.memory_space<vmem>>, vector<16xf32>,
        %mul3A_418 = arith.mulf %get3A_417, %gather3A : vector<16xf32>
        %swap3A_419 = arith.index_cast %add3A_402 : i32 to index
        %swap3A_420 = arith.constant 32 : index
        %swap3A_421 = tpu.vector_load %arg13[%swap3A_419, %swap3A_420] {strides = array<i32>} : memref<128x128xf32, #tpu.memory_space<vmem>>, vector<16xf32>,
        tpu.vector_store %arg13[%swap3A_419, %swap3A_420], %mul3A_418 {strides = array<i32>} : memref<128x128xf32, #tpu.memory_space<vmem>>, vector<16xf32>,
        %get3A_422 = arith.index_cast %add3A_402 : i32 to index
        %get3A_423 = arith.constant 48 : index
        %get3A_424 = tpu.vector_load %arg13[%get3A_422, %get3A_423] {strides = array<i32>} : memref<128x128xf32, #tpu.memory_space<vmem>>, vector<16xf32>,
        %mul3A_425 = arith.mulf %get3A_424, %gather3A : vector<16xf32>
        %swap3A_426 = arith.index_cast %add3A_402 : i32 to index
        %swap3A_427 = arith.constant 48 : index
        %swap3A_428 = tpu.vector_load %arg13[%swap3A_426, %swap3A_427] {strides = array<i32>} : memref<128x128xf32, #tpu.memory_space<vmem>>, vector<16xf32>,
        tpu.vector_store %arg13[%swap3A_426, %swap3A_427], %mul3A_425 {strides = array<i32>} : memref<128x128xf32, #tpu.memory_space<vmem>>, vector<16xf32>,
        %get3A_429 = arith.index_cast %add3A_402 : i32 to index
        %get3A_430 = arith.constant 64 : index
        %get3A_431 = tpu.vector_load %arg13[%get3A_429, %get3A_430] {strides = array<i32>} : memref<128x128xf32, #tpu.memory_space<vmem>>, vector<16xf32>,
        %mul3A_432 = arith.mulf %get3A_431, %gather3A : vector<16xf32>
        %swap3A_433 = arith.index_cast %add3A_402 : i32 to index
        %swap3A_434 = arith.constant 64 : index
        %swap3A_435 = tpu.vector_load %arg13[%swap3A_433, %swap3A_434] {strides = array<i32>} : memref<128x128xf32, #tpu.memory_space<vmem>>, vector<16xf32>,
        tpu.vector_store %arg13[%swap3A_433, %swap3A_434], %mul3A_432 {strides = array<i32>} : memref<128x128xf32, #tpu.memory_space<vmem>>, vector<16xf32>,
        %get3A_436 = arith.index_cast %add3A_402 : i32 to index
        %get3A_437 = arith.constant 80 : index
        %get3A_438 = tpu.vector_load %arg13[%get3A_436, %get3A_437] {strides = array<i32>} : memref<128x128xf32, #tpu.memory_space<vmem>>, vector<16xf32>,
        %mul3A_439 = arith.mulf %get3A_438, %gather3A : vector<16xf32>
        %swap3A_440 = arith.index_cast %add3A_402 : i32 to index
        %swap3A_441 = arith.constant 80 : index
        %swap3A_442 = tpu.vector_load %arg13[%swap3A_440, %swap3A_441] {strides = array<i32>} : memref<128x128xf32, #tpu.memory_space<vmem>>, vector<16xf32>,
        tpu.vector_store %arg13[%swap3A_440, %swap3A_441], %mul3A_439 {strides = array<i32>} : memref<128x128xf32, #tpu.memory_space<vmem>>, vector<16xf32>,
        %get3A_443 = arith.index_cast %add3A_402 : i32 to index
        %get3A_444 = arith.constant 96 : index
        %get3A_445 = tpu.vector_load %arg13[%get3A_443, %get3A_444] {strides = array<i32>} : memref<128x128xf32, #tpu.memory_space<vmem>>, vector<16xf32>,
        %mul3A_446 = arith.mulf %get3A_445, %gather3A : vector<16xf32>
        %swap3A_447 = arith.index_cast %add3A_402 : i32 to index
        %swap3A_448 = arith.constant 96 : index
        %swap3A_449 = tpu.vector_load %arg13[%swap3A_447, %swap3A_448] {strides = array<i32>} : memref<128x128xf32, #tpu.memory_space<vmem>>, vector<16xf32>,
        tpu.vector_store %arg13[%swap3A_447, %swap3A_448], %mul3A_446 {strides = array<i32>} : memref<128x128xf32, #tpu.memory_space<vmem>>, vector<16xf32>,
        %get3A_450 = arith.index_cast %add3A_402 : i32 to index
        %get3A_451 = arith.constant 112 : index
        %get3A_452 = tpu.vector_load %arg13[%get3A_450, %get3A_451] {strides = array<i32>} : memref<128x128xf32, #tpu.memory_space<vmem>>, vector<16xf32>,
        %mul3A_453 = arith.mulf %get3A_452, %gather3A : vector<16xf32>
        %swap3A_454 = arith.index_cast %add3A_402 : i32 to index
        %swap3A_455 = arith.constant 112 : index
        %swap3A_456 = tpu.vector_load %arg13[%swap3A_454, %swap3A_455] {strides = array<i32>} : memref<128x128xf32, #tpu.memory_space<vmem>>, vector<16xf32>,
        tpu.vector_store %arg13[%swap3A_454, %swap3A_455], %mul3A_453 {strides = array<i32>} : memref<128x128xf32, #tpu.memory_space<vmem>>, vector<16xf32>,
        %add3A_457 = arith.constant 1 : i32
        %add3A_458 = arith.addi %mul3A_401, %add3A_457 : i32
        %broadcast_in_dim3A_459 = vector.broadcast %add3A_458 : i32 to vector<16xi32>
        %gather3A_460 = tpu.vector_load_idx %arg15[%broadcast_in_dim3A_459] : memref<128xf32, #tpu.memory_space<vmem>>[vector<16xi32>], vector<16xf32>,
        %get3A_461 = arith.index_cast %add3A_458 : i32 to index
        %get3A_462 = arith.constant 0 : index
        %get3A_463 = tpu.vector_load %arg13[%get3A_461, %get3A_462] {strides = array<i32>} : memref<128x128xf32, #tpu.memory_space<vmem>>, vector<16xf32>,
        %mul3A_464 = arith.mulf %get3A_463, %gather3A_460 : vector<16xf32>
        %swap3A_465 = arith.index_cast %add3A_458 : i32 to index
        %swap3A_466 = arith.constant 0 : index
        %swap3A_467 = tpu.vector_load %arg13[%swap3A_465, %swap3A_466] {strides = array<i32>} : memref<128x128xf32, #tpu.memory_space<vmem>>, vector<16xf32>,
        tpu.vector_store %arg13[%swap3A_465, %swap3A_466], %mul3A_464 {strides = array<i32>} : memref<128x128xf32, #tpu.memory_space<vmem>>, vector<16xf32>,
        %get3A_468 = arith.index_cast %add3A_458 : i32 to index
        %get3A_469 = arith.constant 16 : index
        %get3A_470 = tpu.vector_load %arg13[%get3A_468, %get3A_469] {strides = array<i32>} : memref<128x128xf32, #tpu.memory_space<vmem>>, vector<16xf32>,
        %mul3A_471 = arith.mulf %get3A_470, %gather3A_460 : vector<16xf32>
        %swap3A_472 = arith.index_cast %add3A_458 : i32 to index
        %swap3A_473 = arith.constant 16 : index
        %swap3A_474 = tpu.vector_load %arg13[%swap3A_472, %swap3A_473] {strides = array<i32>} : memref<128x128xf32, #tpu.memory_space<vmem>>, vector<16xf32>,
        tpu.vector_store %arg13[%swap3A_472, %swap3A_473], %mul3A_471 {strides = array<i32>} : memref<128x128xf32, #tpu.memory_space<vmem>>, vector<16xf32>,
        %get3A_475 = arith.index_cast %add3A_458 : i32 to index
        %get3A_476 = arith.constant 32 : index
        %get3A_477 = tpu.vector_load %arg13[%get3A_475, %get3A_476] {strides = array<i32>} : memref<128x128xf32, #tpu.memory_space<vmem>>, vector<16xf32>,
        %mul3A_478 = arith.mulf %get3A_477, %gather3A_460 : vector<16xf32>
        %swap3A_479 = arith.index_cast %add3A_458 : i32 to index
        %swap3A_480 = arith.constant 32 : index
        %swap3A_481 = tpu.vector_load %arg13[%swap3A_479, %swap3A_480] {strides = array<i32>} : memref<128x128xf32, #tpu.memory_space<vmem>>, vector<16xf32>,
        tpu.vector_store %arg13[%swap3A_479, %swap3A_480], %mul3A_478 {strides = array<i32>} : memref<128x128xf32, #tpu.memory_space<vmem>>, vector<16xf32>,
        %get3A_482 = arith.index_cast %add3A_458 : i32 to index
        %get3A_483 = arith.constant 48 : index
        %get3A_484 = tpu.vector_load %arg13[%get3A_482, %get3A_483] {strides = array<i32>} : memref<128x128xf32, #tpu.memory_space<vmem>>, vector<16xf32>,
        %mul3A_485 = arith.mulf %get3A_484, %gather3A_460 : vector<16xf32>
        %swap3A_486 = arith.index_cast %add3A_458 : i32 to index
        %swap3A_487 = arith.constant 48 : index
        %swap3A_488 = tpu.vector_load %arg13[%swap3A_486, %swap3A_487] {strides = array<i32>} : memref<128x128xf32, #tpu.memory_space<vmem>>, vector<16xf32>,
        tpu.vector_store %arg13[%swap3A_486, %swap3A_487], %mul3A_485 {strides = array<i32>} : memref<128x128xf32, #tpu.memory_space<vmem>>, vector<16xf32>,
        %get3A_489 = arith.index_cast %add3A_458 : i32 to index
        %get3A_490 = arith.constant 64 : index
        %get3A_491 = tpu.vector_load %arg13[%get3A_489, %get3A_490] {strides = array<i32>} : memref<128x128xf32, #tpu.memory_space<vmem>>, vector<16xf32>,
        %mul3A_492 = arith.mulf %get3A_491, %gather3A_460 : vector<16xf32>
        %swap3A_493 = arith.index_cast %add3A_458 : i32 to index
        %swap3A_494 = arith.constant 64 : index
        %swap3A_495 = tpu.vector_load %arg13[%swap3A_493, %swap3A_494] {strides = array<i32>} : memref<128x128xf32, #tpu.memory_space<vmem>>, vector<16xf32>,
        tpu.vector_store %arg13[%swap3A_493, %swap3A_494], %mul3A_492 {strides = array<i32>} : memref<128x128xf32, #tpu.memory_space<vmem>>, vector<16xf32>,
        %get3A_496 = arith.index_cast %add3A_458 : i32 to index
        %get3A_497 = arith.constant 80 : index
        %get3A_498 = tpu.vector_load %arg13[%get3A_496, %get3A_497] {strides = array<i32>} : memref<128x128xf32, #tpu.memory_space<vmem>>, vector<16xf32>,
        %mul3A_499 = arith.mulf %get3A_498, %gather3A_460 : vector<16xf32>
        %swap3A_500 = arith.index_cast %add3A_458 : i32 to index
        %swap3A_501 = arith.constant 80 : index
        %swap3A_502 = tpu.vector_load %arg13[%swap3A_500, %swap3A_501] {strides = array<i32>} : memref<128x128xf32, #tpu.memory_space<vmem>>, vector<16xf32>,
        tpu.vector_store %arg13[%swap3A_500, %swap3A_501], %mul3A_499 {strides = array<i32>} : memref<128x128xf32, #tpu.memory_space<vmem>>, vector<16xf32>,
        %get3A_503 = arith.index_cast %add3A_458 : i32 to index
        %get3A_504 = arith.constant 96 : index
        %get3A_505 = tpu.vector_load %arg13[%get3A_503, %get3A_504] {strides = array<i32>} : memref<128x128xf32, #tpu.memory_space<vmem>>, vector<16xf32>,
        %mul3A_506 = arith.mulf %get3A_505, %gather3A_460 : vector<16xf32>
        %swap3A_507 = arith.index_cast %add3A_458 : i32 to index
        %swap3A_508 = arith.constant 96 : index
        %swap3A_509 = tpu.vector_load %arg13[%swap3A_507, %swap3A_508] {strides = array<i32>} : memref<128x128xf32, #tpu.memory_space<vmem>>, vector<16xf32>,
        tpu.vector_store %arg13[%swap3A_507, %swap3A_508], %mul3A_506 {strides = array<i32>} : memref<128x128xf32, #tpu.memory_space<vmem>>, vector<16xf32>,
        %get3A_510 = arith.index_cast %add3A_458 : i32 to index
        %get3A_511 = arith.constant 112 : index
        %get3A_512 = tpu.vector_load %arg13[%get3A_510, %get3A_511] {strides = array<i32>} : memref<128x128xf32, #tpu.memory_space<vmem>>, vector<16xf32>,
        %mul3A_513 = arith.mulf %get3A_512, %gather3A_460 : vector<16xf32>
        %swap3A_514 = arith.index_cast %add3A_458 : i32 to index
        %swap3A_515 = arith.constant 112 : index
        %swap3A_516 = tpu.vector_load %arg13[%swap3A_514, %swap3A_515] {strides = array<i32>} : memref<128x128xf32, #tpu.memory_space<vmem>>, vector<16xf32>,
        tpu.vector_store %arg13[%swap3A_514, %swap3A_515], %mul3A_513 {strides = array<i32>} : memref<128x128xf32, #tpu.memory_space<vmem>>, vector<16xf32>,
        %add3A_517 = arith.constant 2 : i32
        %add3A_518 = arith.addi %mul3A_401, %add3A_517 : i32
        %broadcast_in_dim3A_519 = vector.broadcast %add3A_518 : i32 to vector<16xi32>
        %gather3A_520 = tpu.vector_load_idx %arg15[%broadcast_in_dim3A_519] : memref<128xf32, #tpu.memory_space<vmem>>[vector<16xi32>], vector<16xf32>,
        %get3A_521 = arith.index_cast %add3A_518 : i32 to index
        %get3A_522 = arith.constant 0 : index
        %get3A_523 = tpu.vector_load %arg13[%get3A_521, %get3A_522] {strides = array<i32>} : memref<128x128xf32, #tpu.memory_space<vmem>>, vector<16xf32>,
        %mul3A_524 = arith.mulf %get3A_523, %gather3A_520 : vector<16xf32>
        %swap3A_525 = arith.index_cast %add3A_518 : i32 to index
        %swap3A_526 = arith.constant 0 : index
        %swap3A_527 = tpu.vector_load %arg13[%swap3A_525, %swap3A_526] {strides = array<i32>} : memref<128x128xf32, #tpu.memory_space<vmem>>, vector<16xf32>,
        tpu.vector_store %arg13[%swap3A_525, %swap3A_526], %mul3A_524 {strides = array<i32>} : memref<128x128xf32, #tpu.memory_space<vmem>>, vector<16xf32>,
        %get3A_528 = arith.index_cast %add3A_518 : i32 to index
        %get3A_529 = arith.constant 16 : index
        %get3A_530 = tpu.vector_load %arg13[%get3A_528, %get3A_529] {strides = array<i32>} : memref<128x128xf32, #tpu.memory_space<vmem>>, vector<16xf32>,
        %mul3A_531 = arith.mulf %get3A_530, %gather3A_520 : vector<16xf32>
        %swap3A_532 = arith.index_cast %add3A_518 : i32 to index
        %swap3A_533 = arith.constant 16 : index
        %swap3A_534 = tpu.vector_load %arg13[%swap3A_532, %swap3A_533] {strides = array<i32>} : memref<128x128xf32, #tpu.memory_space<vmem>>, vector<16xf32>,
        tpu.vector_store %arg13[%swap3A_532, %swap3A_533], %mul3A_531 {strides = array<i32>} : memref<128x128xf32, #tpu.memory_space<vmem>>, vector<16xf32>,
        %get3A_535 = arith.index_cast %add3A_518 : i32 to index
        %get3A_536 = arith.constant 32 : index
        %get3A_537 = tpu.vector_load %arg13[%get3A_535, %get3A_536] {strides = array<i32>} : memref<128x128xf32, #tpu.memory_space<vmem>>, vector<16xf32>,
        %mul3A_538 = arith.mulf %get3A_537, %gather3A_520 : vector<16xf32>
        %swap3A_539 = arith.index_cast %add3A_518 : i32 to index
        %swap3A_540 = arith.constant 32 : index
        %swap3A_541 = tpu.vector_load %arg13[%swap3A_539, %swap3A_540] {strides = array<i32>} : memref<128x128xf32, #tpu.memory_space<vmem>>, vector<16xf32>,
        tpu.vector_store %arg13[%swap3A_539, %swap3A_540], %mul3A_538 {strides = array<i32>} : memref<128x128xf32, #tpu.memory_space<vmem>>, vector<16xf32>,
        %get3A_542 = arith.index_cast %add3A_518 : i32 to index
        %get3A_543 = arith.constant 48 : index
        %get3A_544 = tpu.vector_load %arg13[%get3A_542, %get3A_543] {strides = array<i32>} : memref<128x128xf32, #tpu.memory_space<vmem>>, vector<16xf32>,
        %mul3A_545 = arith.mulf %get3A_544, %gather3A_520 : vector<16xf32>
        %swap3A_546 = arith.index_cast %add3A_518 : i32 to index
        %swap3A_547 = arith.constant 48 : index
        %swap3A_548 = tpu.vector_load %arg13[%swap3A_546, %swap3A_547] {strides = array<i32>} : memref<128x128xf32, #tpu.memory_space<vmem>>, vector<16xf32>,
        tpu.vector_store %arg13[%swap3A_546, %swap3A_547], %mul3A_545 {strides = array<i32>} : memref<128x128xf32, #tpu.memory_space<vmem>>, vector<16xf32>,
        %get3A_549 = arith.index_cast %add3A_518 : i32 to index
        %get3A_550 = arith.constant 64 : index
        %get3A_551 = tpu.vector_load %arg13[%get3A_549, %get3A_550] {strides = array<i32>} : memref<128x128xf32, #tpu.memory_space<vmem>>, vector<16xf32>,
        %mul3A_552 = arith.mulf %get3A_551, %gather3A_520 : vector<16xf32>
        %swap3A_553 = arith.index_cast %add3A_518 : i32 to index
        %swap3A_554 = arith.constant 64 : index
        %swap3A_555 = tpu.vector_load %arg13[%swap3A_553, %swap3A_554] {strides = array<i32>} : memref<128x128xf32, #tpu.memory_space<vmem>>, vector<16xf32>,
        tpu.vector_store %arg13[%swap3A_553, %swap3A_554], %mul3A_552 {strides = array<i32>} : memref<128x128xf32, #tpu.memory_space<vmem>>, vector<16xf32>,
        %get3A_556 = arith.index_cast %add3A_518 : i32 to index
        %get3A_557 = arith.constant 80 : index
        %get3A_558 = tpu.vector_load %arg13[%get3A_556, %get3A_557] {strides = array<i32>} : memref<128x128xf32, #tpu.memory_space<vmem>>, vector<16xf32>,
        %mul3A_559 = arith.mulf %get3A_558, %gather3A_520 : vector<16xf32>
        %swap3A_560 = arith.index_cast %add3A_518 : i32 to index
        %swap3A_561 = arith.constant 80 : index
        %swap3A_562 = tpu.vector_load %arg13[%swap3A_560, %swap3A_561] {strides = array<i32>} : memref<128x128xf32, #tpu.memory_space<vmem>>, vector<16xf32>,
        tpu.vector_store %arg13[%swap3A_560, %swap3A_561], %mul3A_559 {strides = array<i32>} : memref<128x128xf32, #tpu.memory_space<vmem>>, vector<16xf32>,
        %get3A_563 = arith.index_cast %add3A_518 : i32 to index
        %get3A_564 = arith.constant 96 : index
        %get3A_565 = tpu.vector_load %arg13[%get3A_563, %get3A_564] {strides = array<i32>} : memref<128x128xf32, #tpu.memory_space<vmem>>, vector<16xf32>,
        %mul3A_566 = arith.mulf %get3A_565, %gather3A_520 : vector<16xf32>
        %swap3A_567 = arith.index_cast %add3A_518 : i32 to index
        %swap3A_568 = arith.constant 96 : index
        %swap3A_569 = tpu.vector_load %arg13[%swap3A_567, %swap3A_568] {strides = array<i32>} : memref<128x128xf32, #tpu.memory_space<vmem>>, vector<16xf32>,
        tpu.vector_store %arg13[%swap3A_567, %swap3A_568], %mul3A_566 {strides = array<i32>} : memref<128x128xf32, #tpu.memory_space<vmem>>, vector<16xf32>,
        %get3A_570 = arith.index_cast %add3A_518 : i32 to index
        %get3A_571 = arith.constant 112 : index
        %get3A_572 = tpu.vector_load %arg13[%get3A_570, %get3A_571] {strides = array<i32>} : memref<128x128xf32, #tpu.memory_space<vmem>>, vector<16xf32>,
        %mul3A_573 = arith.mulf %get3A_572, %gather3A_520 : vector<16xf32>
        %swap3A_574 = arith.index_cast %add3A_518 : i32 to index
        %swap3A_575 = arith.constant 112 : index
        %swap3A_576 = tpu.vector_load %arg13[%swap3A_574, %swap3A_575] {strides = array<i32>} : memref<128x128xf32, #tpu.memory_space<vmem>>, vector<16xf32>,
        tpu.vector_store %arg13[%swap3A_574, %swap3A_575], %mul3A_573 {strides = array<i32>} : memref<128x128xf32, #tpu.memory_space<vmem>>, vector<16xf32>,
        %add3A_577 = arith.constant 3 : i32
        %add3A_578 = arith.addi %mul3A_401, %add3A_577 : i32
        %broadcast_in_dim3A_579 = vector.broadcast %add3A_578 : i32 to vector<16xi32>
        %gather3A_580 = tpu.vector_load_idx %arg15[%broadcast_in_dim3A_579] : memref<128xf32, #tpu.memory_space<vmem>>[vector<16xi32>], vector<16xf32>,
        %get3A_581 = arith.index_cast %add3A_578 : i32 to index
        %get3A_582 = arith.constant 0 : index
        %get3A_583 = tpu.vector_load %arg13[%get3A_581, %get3A_582] {strides = array<i32>} : memref<128x128xf32, #tpu.memory_space<vmem>>, vector<16xf32>,
        %mul3A_584 = arith.mulf %get3A_583, %gather3A_580 : vector<16xf32>
        %swap3A_585 = arith.index_cast %add3A_578 : i32 to index
        %swap3A_586 = arith.constant 0 : index
        %swap3A_587 = tpu.vector_load %arg13[%swap3A_585, %swap3A_586] {strides = array<i32>} : memref<128x128xf32, #tpu.memory_space<vmem>>, vector<16xf32>,
        tpu.vector_store %arg13[%swap3A_585, %swap3A_586], %mul3A_584 {strides = array<i32>} : memref<128x128xf32, #tpu.memory_space<vmem>>, vector<16xf32>,
        %get3A_588 = arith.index_cast %add3A_578 : i32 to index
        %get3A_589 = arith.constant 16 : index
        %get3A_590 = tpu.vector_load %arg13[%get3A_588, %get3A_589] {strides = array<i32>} : memref<128x128xf32, #tpu.memory_space<vmem>>, vector<16xf32>,
        %mul3A_591 = arith.mulf %get3A_590, %gather3A_580 : vector<16xf32>
        %swap3A_592 = arith.index_cast %add3A_578 : i32 to index
        %swap3A_593 = arith.constant 16 : index
        %swap3A_594 = tpu.vector_load %arg13[%swap3A_592, %swap3A_593] {strides = array<i32>} : memref<128x128xf32, #tpu.memory_space<vmem>>, vector<16xf32>,
        tpu.vector_store %arg13[%swap3A_592, %swap3A_593], %mul3A_591 {strides = array<i32>} : memref<128x128xf32, #tpu.memory_space<vmem>>, vector<16xf32>,
        %get3A_595 = arith.index_cast %add3A_578 : i32 to index
        %get3A_596 = arith.constant 32 : index
        %get3A_597 = tpu.vector_load %arg13[%get3A_595, %get3A_596] {strides = array<i32>} : memref<128x128xf32, #tpu.memory_space<vmem>>, vector<16xf32>,
        %mul3A_598 = arith.mulf %get3A_597, %gather3A_580 : vector<16xf32>
        %swap3A_599 = arith.index_cast %add3A_578 : i32 to index
        %swap3A_600 = arith.constant 32 : index
        %swap3A_601 = tpu.vector_load %arg13[%swap3A_599, %swap3A_600] {strides = array<i32>} : memref<128x128xf32, #tpu.memory_space<vmem>>, vector<16xf32>,
        tpu.vector_store %arg13[%swap3A_599, %swap3A_600], %mul3A_598 {strides = array<i32>} : memref<128x128xf32, #tpu.memory_space<vmem>>, vector<16xf32>,
        %get3A_602 = arith.index_cast %add3A_578 : i32 to index
        %get3A_603 = arith.constant 48 : index
        %get3A_604 = tpu.vector_load %arg13[%get3A_602, %get3A_603] {strides = array<i32>} : memref<128x128xf32, #tpu.memory_space<vmem>>, vector<16xf32>,
        %mul3A_605 = arith.mulf %get3A_604, %gather3A_580 : vector<16xf32>
        %swap3A_606 = arith.index_cast %add3A_578 : i32 to index
        %swap3A_607 = arith.constant 48 : index
        %swap3A_608 = tpu.vector_load %arg13[%swap3A_606, %swap3A_607] {strides = array<i32>} : memref<128x128xf32, #tpu.memory_space<vmem>>, vector<16xf32>,
        tpu.vector_store %arg13[%swap3A_606, %swap3A_607], %mul3A_605 {strides = array<i32>} : memref<128x128xf32, #tpu.memory_space<vmem>>, vector<16xf32>,
        %get3A_609 = arith.index_cast %add3A_578 : i32 to index
        %get3A_610 = arith.constant 64 : index
        %get3A_611 = tpu.vector_load %arg13[%get3A_609, %get3A_610] {strides = array<i32>} : memref<128x128xf32, #tpu.memory_space<vmem>>, vector<16xf32>,
        %mul3A_612 = arith.mulf %get3A_611, %gather3A_580 : vector<16xf32>
        %swap3A_613 = arith.index_cast %add3A_578 : i32 to index
        %swap3A_614 = arith.constant 64 : index
        %swap3A_615 = tpu.vector_load %arg13[%swap3A_613, %swap3A_614] {strides = array<i32>} : memref<128x128xf32, #tpu.memory_space<vmem>>, vector<16xf32>,
        tpu.vector_store %arg13[%swap3A_613, %swap3A_614], %mul3A_612 {strides = array<i32>} : memref<128x128xf32, #tpu.memory_space<vmem>>, vector<16xf32>,
        %get3A_616 = arith.index_cast %add3A_578 : i32 to index
        %get3A_617 = arith.constant 80 : index
        %get3A_618 = tpu.vector_load %arg13[%get3A_616, %get3A_617] {strides = array<i32>} : memref<128x128xf32, #tpu.memory_space<vmem>>, vector<16xf32>,
        %mul3A_619 = arith.mulf %get3A_618, %gather3A_580 : vector<16xf32>
        %swap3A_620 = arith.index_cast %add3A_578 : i32 to index
        %swap3A_621 = arith.constant 80 : index
        %swap3A_622 = tpu.vector_load %arg13[%swap3A_620, %swap3A_621] {strides = array<i32>} : memref<128x128xf32, #tpu.memory_space<vmem>>, vector<16xf32>,
        tpu.vector_store %arg13[%swap3A_620, %swap3A_621], %mul3A_619 {strides = array<i32>} : memref<128x128xf32, #tpu.memory_space<vmem>>, vector<16xf32>,
        %get3A_623 = arith.index_cast %add3A_578 : i32 to index
        %get3A_624 = arith.constant 96 : index
        %get3A_625 = tpu.vector_load %arg13[%get3A_623, %get3A_624] {strides = array<i32>} : memref<128x128xf32, #tpu.memory_space<vmem>>, vector<16xf32>,
        %mul3A_626 = arith.mulf %get3A_625, %gather3A_580 : vector<16xf32>
        %swap3A_627 = arith.index_cast %add3A_578 : i32 to index
        %swap3A_628 = arith.constant 96 : index
        %swap3A_629 = tpu.vector_load %arg13[%swap3A_627, %swap3A_628] {strides = array<i32>} : memref<128x128xf32, #tpu.memory_space<vmem>>, vector<16xf32>,
        tpu.vector_store %arg13[%swap3A_627, %swap3A_628], %mul3A_626 {strides = array<i32>} : memref<128x128xf32, #tpu.memory_space<vmem>>, vector<16xf32>,
        %get3A_630 = arith.index_cast %add3A_578 : i32 to index
        %get3A_631 = arith.constant 112 : index
        %get3A_632 = tpu.vector_load %arg13[%get3A_630, %get3A_631] {strides = array<i32>} : memref<128x128xf32, #tpu.memory_space<vmem>>, vector<16xf32>,
        %mul3A_633 = arith.mulf %get3A_632, %gather3A_580 : vector<16xf32>
        %swap3A_634 = arith.index_cast %add3A_578 : i32 to index
        %swap3A_635 = arith.constant 112 : index
        %swap3A_636 = tpu.vector_load %arg13[%swap3A_634, %swap3A_635] {strides = array<i32>} : memref<128x128xf32, #tpu.memory_space<vmem>>, vector<16xf32>,
        tpu.vector_store %arg13[%swap3A_634, %swap3A_635], %mul3A_633 {strides = array<i32>} : memref<128x128xf32, #tpu.memory_space<vmem>>, vector<16xf32>,
        %scan3A_637 = arith.constant 0 : i32
        scf.yield %scan3A_637 : i32
      }
      %scan3A_113 = arith.constant 32 : i32
      %dma_start3A_114 = arith.constant 1 : i32
      %dma_start3A_115 = arith.constant 0 : i32
      %dma_start3A_116 = tpu.memref_slice %arg11[%dma_start3A_114, %dma_start3A_115] : memref<8x128xi32, #tpu.memory_space<vmem>> -> memref<1x128xi32, #tpu.memory_space<vmem>>
      %dma_start3A_117 = tpu.memref_squeeze %dma_start3A_116 : memref<1x128xi32, #tpu.memory_space<vmem>> -> memref<128xi32, #tpu.memory_space<vmem>>
      %dma_start3A_118 = arith.constant 0 : i32
      %dma_start3A_119 = arith.constant 0 : i32
      %dma_start3A_120 = tpu.memref_slice %arg16[%dma_start3A_118, %dma_start3A_119] : memref<10240x128xf32, #tpu.memory_space<vmem_shared>> -> memref<10240x128xf32, #tpu.memory_space<vmem_shared>>
      tpu.enqueue_indirect_dma source(%arg13 : memref<128x128xf32, #tpu.memory_space<vmem>>) target(%dma_start3A_120 : memref<10240x128xf32, #tpu.memory_space<vmem_shared>>) offsets(%dma_start3A_117 : memref<128xi32, #tpu.memory_space<vmem>>) semaphore(%arg22 : memref<!tpu.dma_semaphore, #tpu.memory_space<semaphore_mem>>) {add = true}
      %dma_wait3A_121 = arith.constant 1 : i32
      %dma_wait3A_122 = arith.constant 0 : i32
      %dma_wait3A_123 = tpu.memref_slice %arg11[%dma_wait3A_121, %dma_wait3A_122] : memref<8x128xi32, #tpu.memory_space<vmem>> -> memref<1x128xi32, #tpu.memory_space<vmem>>
      %dma_wait3A_124 = tpu.memref_squeeze %dma_wait3A_123 : memref<1x128xi32, #tpu.memory_space<vmem>> -> memref<128xi32, #tpu.memory_space<vmem>>
      %dma_wait3A_125 = arith.constant 0 : i32
      %dma_wait3A_126 = arith.constant 0 : i32
      %dma_wait3A_127 = tpu.memref_slice %arg16[%dma_wait3A_125, %dma_wait3A_126] : memref<10240x128xf32, #tpu.memory_space<vmem_shared>> -> memref<10240x128xf32, #tpu.memory_space<vmem_shared>>
      tpu.wait_indirect_dma semaphore(%arg22 : memref<!tpu.dma_semaphore, #tpu.memory_space<semaphore_mem>>) src(%arg13 : memref<128x128xf32, #tpu.memory_space<vmem>>) dst(%dma_wait3A_127 : memref<10240x128xf32, #tpu.memory_space<vmem_shared>>)
      %dma_start3A_128 = arith.constant 3 : i32
      %dma_start3A_129 = arith.constant 0 : i32
      %dma_start3A_130 = tpu.memref_slice %arg9[%dma_start3A_128, %dma_start3A_129] : memref<8x128xi32, #tpu.memory_space<vmem>> -> memref<1x128xi32, #tpu.memory_space<vmem>>
      %dma_start3A_131 = tpu.memref_squeeze %dma_start3A_130 : memref<1x128xi32, #tpu.memory_space<vmem>> -> memref<128xi32, #tpu.memory_space<vmem>>
      %dma_start3A_132 = arith.constant 0 : i32
      %dma_start3A_133 = arith.constant 0 : i32
      %dma_start3A_134 = tpu.memref_slice %arg5[%dma_start3A_132, %dma_start3A_133] : memref<210000x128xf32, #tpu.memory_space<hbm>> -> memref<210000x128xf32, #tpu.memory_space<hbm>>
      tpu.enqueue_indirect_dma source(%dma_start3A_134 : memref<210000x128xf32, #tpu.memory_space<hbm>>) target(%arg13 : memref<128x128xf32, #tpu.memory_space<vmem>>) offsets(%dma_start3A_131 : memref<128xi32, #tpu.memory_space<vmem>>) semaphore(%arg18 : memref<!tpu.dma_semaphore, #tpu.memory_space<semaphore_mem>>)
      %dma_start3A_135 = arith.constant 3 : i32
      %dma_start3A_136 = arith.constant 0 : i32
      %dma_start3A_137 = tpu.memref_slice %arg10[%dma_start3A_135, %dma_start3A_136] : memref<8x128xi32, #tpu.memory_space<vmem>> -> memref<1x128xi32, #tpu.memory_space<vmem>>
      %dma_start3A_138 = tpu.memref_squeeze %dma_start3A_137 : memref<1x128xi32, #tpu.memory_space<vmem>> -> memref<128xi32, #tpu.memory_space<vmem>>
      %dma_start3A_139 = arith.constant 0 : i32
      %dma_start3A_140 = tpu.memref_slice %arg6[%dma_start3A_139] : memref<204800xf32, #tpu.memory_space<hbm>> -> memref<204800xf32, #tpu.memory_space<hbm>>
      tpu.enqueue_indirect_dma source(%dma_start3A_140 : memref<204800xf32, #tpu.memory_space<hbm>>) target(%arg15 : memref<128xf32, #tpu.memory_space<vmem>>) offsets(%dma_start3A_138 : memref<128xi32, #tpu.memory_space<vmem>>) semaphore(%arg20 : memref<!tpu.dma_semaphore, #tpu.memory_space<semaphore_mem>>)
      %dma_wait3A_141 = arith.constant 2 : i32
      %dma_wait3A_142 = arith.constant 0 : i32
      %dma_wait3A_143 = tpu.memref_slice %arg9[%dma_wait3A_141, %dma_wait3A_142] : memref<8x128xi32, #tpu.memory_space<vmem>> -> memref<1x128xi32, #tpu.memory_space<vmem>>
      %dma_wait3A_144 = tpu.memref_squeeze %dma_wait3A_143 : memref<1x128xi32, #tpu.memory_space<vmem>> -> memref<128xi32, #tpu.memory_space<vmem>>
      %dma_wait3A_145 = arith.constant 0 : i32
      %dma_wait3A_146 = arith.constant 0 : i32
      %dma_wait3A_147 = tpu.memref_slice %arg5[%dma_wait3A_145, %dma_wait3A_146] : memref<210000x128xf32, #tpu.memory_space<hbm>> -> memref<210000x128xf32, #tpu.memory_space<hbm>>
      tpu.wait_indirect_dma semaphore(%arg17 : memref<!tpu.dma_semaphore, #tpu.memory_space<semaphore_mem>>) src(%dma_wait3A_147 : memref<210000x128xf32, #tpu.memory_space<hbm>>) dst(%arg12 : memref<128x128xf32, #tpu.memory_space<vmem>>)
      %dma_wait3A_148 = arith.constant 2 : i32
      %dma_wait3A_149 = arith.constant 0 : i32
      %dma_wait3A_150 = tpu.memref_slice %arg10[%dma_wait3A_148, %dma_wait3A_149] : memref<8x128xi32, #tpu.memory_space<vmem>> -> memref<1x128xi32, #tpu.memory_space<vmem>>
      %dma_wait3A_151 = tpu.memref_squeeze %dma_wait3A_150 : memref<1x128xi32, #tpu.memory_space<vmem>> -> memref<128xi32, #tpu.memory_space<vmem>>
      %dma_wait3A_152 = arith.constant 0 : i32
      %dma_wait3A_153 = tpu.memref_slice %arg6[%dma_wait3A_152] : memref<204800xf32, #tpu.memory_space<hbm>> -> memref<204800xf32, #tpu.memory_space<hbm>>
      tpu.wait_indirect_dma semaphore(%arg19 : memref<!tpu.dma_semaphore, #tpu.memory_space<semaphore_mem>>) src(%dma_wait3A_153 : memref<204800xf32, #tpu.memory_space<hbm>>) dst(%arg14 : memref<128xf32, #tpu.memory_space<vmem>>)
      %scan3A_154 = arith.constant 0 : i32
      %scan3A_155 = arith.constant 0 : i32
      %scan3A_156 = arith.constant 32 : i32
      %scan3A_157 = arith.addi %scan3A_155, %scan3A_156 : i32
      %scan3A_158 = arith.constant 1 : i32
      %scan3A_159 = scf.for %scan3A_398 = %scan3A_155 to %scan3A_157 step %scan3A_158 iter_args(%scan3A_399 = %scan3A_154) -> (i32)  : i32 {
        %mul3A_400 = arith.constant 4 : i32
        %mul3A_401 = arith.muli %scan3A_398, %mul3A_400 : i32
        %add3A = arith.constant 0 : i32
        %add3A_402 = arith.addi %mul3A_401, %add3A : i32
        %broadcast_in_dim3A = vector.broadcast %add3A_402 : i32 to vector<16xi32>
        %gather3A = tpu.vector_load_idx %arg14[%broadcast_in_dim3A] : memref<128xf32, #tpu.memory_space<vmem>>[vector<16xi32>], vector<16xf32>,
        %get3A = arith.index_cast %add3A_402 : i32 to index
        %get3A_403 = arith.constant 0 : index
        %get3A_404 = tpu.vector_load %arg12[%get3A, %get3A_403] {strides = array<i32>} : memref<128x128xf32, #tpu.memory_space<vmem>>, vector<16xf32>,
        %mul3A_405 = arith.mulf %get3A_404, %gather3A : vector<16xf32>
        %swap3A = arith.index_cast %add3A_402 : i32 to index
        %swap3A_406 = arith.constant 0 : index
        %swap3A_407 = tpu.vector_load %arg12[%swap3A, %swap3A_406] {strides = array<i32>} : memref<128x128xf32, #tpu.memory_space<vmem>>, vector<16xf32>,
        tpu.vector_store %arg12[%swap3A, %swap3A_406], %mul3A_405 {strides = array<i32>} : memref<128x128xf32, #tpu.memory_space<vmem>>, vector<16xf32>,
        %get3A_408 = arith.index_cast %add3A_402 : i32 to index
        %get3A_409 = arith.constant 16 : index
        %get3A_410 = tpu.vector_load %arg12[%get3A_408, %get3A_409] {strides = array<i32>} : memref<128x128xf32, #tpu.memory_space<vmem>>, vector<16xf32>,
        %mul3A_411 = arith.mulf %get3A_410, %gather3A : vector<16xf32>
        %swap3A_412 = arith.index_cast %add3A_402 : i32 to index
        %swap3A_413 = arith.constant 16 : index
        %swap3A_414 = tpu.vector_load %arg12[%swap3A_412, %swap3A_413] {strides = array<i32>} : memref<128x128xf32, #tpu.memory_space<vmem>>, vector<16xf32>,
        tpu.vector_store %arg12[%swap3A_412, %swap3A_413], %mul3A_411 {strides = array<i32>} : memref<128x128xf32, #tpu.memory_space<vmem>>, vector<16xf32>,
        %get3A_415 = arith.index_cast %add3A_402 : i32 to index
        %get3A_416 = arith.constant 32 : index
        %get3A_417 = tpu.vector_load %arg12[%get3A_415, %get3A_416] {strides = array<i32>} : memref<128x128xf32, #tpu.memory_space<vmem>>, vector<16xf32>,
        %mul3A_418 = arith.mulf %get3A_417, %gather3A : vector<16xf32>
        %swap3A_419 = arith.index_cast %add3A_402 : i32 to index
        %swap3A_420 = arith.constant 32 : index
        %swap3A_421 = tpu.vector_load %arg12[%swap3A_419, %swap3A_420] {strides = array<i32>} : memref<128x128xf32, #tpu.memory_space<vmem>>, vector<16xf32>,
        tpu.vector_store %arg12[%swap3A_419, %swap3A_420], %mul3A_418 {strides = array<i32>} : memref<128x128xf32, #tpu.memory_space<vmem>>, vector<16xf32>,
        %get3A_422 = arith.index_cast %add3A_402 : i32 to index
        %get3A_423 = arith.constant 48 : index
        %get3A_424 = tpu.vector_load %arg12[%get3A_422, %get3A_423] {strides = array<i32>} : memref<128x128xf32, #tpu.memory_space<vmem>>, vector<16xf32>,
        %mul3A_425 = arith.mulf %get3A_424, %gather3A : vector<16xf32>
        %swap3A_426 = arith.index_cast %add3A_402 : i32 to index
        %swap3A_427 = arith.constant 48 : index
        %swap3A_428 = tpu.vector_load %arg12[%swap3A_426, %swap3A_427] {strides = array<i32>} : memref<128x128xf32, #tpu.memory_space<vmem>>, vector<16xf32>,
        tpu.vector_store %arg12[%swap3A_426, %swap3A_427], %mul3A_425 {strides = array<i32>} : memref<128x128xf32, #tpu.memory_space<vmem>>, vector<16xf32>,
        %get3A_429 = arith.index_cast %add3A_402 : i32 to index
        %get3A_430 = arith.constant 64 : index
        %get3A_431 = tpu.vector_load %arg12[%get3A_429, %get3A_430] {strides = array<i32>} : memref<128x128xf32, #tpu.memory_space<vmem>>, vector<16xf32>,
        %mul3A_432 = arith.mulf %get3A_431, %gather3A : vector<16xf32>
        %swap3A_433 = arith.index_cast %add3A_402 : i32 to index
        %swap3A_434 = arith.constant 64 : index
        %swap3A_435 = tpu.vector_load %arg12[%swap3A_433, %swap3A_434] {strides = array<i32>} : memref<128x128xf32, #tpu.memory_space<vmem>>, vector<16xf32>,
        tpu.vector_store %arg12[%swap3A_433, %swap3A_434], %mul3A_432 {strides = array<i32>} : memref<128x128xf32, #tpu.memory_space<vmem>>, vector<16xf32>,
        %get3A_436 = arith.index_cast %add3A_402 : i32 to index
        %get3A_437 = arith.constant 80 : index
        %get3A_438 = tpu.vector_load %arg12[%get3A_436, %get3A_437] {strides = array<i32>} : memref<128x128xf32, #tpu.memory_space<vmem>>, vector<16xf32>,
        %mul3A_439 = arith.mulf %get3A_438, %gather3A : vector<16xf32>
        %swap3A_440 = arith.index_cast %add3A_402 : i32 to index
        %swap3A_441 = arith.constant 80 : index
        %swap3A_442 = tpu.vector_load %arg12[%swap3A_440, %swap3A_441] {strides = array<i32>} : memref<128x128xf32, #tpu.memory_space<vmem>>, vector<16xf32>,
        tpu.vector_store %arg12[%swap3A_440, %swap3A_441], %mul3A_439 {strides = array<i32>} : memref<128x128xf32, #tpu.memory_space<vmem>>, vector<16xf32>,
        %get3A_443 = arith.index_cast %add3A_402 : i32 to index
        %get3A_444 = arith.constant 96 : index
        %get3A_445 = tpu.vector_load %arg12[%get3A_443, %get3A_444] {strides = array<i32>} : memref<128x128xf32, #tpu.memory_space<vmem>>, vector<16xf32>,
        %mul3A_446 = arith.mulf %get3A_445, %gather3A : vector<16xf32>
        %swap3A_447 = arith.index_cast %add3A_402 : i32 to index
        %swap3A_448 = arith.constant 96 : index
        %swap3A_449 = tpu.vector_load %arg12[%swap3A_447, %swap3A_448] {strides = array<i32>} : memref<128x128xf32, #tpu.memory_space<vmem>>, vector<16xf32>,
        tpu.vector_store %arg12[%swap3A_447, %swap3A_448], %mul3A_446 {strides = array<i32>} : memref<128x128xf32, #tpu.memory_space<vmem>>, vector<16xf32>,
        %get3A_450 = arith.index_cast %add3A_402 : i32 to index
        %get3A_451 = arith.constant 112 : index
        %get3A_452 = tpu.vector_load %arg12[%get3A_450, %get3A_451] {strides = array<i32>} : memref<128x128xf32, #tpu.memory_space<vmem>>, vector<16xf32>,
        %mul3A_453 = arith.mulf %get3A_452, %gather3A : vector<16xf32>
        %swap3A_454 = arith.index_cast %add3A_402 : i32 to index
        %swap3A_455 = arith.constant 112 : index
        %swap3A_456 = tpu.vector_load %arg12[%swap3A_454, %swap3A_455] {strides = array<i32>} : memref<128x128xf32, #tpu.memory_space<vmem>>, vector<16xf32>,
        tpu.vector_store %arg12[%swap3A_454, %swap3A_455], %mul3A_453 {strides = array<i32>} : memref<128x128xf32, #tpu.memory_space<vmem>>, vector<16xf32>,
        %add3A_457 = arith.constant 1 : i32
        %add3A_458 = arith.addi %mul3A_401, %add3A_457 : i32
        %broadcast_in_dim3A_459 = vector.broadcast %add3A_458 : i32 to vector<16xi32>
        %gather3A_460 = tpu.vector_load_idx %arg14[%broadcast_in_dim3A_459] : memref<128xf32, #tpu.memory_space<vmem>>[vector<16xi32>], vector<16xf32>,
        %get3A_461 = arith.index_cast %add3A_458 : i32 to index
        %get3A_462 = arith.constant 0 : index
        %get3A_463 = tpu.vector_load %arg12[%get3A_461, %get3A_462] {strides = array<i32>} : memref<128x128xf32, #tpu.memory_space<vmem>>, vector<16xf32>,
        %mul3A_464 = arith.mulf %get3A_463, %gather3A_460 : vector<16xf32>
        %swap3A_465 = arith.index_cast %add3A_458 : i32 to index
        %swap3A_466 = arith.constant 0 : index
        %swap3A_467 = tpu.vector_load %arg12[%swap3A_465, %swap3A_466] {strides = array<i32>} : memref<128x128xf32, #tpu.memory_space<vmem>>, vector<16xf32>,
        tpu.vector_store %arg12[%swap3A_465, %swap3A_466], %mul3A_464 {strides = array<i32>} : memref<128x128xf32, #tpu.memory_space<vmem>>, vector<16xf32>,
        %get3A_468 = arith.index_cast %add3A_458 : i32 to index
        %get3A_469 = arith.constant 16 : index
        %get3A_470 = tpu.vector_load %arg12[%get3A_468, %get3A_469] {strides = array<i32>} : memref<128x128xf32, #tpu.memory_space<vmem>>, vector<16xf32>,
        %mul3A_471 = arith.mulf %get3A_470, %gather3A_460 : vector<16xf32>
        %swap3A_472 = arith.index_cast %add3A_458 : i32 to index
        %swap3A_473 = arith.constant 16 : index
        %swap3A_474 = tpu.vector_load %arg12[%swap3A_472, %swap3A_473] {strides = array<i32>} : memref<128x128xf32, #tpu.memory_space<vmem>>, vector<16xf32>,
        tpu.vector_store %arg12[%swap3A_472, %swap3A_473], %mul3A_471 {strides = array<i32>} : memref<128x128xf32, #tpu.memory_space<vmem>>, vector<16xf32>,
        %get3A_475 = arith.index_cast %add3A_458 : i32 to index
        %get3A_476 = arith.constant 32 : index
        %get3A_477 = tpu.vector_load %arg12[%get3A_475, %get3A_476] {strides = array<i32>} : memref<128x128xf32, #tpu.memory_space<vmem>>, vector<16xf32>,
        %mul3A_478 = arith.mulf %get3A_477, %gather3A_460 : vector<16xf32>
        %swap3A_479 = arith.index_cast %add3A_458 : i32 to index
        %swap3A_480 = arith.constant 32 : index
        %swap3A_481 = tpu.vector_load %arg12[%swap3A_479, %swap3A_480] {strides = array<i32>} : memref<128x128xf32, #tpu.memory_space<vmem>>, vector<16xf32>,
        tpu.vector_store %arg12[%swap3A_479, %swap3A_480], %mul3A_478 {strides = array<i32>} : memref<128x128xf32, #tpu.memory_space<vmem>>, vector<16xf32>,
        %get3A_482 = arith.index_cast %add3A_458 : i32 to index
        %get3A_483 = arith.constant 48 : index
        %get3A_484 = tpu.vector_load %arg12[%get3A_482, %get3A_483] {strides = array<i32>} : memref<128x128xf32, #tpu.memory_space<vmem>>, vector<16xf32>,
        %mul3A_485 = arith.mulf %get3A_484, %gather3A_460 : vector<16xf32>
        %swap3A_486 = arith.index_cast %add3A_458 : i32 to index
        %swap3A_487 = arith.constant 48 : index
        %swap3A_488 = tpu.vector_load %arg12[%swap3A_486, %swap3A_487] {strides = array<i32>} : memref<128x128xf32, #tpu.memory_space<vmem>>, vector<16xf32>,
        tpu.vector_store %arg12[%swap3A_486, %swap3A_487], %mul3A_485 {strides = array<i32>} : memref<128x128xf32, #tpu.memory_space<vmem>>, vector<16xf32>,
        %get3A_489 = arith.index_cast %add3A_458 : i32 to index
        %get3A_490 = arith.constant 64 : index
        %get3A_491 = tpu.vector_load %arg12[%get3A_489, %get3A_490] {strides = array<i32>} : memref<128x128xf32, #tpu.memory_space<vmem>>, vector<16xf32>,
        %mul3A_492 = arith.mulf %get3A_491, %gather3A_460 : vector<16xf32>
        %swap3A_493 = arith.index_cast %add3A_458 : i32 to index
        %swap3A_494 = arith.constant 64 : index
        %swap3A_495 = tpu.vector_load %arg12[%swap3A_493, %swap3A_494] {strides = array<i32>} : memref<128x128xf32, #tpu.memory_space<vmem>>, vector<16xf32>,
        tpu.vector_store %arg12[%swap3A_493, %swap3A_494], %mul3A_492 {strides = array<i32>} : memref<128x128xf32, #tpu.memory_space<vmem>>, vector<16xf32>,
        %get3A_496 = arith.index_cast %add3A_458 : i32 to index
        %get3A_497 = arith.constant 80 : index
        %get3A_498 = tpu.vector_load %arg12[%get3A_496, %get3A_497] {strides = array<i32>} : memref<128x128xf32, #tpu.memory_space<vmem>>, vector<16xf32>,
        %mul3A_499 = arith.mulf %get3A_498, %gather3A_460 : vector<16xf32>
        %swap3A_500 = arith.index_cast %add3A_458 : i32 to index
        %swap3A_501 = arith.constant 80 : index
        %swap3A_502 = tpu.vector_load %arg12[%swap3A_500, %swap3A_501] {strides = array<i32>} : memref<128x128xf32, #tpu.memory_space<vmem>>, vector<16xf32>,
        tpu.vector_store %arg12[%swap3A_500, %swap3A_501], %mul3A_499 {strides = array<i32>} : memref<128x128xf32, #tpu.memory_space<vmem>>, vector<16xf32>,
        %get3A_503 = arith.index_cast %add3A_458 : i32 to index
        %get3A_504 = arith.constant 96 : index
        %get3A_505 = tpu.vector_load %arg12[%get3A_503, %get3A_504] {strides = array<i32>} : memref<128x128xf32, #tpu.memory_space<vmem>>, vector<16xf32>,
        %mul3A_506 = arith.mulf %get3A_505, %gather3A_460 : vector<16xf32>
        %swap3A_507 = arith.index_cast %add3A_458 : i32 to index
        %swap3A_508 = arith.constant 96 : index
        %swap3A_509 = tpu.vector_load %arg12[%swap3A_507, %swap3A_508] {strides = array<i32>} : memref<128x128xf32, #tpu.memory_space<vmem>>, vector<16xf32>,
        tpu.vector_store %arg12[%swap3A_507, %swap3A_508], %mul3A_506 {strides = array<i32>} : memref<128x128xf32, #tpu.memory_space<vmem>>, vector<16xf32>,
        %get3A_510 = arith.index_cast %add3A_458 : i32 to index
        %get3A_511 = arith.constant 112 : index
        %get3A_512 = tpu.vector_load %arg12[%get3A_510, %get3A_511] {strides = array<i32>} : memref<128x128xf32, #tpu.memory_space<vmem>>, vector<16xf32>,
        %mul3A_513 = arith.mulf %get3A_512, %gather3A_460 : vector<16xf32>
        %swap3A_514 = arith.index_cast %add3A_458 : i32 to index
        %swap3A_515 = arith.constant 112 : index
        %swap3A_516 = tpu.vector_load %arg12[%swap3A_514, %swap3A_515] {strides = array<i32>} : memref<128x128xf32, #tpu.memory_space<vmem>>, vector<16xf32>,
        tpu.vector_store %arg12[%swap3A_514, %swap3A_515], %mul3A_513 {strides = array<i32>} : memref<128x128xf32, #tpu.memory_space<vmem>>, vector<16xf32>,
        %add3A_517 = arith.constant 2 : i32
        %add3A_518 = arith.addi %mul3A_401, %add3A_517 : i32
        %broadcast_in_dim3A_519 = vector.broadcast %add3A_518 : i32 to vector<16xi32>
        %gather3A_520 = tpu.vector_load_idx %arg14[%broadcast_in_dim3A_519] : memref<128xf32, #tpu.memory_space<vmem>>[vector<16xi32>], vector<16xf32>,
        %get3A_521 = arith.index_cast %add3A_518 : i32 to index
        %get3A_522 = arith.constant 0 : index
        %get3A_523 = tpu.vector_load %arg12[%get3A_521, %get3A_522] {strides = array<i32>} : memref<128x128xf32, #tpu.memory_space<vmem>>, vector<16xf32>,
        %mul3A_524 = arith.mulf %get3A_523, %gather3A_520 : vector<16xf32>
        %swap3A_525 = arith.index_cast %add3A_518 : i32 to index
        %swap3A_526 = arith.constant 0 : index
        %swap3A_527 = tpu.vector_load %arg12[%swap3A_525, %swap3A_526] {strides = array<i32>} : memref<128x128xf32, #tpu.memory_space<vmem>>, vector<16xf32>,
        tpu.vector_store %arg12[%swap3A_525, %swap3A_526], %mul3A_524 {strides = array<i32>} : memref<128x128xf32, #tpu.memory_space<vmem>>, vector<16xf32>,
        %get3A_528 = arith.index_cast %add3A_518 : i32 to index
        %get3A_529 = arith.constant 16 : index
        %get3A_530 = tpu.vector_load %arg12[%get3A_528, %get3A_529] {strides = array<i32>} : memref<128x128xf32, #tpu.memory_space<vmem>>, vector<16xf32>,
        %mul3A_531 = arith.mulf %get3A_530, %gather3A_520 : vector<16xf32>
        %swap3A_532 = arith.index_cast %add3A_518 : i32 to index
        %swap3A_533 = arith.constant 16 : index
        %swap3A_534 = tpu.vector_load %arg12[%swap3A_532, %swap3A_533] {strides = array<i32>} : memref<128x128xf32, #tpu.memory_space<vmem>>, vector<16xf32>,
        tpu.vector_store %arg12[%swap3A_532, %swap3A_533], %mul3A_531 {strides = array<i32>} : memref<128x128xf32, #tpu.memory_space<vmem>>, vector<16xf32>,
        %get3A_535 = arith.index_cast %add3A_518 : i32 to index
        %get3A_536 = arith.constant 32 : index
        %get3A_537 = tpu.vector_load %arg12[%get3A_535, %get3A_536] {strides = array<i32>} : memref<128x128xf32, #tpu.memory_space<vmem>>, vector<16xf32>,
        %mul3A_538 = arith.mulf %get3A_537, %gather3A_520 : vector<16xf32>
        %swap3A_539 = arith.index_cast %add3A_518 : i32 to index
        %swap3A_540 = arith.constant 32 : index
        %swap3A_541 = tpu.vector_load %arg12[%swap3A_539, %swap3A_540] {strides = array<i32>} : memref<128x128xf32, #tpu.memory_space<vmem>>, vector<16xf32>,
        tpu.vector_store %arg12[%swap3A_539, %swap3A_540], %mul3A_538 {strides = array<i32>} : memref<128x128xf32, #tpu.memory_space<vmem>>, vector<16xf32>,
        %get3A_542 = arith.index_cast %add3A_518 : i32 to index
        %get3A_543 = arith.constant 48 : index
        %get3A_544 = tpu.vector_load %arg12[%get3A_542, %get3A_543] {strides = array<i32>} : memref<128x128xf32, #tpu.memory_space<vmem>>, vector<16xf32>,
        %mul3A_545 = arith.mulf %get3A_544, %gather3A_520 : vector<16xf32>
        %swap3A_546 = arith.index_cast %add3A_518 : i32 to index
        %swap3A_547 = arith.constant 48 : index
        %swap3A_548 = tpu.vector_load %arg12[%swap3A_546, %swap3A_547] {strides = array<i32>} : memref<128x128xf32, #tpu.memory_space<vmem>>, vector<16xf32>,
        tpu.vector_store %arg12[%swap3A_546, %swap3A_547], %mul3A_545 {strides = array<i32>} : memref<128x128xf32, #tpu.memory_space<vmem>>, vector<16xf32>,
        %get3A_549 = arith.index_cast %add3A_518 : i32 to index
        %get3A_550 = arith.constant 64 : index
        %get3A_551 = tpu.vector_load %arg12[%get3A_549, %get3A_550] {strides = array<i32>} : memref<128x128xf32, #tpu.memory_space<vmem>>, vector<16xf32>,
        %mul3A_552 = arith.mulf %get3A_551, %gather3A_520 : vector<16xf32>
        %swap3A_553 = arith.index_cast %add3A_518 : i32 to index
        %swap3A_554 = arith.constant 64 : index
        %swap3A_555 = tpu.vector_load %arg12[%swap3A_553, %swap3A_554] {strides = array<i32>} : memref<128x128xf32, #tpu.memory_space<vmem>>, vector<16xf32>,
        tpu.vector_store %arg12[%swap3A_553, %swap3A_554], %mul3A_552 {strides = array<i32>} : memref<128x128xf32, #tpu.memory_space<vmem>>, vector<16xf32>,
        %get3A_556 = arith.index_cast %add3A_518 : i32 to index
        %get3A_557 = arith.constant 80 : index
        %get3A_558 = tpu.vector_load %arg12[%get3A_556, %get3A_557] {strides = array<i32>} : memref<128x128xf32, #tpu.memory_space<vmem>>, vector<16xf32>,
        %mul3A_559 = arith.mulf %get3A_558, %gather3A_520 : vector<16xf32>
        %swap3A_560 = arith.index_cast %add3A_518 : i32 to index
        %swap3A_561 = arith.constant 80 : index
        %swap3A_562 = tpu.vector_load %arg12[%swap3A_560, %swap3A_561] {strides = array<i32>} : memref<128x128xf32, #tpu.memory_space<vmem>>, vector<16xf32>,
        tpu.vector_store %arg12[%swap3A_560, %swap3A_561], %mul3A_559 {strides = array<i32>} : memref<128x128xf32, #tpu.memory_space<vmem>>, vector<16xf32>,
        %get3A_563 = arith.index_cast %add3A_518 : i32 to index
        %get3A_564 = arith.constant 96 : index
        %get3A_565 = tpu.vector_load %arg12[%get3A_563, %get3A_564] {strides = array<i32>} : memref<128x128xf32, #tpu.memory_space<vmem>>, vector<16xf32>,
        %mul3A_566 = arith.mulf %get3A_565, %gather3A_520 : vector<16xf32>
        %swap3A_567 = arith.index_cast %add3A_518 : i32 to index
        %swap3A_568 = arith.constant 96 : index
        %swap3A_569 = tpu.vector_load %arg12[%swap3A_567, %swap3A_568] {strides = array<i32>} : memref<128x128xf32, #tpu.memory_space<vmem>>, vector<16xf32>,
        tpu.vector_store %arg12[%swap3A_567, %swap3A_568], %mul3A_566 {strides = array<i32>} : memref<128x128xf32, #tpu.memory_space<vmem>>, vector<16xf32>,
        %get3A_570 = arith.index_cast %add3A_518 : i32 to index
        %get3A_571 = arith.constant 112 : index
        %get3A_572 = tpu.vector_load %arg12[%get3A_570, %get3A_571] {strides = array<i32>} : memref<128x128xf32, #tpu.memory_space<vmem>>, vector<16xf32>,
        %mul3A_573 = arith.mulf %get3A_572, %gather3A_520 : vector<16xf32>
        %swap3A_574 = arith.index_cast %add3A_518 : i32 to index
        %swap3A_575 = arith.constant 112 : index
        %swap3A_576 = tpu.vector_load %arg12[%swap3A_574, %swap3A_575] {strides = array<i32>} : memref<128x128xf32, #tpu.memory_space<vmem>>, vector<16xf32>,
        tpu.vector_store %arg12[%swap3A_574, %swap3A_575], %mul3A_573 {strides = array<i32>} : memref<128x128xf32, #tpu.memory_space<vmem>>, vector<16xf32>,
        %add3A_577 = arith.constant 3 : i32
        %add3A_578 = arith.addi %mul3A_401, %add3A_577 : i32
        %broadcast_in_dim3A_579 = vector.broadcast %add3A_578 : i32 to vector<16xi32>
        %gather3A_580 = tpu.vector_load_idx %arg14[%broadcast_in_dim3A_579] : memref<128xf32, #tpu.memory_space<vmem>>[vector<16xi32>], vector<16xf32>,
        %get3A_581 = arith.index_cast %add3A_578 : i32 to index
        %get3A_582 = arith.constant 0 : index
        %get3A_583 = tpu.vector_load %arg12[%get3A_581, %get3A_582] {strides = array<i32>} : memref<128x128xf32, #tpu.memory_space<vmem>>, vector<16xf32>,
        %mul3A_584 = arith.mulf %get3A_583, %gather3A_580 : vector<16xf32>
        %swap3A_585 = arith.index_cast %add3A_578 : i32 to index
        %swap3A_586 = arith.constant 0 : index
        %swap3A_587 = tpu.vector_load %arg12[%swap3A_585, %swap3A_586] {strides = array<i32>} : memref<128x128xf32, #tpu.memory_space<vmem>>, vector<16xf32>,
        tpu.vector_store %arg12[%swap3A_585, %swap3A_586], %mul3A_584 {strides = array<i32>} : memref<128x128xf32, #tpu.memory_space<vmem>>, vector<16xf32>,
        %get3A_588 = arith.index_cast %add3A_578 : i32 to index
        %get3A_589 = arith.constant 16 : index
        %get3A_590 = tpu.vector_load %arg12[%get3A_588, %get3A_589] {strides = array<i32>} : memref<128x128xf32, #tpu.memory_space<vmem>>, vector<16xf32>,
        %mul3A_591 = arith.mulf %get3A_590, %gather3A_580 : vector<16xf32>
        %swap3A_592 = arith.index_cast %add3A_578 : i32 to index
        %swap3A_593 = arith.constant 16 : index
        %swap3A_594 = tpu.vector_load %arg12[%swap3A_592, %swap3A_593] {strides = array<i32>} : memref<128x128xf32, #tpu.memory_space<vmem>>, vector<16xf32>,
        tpu.vector_store %arg12[%swap3A_592, %swap3A_593], %mul3A_591 {strides = array<i32>} : memref<128x128xf32, #tpu.memory_space<vmem>>, vector<16xf32>,
        %get3A_595 = arith.index_cast %add3A_578 : i32 to index
        %get3A_596 = arith.constant 32 : index
        %get3A_597 = tpu.vector_load %arg12[%get3A_595, %get3A_596] {strides = array<i32>} : memref<128x128xf32, #tpu.memory_space<vmem>>, vector<16xf32>,
        %mul3A_598 = arith.mulf %get3A_597, %gather3A_580 : vector<16xf32>
        %swap3A_599 = arith.index_cast %add3A_578 : i32 to index
        %swap3A_600 = arith.constant 32 : index
        %swap3A_601 = tpu.vector_load %arg12[%swap3A_599, %swap3A_600] {strides = array<i32>} : memref<128x128xf32, #tpu.memory_space<vmem>>, vector<16xf32>,
        tpu.vector_store %arg12[%swap3A_599, %swap3A_600], %mul3A_598 {strides = array<i32>} : memref<128x128xf32, #tpu.memory_space<vmem>>, vector<16xf32>,
        %get3A_602 = arith.index_cast %add3A_578 : i32 to index
        %get3A_603 = arith.constant 48 : index
        %get3A_604 = tpu.vector_load %arg12[%get3A_602, %get3A_603] {strides = array<i32>} : memref<128x128xf32, #tpu.memory_space<vmem>>, vector<16xf32>,
        %mul3A_605 = arith.mulf %get3A_604, %gather3A_580 : vector<16xf32>
        %swap3A_606 = arith.index_cast %add3A_578 : i32 to index
        %swap3A_607 = arith.constant 48 : index
        %swap3A_608 = tpu.vector_load %arg12[%swap3A_606, %swap3A_607] {strides = array<i32>} : memref<128x128xf32, #tpu.memory_space<vmem>>, vector<16xf32>,
        tpu.vector_store %arg12[%swap3A_606, %swap3A_607], %mul3A_605 {strides = array<i32>} : memref<128x128xf32, #tpu.memory_space<vmem>>, vector<16xf32>,
        %get3A_609 = arith.index_cast %add3A_578 : i32 to index
        %get3A_610 = arith.constant 64 : index
        %get3A_611 = tpu.vector_load %arg12[%get3A_609, %get3A_610] {strides = array<i32>} : memref<128x128xf32, #tpu.memory_space<vmem>>, vector<16xf32>,
        %mul3A_612 = arith.mulf %get3A_611, %gather3A_580 : vector<16xf32>
        %swap3A_613 = arith.index_cast %add3A_578 : i32 to index
        %swap3A_614 = arith.constant 64 : index
        %swap3A_615 = tpu.vector_load %arg12[%swap3A_613, %swap3A_614] {strides = array<i32>} : memref<128x128xf32, #tpu.memory_space<vmem>>, vector<16xf32>,
        tpu.vector_store %arg12[%swap3A_613, %swap3A_614], %mul3A_612 {strides = array<i32>} : memref<128x128xf32, #tpu.memory_space<vmem>>, vector<16xf32>,
        %get3A_616 = arith.index_cast %add3A_578 : i32 to index
        %get3A_617 = arith.constant 80 : index
        %get3A_618 = tpu.vector_load %arg12[%get3A_616, %get3A_617] {strides = array<i32>} : memref<128x128xf32, #tpu.memory_space<vmem>>, vector<16xf32>,
        %mul3A_619 = arith.mulf %get3A_618, %gather3A_580 : vector<16xf32>
        %swap3A_620 = arith.index_cast %add3A_578 : i32 to index
        %swap3A_621 = arith.constant 80 : index
        %swap3A_622 = tpu.vector_load %arg12[%swap3A_620, %swap3A_621] {strides = array<i32>} : memref<128x128xf32, #tpu.memory_space<vmem>>, vector<16xf32>,
        tpu.vector_store %arg12[%swap3A_620, %swap3A_621], %mul3A_619 {strides = array<i32>} : memref<128x128xf32, #tpu.memory_space<vmem>>, vector<16xf32>,
        %get3A_623 = arith.index_cast %add3A_578 : i32 to index
        %get3A_624 = arith.constant 96 : index
        %get3A_625 = tpu.vector_load %arg12[%get3A_623, %get3A_624] {strides = array<i32>} : memref<128x128xf32, #tpu.memory_space<vmem>>, vector<16xf32>,
        %mul3A_626 = arith.mulf %get3A_625, %gather3A_580 : vector<16xf32>
        %swap3A_627 = arith.index_cast %add3A_578 : i32 to index
        %swap3A_628 = arith.constant 96 : index
        %swap3A_629 = tpu.vector_load %arg12[%swap3A_627, %swap3A_628] {strides = array<i32>} : memref<128x128xf32, #tpu.memory_space<vmem>>, vector<16xf32>,
        tpu.vector_store %arg12[%swap3A_627, %swap3A_628], %mul3A_626 {strides = array<i32>} : memref<128x128xf32, #tpu.memory_space<vmem>>, vector<16xf32>,
        %get3A_630 = arith.index_cast %add3A_578 : i32 to index
        %get3A_631 = arith.constant 112 : index
        %get3A_632 = tpu.vector_load %arg12[%get3A_630, %get3A_631] {strides = array<i32>} : memref<128x128xf32, #tpu.memory_space<vmem>>, vector<16xf32>,
        %mul3A_633 = arith.mulf %get3A_632, %gather3A_580 : vector<16xf32>
        %swap3A_634 = arith.index_cast %add3A_578 : i32 to index
        %swap3A_635 = arith.constant 112 : index
        %swap3A_636 = tpu.vector_load %arg12[%swap3A_634, %swap3A_635] {strides = array<i32>} : memref<128x128xf32, #tpu.memory_space<vmem>>, vector<16xf32>,
        tpu.vector_store %arg12[%swap3A_634, %swap3A_635], %mul3A_633 {strides = array<i32>} : memref<128x128xf32, #tpu.memory_space<vmem>>, vector<16xf32>,
        %scan3A_637 = arith.constant 0 : i32
        scf.yield %scan3A_637 : i32
      }
      %scan3A_160 = arith.constant 32 : i32
      %dma_start3A_161 = arith.constant 2 : i32
      %dma_start3A_162 = arith.constant 0 : i32
      %dma_start3A_163 = tpu.memref_slice %arg11[%dma_start3A_161, %dma_start3A_162] : memref<8x128xi32, #tpu.memory_space<vmem>> -> memref<1x128xi32, #tpu.memory_space<vmem>>
      %dma_start3A_164 = tpu.memref_squeeze %dma_start3A_163 : memref<1x128xi32, #tpu.memory_space<vmem>> -> memref<128xi32, #tpu.memory_space<vmem>>
      %dma_start3A_165 = arith.constant 0 : i32
      %dma_start3A_166 = arith.constant 0 : i32
      %dma_start3A_167 = tpu.memref_slice %arg16[%dma_start3A_165, %dma_start3A_166] : memref<10240x128xf32, #tpu.memory_space<vmem_shared>> -> memref<10240x128xf32, #tpu.memory_space<vmem_shared>>
      tpu.enqueue_indirect_dma source(%arg12 : memref<128x128xf32, #tpu.memory_space<vmem>>) target(%dma_start3A_167 : memref<10240x128xf32, #tpu.memory_space<vmem_shared>>) offsets(%dma_start3A_164 : memref<128xi32, #tpu.memory_space<vmem>>) semaphore(%arg21 : memref<!tpu.dma_semaphore, #tpu.memory_space<semaphore_mem>>) {add = true}
      %dma_wait3A_168 = arith.constant 2 : i32
      %dma_wait3A_169 = arith.constant 0 : i32
      %dma_wait3A_170 = tpu.memref_slice %arg11[%dma_wait3A_168, %dma_wait3A_169] : memref<8x128xi32, #tpu.memory_space<vmem>> -> memref<1x128xi32, #tpu.memory_space<vmem>>
      %dma_wait3A_171 = tpu.memref_squeeze %dma_wait3A_170 : memref<1x128xi32, #tpu.memory_space<vmem>> -> memref<128xi32, #tpu.memory_space<vmem>>
      %dma_wait3A_172 = arith.constant 0 : i32
      %dma_wait3A_173 = arith.constant 0 : i32
      %dma_wait3A_174 = tpu.memref_slice %arg16[%dma_wait3A_172, %dma_wait3A_173] : memref<10240x128xf32, #tpu.memory_space<vmem_shared>> -> memref<10240x128xf32, #tpu.memory_space<vmem_shared>>
      tpu.wait_indirect_dma semaphore(%arg21 : memref<!tpu.dma_semaphore, #tpu.memory_space<semaphore_mem>>) src(%arg12 : memref<128x128xf32, #tpu.memory_space<vmem>>) dst(%dma_wait3A_174 : memref<10240x128xf32, #tpu.memory_space<vmem_shared>>)
      %dma_start3A_175 = arith.constant 4 : i32
      %dma_start3A_176 = arith.constant 0 : i32
      %dma_start3A_177 = tpu.memref_slice %arg9[%dma_start3A_175, %dma_start3A_176] : memref<8x128xi32, #tpu.memory_space<vmem>> -> memref<1x128xi32, #tpu.memory_space<vmem>>
      %dma_start3A_178 = tpu.memref_squeeze %dma_start3A_177 : memref<1x128xi32, #tpu.memory_space<vmem>> -> memref<128xi32, #tpu.memory_space<vmem>>
      %dma_start3A_179 = arith.constant 0 : i32
      %dma_start3A_180 = arith.constant 0 : i32
      %dma_start3A_181 = tpu.memref_slice %arg5[%dma_start3A_179, %dma_start3A_180] : memref<210000x128xf32, #tpu.memory_space<hbm>> -> memref<210000x128xf32, #tpu.memory_space<hbm>>
      tpu.enqueue_indirect_dma source(%dma_start3A_181 : memref<210000x128xf32, #tpu.memory_space<hbm>>) target(%arg12 : memref<128x128xf32, #tpu.memory_space<vmem>>) offsets(%dma_start3A_178 : memref<128xi32, #tpu.memory_space<vmem>>) semaphore(%arg17 : memref<!tpu.dma_semaphore, #tpu.memory_space<semaphore_mem>>)
      %dma_start3A_182 = arith.constant 4 : i32
      %dma_start3A_183 = arith.constant 0 : i32
      %dma_start3A_184 = tpu.memref_slice %arg10[%dma_start3A_182, %dma_start3A_183] : memref<8x128xi32, #tpu.memory_space<vmem>> -> memref<1x128xi32, #tpu.memory_space<vmem>>
      %dma_start3A_185 = tpu.memref_squeeze %dma_start3A_184 : memref<1x128xi32, #tpu.memory_space<vmem>> -> memref<128xi32, #tpu.memory_space<vmem>>
      %dma_start3A_186 = arith.constant 0 : i32
      %dma_start3A_187 = tpu.memref_slice %arg6[%dma_start3A_186] : memref<204800xf32, #tpu.memory_space<hbm>> -> memref<204800xf32, #tpu.memory_space<hbm>>
      tpu.enqueue_indirect_dma source(%dma_start3A_187 : memref<204800xf32, #tpu.memory_space<hbm>>) target(%arg14 : memref<128xf32, #tpu.memory_space<vmem>>) offsets(%dma_start3A_185 : memref<128xi32, #tpu.memory_space<vmem>>) semaphore(%arg19 : memref<!tpu.dma_semaphore, #tpu.memory_space<semaphore_mem>>)
      %dma_wait3A_188 = arith.constant 3 : i32
      %dma_wait3A_189 = arith.constant 0 : i32
      %dma_wait3A_190 = tpu.memref_slice %arg9[%dma_wait3A_188, %dma_wait3A_189] : memref<8x128xi32, #tpu.memory_space<vmem>> -> memref<1x128xi32, #tpu.memory_space<vmem>>
      %dma_wait3A_191 = tpu.memref_squeeze %dma_wait3A_190 : memref<1x128xi32, #tpu.memory_space<vmem>> -> memref<128xi32, #tpu.memory_space<vmem>>
      %dma_wait3A_192 = arith.constant 0 : i32
      %dma_wait3A_193 = arith.constant 0 : i32
      %dma_wait3A_194 = tpu.memref_slice %arg5[%dma_wait3A_192, %dma_wait3A_193] : memref<210000x128xf32, #tpu.memory_space<hbm>> -> memref<210000x128xf32, #tpu.memory_space<hbm>>
      tpu.wait_indirect_dma semaphore(%arg18 : memref<!tpu.dma_semaphore, #tpu.memory_space<semaphore_mem>>) src(%dma_wait3A_194 : memref<210000x128xf32, #tpu.memory_space<hbm>>) dst(%arg13 : memref<128x128xf32, #tpu.memory_space<vmem>>)
      %dma_wait3A_195 = arith.constant 3 : i32
      %dma_wait3A_196 = arith.constant 0 : i32
      %dma_wait3A_197 = tpu.memref_slice %arg10[%dma_wait3A_195, %dma_wait3A_196] : memref<8x128xi32, #tpu.memory_space<vmem>> -> memref<1x128xi32, #tpu.memory_space<vmem>>
      %dma_wait3A_198 = tpu.memref_squeeze %dma_wait3A_197 : memref<1x128xi32, #tpu.memory_space<vmem>> -> memref<128xi32, #tpu.memory_space<vmem>>
      %dma_wait3A_199 = arith.constant 0 : i32
      %dma_wait3A_200 = tpu.memref_slice %arg6[%dma_wait3A_199] : memref<204800xf32, #tpu.memory_space<hbm>> -> memref<204800xf32, #tpu.memory_space<hbm>>
      tpu.wait_indirect_dma semaphore(%arg20 : memref<!tpu.dma_semaphore, #tpu.memory_space<semaphore_mem>>) src(%dma_wait3A_200 : memref<204800xf32, #tpu.memory_space<hbm>>) dst(%arg15 : memref<128xf32, #tpu.memory_space<vmem>>)
      %scan3A_201 = arith.constant 0 : i32
      %scan3A_202 = arith.constant 0 : i32
      %scan3A_203 = arith.constant 32 : i32
      %scan3A_204 = arith.addi %scan3A_202, %scan3A_203 : i32
      %scan3A_205 = arith.constant 1 : i32
      %scan3A_206 = scf.for %scan3A_398 = %scan3A_202 to %scan3A_204 step %scan3A_205 iter_args(%scan3A_399 = %scan3A_201) -> (i32)  : i32 {
        %mul3A_400 = arith.constant 4 : i32
        %mul3A_401 = arith.muli %scan3A_398, %mul3A_400 : i32
        %add3A = arith.constant 0 : i32
        %add3A_402 = arith.addi %mul3A_401, %add3A : i32
        %broadcast_in_dim3A = vector.broadcast %add3A_402 : i32 to vector<16xi32>
        %gather3A = tpu.vector_load_idx %arg15[%broadcast_in_dim3A] : memref<128xf32, #tpu.memory_space<vmem>>[vector<16xi32>], vector<16xf32>,
        %get3A = arith.index_cast %add3A_402 : i32 to index
        %get3A_403 = arith.constant 0 : index
        %get3A_404 = tpu.vector_load %arg13[%get3A, %get3A_403] {strides = array<i32>} : memref<128x128xf32, #tpu.memory_space<vmem>>, vector<16xf32>,
        %mul3A_405 = arith.mulf %get3A_404, %gather3A : vector<16xf32>
        %swap3A = arith.index_cast %add3A_402 : i32 to index
        %swap3A_406 = arith.constant 0 : index
        %swap3A_407 = tpu.vector_load %arg13[%swap3A, %swap3A_406] {strides = array<i32>} : memref<128x128xf32, #tpu.memory_space<vmem>>, vector<16xf32>,
        tpu.vector_store %arg13[%swap3A, %swap3A_406], %mul3A_405 {strides = array<i32>} : memref<128x128xf32, #tpu.memory_space<vmem>>, vector<16xf32>,
        %get3A_408 = arith.index_cast %add3A_402 : i32 to index
        %get3A_409 = arith.constant 16 : index
        %get3A_410 = tpu.vector_load %arg13[%get3A_408, %get3A_409] {strides = array<i32>} : memref<128x128xf32, #tpu.memory_space<vmem>>, vector<16xf32>,
        %mul3A_411 = arith.mulf %get3A_410, %gather3A : vector<16xf32>
        %swap3A_412 = arith.index_cast %add3A_402 : i32 to index
        %swap3A_413 = arith.constant 16 : index
        %swap3A_414 = tpu.vector_load %arg13[%swap3A_412, %swap3A_413] {strides = array<i32>} : memref<128x128xf32, #tpu.memory_space<vmem>>, vector<16xf32>,
        tpu.vector_store %arg13[%swap3A_412, %swap3A_413], %mul3A_411 {strides = array<i32>} : memref<128x128xf32, #tpu.memory_space<vmem>>, vector<16xf32>,
        %get3A_415 = arith.index_cast %add3A_402 : i32 to index
        %get3A_416 = arith.constant 32 : index
        %get3A_417 = tpu.vector_load %arg13[%get3A_415, %get3A_416] {strides = array<i32>} : memref<128x128xf32, #tpu.memory_space<vmem>>, vector<16xf32>,
        %mul3A_418 = arith.mulf %get3A_417, %gather3A : vector<16xf32>
        %swap3A_419 = arith.index_cast %add3A_402 : i32 to index
        %swap3A_420 = arith.constant 32 : index
        %swap3A_421 = tpu.vector_load %arg13[%swap3A_419, %swap3A_420] {strides = array<i32>} : memref<128x128xf32, #tpu.memory_space<vmem>>, vector<16xf32>,
        tpu.vector_store %arg13[%swap3A_419, %swap3A_420], %mul3A_418 {strides = array<i32>} : memref<128x128xf32, #tpu.memory_space<vmem>>, vector<16xf32>,
        %get3A_422 = arith.index_cast %add3A_402 : i32 to index
        %get3A_423 = arith.constant 48 : index
        %get3A_424 = tpu.vector_load %arg13[%get3A_422, %get3A_423] {strides = array<i32>} : memref<128x128xf32, #tpu.memory_space<vmem>>, vector<16xf32>,
        %mul3A_425 = arith.mulf %get3A_424, %gather3A : vector<16xf32>
        %swap3A_426 = arith.index_cast %add3A_402 : i32 to index
        %swap3A_427 = arith.constant 48 : index
        %swap3A_428 = tpu.vector_load %arg13[%swap3A_426, %swap3A_427] {strides = array<i32>} : memref<128x128xf32, #tpu.memory_space<vmem>>, vector<16xf32>,
        tpu.vector_store %arg13[%swap3A_426, %swap3A_427], %mul3A_425 {strides = array<i32>} : memref<128x128xf32, #tpu.memory_space<vmem>>, vector<16xf32>,
        %get3A_429 = arith.index_cast %add3A_402 : i32 to index
        %get3A_430 = arith.constant 64 : index
        %get3A_431 = tpu.vector_load %arg13[%get3A_429, %get3A_430] {strides = array<i32>} : memref<128x128xf32, #tpu.memory_space<vmem>>, vector<16xf32>,
        %mul3A_432 = arith.mulf %get3A_431, %gather3A : vector<16xf32>
        %swap3A_433 = arith.index_cast %add3A_402 : i32 to index
        %swap3A_434 = arith.constant 64 : index
        %swap3A_435 = tpu.vector_load %arg13[%swap3A_433, %swap3A_434] {strides = array<i32>} : memref<128x128xf32, #tpu.memory_space<vmem>>, vector<16xf32>,
        tpu.vector_store %arg13[%swap3A_433, %swap3A_434], %mul3A_432 {strides = array<i32>} : memref<128x128xf32, #tpu.memory_space<vmem>>, vector<16xf32>,
        %get3A_436 = arith.index_cast %add3A_402 : i32 to index
        %get3A_437 = arith.constant 80 : index
        %get3A_438 = tpu.vector_load %arg13[%get3A_436, %get3A_437] {strides = array<i32>} : memref<128x128xf32, #tpu.memory_space<vmem>>, vector<16xf32>,
        %mul3A_439 = arith.mulf %get3A_438, %gather3A : vector<16xf32>
        %swap3A_440 = arith.index_cast %add3A_402 : i32 to index
        %swap3A_441 = arith.constant 80 : index
        %swap3A_442 = tpu.vector_load %arg13[%swap3A_440, %swap3A_441] {strides = array<i32>} : memref<128x128xf32, #tpu.memory_space<vmem>>, vector<16xf32>,
        tpu.vector_store %arg13[%swap3A_440, %swap3A_441], %mul3A_439 {strides = array<i32>} : memref<128x128xf32, #tpu.memory_space<vmem>>, vector<16xf32>,
        %get3A_443 = arith.index_cast %add3A_402 : i32 to index
        %get3A_444 = arith.constant 96 : index
        %get3A_445 = tpu.vector_load %arg13[%get3A_443, %get3A_444] {strides = array<i32>} : memref<128x128xf32, #tpu.memory_space<vmem>>, vector<16xf32>,
        %mul3A_446 = arith.mulf %get3A_445, %gather3A : vector<16xf32>
        %swap3A_447 = arith.index_cast %add3A_402 : i32 to index
        %swap3A_448 = arith.constant 96 : index
        %swap3A_449 = tpu.vector_load %arg13[%swap3A_447, %swap3A_448] {strides = array<i32>} : memref<128x128xf32, #tpu.memory_space<vmem>>, vector<16xf32>,
        tpu.vector_store %arg13[%swap3A_447, %swap3A_448], %mul3A_446 {strides = array<i32>} : memref<128x128xf32, #tpu.memory_space<vmem>>, vector<16xf32>,
        %get3A_450 = arith.index_cast %add3A_402 : i32 to index
        %get3A_451 = arith.constant 112 : index
        %get3A_452 = tpu.vector_load %arg13[%get3A_450, %get3A_451] {strides = array<i32>} : memref<128x128xf32, #tpu.memory_space<vmem>>, vector<16xf32>,
        %mul3A_453 = arith.mulf %get3A_452, %gather3A : vector<16xf32>
        %swap3A_454 = arith.index_cast %add3A_402 : i32 to index
        %swap3A_455 = arith.constant 112 : index
        %swap3A_456 = tpu.vector_load %arg13[%swap3A_454, %swap3A_455] {strides = array<i32>} : memref<128x128xf32, #tpu.memory_space<vmem>>, vector<16xf32>,
        tpu.vector_store %arg13[%swap3A_454, %swap3A_455], %mul3A_453 {strides = array<i32>} : memref<128x128xf32, #tpu.memory_space<vmem>>, vector<16xf32>,
        %add3A_457 = arith.constant 1 : i32
        %add3A_458 = arith.addi %mul3A_401, %add3A_457 : i32
        %broadcast_in_dim3A_459 = vector.broadcast %add3A_458 : i32 to vector<16xi32>
        %gather3A_460 = tpu.vector_load_idx %arg15[%broadcast_in_dim3A_459] : memref<128xf32, #tpu.memory_space<vmem>>[vector<16xi32>], vector<16xf32>,
        %get3A_461 = arith.index_cast %add3A_458 : i32 to index
        %get3A_462 = arith.constant 0 : index
        %get3A_463 = tpu.vector_load %arg13[%get3A_461, %get3A_462] {strides = array<i32>} : memref<128x128xf32, #tpu.memory_space<vmem>>, vector<16xf32>,
        %mul3A_464 = arith.mulf %get3A_463, %gather3A_460 : vector<16xf32>
        %swap3A_465 = arith.index_cast %add3A_458 : i32 to index
        %swap3A_466 = arith.constant 0 : index
        %swap3A_467 = tpu.vector_load %arg13[%swap3A_465, %swap3A_466] {strides = array<i32>} : memref<128x128xf32, #tpu.memory_space<vmem>>, vector<16xf32>,
        tpu.vector_store %arg13[%swap3A_465, %swap3A_466], %mul3A_464 {strides = array<i32>} : memref<128x128xf32, #tpu.memory_space<vmem>>, vector<16xf32>,
        %get3A_468 = arith.index_cast %add3A_458 : i32 to index
        %get3A_469 = arith.constant 16 : index
        %get3A_470 = tpu.vector_load %arg13[%get3A_468, %get3A_469] {strides = array<i32>} : memref<128x128xf32, #tpu.memory_space<vmem>>, vector<16xf32>,
        %mul3A_471 = arith.mulf %get3A_470, %gather3A_460 : vector<16xf32>
        %swap3A_472 = arith.index_cast %add3A_458 : i32 to index
        %swap3A_473 = arith.constant 16 : index
        %swap3A_474 = tpu.vector_load %arg13[%swap3A_472, %swap3A_473] {strides = array<i32>} : memref<128x128xf32, #tpu.memory_space<vmem>>, vector<16xf32>,
        tpu.vector_store %arg13[%swap3A_472, %swap3A_473], %mul3A_471 {strides = array<i32>} : memref<128x128xf32, #tpu.memory_space<vmem>>, vector<16xf32>,
        %get3A_475 = arith.index_cast %add3A_458 : i32 to index
        %get3A_476 = arith.constant 32 : index
        %get3A_477 = tpu.vector_load %arg13[%get3A_475, %get3A_476] {strides = array<i32>} : memref<128x128xf32, #tpu.memory_space<vmem>>, vector<16xf32>,
        %mul3A_478 = arith.mulf %get3A_477, %gather3A_460 : vector<16xf32>
        %swap3A_479 = arith.index_cast %add3A_458 : i32 to index
        %swap3A_480 = arith.constant 32 : index
        %swap3A_481 = tpu.vector_load %arg13[%swap3A_479, %swap3A_480] {strides = array<i32>} : memref<128x128xf32, #tpu.memory_space<vmem>>, vector<16xf32>,
        tpu.vector_store %arg13[%swap3A_479, %swap3A_480], %mul3A_478 {strides = array<i32>} : memref<128x128xf32, #tpu.memory_space<vmem>>, vector<16xf32>,
        %get3A_482 = arith.index_cast %add3A_458 : i32 to index
        %get3A_483 = arith.constant 48 : index
        %get3A_484 = tpu.vector_load %arg13[%get3A_482, %get3A_483] {strides = array<i32>} : memref<128x128xf32, #tpu.memory_space<vmem>>, vector<16xf32>,
        %mul3A_485 = arith.mulf %get3A_484, %gather3A_460 : vector<16xf32>
        %swap3A_486 = arith.index_cast %add3A_458 : i32 to index
        %swap3A_487 = arith.constant 48 : index
        %swap3A_488 = tpu.vector_load %arg13[%swap3A_486, %swap3A_487] {strides = array<i32>} : memref<128x128xf32, #tpu.memory_space<vmem>>, vector<16xf32>,
        tpu.vector_store %arg13[%swap3A_486, %swap3A_487], %mul3A_485 {strides = array<i32>} : memref<128x128xf32, #tpu.memory_space<vmem>>, vector<16xf32>,
        %get3A_489 = arith.index_cast %add3A_458 : i32 to index
        %get3A_490 = arith.constant 64 : index
        %get3A_491 = tpu.vector_load %arg13[%get3A_489, %get3A_490] {strides = array<i32>} : memref<128x128xf32, #tpu.memory_space<vmem>>, vector<16xf32>,
        %mul3A_492 = arith.mulf %get3A_491, %gather3A_460 : vector<16xf32>
        %swap3A_493 = arith.index_cast %add3A_458 : i32 to index
        %swap3A_494 = arith.constant 64 : index
        %swap3A_495 = tpu.vector_load %arg13[%swap3A_493, %swap3A_494] {strides = array<i32>} : memref<128x128xf32, #tpu.memory_space<vmem>>, vector<16xf32>,
        tpu.vector_store %arg13[%swap3A_493, %swap3A_494], %mul3A_492 {strides = array<i32>} : memref<128x128xf32, #tpu.memory_space<vmem>>, vector<16xf32>,
        %get3A_496 = arith.index_cast %add3A_458 : i32 to index
        %get3A_497 = arith.constant 80 : index
        %get3A_498 = tpu.vector_load %arg13[%get3A_496, %get3A_497] {strides = array<i32>} : memref<128x128xf32, #tpu.memory_space<vmem>>, vector<16xf32>,
        %mul3A_499 = arith.mulf %get3A_498, %gather3A_460 : vector<16xf32>
        %swap3A_500 = arith.index_cast %add3A_458 : i32 to index
        %swap3A_501 = arith.constant 80 : index
        %swap3A_502 = tpu.vector_load %arg13[%swap3A_500, %swap3A_501] {strides = array<i32>} : memref<128x128xf32, #tpu.memory_space<vmem>>, vector<16xf32>,
        tpu.vector_store %arg13[%swap3A_500, %swap3A_501], %mul3A_499 {strides = array<i32>} : memref<128x128xf32, #tpu.memory_space<vmem>>, vector<16xf32>,
        %get3A_503 = arith.index_cast %add3A_458 : i32 to index
        %get3A_504 = arith.constant 96 : index
        %get3A_505 = tpu.vector_load %arg13[%get3A_503, %get3A_504] {strides = array<i32>} : memref<128x128xf32, #tpu.memory_space<vmem>>, vector<16xf32>,
        %mul3A_506 = arith.mulf %get3A_505, %gather3A_460 : vector<16xf32>
        %swap3A_507 = arith.index_cast %add3A_458 : i32 to index
        %swap3A_508 = arith.constant 96 : index
        %swap3A_509 = tpu.vector_load %arg13[%swap3A_507, %swap3A_508] {strides = array<i32>} : memref<128x128xf32, #tpu.memory_space<vmem>>, vector<16xf32>,
        tpu.vector_store %arg13[%swap3A_507, %swap3A_508], %mul3A_506 {strides = array<i32>} : memref<128x128xf32, #tpu.memory_space<vmem>>, vector<16xf32>,
        %get3A_510 = arith.index_cast %add3A_458 : i32 to index
        %get3A_511 = arith.constant 112 : index
        %get3A_512 = tpu.vector_load %arg13[%get3A_510, %get3A_511] {strides = array<i32>} : memref<128x128xf32, #tpu.memory_space<vmem>>, vector<16xf32>,
        %mul3A_513 = arith.mulf %get3A_512, %gather3A_460 : vector<16xf32>
        %swap3A_514 = arith.index_cast %add3A_458 : i32 to index
        %swap3A_515 = arith.constant 112 : index
        %swap3A_516 = tpu.vector_load %arg13[%swap3A_514, %swap3A_515] {strides = array<i32>} : memref<128x128xf32, #tpu.memory_space<vmem>>, vector<16xf32>,
        tpu.vector_store %arg13[%swap3A_514, %swap3A_515], %mul3A_513 {strides = array<i32>} : memref<128x128xf32, #tpu.memory_space<vmem>>, vector<16xf32>,
        %add3A_517 = arith.constant 2 : i32
        %add3A_518 = arith.addi %mul3A_401, %add3A_517 : i32
        %broadcast_in_dim3A_519 = vector.broadcast %add3A_518 : i32 to vector<16xi32>
        %gather3A_520 = tpu.vector_load_idx %arg15[%broadcast_in_dim3A_519] : memref<128xf32, #tpu.memory_space<vmem>>[vector<16xi32>], vector<16xf32>,
        %get3A_521 = arith.index_cast %add3A_518 : i32 to index
        %get3A_522 = arith.constant 0 : index
        %get3A_523 = tpu.vector_load %arg13[%get3A_521, %get3A_522] {strides = array<i32>} : memref<128x128xf32, #tpu.memory_space<vmem>>, vector<16xf32>,
        %mul3A_524 = arith.mulf %get3A_523, %gather3A_520 : vector<16xf32>
        %swap3A_525 = arith.index_cast %add3A_518 : i32 to index
        %swap3A_526 = arith.constant 0 : index
        %swap3A_527 = tpu.vector_load %arg13[%swap3A_525, %swap3A_526] {strides = array<i32>} : memref<128x128xf32, #tpu.memory_space<vmem>>, vector<16xf32>,
        tpu.vector_store %arg13[%swap3A_525, %swap3A_526], %mul3A_524 {strides = array<i32>} : memref<128x128xf32, #tpu.memory_space<vmem>>, vector<16xf32>,
        %get3A_528 = arith.index_cast %add3A_518 : i32 to index
        %get3A_529 = arith.constant 16 : index
        %get3A_530 = tpu.vector_load %arg13[%get3A_528, %get3A_529] {strides = array<i32>} : memref<128x128xf32, #tpu.memory_space<vmem>>, vector<16xf32>,
        %mul3A_531 = arith.mulf %get3A_530, %gather3A_520 : vector<16xf32>
        %swap3A_532 = arith.index_cast %add3A_518 : i32 to index
        %swap3A_533 = arith.constant 16 : index
        %swap3A_534 = tpu.vector_load %arg13[%swap3A_532, %swap3A_533] {strides = array<i32>} : memref<128x128xf32, #tpu.memory_space<vmem>>, vector<16xf32>,
        tpu.vector_store %arg13[%swap3A_532, %swap3A_533], %mul3A_531 {strides = array<i32>} : memref<128x128xf32, #tpu.memory_space<vmem>>, vector<16xf32>,
        %get3A_535 = arith.index_cast %add3A_518 : i32 to index
        %get3A_536 = arith.constant 32 : index
        %get3A_537 = tpu.vector_load %arg13[%get3A_535, %get3A_536] {strides = array<i32>} : memref<128x128xf32, #tpu.memory_space<vmem>>, vector<16xf32>,
        %mul3A_538 = arith.mulf %get3A_537, %gather3A_520 : vector<16xf32>
        %swap3A_539 = arith.index_cast %add3A_518 : i32 to index
        %swap3A_540 = arith.constant 32 : index
        %swap3A_541 = tpu.vector_load %arg13[%swap3A_539, %swap3A_540] {strides = array<i32>} : memref<128x128xf32, #tpu.memory_space<vmem>>, vector<16xf32>,
        tpu.vector_store %arg13[%swap3A_539, %swap3A_540], %mul3A_538 {strides = array<i32>} : memref<128x128xf32, #tpu.memory_space<vmem>>, vector<16xf32>,
        %get3A_542 = arith.index_cast %add3A_518 : i32 to index
        %get3A_543 = arith.constant 48 : index
        %get3A_544 = tpu.vector_load %arg13[%get3A_542, %get3A_543] {strides = array<i32>} : memref<128x128xf32, #tpu.memory_space<vmem>>, vector<16xf32>,
        %mul3A_545 = arith.mulf %get3A_544, %gather3A_520 : vector<16xf32>
        %swap3A_546 = arith.index_cast %add3A_518 : i32 to index
        %swap3A_547 = arith.constant 48 : index
        %swap3A_548 = tpu.vector_load %arg13[%swap3A_546, %swap3A_547] {strides = array<i32>} : memref<128x128xf32, #tpu.memory_space<vmem>>, vector<16xf32>,
        tpu.vector_store %arg13[%swap3A_546, %swap3A_547], %mul3A_545 {strides = array<i32>} : memref<128x128xf32, #tpu.memory_space<vmem>>, vector<16xf32>,
        %get3A_549 = arith.index_cast %add3A_518 : i32 to index
        %get3A_550 = arith.constant 64 : index
        %get3A_551 = tpu.vector_load %arg13[%get3A_549, %get3A_550] {strides = array<i32>} : memref<128x128xf32, #tpu.memory_space<vmem>>, vector<16xf32>,
        %mul3A_552 = arith.mulf %get3A_551, %gather3A_520 : vector<16xf32>
        %swap3A_553 = arith.index_cast %add3A_518 : i32 to index
        %swap3A_554 = arith.constant 64 : index
        %swap3A_555 = tpu.vector_load %arg13[%swap3A_553, %swap3A_554] {strides = array<i32>} : memref<128x128xf32, #tpu.memory_space<vmem>>, vector<16xf32>,
        tpu.vector_store %arg13[%swap3A_553, %swap3A_554], %mul3A_552 {strides = array<i32>} : memref<128x128xf32, #tpu.memory_space<vmem>>, vector<16xf32>,
        %get3A_556 = arith.index_cast %add3A_518 : i32 to index
        %get3A_557 = arith.constant 80 : index
        %get3A_558 = tpu.vector_load %arg13[%get3A_556, %get3A_557] {strides = array<i32>} : memref<128x128xf32, #tpu.memory_space<vmem>>, vector<16xf32>,
        %mul3A_559 = arith.mulf %get3A_558, %gather3A_520 : vector<16xf32>
        %swap3A_560 = arith.index_cast %add3A_518 : i32 to index
        %swap3A_561 = arith.constant 80 : index
        %swap3A_562 = tpu.vector_load %arg13[%swap3A_560, %swap3A_561] {strides = array<i32>} : memref<128x128xf32, #tpu.memory_space<vmem>>, vector<16xf32>,
        tpu.vector_store %arg13[%swap3A_560, %swap3A_561], %mul3A_559 {strides = array<i32>} : memref<128x128xf32, #tpu.memory_space<vmem>>, vector<16xf32>,
        %get3A_563 = arith.index_cast %add3A_518 : i32 to index
        %get3A_564 = arith.constant 96 : index
        %get3A_565 = tpu.vector_load %arg13[%get3A_563, %get3A_564] {strides = array<i32>} : memref<128x128xf32, #tpu.memory_space<vmem>>, vector<16xf32>,
        %mul3A_566 = arith.mulf %get3A_565, %gather3A_520 : vector<16xf32>
        %swap3A_567 = arith.index_cast %add3A_518 : i32 to index
        %swap3A_568 = arith.constant 96 : index
        %swap3A_569 = tpu.vector_load %arg13[%swap3A_567, %swap3A_568] {strides = array<i32>} : memref<128x128xf32, #tpu.memory_space<vmem>>, vector<16xf32>,
        tpu.vector_store %arg13[%swap3A_567, %swap3A_568], %mul3A_566 {strides = array<i32>} : memref<128x128xf32, #tpu.memory_space<vmem>>, vector<16xf32>,
        %get3A_570 = arith.index_cast %add3A_518 : i32 to index
        %get3A_571 = arith.constant 112 : index
        %get3A_572 = tpu.vector_load %arg13[%get3A_570, %get3A_571] {strides = array<i32>} : memref<128x128xf32, #tpu.memory_space<vmem>>, vector<16xf32>,
        %mul3A_573 = arith.mulf %get3A_572, %gather3A_520 : vector<16xf32>
        %swap3A_574 = arith.index_cast %add3A_518 : i32 to index
        %swap3A_575 = arith.constant 112 : index
        %swap3A_576 = tpu.vector_load %arg13[%swap3A_574, %swap3A_575] {strides = array<i32>} : memref<128x128xf32, #tpu.memory_space<vmem>>, vector<16xf32>,
        tpu.vector_store %arg13[%swap3A_574, %swap3A_575], %mul3A_573 {strides = array<i32>} : memref<128x128xf32, #tpu.memory_space<vmem>>, vector<16xf32>,
        %add3A_577 = arith.constant 3 : i32
        %add3A_578 = arith.addi %mul3A_401, %add3A_577 : i32
        %broadcast_in_dim3A_579 = vector.broadcast %add3A_578 : i32 to vector<16xi32>
        %gather3A_580 = tpu.vector_load_idx %arg15[%broadcast_in_dim3A_579] : memref<128xf32, #tpu.memory_space<vmem>>[vector<16xi32>], vector<16xf32>,
        %get3A_581 = arith.index_cast %add3A_578 : i32 to index
        %get3A_582 = arith.constant 0 : index
        %get3A_583 = tpu.vector_load %arg13[%get3A_581, %get3A_582] {strides = array<i32>} : memref<128x128xf32, #tpu.memory_space<vmem>>, vector<16xf32>,
        %mul3A_584 = arith.mulf %get3A_583, %gather3A_580 : vector<16xf32>
        %swap3A_585 = arith.index_cast %add3A_578 : i32 to index
        %swap3A_586 = arith.constant 0 : index
        %swap3A_587 = tpu.vector_load %arg13[%swap3A_585, %swap3A_586] {strides = array<i32>} : memref<128x128xf32, #tpu.memory_space<vmem>>, vector<16xf32>,
        tpu.vector_store %arg13[%swap3A_585, %swap3A_586], %mul3A_584 {strides = array<i32>} : memref<128x128xf32, #tpu.memory_space<vmem>>, vector<16xf32>,
        %get3A_588 = arith.index_cast %add3A_578 : i32 to index
        %get3A_589 = arith.constant 16 : index
        %get3A_590 = tpu.vector_load %arg13[%get3A_588, %get3A_589] {strides = array<i32>} : memref<128x128xf32, #tpu.memory_space<vmem>>, vector<16xf32>,
        %mul3A_591 = arith.mulf %get3A_590, %gather3A_580 : vector<16xf32>
        %swap3A_592 = arith.index_cast %add3A_578 : i32 to index
        %swap3A_593 = arith.constant 16 : index
        %swap3A_594 = tpu.vector_load %arg13[%swap3A_592, %swap3A_593] {strides = array<i32>} : memref<128x128xf32, #tpu.memory_space<vmem>>, vector<16xf32>,
        tpu.vector_store %arg13[%swap3A_592, %swap3A_593], %mul3A_591 {strides = array<i32>} : memref<128x128xf32, #tpu.memory_space<vmem>>, vector<16xf32>,
        %get3A_595 = arith.index_cast %add3A_578 : i32 to index
        %get3A_596 = arith.constant 32 : index
        %get3A_597 = tpu.vector_load %arg13[%get3A_595, %get3A_596] {strides = array<i32>} : memref<128x128xf32, #tpu.memory_space<vmem>>, vector<16xf32>,
        %mul3A_598 = arith.mulf %get3A_597, %gather3A_580 : vector<16xf32>
        %swap3A_599 = arith.index_cast %add3A_578 : i32 to index
        %swap3A_600 = arith.constant 32 : index
        %swap3A_601 = tpu.vector_load %arg13[%swap3A_599, %swap3A_600] {strides = array<i32>} : memref<128x128xf32, #tpu.memory_space<vmem>>, vector<16xf32>,
        tpu.vector_store %arg13[%swap3A_599, %swap3A_600], %mul3A_598 {strides = array<i32>} : memref<128x128xf32, #tpu.memory_space<vmem>>, vector<16xf32>,
        %get3A_602 = arith.index_cast %add3A_578 : i32 to index
        %get3A_603 = arith.constant 48 : index
        %get3A_604 = tpu.vector_load %arg13[%get3A_602, %get3A_603] {strides = array<i32>} : memref<128x128xf32, #tpu.memory_space<vmem>>, vector<16xf32>,
        %mul3A_605 = arith.mulf %get3A_604, %gather3A_580 : vector<16xf32>
        %swap3A_606 = arith.index_cast %add3A_578 : i32 to index
        %swap3A_607 = arith.constant 48 : index
        %swap3A_608 = tpu.vector_load %arg13[%swap3A_606, %swap3A_607] {strides = array<i32>} : memref<128x128xf32, #tpu.memory_space<vmem>>, vector<16xf32>,
        tpu.vector_store %arg13[%swap3A_606, %swap3A_607], %mul3A_605 {strides = array<i32>} : memref<128x128xf32, #tpu.memory_space<vmem>>, vector<16xf32>,
        %get3A_609 = arith.index_cast %add3A_578 : i32 to index
        %get3A_610 = arith.constant 64 : index
        %get3A_611 = tpu.vector_load %arg13[%get3A_609, %get3A_610] {strides = array<i32>} : memref<128x128xf32, #tpu.memory_space<vmem>>, vector<16xf32>,
        %mul3A_612 = arith.mulf %get3A_611, %gather3A_580 : vector<16xf32>
        %swap3A_613 = arith.index_cast %add3A_578 : i32 to index
        %swap3A_614 = arith.constant 64 : index
        %swap3A_615 = tpu.vector_load %arg13[%swap3A_613, %swap3A_614] {strides = array<i32>} : memref<128x128xf32, #tpu.memory_space<vmem>>, vector<16xf32>,
        tpu.vector_store %arg13[%swap3A_613, %swap3A_614], %mul3A_612 {strides = array<i32>} : memref<128x128xf32, #tpu.memory_space<vmem>>, vector<16xf32>,
        %get3A_616 = arith.index_cast %add3A_578 : i32 to index
        %get3A_617 = arith.constant 80 : index
        %get3A_618 = tpu.vector_load %arg13[%get3A_616, %get3A_617] {strides = array<i32>} : memref<128x128xf32, #tpu.memory_space<vmem>>, vector<16xf32>,
        %mul3A_619 = arith.mulf %get3A_618, %gather3A_580 : vector<16xf32>
        %swap3A_620 = arith.index_cast %add3A_578 : i32 to index
        %swap3A_621 = arith.constant 80 : index
        %swap3A_622 = tpu.vector_load %arg13[%swap3A_620, %swap3A_621] {strides = array<i32>} : memref<128x128xf32, #tpu.memory_space<vmem>>, vector<16xf32>,
        tpu.vector_store %arg13[%swap3A_620, %swap3A_621], %mul3A_619 {strides = array<i32>} : memref<128x128xf32, #tpu.memory_space<vmem>>, vector<16xf32>,
        %get3A_623 = arith.index_cast %add3A_578 : i32 to index
        %get3A_624 = arith.constant 96 : index
        %get3A_625 = tpu.vector_load %arg13[%get3A_623, %get3A_624] {strides = array<i32>} : memref<128x128xf32, #tpu.memory_space<vmem>>, vector<16xf32>,
        %mul3A_626 = arith.mulf %get3A_625, %gather3A_580 : vector<16xf32>
        %swap3A_627 = arith.index_cast %add3A_578 : i32 to index
        %swap3A_628 = arith.constant 96 : index
        %swap3A_629 = tpu.vector_load %arg13[%swap3A_627, %swap3A_628] {strides = array<i32>} : memref<128x128xf32, #tpu.memory_space<vmem>>, vector<16xf32>,
        tpu.vector_store %arg13[%swap3A_627, %swap3A_628], %mul3A_626 {strides = array<i32>} : memref<128x128xf32, #tpu.memory_space<vmem>>, vector<16xf32>,
        %get3A_630 = arith.index_cast %add3A_578 : i32 to index
        %get3A_631 = arith.constant 112 : index
        %get3A_632 = tpu.vector_load %arg13[%get3A_630, %get3A_631] {strides = array<i32>} : memref<128x128xf32, #tpu.memory_space<vmem>>, vector<16xf32>,
        %mul3A_633 = arith.mulf %get3A_632, %gather3A_580 : vector<16xf32>
        %swap3A_634 = arith.index_cast %add3A_578 : i32 to index
        %swap3A_635 = arith.constant 112 : index
        %swap3A_636 = tpu.vector_load %arg13[%swap3A_634, %swap3A_635] {strides = array<i32>} : memref<128x128xf32, #tpu.memory_space<vmem>>, vector<16xf32>,
        tpu.vector_store %arg13[%swap3A_634, %swap3A_635], %mul3A_633 {strides = array<i32>} : memref<128x128xf32, #tpu.memory_space<vmem>>, vector<16xf32>,
        %scan3A_637 = arith.constant 0 : i32
        scf.yield %scan3A_637 : i32
      }
      %scan3A_207 = arith.constant 32 : i32
      %dma_start3A_208 = arith.constant 3 : i32
      %dma_start3A_209 = arith.constant 0 : i32
      %dma_start3A_210 = tpu.memref_slice %arg11[%dma_start3A_208, %dma_start3A_209] : memref<8x128xi32, #tpu.memory_space<vmem>> -> memref<1x128xi32, #tpu.memory_space<vmem>>
      %dma_start3A_211 = tpu.memref_squeeze %dma_start3A_210 : memref<1x128xi32, #tpu.memory_space<vmem>> -> memref<128xi32, #tpu.memory_space<vmem>>
      %dma_start3A_212 = arith.constant 0 : i32
      %dma_start3A_213 = arith.constant 0 : i32
      %dma_start3A_214 = tpu.memref_slice %arg16[%dma_start3A_212, %dma_start3A_213] : memref<10240x128xf32, #tpu.memory_space<vmem_shared>> -> memref<10240x128xf32, #tpu.memory_space<vmem_shared>>
      tpu.enqueue_indirect_dma source(%arg13 : memref<128x128xf32, #tpu.memory_space<vmem>>) target(%dma_start3A_214 : memref<10240x128xf32, #tpu.memory_space<vmem_shared>>) offsets(%dma_start3A_211 : memref<128xi32, #tpu.memory_space<vmem>>) semaphore(%arg22 : memref<!tpu.dma_semaphore, #tpu.memory_space<semaphore_mem>>) {add = true}
      %dma_wait3A_215 = arith.constant 3 : i32
      %dma_wait3A_216 = arith.constant 0 : i32
      %dma_wait3A_217 = tpu.memref_slice %arg11[%dma_wait3A_215, %dma_wait3A_216] : memref<8x128xi32, #tpu.memory_space<vmem>> -> memref<1x128xi32, #tpu.memory_space<vmem>>
      %dma_wait3A_218 = tpu.memref_squeeze %dma_wait3A_217 : memref<1x128xi32, #tpu.memory_space<vmem>> -> memref<128xi32, #tpu.memory_space<vmem>>
      %dma_wait3A_219 = arith.constant 0 : i32
      %dma_wait3A_220 = arith.constant 0 : i32
      %dma_wait3A_221 = tpu.memref_slice %arg16[%dma_wait3A_219, %dma_wait3A_220] : memref<10240x128xf32, #tpu.memory_space<vmem_shared>> -> memref<10240x128xf32, #tpu.memory_space<vmem_shared>>
      tpu.wait_indirect_dma semaphore(%arg22 : memref<!tpu.dma_semaphore, #tpu.memory_space<semaphore_mem>>) src(%arg13 : memref<128x128xf32, #tpu.memory_space<vmem>>) dst(%dma_wait3A_221 : memref<10240x128xf32, #tpu.memory_space<vmem_shared>>)
      %dma_start3A_222 = arith.constant 5 : i32
      %dma_start3A_223 = arith.constant 0 : i32
      %dma_start3A_224 = tpu.memref_slice %arg9[%dma_start3A_222, %dma_start3A_223] : memref<8x128xi32, #tpu.memory_space<vmem>> -> memref<1x128xi32, #tpu.memory_space<vmem>>
      %dma_start3A_225 = tpu.memref_squeeze %dma_start3A_224 : memref<1x128xi32, #tpu.memory_space<vmem>> -> memref<128xi32, #tpu.memory_space<vmem>>
      %dma_start3A_226 = arith.constant 0 : i32
      %dma_start3A_227 = arith.constant 0 : i32
      %dma_start3A_228 = tpu.memref_slice %arg5[%dma_start3A_226, %dma_start3A_227] : memref<210000x128xf32, #tpu.memory_space<hbm>> -> memref<210000x128xf32, #tpu.memory_space<hbm>>
      tpu.enqueue_indirect_dma source(%dma_start3A_228 : memref<210000x128xf32, #tpu.memory_space<hbm>>) target(%arg13 : memref<128x128xf32, #tpu.memory_space<vmem>>) offsets(%dma_start3A_225 : memref<128xi32, #tpu.memory_space<vmem>>) semaphore(%arg18 : memref<!tpu.dma_semaphore, #tpu.memory_space<semaphore_mem>>)
      %dma_start3A_229 = arith.constant 5 : i32
      %dma_start3A_230 = arith.constant 0 : i32
      %dma_start3A_231 = tpu.memref_slice %arg10[%dma_start3A_229, %dma_start3A_230] : memref<8x128xi32, #tpu.memory_space<vmem>> -> memref<1x128xi32, #tpu.memory_space<vmem>>
      %dma_start3A_232 = tpu.memref_squeeze %dma_start3A_231 : memref<1x128xi32, #tpu.memory_space<vmem>> -> memref<128xi32, #tpu.memory_space<vmem>>
      %dma_start3A_233 = arith.constant 0 : i32
      %dma_start3A_234 = tpu.memref_slice %arg6[%dma_start3A_233] : memref<204800xf32, #tpu.memory_space<hbm>> -> memref<204800xf32, #tpu.memory_space<hbm>>
      tpu.enqueue_indirect_dma source(%dma_start3A_234 : memref<204800xf32, #tpu.memory_space<hbm>>) target(%arg15 : memref<128xf32, #tpu.memory_space<vmem>>) offsets(%dma_start3A_232 : memref<128xi32, #tpu.memory_space<vmem>>) semaphore(%arg20 : memref<!tpu.dma_semaphore, #tpu.memory_space<semaphore_mem>>)
      %dma_wait3A_235 = arith.constant 4 : i32
      %dma_wait3A_236 = arith.constant 0 : i32
      %dma_wait3A_237 = tpu.memref_slice %arg9[%dma_wait3A_235, %dma_wait3A_236] : memref<8x128xi32, #tpu.memory_space<vmem>> -> memref<1x128xi32, #tpu.memory_space<vmem>>
      %dma_wait3A_238 = tpu.memref_squeeze %dma_wait3A_237 : memref<1x128xi32, #tpu.memory_space<vmem>> -> memref<128xi32, #tpu.memory_space<vmem>>
      %dma_wait3A_239 = arith.constant 0 : i32
      %dma_wait3A_240 = arith.constant 0 : i32
      %dma_wait3A_241 = tpu.memref_slice %arg5[%dma_wait3A_239, %dma_wait3A_240] : memref<210000x128xf32, #tpu.memory_space<hbm>> -> memref<210000x128xf32, #tpu.memory_space<hbm>>
      tpu.wait_indirect_dma semaphore(%arg17 : memref<!tpu.dma_semaphore, #tpu.memory_space<semaphore_mem>>) src(%dma_wait3A_241 : memref<210000x128xf32, #tpu.memory_space<hbm>>) dst(%arg12 : memref<128x128xf32, #tpu.memory_space<vmem>>)
      %dma_wait3A_242 = arith.constant 4 : i32
      %dma_wait3A_243 = arith.constant 0 : i32
      %dma_wait3A_244 = tpu.memref_slice %arg10[%dma_wait3A_242, %dma_wait3A_243] : memref<8x128xi32, #tpu.memory_space<vmem>> -> memref<1x128xi32, #tpu.memory_space<vmem>>
      %dma_wait3A_245 = tpu.memref_squeeze %dma_wait3A_244 : memref<1x128xi32, #tpu.memory_space<vmem>> -> memref<128xi32, #tpu.memory_space<vmem>>
      %dma_wait3A_246 = arith.constant 0 : i32
      %dma_wait3A_247 = tpu.memref_slice %arg6[%dma_wait3A_246] : memref<204800xf32, #tpu.memory_space<hbm>> -> memref<204800xf32, #tpu.memory_space<hbm>>
      tpu.wait_indirect_dma semaphore(%arg19 : memref<!tpu.dma_semaphore, #tpu.memory_space<semaphore_mem>>) src(%dma_wait3A_247 : memref<204800xf32, #tpu.memory_space<hbm>>) dst(%arg14 : memref<128xf32, #tpu.memory_space<vmem>>)
      %scan3A_248 = arith.constant 0 : i32
      %scan3A_249 = arith.constant 0 : i32
      %scan3A_250 = arith.constant 32 : i32
      %scan3A_251 = arith.addi %scan3A_249, %scan3A_250 : i32
      %scan3A_252 = arith.constant 1 : i32
      %scan3A_253 = scf.for %scan3A_398 = %scan3A_249 to %scan3A_251 step %scan3A_252 iter_args(%scan3A_399 = %scan3A_248) -> (i32)  : i32 {
        %mul3A_400 = arith.constant 4 : i32
        %mul3A_401 = arith.muli %scan3A_398, %mul3A_400 : i32
        %add3A = arith.constant 0 : i32
        %add3A_402 = arith.addi %mul3A_401, %add3A : i32
        %broadcast_in_dim3A = vector.broadcast %add3A_402 : i32 to vector<16xi32>
        %gather3A = tpu.vector_load_idx %arg14[%broadcast_in_dim3A] : memref<128xf32, #tpu.memory_space<vmem>>[vector<16xi32>], vector<16xf32>,
        %get3A = arith.index_cast %add3A_402 : i32 to index
        %get3A_403 = arith.constant 0 : index
        %get3A_404 = tpu.vector_load %arg12[%get3A, %get3A_403] {strides = array<i32>} : memref<128x128xf32, #tpu.memory_space<vmem>>, vector<16xf32>,
        %mul3A_405 = arith.mulf %get3A_404, %gather3A : vector<16xf32>
        %swap3A = arith.index_cast %add3A_402 : i32 to index
        %swap3A_406 = arith.constant 0 : index
        %swap3A_407 = tpu.vector_load %arg12[%swap3A, %swap3A_406] {strides = array<i32>} : memref<128x128xf32, #tpu.memory_space<vmem>>, vector<16xf32>,
        tpu.vector_store %arg12[%swap3A, %swap3A_406], %mul3A_405 {strides = array<i32>} : memref<128x128xf32, #tpu.memory_space<vmem>>, vector<16xf32>,
        %get3A_408 = arith.index_cast %add3A_402 : i32 to index
        %get3A_409 = arith.constant 16 : index
        %get3A_410 = tpu.vector_load %arg12[%get3A_408, %get3A_409] {strides = array<i32>} : memref<128x128xf32, #tpu.memory_space<vmem>>, vector<16xf32>,
        %mul3A_411 = arith.mulf %get3A_410, %gather3A : vector<16xf32>
        %swap3A_412 = arith.index_cast %add3A_402 : i32 to index
        %swap3A_413 = arith.constant 16 : index
        %swap3A_414 = tpu.vector_load %arg12[%swap3A_412, %swap3A_413] {strides = array<i32>} : memref<128x128xf32, #tpu.memory_space<vmem>>, vector<16xf32>,
        tpu.vector_store %arg12[%swap3A_412, %swap3A_413], %mul3A_411 {strides = array<i32>} : memref<128x128xf32, #tpu.memory_space<vmem>>, vector<16xf32>,
        %get3A_415 = arith.index_cast %add3A_402 : i32 to index
        %get3A_416 = arith.constant 32 : index
        %get3A_417 = tpu.vector_load %arg12[%get3A_415, %get3A_416] {strides = array<i32>} : memref<128x128xf32, #tpu.memory_space<vmem>>, vector<16xf32>,
        %mul3A_418 = arith.mulf %get3A_417, %gather3A : vector<16xf32>
        %swap3A_419 = arith.index_cast %add3A_402 : i32 to index
        %swap3A_420 = arith.constant 32 : index
        %swap3A_421 = tpu.vector_load %arg12[%swap3A_419, %swap3A_420] {strides = array<i32>} : memref<128x128xf32, #tpu.memory_space<vmem>>, vector<16xf32>,
        tpu.vector_store %arg12[%swap3A_419, %swap3A_420], %mul3A_418 {strides = array<i32>} : memref<128x128xf32, #tpu.memory_space<vmem>>, vector<16xf32>,
        %get3A_422 = arith.index_cast %add3A_402 : i32 to index
        %get3A_423 = arith.constant 48 : index
        %get3A_424 = tpu.vector_load %arg12[%get3A_422, %get3A_423] {strides = array<i32>} : memref<128x128xf32, #tpu.memory_space<vmem>>, vector<16xf32>,
        %mul3A_425 = arith.mulf %get3A_424, %gather3A : vector<16xf32>
        %swap3A_426 = arith.index_cast %add3A_402 : i32 to index
        %swap3A_427 = arith.constant 48 : index
        %swap3A_428 = tpu.vector_load %arg12[%swap3A_426, %swap3A_427] {strides = array<i32>} : memref<128x128xf32, #tpu.memory_space<vmem>>, vector<16xf32>,
        tpu.vector_store %arg12[%swap3A_426, %swap3A_427], %mul3A_425 {strides = array<i32>} : memref<128x128xf32, #tpu.memory_space<vmem>>, vector<16xf32>,
        %get3A_429 = arith.index_cast %add3A_402 : i32 to index
        %get3A_430 = arith.constant 64 : index
        %get3A_431 = tpu.vector_load %arg12[%get3A_429, %get3A_430] {strides = array<i32>} : memref<128x128xf32, #tpu.memory_space<vmem>>, vector<16xf32>,
        %mul3A_432 = arith.mulf %get3A_431, %gather3A : vector<16xf32>
        %swap3A_433 = arith.index_cast %add3A_402 : i32 to index
        %swap3A_434 = arith.constant 64 : index
        %swap3A_435 = tpu.vector_load %arg12[%swap3A_433, %swap3A_434] {strides = array<i32>} : memref<128x128xf32, #tpu.memory_space<vmem>>, vector<16xf32>,
        tpu.vector_store %arg12[%swap3A_433, %swap3A_434], %mul3A_432 {strides = array<i32>} : memref<128x128xf32, #tpu.memory_space<vmem>>, vector<16xf32>,
        %get3A_436 = arith.index_cast %add3A_402 : i32 to index
        %get3A_437 = arith.constant 80 : index
        %get3A_438 = tpu.vector_load %arg12[%get3A_436, %get3A_437] {strides = array<i32>} : memref<128x128xf32, #tpu.memory_space<vmem>>, vector<16xf32>,
        %mul3A_439 = arith.mulf %get3A_438, %gather3A : vector<16xf32>
        %swap3A_440 = arith.index_cast %add3A_402 : i32 to index
        %swap3A_441 = arith.constant 80 : index
        %swap3A_442 = tpu.vector_load %arg12[%swap3A_440, %swap3A_441] {strides = array<i32>} : memref<128x128xf32, #tpu.memory_space<vmem>>, vector<16xf32>,
        tpu.vector_store %arg12[%swap3A_440, %swap3A_441], %mul3A_439 {strides = array<i32>} : memref<128x128xf32, #tpu.memory_space<vmem>>, vector<16xf32>,
        %get3A_443 = arith.index_cast %add3A_402 : i32 to index
        %get3A_444 = arith.constant 96 : index
        %get3A_445 = tpu.vector_load %arg12[%get3A_443, %get3A_444] {strides = array<i32>} : memref<128x128xf32, #tpu.memory_space<vmem>>, vector<16xf32>,
        %mul3A_446 = arith.mulf %get3A_445, %gather3A : vector<16xf32>
        %swap3A_447 = arith.index_cast %add3A_402 : i32 to index
        %swap3A_448 = arith.constant 96 : index
        %swap3A_449 = tpu.vector_load %arg12[%swap3A_447, %swap3A_448] {strides = array<i32>} : memref<128x128xf32, #tpu.memory_space<vmem>>, vector<16xf32>,
        tpu.vector_store %arg12[%swap3A_447, %swap3A_448], %mul3A_446 {strides = array<i32>} : memref<128x128xf32, #tpu.memory_space<vmem>>, vector<16xf32>,
        %get3A_450 = arith.index_cast %add3A_402 : i32 to index
        %get3A_451 = arith.constant 112 : index
        %get3A_452 = tpu.vector_load %arg12[%get3A_450, %get3A_451] {strides = array<i32>} : memref<128x128xf32, #tpu.memory_space<vmem>>, vector<16xf32>,
        %mul3A_453 = arith.mulf %get3A_452, %gather3A : vector<16xf32>
        %swap3A_454 = arith.index_cast %add3A_402 : i32 to index
        %swap3A_455 = arith.constant 112 : index
        %swap3A_456 = tpu.vector_load %arg12[%swap3A_454, %swap3A_455] {strides = array<i32>} : memref<128x128xf32, #tpu.memory_space<vmem>>, vector<16xf32>,
        tpu.vector_store %arg12[%swap3A_454, %swap3A_455], %mul3A_453 {strides = array<i32>} : memref<128x128xf32, #tpu.memory_space<vmem>>, vector<16xf32>,
        %add3A_457 = arith.constant 1 : i32
        %add3A_458 = arith.addi %mul3A_401, %add3A_457 : i32
        %broadcast_in_dim3A_459 = vector.broadcast %add3A_458 : i32 to vector<16xi32>
        %gather3A_460 = tpu.vector_load_idx %arg14[%broadcast_in_dim3A_459] : memref<128xf32, #tpu.memory_space<vmem>>[vector<16xi32>], vector<16xf32>,
        %get3A_461 = arith.index_cast %add3A_458 : i32 to index
        %get3A_462 = arith.constant 0 : index
        %get3A_463 = tpu.vector_load %arg12[%get3A_461, %get3A_462] {strides = array<i32>} : memref<128x128xf32, #tpu.memory_space<vmem>>, vector<16xf32>,
        %mul3A_464 = arith.mulf %get3A_463, %gather3A_460 : vector<16xf32>
        %swap3A_465 = arith.index_cast %add3A_458 : i32 to index
        %swap3A_466 = arith.constant 0 : index
        %swap3A_467 = tpu.vector_load %arg12[%swap3A_465, %swap3A_466] {strides = array<i32>} : memref<128x128xf32, #tpu.memory_space<vmem>>, vector<16xf32>,
        tpu.vector_store %arg12[%swap3A_465, %swap3A_466], %mul3A_464 {strides = array<i32>} : memref<128x128xf32, #tpu.memory_space<vmem>>, vector<16xf32>,
        %get3A_468 = arith.index_cast %add3A_458 : i32 to index
        %get3A_469 = arith.constant 16 : index
        %get3A_470 = tpu.vector_load %arg12[%get3A_468, %get3A_469] {strides = array<i32>} : memref<128x128xf32, #tpu.memory_space<vmem>>, vector<16xf32>,
        %mul3A_471 = arith.mulf %get3A_470, %gather3A_460 : vector<16xf32>
        %swap3A_472 = arith.index_cast %add3A_458 : i32 to index
        %swap3A_473 = arith.constant 16 : index
        %swap3A_474 = tpu.vector_load %arg12[%swap3A_472, %swap3A_473] {strides = array<i32>} : memref<128x128xf32, #tpu.memory_space<vmem>>, vector<16xf32>,
        tpu.vector_store %arg12[%swap3A_472, %swap3A_473], %mul3A_471 {strides = array<i32>} : memref<128x128xf32, #tpu.memory_space<vmem>>, vector<16xf32>,
        %get3A_475 = arith.index_cast %add3A_458 : i32 to index
        %get3A_476 = arith.constant 32 : index
        %get3A_477 = tpu.vector_load %arg12[%get3A_475, %get3A_476] {strides = array<i32>} : memref<128x128xf32, #tpu.memory_space<vmem>>, vector<16xf32>,
        %mul3A_478 = arith.mulf %get3A_477, %gather3A_460 : vector<16xf32>
        %swap3A_479 = arith.index_cast %add3A_458 : i32 to index
        %swap3A_480 = arith.constant 32 : index
        %swap3A_481 = tpu.vector_load %arg12[%swap3A_479, %swap3A_480] {strides = array<i32>} : memref<128x128xf32, #tpu.memory_space<vmem>>, vector<16xf32>,
        tpu.vector_store %arg12[%swap3A_479, %swap3A_480], %mul3A_478 {strides = array<i32>} : memref<128x128xf32, #tpu.memory_space<vmem>>, vector<16xf32>,
        %get3A_482 = arith.index_cast %add3A_458 : i32 to index
        %get3A_483 = arith.constant 48 : index
        %get3A_484 = tpu.vector_load %arg12[%get3A_482, %get3A_483] {strides = array<i32>} : memref<128x128xf32, #tpu.memory_space<vmem>>, vector<16xf32>,
        %mul3A_485 = arith.mulf %get3A_484, %gather3A_460 : vector<16xf32>
        %swap3A_486 = arith.index_cast %add3A_458 : i32 to index
        %swap3A_487 = arith.constant 48 : index
        %swap3A_488 = tpu.vector_load %arg12[%swap3A_486, %swap3A_487] {strides = array<i32>} : memref<128x128xf32, #tpu.memory_space<vmem>>, vector<16xf32>,
        tpu.vector_store %arg12[%swap3A_486, %swap3A_487], %mul3A_485 {strides = array<i32>} : memref<128x128xf32, #tpu.memory_space<vmem>>, vector<16xf32>,
        %get3A_489 = arith.index_cast %add3A_458 : i32 to index
        %get3A_490 = arith.constant 64 : index
        %get3A_491 = tpu.vector_load %arg12[%get3A_489, %get3A_490] {strides = array<i32>} : memref<128x128xf32, #tpu.memory_space<vmem>>, vector<16xf32>,
        %mul3A_492 = arith.mulf %get3A_491, %gather3A_460 : vector<16xf32>
        %swap3A_493 = arith.index_cast %add3A_458 : i32 to index
        %swap3A_494 = arith.constant 64 : index
        %swap3A_495 = tpu.vector_load %arg12[%swap3A_493, %swap3A_494] {strides = array<i32>} : memref<128x128xf32, #tpu.memory_space<vmem>>, vector<16xf32>,
        tpu.vector_store %arg12[%swap3A_493, %swap3A_494], %mul3A_492 {strides = array<i32>} : memref<128x128xf32, #tpu.memory_space<vmem>>, vector<16xf32>,
        %get3A_496 = arith.index_cast %add3A_458 : i32 to index
        %get3A_497 = arith.constant 80 : index
        %get3A_498 = tpu.vector_load %arg12[%get3A_496, %get3A_497] {strides = array<i32>} : memref<128x128xf32, #tpu.memory_space<vmem>>, vector<16xf32>,
        %mul3A_499 = arith.mulf %get3A_498, %gather3A_460 : vector<16xf32>
        %swap3A_500 = arith.index_cast %add3A_458 : i32 to index
        %swap3A_501 = arith.constant 80 : index
        %swap3A_502 = tpu.vector_load %arg12[%swap3A_500, %swap3A_501] {strides = array<i32>} : memref<128x128xf32, #tpu.memory_space<vmem>>, vector<16xf32>,
        tpu.vector_store %arg12[%swap3A_500, %swap3A_501], %mul3A_499 {strides = array<i32>} : memref<128x128xf32, #tpu.memory_space<vmem>>, vector<16xf32>,
        %get3A_503 = arith.index_cast %add3A_458 : i32 to index
        %get3A_504 = arith.constant 96 : index
        %get3A_505 = tpu.vector_load %arg12[%get3A_503, %get3A_504] {strides = array<i32>} : memref<128x128xf32, #tpu.memory_space<vmem>>, vector<16xf32>,
        %mul3A_506 = arith.mulf %get3A_505, %gather3A_460 : vector<16xf32>
        %swap3A_507 = arith.index_cast %add3A_458 : i32 to index
        %swap3A_508 = arith.constant 96 : index
        %swap3A_509 = tpu.vector_load %arg12[%swap3A_507, %swap3A_508] {strides = array<i32>} : memref<128x128xf32, #tpu.memory_space<vmem>>, vector<16xf32>,
        tpu.vector_store %arg12[%swap3A_507, %swap3A_508], %mul3A_506 {strides = array<i32>} : memref<128x128xf32, #tpu.memory_space<vmem>>, vector<16xf32>,
        %get3A_510 = arith.index_cast %add3A_458 : i32 to index
        %get3A_511 = arith.constant 112 : index
        %get3A_512 = tpu.vector_load %arg12[%get3A_510, %get3A_511] {strides = array<i32>} : memref<128x128xf32, #tpu.memory_space<vmem>>, vector<16xf32>,
        %mul3A_513 = arith.mulf %get3A_512, %gather3A_460 : vector<16xf32>
        %swap3A_514 = arith.index_cast %add3A_458 : i32 to index
        %swap3A_515 = arith.constant 112 : index
        %swap3A_516 = tpu.vector_load %arg12[%swap3A_514, %swap3A_515] {strides = array<i32>} : memref<128x128xf32, #tpu.memory_space<vmem>>, vector<16xf32>,
        tpu.vector_store %arg12[%swap3A_514, %swap3A_515], %mul3A_513 {strides = array<i32>} : memref<128x128xf32, #tpu.memory_space<vmem>>, vector<16xf32>,
        %add3A_517 = arith.constant 2 : i32
        %add3A_518 = arith.addi %mul3A_401, %add3A_517 : i32
        %broadcast_in_dim3A_519 = vector.broadcast %add3A_518 : i32 to vector<16xi32>
        %gather3A_520 = tpu.vector_load_idx %arg14[%broadcast_in_dim3A_519] : memref<128xf32, #tpu.memory_space<vmem>>[vector<16xi32>], vector<16xf32>,
        %get3A_521 = arith.index_cast %add3A_518 : i32 to index
        %get3A_522 = arith.constant 0 : index
        %get3A_523 = tpu.vector_load %arg12[%get3A_521, %get3A_522] {strides = array<i32>} : memref<128x128xf32, #tpu.memory_space<vmem>>, vector<16xf32>,
        %mul3A_524 = arith.mulf %get3A_523, %gather3A_520 : vector<16xf32>
        %swap3A_525 = arith.index_cast %add3A_518 : i32 to index
        %swap3A_526 = arith.constant 0 : index
        %swap3A_527 = tpu.vector_load %arg12[%swap3A_525, %swap3A_526] {strides = array<i32>} : memref<128x128xf32, #tpu.memory_space<vmem>>, vector<16xf32>,
        tpu.vector_store %arg12[%swap3A_525, %swap3A_526], %mul3A_524 {strides = array<i32>} : memref<128x128xf32, #tpu.memory_space<vmem>>, vector<16xf32>,
        %get3A_528 = arith.index_cast %add3A_518 : i32 to index
        %get3A_529 = arith.constant 16 : index
        %get3A_530 = tpu.vector_load %arg12[%get3A_528, %get3A_529] {strides = array<i32>} : memref<128x128xf32, #tpu.memory_space<vmem>>, vector<16xf32>,
        %mul3A_531 = arith.mulf %get3A_530, %gather3A_520 : vector<16xf32>
        %swap3A_532 = arith.index_cast %add3A_518 : i32 to index
        %swap3A_533 = arith.constant 16 : index
        %swap3A_534 = tpu.vector_load %arg12[%swap3A_532, %swap3A_533] {strides = array<i32>} : memref<128x128xf32, #tpu.memory_space<vmem>>, vector<16xf32>,
        tpu.vector_store %arg12[%swap3A_532, %swap3A_533], %mul3A_531 {strides = array<i32>} : memref<128x128xf32, #tpu.memory_space<vmem>>, vector<16xf32>,
        %get3A_535 = arith.index_cast %add3A_518 : i32 to index
        %get3A_536 = arith.constant 32 : index
        %get3A_537 = tpu.vector_load %arg12[%get3A_535, %get3A_536] {strides = array<i32>} : memref<128x128xf32, #tpu.memory_space<vmem>>, vector<16xf32>,
        %mul3A_538 = arith.mulf %get3A_537, %gather3A_520 : vector<16xf32>
        %swap3A_539 = arith.index_cast %add3A_518 : i32 to index
        %swap3A_540 = arith.constant 32 : index
        %swap3A_541 = tpu.vector_load %arg12[%swap3A_539, %swap3A_540] {strides = array<i32>} : memref<128x128xf32, #tpu.memory_space<vmem>>, vector<16xf32>,
        tpu.vector_store %arg12[%swap3A_539, %swap3A_540], %mul3A_538 {strides = array<i32>} : memref<128x128xf32, #tpu.memory_space<vmem>>, vector<16xf32>,
        %get3A_542 = arith.index_cast %add3A_518 : i32 to index
        %get3A_543 = arith.constant 48 : index
        %get3A_544 = tpu.vector_load %arg12[%get3A_542, %get3A_543] {strides = array<i32>} : memref<128x128xf32, #tpu.memory_space<vmem>>, vector<16xf32>,
        %mul3A_545 = arith.mulf %get3A_544, %gather3A_520 : vector<16xf32>
        %swap3A_546 = arith.index_cast %add3A_518 : i32 to index
        %swap3A_547 = arith.constant 48 : index
        %swap3A_548 = tpu.vector_load %arg12[%swap3A_546, %swap3A_547] {strides = array<i32>} : memref<128x128xf32, #tpu.memory_space<vmem>>, vector<16xf32>,
        tpu.vector_store %arg12[%swap3A_546, %swap3A_547], %mul3A_545 {strides = array<i32>} : memref<128x128xf32, #tpu.memory_space<vmem>>, vector<16xf32>,
        %get3A_549 = arith.index_cast %add3A_518 : i32 to index
        %get3A_550 = arith.constant 64 : index
        %get3A_551 = tpu.vector_load %arg12[%get3A_549, %get3A_550] {strides = array<i32>} : memref<128x128xf32, #tpu.memory_space<vmem>>, vector<16xf32>,
        %mul3A_552 = arith.mulf %get3A_551, %gather3A_520 : vector<16xf32>
        %swap3A_553 = arith.index_cast %add3A_518 : i32 to index
        %swap3A_554 = arith.constant 64 : index
        %swap3A_555 = tpu.vector_load %arg12[%swap3A_553, %swap3A_554] {strides = array<i32>} : memref<128x128xf32, #tpu.memory_space<vmem>>, vector<16xf32>,
        tpu.vector_store %arg12[%swap3A_553, %swap3A_554], %mul3A_552 {strides = array<i32>} : memref<128x128xf32, #tpu.memory_space<vmem>>, vector<16xf32>,
        %get3A_556 = arith.index_cast %add3A_518 : i32 to index
        %get3A_557 = arith.constant 80 : index
        %get3A_558 = tpu.vector_load %arg12[%get3A_556, %get3A_557] {strides = array<i32>} : memref<128x128xf32, #tpu.memory_space<vmem>>, vector<16xf32>,
        %mul3A_559 = arith.mulf %get3A_558, %gather3A_520 : vector<16xf32>
        %swap3A_560 = arith.index_cast %add3A_518 : i32 to index
        %swap3A_561 = arith.constant 80 : index
        %swap3A_562 = tpu.vector_load %arg12[%swap3A_560, %swap3A_561] {strides = array<i32>} : memref<128x128xf32, #tpu.memory_space<vmem>>, vector<16xf32>,
        tpu.vector_store %arg12[%swap3A_560, %swap3A_561], %mul3A_559 {strides = array<i32>} : memref<128x128xf32, #tpu.memory_space<vmem>>, vector<16xf32>,
        %get3A_563 = arith.index_cast %add3A_518 : i32 to index
        %get3A_564 = arith.constant 96 : index
        %get3A_565 = tpu.vector_load %arg12[%get3A_563, %get3A_564] {strides = array<i32>} : memref<128x128xf32, #tpu.memory_space<vmem>>, vector<16xf32>,
        %mul3A_566 = arith.mulf %get3A_565, %gather3A_520 : vector<16xf32>
        %swap3A_567 = arith.index_cast %add3A_518 : i32 to index
        %swap3A_568 = arith.constant 96 : index
        %swap3A_569 = tpu.vector_load %arg12[%swap3A_567, %swap3A_568] {strides = array<i32>} : memref<128x128xf32, #tpu.memory_space<vmem>>, vector<16xf32>,
        tpu.vector_store %arg12[%swap3A_567, %swap3A_568], %mul3A_566 {strides = array<i32>} : memref<128x128xf32, #tpu.memory_space<vmem>>, vector<16xf32>,
        %get3A_570 = arith.index_cast %add3A_518 : i32 to index
        %get3A_571 = arith.constant 112 : index
        %get3A_572 = tpu.vector_load %arg12[%get3A_570, %get3A_571] {strides = array<i32>} : memref<128x128xf32, #tpu.memory_space<vmem>>, vector<16xf32>,
        %mul3A_573 = arith.mulf %get3A_572, %gather3A_520 : vector<16xf32>
        %swap3A_574 = arith.index_cast %add3A_518 : i32 to index
        %swap3A_575 = arith.constant 112 : index
        %swap3A_576 = tpu.vector_load %arg12[%swap3A_574, %swap3A_575] {strides = array<i32>} : memref<128x128xf32, #tpu.memory_space<vmem>>, vector<16xf32>,
        tpu.vector_store %arg12[%swap3A_574, %swap3A_575], %mul3A_573 {strides = array<i32>} : memref<128x128xf32, #tpu.memory_space<vmem>>, vector<16xf32>,
        %add3A_577 = arith.constant 3 : i32
        %add3A_578 = arith.addi %mul3A_401, %add3A_577 : i32
        %broadcast_in_dim3A_579 = vector.broadcast %add3A_578 : i32 to vector<16xi32>
        %gather3A_580 = tpu.vector_load_idx %arg14[%broadcast_in_dim3A_579] : memref<128xf32, #tpu.memory_space<vmem>>[vector<16xi32>], vector<16xf32>,
        %get3A_581 = arith.index_cast %add3A_578 : i32 to index
        %get3A_582 = arith.constant 0 : index
        %get3A_583 = tpu.vector_load %arg12[%get3A_581, %get3A_582] {strides = array<i32>} : memref<128x128xf32, #tpu.memory_space<vmem>>, vector<16xf32>,
        %mul3A_584 = arith.mulf %get3A_583, %gather3A_580 : vector<16xf32>
        %swap3A_585 = arith.index_cast %add3A_578 : i32 to index
        %swap3A_586 = arith.constant 0 : index
        %swap3A_587 = tpu.vector_load %arg12[%swap3A_585, %swap3A_586] {strides = array<i32>} : memref<128x128xf32, #tpu.memory_space<vmem>>, vector<16xf32>,
        tpu.vector_store %arg12[%swap3A_585, %swap3A_586], %mul3A_584 {strides = array<i32>} : memref<128x128xf32, #tpu.memory_space<vmem>>, vector<16xf32>,
        %get3A_588 = arith.index_cast %add3A_578 : i32 to index
        %get3A_589 = arith.constant 16 : index
        %get3A_590 = tpu.vector_load %arg12[%get3A_588, %get3A_589] {strides = array<i32>} : memref<128x128xf32, #tpu.memory_space<vmem>>, vector<16xf32>,
        %mul3A_591 = arith.mulf %get3A_590, %gather3A_580 : vector<16xf32>
        %swap3A_592 = arith.index_cast %add3A_578 : i32 to index
        %swap3A_593 = arith.constant 16 : index
        %swap3A_594 = tpu.vector_load %arg12[%swap3A_592, %swap3A_593] {strides = array<i32>} : memref<128x128xf32, #tpu.memory_space<vmem>>, vector<16xf32>,
        tpu.vector_store %arg12[%swap3A_592, %swap3A_593], %mul3A_591 {strides = array<i32>} : memref<128x128xf32, #tpu.memory_space<vmem>>, vector<16xf32>,
        %get3A_595 = arith.index_cast %add3A_578 : i32 to index
        %get3A_596 = arith.constant 32 : index
        %get3A_597 = tpu.vector_load %arg12[%get3A_595, %get3A_596] {strides = array<i32>} : memref<128x128xf32, #tpu.memory_space<vmem>>, vector<16xf32>,
        %mul3A_598 = arith.mulf %get3A_597, %gather3A_580 : vector<16xf32>
        %swap3A_599 = arith.index_cast %add3A_578 : i32 to index
        %swap3A_600 = arith.constant 32 : index
        %swap3A_601 = tpu.vector_load %arg12[%swap3A_599, %swap3A_600] {strides = array<i32>} : memref<128x128xf32, #tpu.memory_space<vmem>>, vector<16xf32>,
        tpu.vector_store %arg12[%swap3A_599, %swap3A_600], %mul3A_598 {strides = array<i32>} : memref<128x128xf32, #tpu.memory_space<vmem>>, vector<16xf32>,
        %get3A_602 = arith.index_cast %add3A_578 : i32 to index
        %get3A_603 = arith.constant 48 : index
        %get3A_604 = tpu.vector_load %arg12[%get3A_602, %get3A_603] {strides = array<i32>} : memref<128x128xf32, #tpu.memory_space<vmem>>, vector<16xf32>,
        %mul3A_605 = arith.mulf %get3A_604, %gather3A_580 : vector<16xf32>
        %swap3A_606 = arith.index_cast %add3A_578 : i32 to index
        %swap3A_607 = arith.constant 48 : index
        %swap3A_608 = tpu.vector_load %arg12[%swap3A_606, %swap3A_607] {strides = array<i32>} : memref<128x128xf32, #tpu.memory_space<vmem>>, vector<16xf32>,
        tpu.vector_store %arg12[%swap3A_606, %swap3A_607], %mul3A_605 {strides = array<i32>} : memref<128x128xf32, #tpu.memory_space<vmem>>, vector<16xf32>,
        %get3A_609 = arith.index_cast %add3A_578 : i32 to index
        %get3A_610 = arith.constant 64 : index
        %get3A_611 = tpu.vector_load %arg12[%get3A_609, %get3A_610] {strides = array<i32>} : memref<128x128xf32, #tpu.memory_space<vmem>>, vector<16xf32>,
        %mul3A_612 = arith.mulf %get3A_611, %gather3A_580 : vector<16xf32>
        %swap3A_613 = arith.index_cast %add3A_578 : i32 to index
        %swap3A_614 = arith.constant 64 : index
        %swap3A_615 = tpu.vector_load %arg12[%swap3A_613, %swap3A_614] {strides = array<i32>} : memref<128x128xf32, #tpu.memory_space<vmem>>, vector<16xf32>,
        tpu.vector_store %arg12[%swap3A_613, %swap3A_614], %mul3A_612 {strides = array<i32>} : memref<128x128xf32, #tpu.memory_space<vmem>>, vector<16xf32>,
        %get3A_616 = arith.index_cast %add3A_578 : i32 to index
        %get3A_617 = arith.constant 80 : index
        %get3A_618 = tpu.vector_load %arg12[%get3A_616, %get3A_617] {strides = array<i32>} : memref<128x128xf32, #tpu.memory_space<vmem>>, vector<16xf32>,
        %mul3A_619 = arith.mulf %get3A_618, %gather3A_580 : vector<16xf32>
        %swap3A_620 = arith.index_cast %add3A_578 : i32 to index
        %swap3A_621 = arith.constant 80 : index
        %swap3A_622 = tpu.vector_load %arg12[%swap3A_620, %swap3A_621] {strides = array<i32>} : memref<128x128xf32, #tpu.memory_space<vmem>>, vector<16xf32>,
        tpu.vector_store %arg12[%swap3A_620, %swap3A_621], %mul3A_619 {strides = array<i32>} : memref<128x128xf32, #tpu.memory_space<vmem>>, vector<16xf32>,
        %get3A_623 = arith.index_cast %add3A_578 : i32 to index
        %get3A_624 = arith.constant 96 : index
        %get3A_625 = tpu.vector_load %arg12[%get3A_623, %get3A_624] {strides = array<i32>} : memref<128x128xf32, #tpu.memory_space<vmem>>, vector<16xf32>,
        %mul3A_626 = arith.mulf %get3A_625, %gather3A_580 : vector<16xf32>
        %swap3A_627 = arith.index_cast %add3A_578 : i32 to index
        %swap3A_628 = arith.constant 96 : index
        %swap3A_629 = tpu.vector_load %arg12[%swap3A_627, %swap3A_628] {strides = array<i32>} : memref<128x128xf32, #tpu.memory_space<vmem>>, vector<16xf32>,
        tpu.vector_store %arg12[%swap3A_627, %swap3A_628], %mul3A_626 {strides = array<i32>} : memref<128x128xf32, #tpu.memory_space<vmem>>, vector<16xf32>,
        %get3A_630 = arith.index_cast %add3A_578 : i32 to index
        %get3A_631 = arith.constant 112 : index
        %get3A_632 = tpu.vector_load %arg12[%get3A_630, %get3A_631] {strides = array<i32>} : memref<128x128xf32, #tpu.memory_space<vmem>>, vector<16xf32>,
        %mul3A_633 = arith.mulf %get3A_632, %gather3A_580 : vector<16xf32>
        %swap3A_634 = arith.index_cast %add3A_578 : i32 to index
        %swap3A_635 = arith.constant 112 : index
        %swap3A_636 = tpu.vector_load %arg12[%swap3A_634, %swap3A_635] {strides = array<i32>} : memref<128x128xf32, #tpu.memory_space<vmem>>, vector<16xf32>,
        tpu.vector_store %arg12[%swap3A_634, %swap3A_635], %mul3A_633 {strides = array<i32>} : memref<128x128xf32, #tpu.memory_space<vmem>>, vector<16xf32>,
        %scan3A_637 = arith.constant 0 : i32
        scf.yield %scan3A_637 : i32
      }
      %scan3A_254 = arith.constant 32 : i32
      %dma_start3A_255 = arith.constant 4 : i32
      %dma_start3A_256 = arith.constant 0 : i32
      %dma_start3A_257 = tpu.memref_slice %arg11[%dma_start3A_255, %dma_start3A_256] : memref<8x128xi32, #tpu.memory_space<vmem>> -> memref<1x128xi32, #tpu.memory_space<vmem>>
      %dma_start3A_258 = tpu.memref_squeeze %dma_start3A_257 : memref<1x128xi32, #tpu.memory_space<vmem>> -> memref<128xi32, #tpu.memory_space<vmem>>
      %dma_start3A_259 = arith.constant 0 : i32
      %dma_start3A_260 = arith.constant 0 : i32
      %dma_start3A_261 = tpu.memref_slice %arg16[%dma_start3A_259, %dma_start3A_260] : memref<10240x128xf32, #tpu.memory_space<vmem_shared>> -> memref<10240x128xf32, #tpu.memory_space<vmem_shared>>
      tpu.enqueue_indirect_dma source(%arg12 : memref<128x128xf32, #tpu.memory_space<vmem>>) target(%dma_start3A_261 : memref<10240x128xf32, #tpu.memory_space<vmem_shared>>) offsets(%dma_start3A_258 : memref<128xi32, #tpu.memory_space<vmem>>) semaphore(%arg21 : memref<!tpu.dma_semaphore, #tpu.memory_space<semaphore_mem>>) {add = true}
      %dma_wait3A_262 = arith.constant 4 : i32
      %dma_wait3A_263 = arith.constant 0 : i32
      %dma_wait3A_264 = tpu.memref_slice %arg11[%dma_wait3A_262, %dma_wait3A_263] : memref<8x128xi32, #tpu.memory_space<vmem>> -> memref<1x128xi32, #tpu.memory_space<vmem>>
      %dma_wait3A_265 = tpu.memref_squeeze %dma_wait3A_264 : memref<1x128xi32, #tpu.memory_space<vmem>> -> memref<128xi32, #tpu.memory_space<vmem>>
      %dma_wait3A_266 = arith.constant 0 : i32
      %dma_wait3A_267 = arith.constant 0 : i32
      %dma_wait3A_268 = tpu.memref_slice %arg16[%dma_wait3A_266, %dma_wait3A_267] : memref<10240x128xf32, #tpu.memory_space<vmem_shared>> -> memref<10240x128xf32, #tpu.memory_space<vmem_shared>>
      tpu.wait_indirect_dma semaphore(%arg21 : memref<!tpu.dma_semaphore, #tpu.memory_space<semaphore_mem>>) src(%arg12 : memref<128x128xf32, #tpu.memory_space<vmem>>) dst(%dma_wait3A_268 : memref<10240x128xf32, #tpu.memory_space<vmem_shared>>)
      %dma_start3A_269 = arith.constant 6 : i32
      %dma_start3A_270 = arith.constant 0 : i32
      %dma_start3A_271 = tpu.memref_slice %arg9[%dma_start3A_269, %dma_start3A_270] : memref<8x128xi32, #tpu.memory_space<vmem>> -> memref<1x128xi32, #tpu.memory_space<vmem>>
      %dma_start3A_272 = tpu.memref_squeeze %dma_start3A_271 : memref<1x128xi32, #tpu.memory_space<vmem>> -> memref<128xi32, #tpu.memory_space<vmem>>
      %dma_start3A_273 = arith.constant 0 : i32
      %dma_start3A_274 = arith.constant 0 : i32
      %dma_start3A_275 = tpu.memref_slice %arg5[%dma_start3A_273, %dma_start3A_274] : memref<210000x128xf32, #tpu.memory_space<hbm>> -> memref<210000x128xf32, #tpu.memory_space<hbm>>
      tpu.enqueue_indirect_dma source(%dma_start3A_275 : memref<210000x128xf32, #tpu.memory_space<hbm>>) target(%arg12 : memref<128x128xf32, #tpu.memory_space<vmem>>) offsets(%dma_start3A_272 : memref<128xi32, #tpu.memory_space<vmem>>) semaphore(%arg17 : memref<!tpu.dma_semaphore, #tpu.memory_space<semaphore_mem>>)
      %dma_start3A_276 = arith.constant 6 : i32
      %dma_start3A_277 = arith.constant 0 : i32
      %dma_start3A_278 = tpu.memref_slice %arg10[%dma_start3A_276, %dma_start3A_277] : memref<8x128xi32, #tpu.memory_space<vmem>> -> memref<1x128xi32, #tpu.memory_space<vmem>>
      %dma_start3A_279 = tpu.memref_squeeze %dma_start3A_278 : memref<1x128xi32, #tpu.memory_space<vmem>> -> memref<128xi32, #tpu.memory_space<vmem>>
      %dma_start3A_280 = arith.constant 0 : i32
      %dma_start3A_281 = tpu.memref_slice %arg6[%dma_start3A_280] : memref<204800xf32, #tpu.memory_space<hbm>> -> memref<204800xf32, #tpu.memory_space<hbm>>
      tpu.enqueue_indirect_dma source(%dma_start3A_281 : memref<204800xf32, #tpu.memory_space<hbm>>) target(%arg14 : memref<128xf32, #tpu.memory_space<vmem>>) offsets(%dma_start3A_279 : memref<128xi32, #tpu.memory_space<vmem>>) semaphore(%arg19 : memref<!tpu.dma_semaphore, #tpu.memory_space<semaphore_mem>>)
      %dma_wait3A_282 = arith.constant 5 : i32
      %dma_wait3A_283 = arith.constant 0 : i32
      %dma_wait3A_284 = tpu.memref_slice %arg9[%dma_wait3A_282, %dma_wait3A_283] : memref<8x128xi32, #tpu.memory_space<vmem>> -> memref<1x128xi32, #tpu.memory_space<vmem>>
      %dma_wait3A_285 = tpu.memref_squeeze %dma_wait3A_284 : memref<1x128xi32, #tpu.memory_space<vmem>> -> memref<128xi32, #tpu.memory_space<vmem>>
      %dma_wait3A_286 = arith.constant 0 : i32
      %dma_wait3A_287 = arith.constant 0 : i32
      %dma_wait3A_288 = tpu.memref_slice %arg5[%dma_wait3A_286, %dma_wait3A_287] : memref<210000x128xf32, #tpu.memory_space<hbm>> -> memref<210000x128xf32, #tpu.memory_space<hbm>>
      tpu.wait_indirect_dma semaphore(%arg18 : memref<!tpu.dma_semaphore, #tpu.memory_space<semaphore_mem>>) src(%dma_wait3A_288 : memref<210000x128xf32, #tpu.memory_space<hbm>>) dst(%arg13 : memref<128x128xf32, #tpu.memory_space<vmem>>)
      %dma_wait3A_289 = arith.constant 5 : i32
      %dma_wait3A_290 = arith.constant 0 : i32
      %dma_wait3A_291 = tpu.memref_slice %arg10[%dma_wait3A_289, %dma_wait3A_290] : memref<8x128xi32, #tpu.memory_space<vmem>> -> memref<1x128xi32, #tpu.memory_space<vmem>>
      %dma_wait3A_292 = tpu.memref_squeeze %dma_wait3A_291 : memref<1x128xi32, #tpu.memory_space<vmem>> -> memref<128xi32, #tpu.memory_space<vmem>>
      %dma_wait3A_293 = arith.constant 0 : i32
      %dma_wait3A_294 = tpu.memref_slice %arg6[%dma_wait3A_293] : memref<204800xf32, #tpu.memory_space<hbm>> -> memref<204800xf32, #tpu.memory_space<hbm>>
      tpu.wait_indirect_dma semaphore(%arg20 : memref<!tpu.dma_semaphore, #tpu.memory_space<semaphore_mem>>) src(%dma_wait3A_294 : memref<204800xf32, #tpu.memory_space<hbm>>) dst(%arg15 : memref<128xf32, #tpu.memory_space<vmem>>)
      %scan3A_295 = arith.constant 0 : i32
      %scan3A_296 = arith.constant 0 : i32
      %scan3A_297 = arith.constant 32 : i32
      %scan3A_298 = arith.addi %scan3A_296, %scan3A_297 : i32
      %scan3A_299 = arith.constant 1 : i32
      %scan3A_300 = scf.for %scan3A_398 = %scan3A_296 to %scan3A_298 step %scan3A_299 iter_args(%scan3A_399 = %scan3A_295) -> (i32)  : i32 {
        %mul3A_400 = arith.constant 4 : i32
        %mul3A_401 = arith.muli %scan3A_398, %mul3A_400 : i32
        %add3A = arith.constant 0 : i32
        %add3A_402 = arith.addi %mul3A_401, %add3A : i32
        %broadcast_in_dim3A = vector.broadcast %add3A_402 : i32 to vector<16xi32>
        %gather3A = tpu.vector_load_idx %arg15[%broadcast_in_dim3A] : memref<128xf32, #tpu.memory_space<vmem>>[vector<16xi32>], vector<16xf32>,
        %get3A = arith.index_cast %add3A_402 : i32 to index
        %get3A_403 = arith.constant 0 : index
        %get3A_404 = tpu.vector_load %arg13[%get3A, %get3A_403] {strides = array<i32>} : memref<128x128xf32, #tpu.memory_space<vmem>>, vector<16xf32>,
        %mul3A_405 = arith.mulf %get3A_404, %gather3A : vector<16xf32>
        %swap3A = arith.index_cast %add3A_402 : i32 to index
        %swap3A_406 = arith.constant 0 : index
        %swap3A_407 = tpu.vector_load %arg13[%swap3A, %swap3A_406] {strides = array<i32>} : memref<128x128xf32, #tpu.memory_space<vmem>>, vector<16xf32>,
        tpu.vector_store %arg13[%swap3A, %swap3A_406], %mul3A_405 {strides = array<i32>} : memref<128x128xf32, #tpu.memory_space<vmem>>, vector<16xf32>,
        %get3A_408 = arith.index_cast %add3A_402 : i32 to index
        %get3A_409 = arith.constant 16 : index
        %get3A_410 = tpu.vector_load %arg13[%get3A_408, %get3A_409] {strides = array<i32>} : memref<128x128xf32, #tpu.memory_space<vmem>>, vector<16xf32>,
        %mul3A_411 = arith.mulf %get3A_410, %gather3A : vector<16xf32>
        %swap3A_412 = arith.index_cast %add3A_402 : i32 to index
        %swap3A_413 = arith.constant 16 : index
        %swap3A_414 = tpu.vector_load %arg13[%swap3A_412, %swap3A_413] {strides = array<i32>} : memref<128x128xf32, #tpu.memory_space<vmem>>, vector<16xf32>,
        tpu.vector_store %arg13[%swap3A_412, %swap3A_413], %mul3A_411 {strides = array<i32>} : memref<128x128xf32, #tpu.memory_space<vmem>>, vector<16xf32>,
        %get3A_415 = arith.index_cast %add3A_402 : i32 to index
        %get3A_416 = arith.constant 32 : index
        %get3A_417 = tpu.vector_load %arg13[%get3A_415, %get3A_416] {strides = array<i32>} : memref<128x128xf32, #tpu.memory_space<vmem>>, vector<16xf32>,
        %mul3A_418 = arith.mulf %get3A_417, %gather3A : vector<16xf32>
        %swap3A_419 = arith.index_cast %add3A_402 : i32 to index
        %swap3A_420 = arith.constant 32 : index
        %swap3A_421 = tpu.vector_load %arg13[%swap3A_419, %swap3A_420] {strides = array<i32>} : memref<128x128xf32, #tpu.memory_space<vmem>>, vector<16xf32>,
        tpu.vector_store %arg13[%swap3A_419, %swap3A_420], %mul3A_418 {strides = array<i32>} : memref<128x128xf32, #tpu.memory_space<vmem>>, vector<16xf32>,
        %get3A_422 = arith.index_cast %add3A_402 : i32 to index
        %get3A_423 = arith.constant 48 : index
        %get3A_424 = tpu.vector_load %arg13[%get3A_422, %get3A_423] {strides = array<i32>} : memref<128x128xf32, #tpu.memory_space<vmem>>, vector<16xf32>,
        %mul3A_425 = arith.mulf %get3A_424, %gather3A : vector<16xf32>
        %swap3A_426 = arith.index_cast %add3A_402 : i32 to index
        %swap3A_427 = arith.constant 48 : index
        %swap3A_428 = tpu.vector_load %arg13[%swap3A_426, %swap3A_427] {strides = array<i32>} : memref<128x128xf32, #tpu.memory_space<vmem>>, vector<16xf32>,
        tpu.vector_store %arg13[%swap3A_426, %swap3A_427], %mul3A_425 {strides = array<i32>} : memref<128x128xf32, #tpu.memory_space<vmem>>, vector<16xf32>,
        %get3A_429 = arith.index_cast %add3A_402 : i32 to index
        %get3A_430 = arith.constant 64 : index
        %get3A_431 = tpu.vector_load %arg13[%get3A_429, %get3A_430] {strides = array<i32>} : memref<128x128xf32, #tpu.memory_space<vmem>>, vector<16xf32>,
        %mul3A_432 = arith.mulf %get3A_431, %gather3A : vector<16xf32>
        %swap3A_433 = arith.index_cast %add3A_402 : i32 to index
        %swap3A_434 = arith.constant 64 : index
        %swap3A_435 = tpu.vector_load %arg13[%swap3A_433, %swap3A_434] {strides = array<i32>} : memref<128x128xf32, #tpu.memory_space<vmem>>, vector<16xf32>,
        tpu.vector_store %arg13[%swap3A_433, %swap3A_434], %mul3A_432 {strides = array<i32>} : memref<128x128xf32, #tpu.memory_space<vmem>>, vector<16xf32>,
        %get3A_436 = arith.index_cast %add3A_402 : i32 to index
        %get3A_437 = arith.constant 80 : index
        %get3A_438 = tpu.vector_load %arg13[%get3A_436, %get3A_437] {strides = array<i32>} : memref<128x128xf32, #tpu.memory_space<vmem>>, vector<16xf32>,
        %mul3A_439 = arith.mulf %get3A_438, %gather3A : vector<16xf32>
        %swap3A_440 = arith.index_cast %add3A_402 : i32 to index
        %swap3A_441 = arith.constant 80 : index
        %swap3A_442 = tpu.vector_load %arg13[%swap3A_440, %swap3A_441] {strides = array<i32>} : memref<128x128xf32, #tpu.memory_space<vmem>>, vector<16xf32>,
        tpu.vector_store %arg13[%swap3A_440, %swap3A_441], %mul3A_439 {strides = array<i32>} : memref<128x128xf32, #tpu.memory_space<vmem>>, vector<16xf32>,
        %get3A_443 = arith.index_cast %add3A_402 : i32 to index
        %get3A_444 = arith.constant 96 : index
        %get3A_445 = tpu.vector_load %arg13[%get3A_443, %get3A_444] {strides = array<i32>} : memref<128x128xf32, #tpu.memory_space<vmem>>, vector<16xf32>,
        %mul3A_446 = arith.mulf %get3A_445, %gather3A : vector<16xf32>
        %swap3A_447 = arith.index_cast %add3A_402 : i32 to index
        %swap3A_448 = arith.constant 96 : index
        %swap3A_449 = tpu.vector_load %arg13[%swap3A_447, %swap3A_448] {strides = array<i32>} : memref<128x128xf32, #tpu.memory_space<vmem>>, vector<16xf32>,
        tpu.vector_store %arg13[%swap3A_447, %swap3A_448], %mul3A_446 {strides = array<i32>} : memref<128x128xf32, #tpu.memory_space<vmem>>, vector<16xf32>,
        %get3A_450 = arith.index_cast %add3A_402 : i32 to index
        %get3A_451 = arith.constant 112 : index
        %get3A_452 = tpu.vector_load %arg13[%get3A_450, %get3A_451] {strides = array<i32>} : memref<128x128xf32, #tpu.memory_space<vmem>>, vector<16xf32>,
        %mul3A_453 = arith.mulf %get3A_452, %gather3A : vector<16xf32>
        %swap3A_454 = arith.index_cast %add3A_402 : i32 to index
        %swap3A_455 = arith.constant 112 : index
        %swap3A_456 = tpu.vector_load %arg13[%swap3A_454, %swap3A_455] {strides = array<i32>} : memref<128x128xf32, #tpu.memory_space<vmem>>, vector<16xf32>,
        tpu.vector_store %arg13[%swap3A_454, %swap3A_455], %mul3A_453 {strides = array<i32>} : memref<128x128xf32, #tpu.memory_space<vmem>>, vector<16xf32>,
        %add3A_457 = arith.constant 1 : i32
        %add3A_458 = arith.addi %mul3A_401, %add3A_457 : i32
        %broadcast_in_dim3A_459 = vector.broadcast %add3A_458 : i32 to vector<16xi32>
        %gather3A_460 = tpu.vector_load_idx %arg15[%broadcast_in_dim3A_459] : memref<128xf32, #tpu.memory_space<vmem>>[vector<16xi32>], vector<16xf32>,
        %get3A_461 = arith.index_cast %add3A_458 : i32 to index
        %get3A_462 = arith.constant 0 : index
        %get3A_463 = tpu.vector_load %arg13[%get3A_461, %get3A_462] {strides = array<i32>} : memref<128x128xf32, #tpu.memory_space<vmem>>, vector<16xf32>,
        %mul3A_464 = arith.mulf %get3A_463, %gather3A_460 : vector<16xf32>
        %swap3A_465 = arith.index_cast %add3A_458 : i32 to index
        %swap3A_466 = arith.constant 0 : index
        %swap3A_467 = tpu.vector_load %arg13[%swap3A_465, %swap3A_466] {strides = array<i32>} : memref<128x128xf32, #tpu.memory_space<vmem>>, vector<16xf32>,
        tpu.vector_store %arg13[%swap3A_465, %swap3A_466], %mul3A_464 {strides = array<i32>} : memref<128x128xf32, #tpu.memory_space<vmem>>, vector<16xf32>,
        %get3A_468 = arith.index_cast %add3A_458 : i32 to index
        %get3A_469 = arith.constant 16 : index
        %get3A_470 = tpu.vector_load %arg13[%get3A_468, %get3A_469] {strides = array<i32>} : memref<128x128xf32, #tpu.memory_space<vmem>>, vector<16xf32>,
        %mul3A_471 = arith.mulf %get3A_470, %gather3A_460 : vector<16xf32>
        %swap3A_472 = arith.index_cast %add3A_458 : i32 to index
        %swap3A_473 = arith.constant 16 : index
        %swap3A_474 = tpu.vector_load %arg13[%swap3A_472, %swap3A_473] {strides = array<i32>} : memref<128x128xf32, #tpu.memory_space<vmem>>, vector<16xf32>,
        tpu.vector_store %arg13[%swap3A_472, %swap3A_473], %mul3A_471 {strides = array<i32>} : memref<128x128xf32, #tpu.memory_space<vmem>>, vector<16xf32>,
        %get3A_475 = arith.index_cast %add3A_458 : i32 to index
        %get3A_476 = arith.constant 32 : index
        %get3A_477 = tpu.vector_load %arg13[%get3A_475, %get3A_476] {strides = array<i32>} : memref<128x128xf32, #tpu.memory_space<vmem>>, vector<16xf32>,
        %mul3A_478 = arith.mulf %get3A_477, %gather3A_460 : vector<16xf32>
        %swap3A_479 = arith.index_cast %add3A_458 : i32 to index
        %swap3A_480 = arith.constant 32 : index
        %swap3A_481 = tpu.vector_load %arg13[%swap3A_479, %swap3A_480] {strides = array<i32>} : memref<128x128xf32, #tpu.memory_space<vmem>>, vector<16xf32>,
        tpu.vector_store %arg13[%swap3A_479, %swap3A_480], %mul3A_478 {strides = array<i32>} : memref<128x128xf32, #tpu.memory_space<vmem>>, vector<16xf32>,
        %get3A_482 = arith.index_cast %add3A_458 : i32 to index
        %get3A_483 = arith.constant 48 : index
        %get3A_484 = tpu.vector_load %arg13[%get3A_482, %get3A_483] {strides = array<i32>} : memref<128x128xf32, #tpu.memory_space<vmem>>, vector<16xf32>,
        %mul3A_485 = arith.mulf %get3A_484, %gather3A_460 : vector<16xf32>
        %swap3A_486 = arith.index_cast %add3A_458 : i32 to index
        %swap3A_487 = arith.constant 48 : index
        %swap3A_488 = tpu.vector_load %arg13[%swap3A_486, %swap3A_487] {strides = array<i32>} : memref<128x128xf32, #tpu.memory_space<vmem>>, vector<16xf32>,
        tpu.vector_store %arg13[%swap3A_486, %swap3A_487], %mul3A_485 {strides = array<i32>} : memref<128x128xf32, #tpu.memory_space<vmem>>, vector<16xf32>,
        %get3A_489 = arith.index_cast %add3A_458 : i32 to index
        %get3A_490 = arith.constant 64 : index
        %get3A_491 = tpu.vector_load %arg13[%get3A_489, %get3A_490] {strides = array<i32>} : memref<128x128xf32, #tpu.memory_space<vmem>>, vector<16xf32>,
        %mul3A_492 = arith.mulf %get3A_491, %gather3A_460 : vector<16xf32>
        %swap3A_493 = arith.index_cast %add3A_458 : i32 to index
        %swap3A_494 = arith.constant 64 : index
        %swap3A_495 = tpu.vector_load %arg13[%swap3A_493, %swap3A_494] {strides = array<i32>} : memref<128x128xf32, #tpu.memory_space<vmem>>, vector<16xf32>,
        tpu.vector_store %arg13[%swap3A_493, %swap3A_494], %mul3A_492 {strides = array<i32>} : memref<128x128xf32, #tpu.memory_space<vmem>>, vector<16xf32>,
        %get3A_496 = arith.index_cast %add3A_458 : i32 to index
        %get3A_497 = arith.constant 80 : index
        %get3A_498 = tpu.vector_load %arg13[%get3A_496, %get3A_497] {strides = array<i32>} : memref<128x128xf32, #tpu.memory_space<vmem>>, vector<16xf32>,
        %mul3A_499 = arith.mulf %get3A_498, %gather3A_460 : vector<16xf32>
        %swap3A_500 = arith.index_cast %add3A_458 : i32 to index
        %swap3A_501 = arith.constant 80 : index
        %swap3A_502 = tpu.vector_load %arg13[%swap3A_500, %swap3A_501] {strides = array<i32>} : memref<128x128xf32, #tpu.memory_space<vmem>>, vector<16xf32>,
        tpu.vector_store %arg13[%swap3A_500, %swap3A_501], %mul3A_499 {strides = array<i32>} : memref<128x128xf32, #tpu.memory_space<vmem>>, vector<16xf32>,
        %get3A_503 = arith.index_cast %add3A_458 : i32 to index
        %get3A_504 = arith.constant 96 : index
        %get3A_505 = tpu.vector_load %arg13[%get3A_503, %get3A_504] {strides = array<i32>} : memref<128x128xf32, #tpu.memory_space<vmem>>, vector<16xf32>,
        %mul3A_506 = arith.mulf %get3A_505, %gather3A_460 : vector<16xf32>
        %swap3A_507 = arith.index_cast %add3A_458 : i32 to index
        %swap3A_508 = arith.constant 96 : index
        %swap3A_509 = tpu.vector_load %arg13[%swap3A_507, %swap3A_508] {strides = array<i32>} : memref<128x128xf32, #tpu.memory_space<vmem>>, vector<16xf32>,
        tpu.vector_store %arg13[%swap3A_507, %swap3A_508], %mul3A_506 {strides = array<i32>} : memref<128x128xf32, #tpu.memory_space<vmem>>, vector<16xf32>,
        %get3A_510 = arith.index_cast %add3A_458 : i32 to index
        %get3A_511 = arith.constant 112 : index
        %get3A_512 = tpu.vector_load %arg13[%get3A_510, %get3A_511] {strides = array<i32>} : memref<128x128xf32, #tpu.memory_space<vmem>>, vector<16xf32>,
        %mul3A_513 = arith.mulf %get3A_512, %gather3A_460 : vector<16xf32>
        %swap3A_514 = arith.index_cast %add3A_458 : i32 to index
        %swap3A_515 = arith.constant 112 : index
        %swap3A_516 = tpu.vector_load %arg13[%swap3A_514, %swap3A_515] {strides = array<i32>} : memref<128x128xf32, #tpu.memory_space<vmem>>, vector<16xf32>,
        tpu.vector_store %arg13[%swap3A_514, %swap3A_515], %mul3A_513 {strides = array<i32>} : memref<128x128xf32, #tpu.memory_space<vmem>>, vector<16xf32>,
        %add3A_517 = arith.constant 2 : i32
        %add3A_518 = arith.addi %mul3A_401, %add3A_517 : i32
        %broadcast_in_dim3A_519 = vector.broadcast %add3A_518 : i32 to vector<16xi32>
        %gather3A_520 = tpu.vector_load_idx %arg15[%broadcast_in_dim3A_519] : memref<128xf32, #tpu.memory_space<vmem>>[vector<16xi32>], vector<16xf32>,
        %get3A_521 = arith.index_cast %add3A_518 : i32 to index
        %get3A_522 = arith.constant 0 : index
        %get3A_523 = tpu.vector_load %arg13[%get3A_521, %get3A_522] {strides = array<i32>} : memref<128x128xf32, #tpu.memory_space<vmem>>, vector<16xf32>,
        %mul3A_524 = arith.mulf %get3A_523, %gather3A_520 : vector<16xf32>
        %swap3A_525 = arith.index_cast %add3A_518 : i32 to index
        %swap3A_526 = arith.constant 0 : index
        %swap3A_527 = tpu.vector_load %arg13[%swap3A_525, %swap3A_526] {strides = array<i32>} : memref<128x128xf32, #tpu.memory_space<vmem>>, vector<16xf32>,
        tpu.vector_store %arg13[%swap3A_525, %swap3A_526], %mul3A_524 {strides = array<i32>} : memref<128x128xf32, #tpu.memory_space<vmem>>, vector<16xf32>,
        %get3A_528 = arith.index_cast %add3A_518 : i32 to index
        %get3A_529 = arith.constant 16 : index
        %get3A_530 = tpu.vector_load %arg13[%get3A_528, %get3A_529] {strides = array<i32>} : memref<128x128xf32, #tpu.memory_space<vmem>>, vector<16xf32>,
        %mul3A_531 = arith.mulf %get3A_530, %gather3A_520 : vector<16xf32>
        %swap3A_532 = arith.index_cast %add3A_518 : i32 to index
        %swap3A_533 = arith.constant 16 : index
        %swap3A_534 = tpu.vector_load %arg13[%swap3A_532, %swap3A_533] {strides = array<i32>} : memref<128x128xf32, #tpu.memory_space<vmem>>, vector<16xf32>,
        tpu.vector_store %arg13[%swap3A_532, %swap3A_533], %mul3A_531 {strides = array<i32>} : memref<128x128xf32, #tpu.memory_space<vmem>>, vector<16xf32>,
        %get3A_535 = arith.index_cast %add3A_518 : i32 to index
        %get3A_536 = arith.constant 32 : index
        %get3A_537 = tpu.vector_load %arg13[%get3A_535, %get3A_536] {strides = array<i32>} : memref<128x128xf32, #tpu.memory_space<vmem>>, vector<16xf32>,
        %mul3A_538 = arith.mulf %get3A_537, %gather3A_520 : vector<16xf32>
        %swap3A_539 = arith.index_cast %add3A_518 : i32 to index
        %swap3A_540 = arith.constant 32 : index
        %swap3A_541 = tpu.vector_load %arg13[%swap3A_539, %swap3A_540] {strides = array<i32>} : memref<128x128xf32, #tpu.memory_space<vmem>>, vector<16xf32>,
        tpu.vector_store %arg13[%swap3A_539, %swap3A_540], %mul3A_538 {strides = array<i32>} : memref<128x128xf32, #tpu.memory_space<vmem>>, vector<16xf32>,
        %get3A_542 = arith.index_cast %add3A_518 : i32 to index
        %get3A_543 = arith.constant 48 : index
        %get3A_544 = tpu.vector_load %arg13[%get3A_542, %get3A_543] {strides = array<i32>} : memref<128x128xf32, #tpu.memory_space<vmem>>, vector<16xf32>,
        %mul3A_545 = arith.mulf %get3A_544, %gather3A_520 : vector<16xf32>
        %swap3A_546 = arith.index_cast %add3A_518 : i32 to index
        %swap3A_547 = arith.constant 48 : index
        %swap3A_548 = tpu.vector_load %arg13[%swap3A_546, %swap3A_547] {strides = array<i32>} : memref<128x128xf32, #tpu.memory_space<vmem>>, vector<16xf32>,
        tpu.vector_store %arg13[%swap3A_546, %swap3A_547], %mul3A_545 {strides = array<i32>} : memref<128x128xf32, #tpu.memory_space<vmem>>, vector<16xf32>,
        %get3A_549 = arith.index_cast %add3A_518 : i32 to index
        %get3A_550 = arith.constant 64 : index
        %get3A_551 = tpu.vector_load %arg13[%get3A_549, %get3A_550] {strides = array<i32>} : memref<128x128xf32, #tpu.memory_space<vmem>>, vector<16xf32>,
        %mul3A_552 = arith.mulf %get3A_551, %gather3A_520 : vector<16xf32>
        %swap3A_553 = arith.index_cast %add3A_518 : i32 to index
        %swap3A_554 = arith.constant 64 : index
        %swap3A_555 = tpu.vector_load %arg13[%swap3A_553, %swap3A_554] {strides = array<i32>} : memref<128x128xf32, #tpu.memory_space<vmem>>, vector<16xf32>,
        tpu.vector_store %arg13[%swap3A_553, %swap3A_554], %mul3A_552 {strides = array<i32>} : memref<128x128xf32, #tpu.memory_space<vmem>>, vector<16xf32>,
        %get3A_556 = arith.index_cast %add3A_518 : i32 to index
        %get3A_557 = arith.constant 80 : index
        %get3A_558 = tpu.vector_load %arg13[%get3A_556, %get3A_557] {strides = array<i32>} : memref<128x128xf32, #tpu.memory_space<vmem>>, vector<16xf32>,
        %mul3A_559 = arith.mulf %get3A_558, %gather3A_520 : vector<16xf32>
        %swap3A_560 = arith.index_cast %add3A_518 : i32 to index
        %swap3A_561 = arith.constant 80 : index
        %swap3A_562 = tpu.vector_load %arg13[%swap3A_560, %swap3A_561] {strides = array<i32>} : memref<128x128xf32, #tpu.memory_space<vmem>>, vector<16xf32>,
        tpu.vector_store %arg13[%swap3A_560, %swap3A_561], %mul3A_559 {strides = array<i32>} : memref<128x128xf32, #tpu.memory_space<vmem>>, vector<16xf32>,
        %get3A_563 = arith.index_cast %add3A_518 : i32 to index
        %get3A_564 = arith.constant 96 : index
        %get3A_565 = tpu.vector_load %arg13[%get3A_563, %get3A_564] {strides = array<i32>} : memref<128x128xf32, #tpu.memory_space<vmem>>, vector<16xf32>,
        %mul3A_566 = arith.mulf %get3A_565, %gather3A_520 : vector<16xf32>
        %swap3A_567 = arith.index_cast %add3A_518 : i32 to index
        %swap3A_568 = arith.constant 96 : index
        %swap3A_569 = tpu.vector_load %arg13[%swap3A_567, %swap3A_568] {strides = array<i32>} : memref<128x128xf32, #tpu.memory_space<vmem>>, vector<16xf32>,
        tpu.vector_store %arg13[%swap3A_567, %swap3A_568], %mul3A_566 {strides = array<i32>} : memref<128x128xf32, #tpu.memory_space<vmem>>, vector<16xf32>,
        %get3A_570 = arith.index_cast %add3A_518 : i32 to index
        %get3A_571 = arith.constant 112 : index
        %get3A_572 = tpu.vector_load %arg13[%get3A_570, %get3A_571] {strides = array<i32>} : memref<128x128xf32, #tpu.memory_space<vmem>>, vector<16xf32>,
        %mul3A_573 = arith.mulf %get3A_572, %gather3A_520 : vector<16xf32>
        %swap3A_574 = arith.index_cast %add3A_518 : i32 to index
        %swap3A_575 = arith.constant 112 : index
        %swap3A_576 = tpu.vector_load %arg13[%swap3A_574, %swap3A_575] {strides = array<i32>} : memref<128x128xf32, #tpu.memory_space<vmem>>, vector<16xf32>,
        tpu.vector_store %arg13[%swap3A_574, %swap3A_575], %mul3A_573 {strides = array<i32>} : memref<128x128xf32, #tpu.memory_space<vmem>>, vector<16xf32>,
        %add3A_577 = arith.constant 3 : i32
        %add3A_578 = arith.addi %mul3A_401, %add3A_577 : i32
        %broadcast_in_dim3A_579 = vector.broadcast %add3A_578 : i32 to vector<16xi32>
        %gather3A_580 = tpu.vector_load_idx %arg15[%broadcast_in_dim3A_579] : memref<128xf32, #tpu.memory_space<vmem>>[vector<16xi32>], vector<16xf32>,
        %get3A_581 = arith.index_cast %add3A_578 : i32 to index
        %get3A_582 = arith.constant 0 : index
        %get3A_583 = tpu.vector_load %arg13[%get3A_581, %get3A_582] {strides = array<i32>} : memref<128x128xf32, #tpu.memory_space<vmem>>, vector<16xf32>,
        %mul3A_584 = arith.mulf %get3A_583, %gather3A_580 : vector<16xf32>
        %swap3A_585 = arith.index_cast %add3A_578 : i32 to index
        %swap3A_586 = arith.constant 0 : index
        %swap3A_587 = tpu.vector_load %arg13[%swap3A_585, %swap3A_586] {strides = array<i32>} : memref<128x128xf32, #tpu.memory_space<vmem>>, vector<16xf32>,
        tpu.vector_store %arg13[%swap3A_585, %swap3A_586], %mul3A_584 {strides = array<i32>} : memref<128x128xf32, #tpu.memory_space<vmem>>, vector<16xf32>,
        %get3A_588 = arith.index_cast %add3A_578 : i32 to index
        %get3A_589 = arith.constant 16 : index
        %get3A_590 = tpu.vector_load %arg13[%get3A_588, %get3A_589] {strides = array<i32>} : memref<128x128xf32, #tpu.memory_space<vmem>>, vector<16xf32>,
        %mul3A_591 = arith.mulf %get3A_590, %gather3A_580 : vector<16xf32>
        %swap3A_592 = arith.index_cast %add3A_578 : i32 to index
        %swap3A_593 = arith.constant 16 : index
        %swap3A_594 = tpu.vector_load %arg13[%swap3A_592, %swap3A_593] {strides = array<i32>} : memref<128x128xf32, #tpu.memory_space<vmem>>, vector<16xf32>,
        tpu.vector_store %arg13[%swap3A_592, %swap3A_593], %mul3A_591 {strides = array<i32>} : memref<128x128xf32, #tpu.memory_space<vmem>>, vector<16xf32>,
        %get3A_595 = arith.index_cast %add3A_578 : i32 to index
        %get3A_596 = arith.constant 32 : index
        %get3A_597 = tpu.vector_load %arg13[%get3A_595, %get3A_596] {strides = array<i32>} : memref<128x128xf32, #tpu.memory_space<vmem>>, vector<16xf32>,
        %mul3A_598 = arith.mulf %get3A_597, %gather3A_580 : vector<16xf32>
        %swap3A_599 = arith.index_cast %add3A_578 : i32 to index
        %swap3A_600 = arith.constant 32 : index
        %swap3A_601 = tpu.vector_load %arg13[%swap3A_599, %swap3A_600] {strides = array<i32>} : memref<128x128xf32, #tpu.memory_space<vmem>>, vector<16xf32>,
        tpu.vector_store %arg13[%swap3A_599, %swap3A_600], %mul3A_598 {strides = array<i32>} : memref<128x128xf32, #tpu.memory_space<vmem>>, vector<16xf32>,
        %get3A_602 = arith.index_cast %add3A_578 : i32 to index
        %get3A_603 = arith.constant 48 : index
        %get3A_604 = tpu.vector_load %arg13[%get3A_602, %get3A_603] {strides = array<i32>} : memref<128x128xf32, #tpu.memory_space<vmem>>, vector<16xf32>,
        %mul3A_605 = arith.mulf %get3A_604, %gather3A_580 : vector<16xf32>
        %swap3A_606 = arith.index_cast %add3A_578 : i32 to index
        %swap3A_607 = arith.constant 48 : index
        %swap3A_608 = tpu.vector_load %arg13[%swap3A_606, %swap3A_607] {strides = array<i32>} : memref<128x128xf32, #tpu.memory_space<vmem>>, vector<16xf32>,
        tpu.vector_store %arg13[%swap3A_606, %swap3A_607], %mul3A_605 {strides = array<i32>} : memref<128x128xf32, #tpu.memory_space<vmem>>, vector<16xf32>,
        %get3A_609 = arith.index_cast %add3A_578 : i32 to index
        %get3A_610 = arith.constant 64 : index
        %get3A_611 = tpu.vector_load %arg13[%get3A_609, %get3A_610] {strides = array<i32>} : memref<128x128xf32, #tpu.memory_space<vmem>>, vector<16xf32>,
        %mul3A_612 = arith.mulf %get3A_611, %gather3A_580 : vector<16xf32>
        %swap3A_613 = arith.index_cast %add3A_578 : i32 to index
        %swap3A_614 = arith.constant 64 : index
        %swap3A_615 = tpu.vector_load %arg13[%swap3A_613, %swap3A_614] {strides = array<i32>} : memref<128x128xf32, #tpu.memory_space<vmem>>, vector<16xf32>,
        tpu.vector_store %arg13[%swap3A_613, %swap3A_614], %mul3A_612 {strides = array<i32>} : memref<128x128xf32, #tpu.memory_space<vmem>>, vector<16xf32>,
        %get3A_616 = arith.index_cast %add3A_578 : i32 to index
        %get3A_617 = arith.constant 80 : index
        %get3A_618 = tpu.vector_load %arg13[%get3A_616, %get3A_617] {strides = array<i32>} : memref<128x128xf32, #tpu.memory_space<vmem>>, vector<16xf32>,
        %mul3A_619 = arith.mulf %get3A_618, %gather3A_580 : vector<16xf32>
        %swap3A_620 = arith.index_cast %add3A_578 : i32 to index
        %swap3A_621 = arith.constant 80 : index
        %swap3A_622 = tpu.vector_load %arg13[%swap3A_620, %swap3A_621] {strides = array<i32>} : memref<128x128xf32, #tpu.memory_space<vmem>>, vector<16xf32>,
        tpu.vector_store %arg13[%swap3A_620, %swap3A_621], %mul3A_619 {strides = array<i32>} : memref<128x128xf32, #tpu.memory_space<vmem>>, vector<16xf32>,
        %get3A_623 = arith.index_cast %add3A_578 : i32 to index
        %get3A_624 = arith.constant 96 : index
        %get3A_625 = tpu.vector_load %arg13[%get3A_623, %get3A_624] {strides = array<i32>} : memref<128x128xf32, #tpu.memory_space<vmem>>, vector<16xf32>,
        %mul3A_626 = arith.mulf %get3A_625, %gather3A_580 : vector<16xf32>
        %swap3A_627 = arith.index_cast %add3A_578 : i32 to index
        %swap3A_628 = arith.constant 96 : index
        %swap3A_629 = tpu.vector_load %arg13[%swap3A_627, %swap3A_628] {strides = array<i32>} : memref<128x128xf32, #tpu.memory_space<vmem>>, vector<16xf32>,
        tpu.vector_store %arg13[%swap3A_627, %swap3A_628], %mul3A_626 {strides = array<i32>} : memref<128x128xf32, #tpu.memory_space<vmem>>, vector<16xf32>,
        %get3A_630 = arith.index_cast %add3A_578 : i32 to index
        %get3A_631 = arith.constant 112 : index
        %get3A_632 = tpu.vector_load %arg13[%get3A_630, %get3A_631] {strides = array<i32>} : memref<128x128xf32, #tpu.memory_space<vmem>>, vector<16xf32>,
        %mul3A_633 = arith.mulf %get3A_632, %gather3A_580 : vector<16xf32>
        %swap3A_634 = arith.index_cast %add3A_578 : i32 to index
        %swap3A_635 = arith.constant 112 : index
        %swap3A_636 = tpu.vector_load %arg13[%swap3A_634, %swap3A_635] {strides = array<i32>} : memref<128x128xf32, #tpu.memory_space<vmem>>, vector<16xf32>,
        tpu.vector_store %arg13[%swap3A_634, %swap3A_635], %mul3A_633 {strides = array<i32>} : memref<128x128xf32, #tpu.memory_space<vmem>>, vector<16xf32>,
        %scan3A_637 = arith.constant 0 : i32
        scf.yield %scan3A_637 : i32
      }
      %scan3A_301 = arith.constant 32 : i32
      %dma_start3A_302 = arith.constant 5 : i32
      %dma_start3A_303 = arith.constant 0 : i32
      %dma_start3A_304 = tpu.memref_slice %arg11[%dma_start3A_302, %dma_start3A_303] : memref<8x128xi32, #tpu.memory_space<vmem>> -> memref<1x128xi32, #tpu.memory_space<vmem>>
      %dma_start3A_305 = tpu.memref_squeeze %dma_start3A_304 : memref<1x128xi32, #tpu.memory_space<vmem>> -> memref<128xi32, #tpu.memory_space<vmem>>
      %dma_start3A_306 = arith.constant 0 : i32
      %dma_start3A_307 = arith.constant 0 : i32
      %dma_start3A_308 = tpu.memref_slice %arg16[%dma_start3A_306, %dma_start3A_307] : memref<10240x128xf32, #tpu.memory_space<vmem_shared>> -> memref<10240x128xf32, #tpu.memory_space<vmem_shared>>
      tpu.enqueue_indirect_dma source(%arg13 : memref<128x128xf32, #tpu.memory_space<vmem>>) target(%dma_start3A_308 : memref<10240x128xf32, #tpu.memory_space<vmem_shared>>) offsets(%dma_start3A_305 : memref<128xi32, #tpu.memory_space<vmem>>) semaphore(%arg22 : memref<!tpu.dma_semaphore, #tpu.memory_space<semaphore_mem>>) {add = true}
      %dma_wait3A_309 = arith.constant 5 : i32
      %dma_wait3A_310 = arith.constant 0 : i32
      %dma_wait3A_311 = tpu.memref_slice %arg11[%dma_wait3A_309, %dma_wait3A_310] : memref<8x128xi32, #tpu.memory_space<vmem>> -> memref<1x128xi32, #tpu.memory_space<vmem>>
      %dma_wait3A_312 = tpu.memref_squeeze %dma_wait3A_311 : memref<1x128xi32, #tpu.memory_space<vmem>> -> memref<128xi32, #tpu.memory_space<vmem>>
      %dma_wait3A_313 = arith.constant 0 : i32
      %dma_wait3A_314 = arith.constant 0 : i32
      %dma_wait3A_315 = tpu.memref_slice %arg16[%dma_wait3A_313, %dma_wait3A_314] : memref<10240x128xf32, #tpu.memory_space<vmem_shared>> -> memref<10240x128xf32, #tpu.memory_space<vmem_shared>>
      tpu.wait_indirect_dma semaphore(%arg22 : memref<!tpu.dma_semaphore, #tpu.memory_space<semaphore_mem>>) src(%arg13 : memref<128x128xf32, #tpu.memory_space<vmem>>) dst(%dma_wait3A_315 : memref<10240x128xf32, #tpu.memory_space<vmem_shared>>)
      %dma_start3A_316 = arith.constant 7 : i32
      %dma_start3A_317 = arith.constant 0 : i32
      %dma_start3A_318 = tpu.memref_slice %arg9[%dma_start3A_316, %dma_start3A_317] : memref<8x128xi32, #tpu.memory_space<vmem>> -> memref<1x128xi32, #tpu.memory_space<vmem>>
      %dma_start3A_319 = tpu.memref_squeeze %dma_start3A_318 : memref<1x128xi32, #tpu.memory_space<vmem>> -> memref<128xi32, #tpu.memory_space<vmem>>
      %dma_start3A_320 = arith.constant 0 : i32
      %dma_start3A_321 = arith.constant 0 : i32
      %dma_start3A_322 = tpu.memref_slice %arg5[%dma_start3A_320, %dma_start3A_321] : memref<210000x128xf32, #tpu.memory_space<hbm>> -> memref<210000x128xf32, #tpu.memory_space<hbm>>
      tpu.enqueue_indirect_dma source(%dma_start3A_322 : memref<210000x128xf32, #tpu.memory_space<hbm>>) target(%arg13 : memref<128x128xf32, #tpu.memory_space<vmem>>) offsets(%dma_start3A_319 : memref<128xi32, #tpu.memory_space<vmem>>) semaphore(%arg18 : memref<!tpu.dma_semaphore, #tpu.memory_space<semaphore_mem>>)
      %dma_start3A_323 = arith.constant 7 : i32
      %dma_start3A_324 = arith.constant 0 : i32
      %dma_start3A_325 = tpu.memref_slice %arg10[%dma_start3A_323, %dma_start3A_324] : memref<8x128xi32, #tpu.memory_space<vmem>> -> memref<1x128xi32, #tpu.memory_space<vmem>>
      %dma_start3A_326 = tpu.memref_squeeze %dma_start3A_325 : memref<1x128xi32, #tpu.memory_space<vmem>> -> memref<128xi32, #tpu.memory_space<vmem>>
      %dma_start3A_327 = arith.constant 0 : i32
      %dma_start3A_328 = tpu.memref_slice %arg6[%dma_start3A_327] : memref<204800xf32, #tpu.memory_space<hbm>> -> memref<204800xf32, #tpu.memory_space<hbm>>
      tpu.enqueue_indirect_dma source(%dma_start3A_328 : memref<204800xf32, #tpu.memory_space<hbm>>) target(%arg15 : memref<128xf32, #tpu.memory_space<vmem>>) offsets(%dma_start3A_326 : memref<128xi32, #tpu.memory_space<vmem>>) semaphore(%arg20 : memref<!tpu.dma_semaphore, #tpu.memory_space<semaphore_mem>>)
      %dma_wait3A_329 = arith.constant 6 : i32
      %dma_wait3A_330 = arith.constant 0 : i32
      %dma_wait3A_331 = tpu.memref_slice %arg9[%dma_wait3A_329, %dma_wait3A_330] : memref<8x128xi32, #tpu.memory_space<vmem>> -> memref<1x128xi32, #tpu.memory_space<vmem>>
      %dma_wait3A_332 = tpu.memref_squeeze %dma_wait3A_331 : memref<1x128xi32, #tpu.memory_space<vmem>> -> memref<128xi32, #tpu.memory_space<vmem>>
      %dma_wait3A_333 = arith.constant 0 : i32
      %dma_wait3A_334 = arith.constant 0 : i32
      %dma_wait3A_335 = tpu.memref_slice %arg5[%dma_wait3A_333, %dma_wait3A_334] : memref<210000x128xf32, #tpu.memory_space<hbm>> -> memref<210000x128xf32, #tpu.memory_space<hbm>>
      tpu.wait_indirect_dma semaphore(%arg17 : memref<!tpu.dma_semaphore, #tpu.memory_space<semaphore_mem>>) src(%dma_wait3A_335 : memref<210000x128xf32, #tpu.memory_space<hbm>>) dst(%arg12 : memref<128x128xf32, #tpu.memory_space<vmem>>)
      %dma_wait3A_336 = arith.constant 6 : i32
      %dma_wait3A_337 = arith.constant 0 : i32
      %dma_wait3A_338 = tpu.memref_slice %arg10[%dma_wait3A_336, %dma_wait3A_337] : memref<8x128xi32, #tpu.memory_space<vmem>> -> memref<1x128xi32, #tpu.memory_space<vmem>>
      %dma_wait3A_339 = tpu.memref_squeeze %dma_wait3A_338 : memref<1x128xi32, #tpu.memory_space<vmem>> -> memref<128xi32, #tpu.memory_space<vmem>>
      %dma_wait3A_340 = arith.constant 0 : i32
      %dma_wait3A_341 = tpu.memref_slice %arg6[%dma_wait3A_340] : memref<204800xf32, #tpu.memory_space<hbm>> -> memref<204800xf32, #tpu.memory_space<hbm>>
      tpu.wait_indirect_dma semaphore(%arg19 : memref<!tpu.dma_semaphore, #tpu.memory_space<semaphore_mem>>) src(%dma_wait3A_341 : memref<204800xf32, #tpu.memory_space<hbm>>) dst(%arg14 : memref<128xf32, #tpu.memory_space<vmem>>)
      %scan3A_342 = arith.constant 0 : i32
      %scan3A_343 = arith.constant 0 : i32
      %scan3A_344 = arith.constant 32 : i32
      %scan3A_345 = arith.addi %scan3A_343, %scan3A_344 : i32
      %scan3A_346 = arith.constant 1 : i32
      %scan3A_347 = scf.for %scan3A_398 = %scan3A_343 to %scan3A_345 step %scan3A_346 iter_args(%scan3A_399 = %scan3A_342) -> (i32)  : i32 {
        %mul3A_400 = arith.constant 4 : i32
        %mul3A_401 = arith.muli %scan3A_398, %mul3A_400 : i32
        %add3A = arith.constant 0 : i32
        %add3A_402 = arith.addi %mul3A_401, %add3A : i32
        %broadcast_in_dim3A = vector.broadcast %add3A_402 : i32 to vector<16xi32>
        %gather3A = tpu.vector_load_idx %arg14[%broadcast_in_dim3A] : memref<128xf32, #tpu.memory_space<vmem>>[vector<16xi32>], vector<16xf32>,
        %get3A = arith.index_cast %add3A_402 : i32 to index
        %get3A_403 = arith.constant 0 : index
        %get3A_404 = tpu.vector_load %arg12[%get3A, %get3A_403] {strides = array<i32>} : memref<128x128xf32, #tpu.memory_space<vmem>>, vector<16xf32>,
        %mul3A_405 = arith.mulf %get3A_404, %gather3A : vector<16xf32>
        %swap3A = arith.index_cast %add3A_402 : i32 to index
        %swap3A_406 = arith.constant 0 : index
        %swap3A_407 = tpu.vector_load %arg12[%swap3A, %swap3A_406] {strides = array<i32>} : memref<128x128xf32, #tpu.memory_space<vmem>>, vector<16xf32>,
        tpu.vector_store %arg12[%swap3A, %swap3A_406], %mul3A_405 {strides = array<i32>} : memref<128x128xf32, #tpu.memory_space<vmem>>, vector<16xf32>,
        %get3A_408 = arith.index_cast %add3A_402 : i32 to index
        %get3A_409 = arith.constant 16 : index
        %get3A_410 = tpu.vector_load %arg12[%get3A_408, %get3A_409] {strides = array<i32>} : memref<128x128xf32, #tpu.memory_space<vmem>>, vector<16xf32>,
        %mul3A_411 = arith.mulf %get3A_410, %gather3A : vector<16xf32>
        %swap3A_412 = arith.index_cast %add3A_402 : i32 to index
        %swap3A_413 = arith.constant 16 : index
        %swap3A_414 = tpu.vector_load %arg12[%swap3A_412, %swap3A_413] {strides = array<i32>} : memref<128x128xf32, #tpu.memory_space<vmem>>, vector<16xf32>,
        tpu.vector_store %arg12[%swap3A_412, %swap3A_413], %mul3A_411 {strides = array<i32>} : memref<128x128xf32, #tpu.memory_space<vmem>>, vector<16xf32>,
        %get3A_415 = arith.index_cast %add3A_402 : i32 to index
        %get3A_416 = arith.constant 32 : index
        %get3A_417 = tpu.vector_load %arg12[%get3A_415, %get3A_416] {strides = array<i32>} : memref<128x128xf32, #tpu.memory_space<vmem>>, vector<16xf32>,
        %mul3A_418 = arith.mulf %get3A_417, %gather3A : vector<16xf32>
        %swap3A_419 = arith.index_cast %add3A_402 : i32 to index
        %swap3A_420 = arith.constant 32 : index
        %swap3A_421 = tpu.vector_load %arg12[%swap3A_419, %swap3A_420] {strides = array<i32>} : memref<128x128xf32, #tpu.memory_space<vmem>>, vector<16xf32>,
        tpu.vector_store %arg12[%swap3A_419, %swap3A_420], %mul3A_418 {strides = array<i32>} : memref<128x128xf32, #tpu.memory_space<vmem>>, vector<16xf32>,
        %get3A_422 = arith.index_cast %add3A_402 : i32 to index
        %get3A_423 = arith.constant 48 : index
        %get3A_424 = tpu.vector_load %arg12[%get3A_422, %get3A_423] {strides = array<i32>} : memref<128x128xf32, #tpu.memory_space<vmem>>, vector<16xf32>,
        %mul3A_425 = arith.mulf %get3A_424, %gather3A : vector<16xf32>
        %swap3A_426 = arith.index_cast %add3A_402 : i32 to index
        %swap3A_427 = arith.constant 48 : index
        %swap3A_428 = tpu.vector_load %arg12[%swap3A_426, %swap3A_427] {strides = array<i32>} : memref<128x128xf32, #tpu.memory_space<vmem>>, vector<16xf32>,
        tpu.vector_store %arg12[%swap3A_426, %swap3A_427], %mul3A_425 {strides = array<i32>} : memref<128x128xf32, #tpu.memory_space<vmem>>, vector<16xf32>,
        %get3A_429 = arith.index_cast %add3A_402 : i32 to index
        %get3A_430 = arith.constant 64 : index
        %get3A_431 = tpu.vector_load %arg12[%get3A_429, %get3A_430] {strides = array<i32>} : memref<128x128xf32, #tpu.memory_space<vmem>>, vector<16xf32>,
        %mul3A_432 = arith.mulf %get3A_431, %gather3A : vector<16xf32>
        %swap3A_433 = arith.index_cast %add3A_402 : i32 to index
        %swap3A_434 = arith.constant 64 : index
        %swap3A_435 = tpu.vector_load %arg12[%swap3A_433, %swap3A_434] {strides = array<i32>} : memref<128x128xf32, #tpu.memory_space<vmem>>, vector<16xf32>,
        tpu.vector_store %arg12[%swap3A_433, %swap3A_434], %mul3A_432 {strides = array<i32>} : memref<128x128xf32, #tpu.memory_space<vmem>>, vector<16xf32>,
        %get3A_436 = arith.index_cast %add3A_402 : i32 to index
        %get3A_437 = arith.constant 80 : index
        %get3A_438 = tpu.vector_load %arg12[%get3A_436, %get3A_437] {strides = array<i32>} : memref<128x128xf32, #tpu.memory_space<vmem>>, vector<16xf32>,
        %mul3A_439 = arith.mulf %get3A_438, %gather3A : vector<16xf32>
        %swap3A_440 = arith.index_cast %add3A_402 : i32 to index
        %swap3A_441 = arith.constant 80 : index
        %swap3A_442 = tpu.vector_load %arg12[%swap3A_440, %swap3A_441] {strides = array<i32>} : memref<128x128xf32, #tpu.memory_space<vmem>>, vector<16xf32>,
        tpu.vector_store %arg12[%swap3A_440, %swap3A_441], %mul3A_439 {strides = array<i32>} : memref<128x128xf32, #tpu.memory_space<vmem>>, vector<16xf32>,
        %get3A_443 = arith.index_cast %add3A_402 : i32 to index
        %get3A_444 = arith.constant 96 : index
        %get3A_445 = tpu.vector_load %arg12[%get3A_443, %get3A_444] {strides = array<i32>} : memref<128x128xf32, #tpu.memory_space<vmem>>, vector<16xf32>,
        %mul3A_446 = arith.mulf %get3A_445, %gather3A : vector<16xf32>
        %swap3A_447 = arith.index_cast %add3A_402 : i32 to index
        %swap3A_448 = arith.constant 96 : index
        %swap3A_449 = tpu.vector_load %arg12[%swap3A_447, %swap3A_448] {strides = array<i32>} : memref<128x128xf32, #tpu.memory_space<vmem>>, vector<16xf32>,
        tpu.vector_store %arg12[%swap3A_447, %swap3A_448], %mul3A_446 {strides = array<i32>} : memref<128x128xf32, #tpu.memory_space<vmem>>, vector<16xf32>,
        %get3A_450 = arith.index_cast %add3A_402 : i32 to index
        %get3A_451 = arith.constant 112 : index
        %get3A_452 = tpu.vector_load %arg12[%get3A_450, %get3A_451] {strides = array<i32>} : memref<128x128xf32, #tpu.memory_space<vmem>>, vector<16xf32>,
        %mul3A_453 = arith.mulf %get3A_452, %gather3A : vector<16xf32>
        %swap3A_454 = arith.index_cast %add3A_402 : i32 to index
        %swap3A_455 = arith.constant 112 : index
        %swap3A_456 = tpu.vector_load %arg12[%swap3A_454, %swap3A_455] {strides = array<i32>} : memref<128x128xf32, #tpu.memory_space<vmem>>, vector<16xf32>,
        tpu.vector_store %arg12[%swap3A_454, %swap3A_455], %mul3A_453 {strides = array<i32>} : memref<128x128xf32, #tpu.memory_space<vmem>>, vector<16xf32>,
        %add3A_457 = arith.constant 1 : i32
        %add3A_458 = arith.addi %mul3A_401, %add3A_457 : i32
        %broadcast_in_dim3A_459 = vector.broadcast %add3A_458 : i32 to vector<16xi32>
        %gather3A_460 = tpu.vector_load_idx %arg14[%broadcast_in_dim3A_459] : memref<128xf32, #tpu.memory_space<vmem>>[vector<16xi32>], vector<16xf32>,
        %get3A_461 = arith.index_cast %add3A_458 : i32 to index
        %get3A_462 = arith.constant 0 : index
        %get3A_463 = tpu.vector_load %arg12[%get3A_461, %get3A_462] {strides = array<i32>} : memref<128x128xf32, #tpu.memory_space<vmem>>, vector<16xf32>,
        %mul3A_464 = arith.mulf %get3A_463, %gather3A_460 : vector<16xf32>
        %swap3A_465 = arith.index_cast %add3A_458 : i32 to index
        %swap3A_466 = arith.constant 0 : index
        %swap3A_467 = tpu.vector_load %arg12[%swap3A_465, %swap3A_466] {strides = array<i32>} : memref<128x128xf32, #tpu.memory_space<vmem>>, vector<16xf32>,
        tpu.vector_store %arg12[%swap3A_465, %swap3A_466], %mul3A_464 {strides = array<i32>} : memref<128x128xf32, #tpu.memory_space<vmem>>, vector<16xf32>,
        %get3A_468 = arith.index_cast %add3A_458 : i32 to index
        %get3A_469 = arith.constant 16 : index
        %get3A_470 = tpu.vector_load %arg12[%get3A_468, %get3A_469] {strides = array<i32>} : memref<128x128xf32, #tpu.memory_space<vmem>>, vector<16xf32>,
        %mul3A_471 = arith.mulf %get3A_470, %gather3A_460 : vector<16xf32>
        %swap3A_472 = arith.index_cast %add3A_458 : i32 to index
        %swap3A_473 = arith.constant 16 : index
        %swap3A_474 = tpu.vector_load %arg12[%swap3A_472, %swap3A_473] {strides = array<i32>} : memref<128x128xf32, #tpu.memory_space<vmem>>, vector<16xf32>,
        tpu.vector_store %arg12[%swap3A_472, %swap3A_473], %mul3A_471 {strides = array<i32>} : memref<128x128xf32, #tpu.memory_space<vmem>>, vector<16xf32>,
        %get3A_475 = arith.index_cast %add3A_458 : i32 to index
        %get3A_476 = arith.constant 32 : index
        %get3A_477 = tpu.vector_load %arg12[%get3A_475, %get3A_476] {strides = array<i32>} : memref<128x128xf32, #tpu.memory_space<vmem>>, vector<16xf32>,
        %mul3A_478 = arith.mulf %get3A_477, %gather3A_460 : vector<16xf32>
        %swap3A_479 = arith.index_cast %add3A_458 : i32 to index
        %swap3A_480 = arith.constant 32 : index
        %swap3A_481 = tpu.vector_load %arg12[%swap3A_479, %swap3A_480] {strides = array<i32>} : memref<128x128xf32, #tpu.memory_space<vmem>>, vector<16xf32>,
        tpu.vector_store %arg12[%swap3A_479, %swap3A_480], %mul3A_478 {strides = array<i32>} : memref<128x128xf32, #tpu.memory_space<vmem>>, vector<16xf32>,
        %get3A_482 = arith.index_cast %add3A_458 : i32 to index
        %get3A_483 = arith.constant 48 : index
        %get3A_484 = tpu.vector_load %arg12[%get3A_482, %get3A_483] {strides = array<i32>} : memref<128x128xf32, #tpu.memory_space<vmem>>, vector<16xf32>,
        %mul3A_485 = arith.mulf %get3A_484, %gather3A_460 : vector<16xf32>
        %swap3A_486 = arith.index_cast %add3A_458 : i32 to index
        %swap3A_487 = arith.constant 48 : index
        %swap3A_488 = tpu.vector_load %arg12[%swap3A_486, %swap3A_487] {strides = array<i32>} : memref<128x128xf32, #tpu.memory_space<vmem>>, vector<16xf32>,
        tpu.vector_store %arg12[%swap3A_486, %swap3A_487], %mul3A_485 {strides = array<i32>} : memref<128x128xf32, #tpu.memory_space<vmem>>, vector<16xf32>,
        %get3A_489 = arith.index_cast %add3A_458 : i32 to index
        %get3A_490 = arith.constant 64 : index
        %get3A_491 = tpu.vector_load %arg12[%get3A_489, %get3A_490] {strides = array<i32>} : memref<128x128xf32, #tpu.memory_space<vmem>>, vector<16xf32>,
        %mul3A_492 = arith.mulf %get3A_491, %gather3A_460 : vector<16xf32>
        %swap3A_493 = arith.index_cast %add3A_458 : i32 to index
        %swap3A_494 = arith.constant 64 : index
        %swap3A_495 = tpu.vector_load %arg12[%swap3A_493, %swap3A_494] {strides = array<i32>} : memref<128x128xf32, #tpu.memory_space<vmem>>, vector<16xf32>,
        tpu.vector_store %arg12[%swap3A_493, %swap3A_494], %mul3A_492 {strides = array<i32>} : memref<128x128xf32, #tpu.memory_space<vmem>>, vector<16xf32>,
        %get3A_496 = arith.index_cast %add3A_458 : i32 to index
        %get3A_497 = arith.constant 80 : index
        %get3A_498 = tpu.vector_load %arg12[%get3A_496, %get3A_497] {strides = array<i32>} : memref<128x128xf32, #tpu.memory_space<vmem>>, vector<16xf32>,
        %mul3A_499 = arith.mulf %get3A_498, %gather3A_460 : vector<16xf32>
        %swap3A_500 = arith.index_cast %add3A_458 : i32 to index
        %swap3A_501 = arith.constant 80 : index
        %swap3A_502 = tpu.vector_load %arg12[%swap3A_500, %swap3A_501] {strides = array<i32>} : memref<128x128xf32, #tpu.memory_space<vmem>>, vector<16xf32>,
        tpu.vector_store %arg12[%swap3A_500, %swap3A_501], %mul3A_499 {strides = array<i32>} : memref<128x128xf32, #tpu.memory_space<vmem>>, vector<16xf32>,
        %get3A_503 = arith.index_cast %add3A_458 : i32 to index
        %get3A_504 = arith.constant 96 : index
        %get3A_505 = tpu.vector_load %arg12[%get3A_503, %get3A_504] {strides = array<i32>} : memref<128x128xf32, #tpu.memory_space<vmem>>, vector<16xf32>,
        %mul3A_506 = arith.mulf %get3A_505, %gather3A_460 : vector<16xf32>
        %swap3A_507 = arith.index_cast %add3A_458 : i32 to index
        %swap3A_508 = arith.constant 96 : index
        %swap3A_509 = tpu.vector_load %arg12[%swap3A_507, %swap3A_508] {strides = array<i32>} : memref<128x128xf32, #tpu.memory_space<vmem>>, vector<16xf32>,
        tpu.vector_store %arg12[%swap3A_507, %swap3A_508], %mul3A_506 {strides = array<i32>} : memref<128x128xf32, #tpu.memory_space<vmem>>, vector<16xf32>,
        %get3A_510 = arith.index_cast %add3A_458 : i32 to index
        %get3A_511 = arith.constant 112 : index
        %get3A_512 = tpu.vector_load %arg12[%get3A_510, %get3A_511] {strides = array<i32>} : memref<128x128xf32, #tpu.memory_space<vmem>>, vector<16xf32>,
        %mul3A_513 = arith.mulf %get3A_512, %gather3A_460 : vector<16xf32>
        %swap3A_514 = arith.index_cast %add3A_458 : i32 to index
        %swap3A_515 = arith.constant 112 : index
        %swap3A_516 = tpu.vector_load %arg12[%swap3A_514, %swap3A_515] {strides = array<i32>} : memref<128x128xf32, #tpu.memory_space<vmem>>, vector<16xf32>,
        tpu.vector_store %arg12[%swap3A_514, %swap3A_515], %mul3A_513 {strides = array<i32>} : memref<128x128xf32, #tpu.memory_space<vmem>>, vector<16xf32>,
        %add3A_517 = arith.constant 2 : i32
        %add3A_518 = arith.addi %mul3A_401, %add3A_517 : i32
        %broadcast_in_dim3A_519 = vector.broadcast %add3A_518 : i32 to vector<16xi32>
        %gather3A_520 = tpu.vector_load_idx %arg14[%broadcast_in_dim3A_519] : memref<128xf32, #tpu.memory_space<vmem>>[vector<16xi32>], vector<16xf32>,
        %get3A_521 = arith.index_cast %add3A_518 : i32 to index
        %get3A_522 = arith.constant 0 : index
        %get3A_523 = tpu.vector_load %arg12[%get3A_521, %get3A_522] {strides = array<i32>} : memref<128x128xf32, #tpu.memory_space<vmem>>, vector<16xf32>,
        %mul3A_524 = arith.mulf %get3A_523, %gather3A_520 : vector<16xf32>
        %swap3A_525 = arith.index_cast %add3A_518 : i32 to index
        %swap3A_526 = arith.constant 0 : index
        %swap3A_527 = tpu.vector_load %arg12[%swap3A_525, %swap3A_526] {strides = array<i32>} : memref<128x128xf32, #tpu.memory_space<vmem>>, vector<16xf32>,
        tpu.vector_store %arg12[%swap3A_525, %swap3A_526], %mul3A_524 {strides = array<i32>} : memref<128x128xf32, #tpu.memory_space<vmem>>, vector<16xf32>,
        %get3A_528 = arith.index_cast %add3A_518 : i32 to index
        %get3A_529 = arith.constant 16 : index
        %get3A_530 = tpu.vector_load %arg12[%get3A_528, %get3A_529] {strides = array<i32>} : memref<128x128xf32, #tpu.memory_space<vmem>>, vector<16xf32>,
        %mul3A_531 = arith.mulf %get3A_530, %gather3A_520 : vector<16xf32>
        %swap3A_532 = arith.index_cast %add3A_518 : i32 to index
        %swap3A_533 = arith.constant 16 : index
        %swap3A_534 = tpu.vector_load %arg12[%swap3A_532, %swap3A_533] {strides = array<i32>} : memref<128x128xf32, #tpu.memory_space<vmem>>, vector<16xf32>,
        tpu.vector_store %arg12[%swap3A_532, %swap3A_533], %mul3A_531 {strides = array<i32>} : memref<128x128xf32, #tpu.memory_space<vmem>>, vector<16xf32>,
        %get3A_535 = arith.index_cast %add3A_518 : i32 to index
        %get3A_536 = arith.constant 32 : index
        %get3A_537 = tpu.vector_load %arg12[%get3A_535, %get3A_536] {strides = array<i32>} : memref<128x128xf32, #tpu.memory_space<vmem>>, vector<16xf32>,
        %mul3A_538 = arith.mulf %get3A_537, %gather3A_520 : vector<16xf32>
        %swap3A_539 = arith.index_cast %add3A_518 : i32 to index
        %swap3A_540 = arith.constant 32 : index
        %swap3A_541 = tpu.vector_load %arg12[%swap3A_539, %swap3A_540] {strides = array<i32>} : memref<128x128xf32, #tpu.memory_space<vmem>>, vector<16xf32>,
        tpu.vector_store %arg12[%swap3A_539, %swap3A_540], %mul3A_538 {strides = array<i32>} : memref<128x128xf32, #tpu.memory_space<vmem>>, vector<16xf32>,
        %get3A_542 = arith.index_cast %add3A_518 : i32 to index
        %get3A_543 = arith.constant 48 : index
        %get3A_544 = tpu.vector_load %arg12[%get3A_542, %get3A_543] {strides = array<i32>} : memref<128x128xf32, #tpu.memory_space<vmem>>, vector<16xf32>,
        %mul3A_545 = arith.mulf %get3A_544, %gather3A_520 : vector<16xf32>
        %swap3A_546 = arith.index_cast %add3A_518 : i32 to index
        %swap3A_547 = arith.constant 48 : index
        %swap3A_548 = tpu.vector_load %arg12[%swap3A_546, %swap3A_547] {strides = array<i32>} : memref<128x128xf32, #tpu.memory_space<vmem>>, vector<16xf32>,
        tpu.vector_store %arg12[%swap3A_546, %swap3A_547], %mul3A_545 {strides = array<i32>} : memref<128x128xf32, #tpu.memory_space<vmem>>, vector<16xf32>,
        %get3A_549 = arith.index_cast %add3A_518 : i32 to index
        %get3A_550 = arith.constant 64 : index
        %get3A_551 = tpu.vector_load %arg12[%get3A_549, %get3A_550] {strides = array<i32>} : memref<128x128xf32, #tpu.memory_space<vmem>>, vector<16xf32>,
        %mul3A_552 = arith.mulf %get3A_551, %gather3A_520 : vector<16xf32>
        %swap3A_553 = arith.index_cast %add3A_518 : i32 to index
        %swap3A_554 = arith.constant 64 : index
        %swap3A_555 = tpu.vector_load %arg12[%swap3A_553, %swap3A_554] {strides = array<i32>} : memref<128x128xf32, #tpu.memory_space<vmem>>, vector<16xf32>,
        tpu.vector_store %arg12[%swap3A_553, %swap3A_554], %mul3A_552 {strides = array<i32>} : memref<128x128xf32, #tpu.memory_space<vmem>>, vector<16xf32>,
        %get3A_556 = arith.index_cast %add3A_518 : i32 to index
        %get3A_557 = arith.constant 80 : index
        %get3A_558 = tpu.vector_load %arg12[%get3A_556, %get3A_557] {strides = array<i32>} : memref<128x128xf32, #tpu.memory_space<vmem>>, vector<16xf32>,
        %mul3A_559 = arith.mulf %get3A_558, %gather3A_520 : vector<16xf32>
        %swap3A_560 = arith.index_cast %add3A_518 : i32 to index
        %swap3A_561 = arith.constant 80 : index
        %swap3A_562 = tpu.vector_load %arg12[%swap3A_560, %swap3A_561] {strides = array<i32>} : memref<128x128xf32, #tpu.memory_space<vmem>>, vector<16xf32>,
        tpu.vector_store %arg12[%swap3A_560, %swap3A_561], %mul3A_559 {strides = array<i32>} : memref<128x128xf32, #tpu.memory_space<vmem>>, vector<16xf32>,
        %get3A_563 = arith.index_cast %add3A_518 : i32 to index
        %get3A_564 = arith.constant 96 : index
        %get3A_565 = tpu.vector_load %arg12[%get3A_563, %get3A_564] {strides = array<i32>} : memref<128x128xf32, #tpu.memory_space<vmem>>, vector<16xf32>,
        %mul3A_566 = arith.mulf %get3A_565, %gather3A_520 : vector<16xf32>
        %swap3A_567 = arith.index_cast %add3A_518 : i32 to index
        %swap3A_568 = arith.constant 96 : index
        %swap3A_569 = tpu.vector_load %arg12[%swap3A_567, %swap3A_568] {strides = array<i32>} : memref<128x128xf32, #tpu.memory_space<vmem>>, vector<16xf32>,
        tpu.vector_store %arg12[%swap3A_567, %swap3A_568], %mul3A_566 {strides = array<i32>} : memref<128x128xf32, #tpu.memory_space<vmem>>, vector<16xf32>,
        %get3A_570 = arith.index_cast %add3A_518 : i32 to index
        %get3A_571 = arith.constant 112 : index
        %get3A_572 = tpu.vector_load %arg12[%get3A_570, %get3A_571] {strides = array<i32>} : memref<128x128xf32, #tpu.memory_space<vmem>>, vector<16xf32>,
        %mul3A_573 = arith.mulf %get3A_572, %gather3A_520 : vector<16xf32>
        %swap3A_574 = arith.index_cast %add3A_518 : i32 to index
        %swap3A_575 = arith.constant 112 : index
        %swap3A_576 = tpu.vector_load %arg12[%swap3A_574, %swap3A_575] {strides = array<i32>} : memref<128x128xf32, #tpu.memory_space<vmem>>, vector<16xf32>,
        tpu.vector_store %arg12[%swap3A_574, %swap3A_575], %mul3A_573 {strides = array<i32>} : memref<128x128xf32, #tpu.memory_space<vmem>>, vector<16xf32>,
        %add3A_577 = arith.constant 3 : i32
        %add3A_578 = arith.addi %mul3A_401, %add3A_577 : i32
        %broadcast_in_dim3A_579 = vector.broadcast %add3A_578 : i32 to vector<16xi32>
        %gather3A_580 = tpu.vector_load_idx %arg14[%broadcast_in_dim3A_579] : memref<128xf32, #tpu.memory_space<vmem>>[vector<16xi32>], vector<16xf32>,
        %get3A_581 = arith.index_cast %add3A_578 : i32 to index
        %get3A_582 = arith.constant 0 : index
        %get3A_583 = tpu.vector_load %arg12[%get3A_581, %get3A_582] {strides = array<i32>} : memref<128x128xf32, #tpu.memory_space<vmem>>, vector<16xf32>,
        %mul3A_584 = arith.mulf %get3A_583, %gather3A_580 : vector<16xf32>
        %swap3A_585 = arith.index_cast %add3A_578 : i32 to index
        %swap3A_586 = arith.constant 0 : index
        %swap3A_587 = tpu.vector_load %arg12[%swap3A_585, %swap3A_586] {strides = array<i32>} : memref<128x128xf32, #tpu.memory_space<vmem>>, vector<16xf32>,
        tpu.vector_store %arg12[%swap3A_585, %swap3A_586], %mul3A_584 {strides = array<i32>} : memref<128x128xf32, #tpu.memory_space<vmem>>, vector<16xf32>,
        %get3A_588 = arith.index_cast %add3A_578 : i32 to index
        %get3A_589 = arith.constant 16 : index
        %get3A_590 = tpu.vector_load %arg12[%get3A_588, %get3A_589] {strides = array<i32>} : memref<128x128xf32, #tpu.memory_space<vmem>>, vector<16xf32>,
        %mul3A_591 = arith.mulf %get3A_590, %gather3A_580 : vector<16xf32>
        %swap3A_592 = arith.index_cast %add3A_578 : i32 to index
        %swap3A_593 = arith.constant 16 : index
        %swap3A_594 = tpu.vector_load %arg12[%swap3A_592, %swap3A_593] {strides = array<i32>} : memref<128x128xf32, #tpu.memory_space<vmem>>, vector<16xf32>,
        tpu.vector_store %arg12[%swap3A_592, %swap3A_593], %mul3A_591 {strides = array<i32>} : memref<128x128xf32, #tpu.memory_space<vmem>>, vector<16xf32>,
        %get3A_595 = arith.index_cast %add3A_578 : i32 to index
        %get3A_596 = arith.constant 32 : index
        %get3A_597 = tpu.vector_load %arg12[%get3A_595, %get3A_596] {strides = array<i32>} : memref<128x128xf32, #tpu.memory_space<vmem>>, vector<16xf32>,
        %mul3A_598 = arith.mulf %get3A_597, %gather3A_580 : vector<16xf32>
        %swap3A_599 = arith.index_cast %add3A_578 : i32 to index
        %swap3A_600 = arith.constant 32 : index
        %swap3A_601 = tpu.vector_load %arg12[%swap3A_599, %swap3A_600] {strides = array<i32>} : memref<128x128xf32, #tpu.memory_space<vmem>>, vector<16xf32>,
        tpu.vector_store %arg12[%swap3A_599, %swap3A_600], %mul3A_598 {strides = array<i32>} : memref<128x128xf32, #tpu.memory_space<vmem>>, vector<16xf32>,
        %get3A_602 = arith.index_cast %add3A_578 : i32 to index
        %get3A_603 = arith.constant 48 : index
        %get3A_604 = tpu.vector_load %arg12[%get3A_602, %get3A_603] {strides = array<i32>} : memref<128x128xf32, #tpu.memory_space<vmem>>, vector<16xf32>,
        %mul3A_605 = arith.mulf %get3A_604, %gather3A_580 : vector<16xf32>
        %swap3A_606 = arith.index_cast %add3A_578 : i32 to index
        %swap3A_607 = arith.constant 48 : index
        %swap3A_608 = tpu.vector_load %arg12[%swap3A_606, %swap3A_607] {strides = array<i32>} : memref<128x128xf32, #tpu.memory_space<vmem>>, vector<16xf32>,
        tpu.vector_store %arg12[%swap3A_606, %swap3A_607], %mul3A_605 {strides = array<i32>} : memref<128x128xf32, #tpu.memory_space<vmem>>, vector<16xf32>,
        %get3A_609 = arith.index_cast %add3A_578 : i32 to index
        %get3A_610 = arith.constant 64 : index
        %get3A_611 = tpu.vector_load %arg12[%get3A_609, %get3A_610] {strides = array<i32>} : memref<128x128xf32, #tpu.memory_space<vmem>>, vector<16xf32>,
        %mul3A_612 = arith.mulf %get3A_611, %gather3A_580 : vector<16xf32>
        %swap3A_613 = arith.index_cast %add3A_578 : i32 to index
        %swap3A_614 = arith.constant 64 : index
        %swap3A_615 = tpu.vector_load %arg12[%swap3A_613, %swap3A_614] {strides = array<i32>} : memref<128x128xf32, #tpu.memory_space<vmem>>, vector<16xf32>,
        tpu.vector_store %arg12[%swap3A_613, %swap3A_614], %mul3A_612 {strides = array<i32>} : memref<128x128xf32, #tpu.memory_space<vmem>>, vector<16xf32>,
        %get3A_616 = arith.index_cast %add3A_578 : i32 to index
        %get3A_617 = arith.constant 80 : index
        %get3A_618 = tpu.vector_load %arg12[%get3A_616, %get3A_617] {strides = array<i32>} : memref<128x128xf32, #tpu.memory_space<vmem>>, vector<16xf32>,
        %mul3A_619 = arith.mulf %get3A_618, %gather3A_580 : vector<16xf32>
        %swap3A_620 = arith.index_cast %add3A_578 : i32 to index
        %swap3A_621 = arith.constant 80 : index
        %swap3A_622 = tpu.vector_load %arg12[%swap3A_620, %swap3A_621] {strides = array<i32>} : memref<128x128xf32, #tpu.memory_space<vmem>>, vector<16xf32>,
        tpu.vector_store %arg12[%swap3A_620, %swap3A_621], %mul3A_619 {strides = array<i32>} : memref<128x128xf32, #tpu.memory_space<vmem>>, vector<16xf32>,
        %get3A_623 = arith.index_cast %add3A_578 : i32 to index
        %get3A_624 = arith.constant 96 : index
        %get3A_625 = tpu.vector_load %arg12[%get3A_623, %get3A_624] {strides = array<i32>} : memref<128x128xf32, #tpu.memory_space<vmem>>, vector<16xf32>,
        %mul3A_626 = arith.mulf %get3A_625, %gather3A_580 : vector<16xf32>
        %swap3A_627 = arith.index_cast %add3A_578 : i32 to index
        %swap3A_628 = arith.constant 96 : index
        %swap3A_629 = tpu.vector_load %arg12[%swap3A_627, %swap3A_628] {strides = array<i32>} : memref<128x128xf32, #tpu.memory_space<vmem>>, vector<16xf32>,
        tpu.vector_store %arg12[%swap3A_627, %swap3A_628], %mul3A_626 {strides = array<i32>} : memref<128x128xf32, #tpu.memory_space<vmem>>, vector<16xf32>,
        %get3A_630 = arith.index_cast %add3A_578 : i32 to index
        %get3A_631 = arith.constant 112 : index
        %get3A_632 = tpu.vector_load %arg12[%get3A_630, %get3A_631] {strides = array<i32>} : memref<128x128xf32, #tpu.memory_space<vmem>>, vector<16xf32>,
        %mul3A_633 = arith.mulf %get3A_632, %gather3A_580 : vector<16xf32>
        %swap3A_634 = arith.index_cast %add3A_578 : i32 to index
        %swap3A_635 = arith.constant 112 : index
        %swap3A_636 = tpu.vector_load %arg12[%swap3A_634, %swap3A_635] {strides = array<i32>} : memref<128x128xf32, #tpu.memory_space<vmem>>, vector<16xf32>,
        tpu.vector_store %arg12[%swap3A_634, %swap3A_635], %mul3A_633 {strides = array<i32>} : memref<128x128xf32, #tpu.memory_space<vmem>>, vector<16xf32>,
        %scan3A_637 = arith.constant 0 : i32
        scf.yield %scan3A_637 : i32
      }
      %scan3A_348 = arith.constant 32 : i32
      %dma_start3A_349 = arith.constant 6 : i32
      %dma_start3A_350 = arith.constant 0 : i32
      %dma_start3A_351 = tpu.memref_slice %arg11[%dma_start3A_349, %dma_start3A_350] : memref<8x128xi32, #tpu.memory_space<vmem>> -> memref<1x128xi32, #tpu.memory_space<vmem>>
      %dma_start3A_352 = tpu.memref_squeeze %dma_start3A_351 : memref<1x128xi32, #tpu.memory_space<vmem>> -> memref<128xi32, #tpu.memory_space<vmem>>
      %dma_start3A_353 = arith.constant 0 : i32
      %dma_start3A_354 = arith.constant 0 : i32
      %dma_start3A_355 = tpu.memref_slice %arg16[%dma_start3A_353, %dma_start3A_354] : memref<10240x128xf32, #tpu.memory_space<vmem_shared>> -> memref<10240x128xf32, #tpu.memory_space<vmem_shared>>
      tpu.enqueue_indirect_dma source(%arg12 : memref<128x128xf32, #tpu.memory_space<vmem>>) target(%dma_start3A_355 : memref<10240x128xf32, #tpu.memory_space<vmem_shared>>) offsets(%dma_start3A_352 : memref<128xi32, #tpu.memory_space<vmem>>) semaphore(%arg21 : memref<!tpu.dma_semaphore, #tpu.memory_space<semaphore_mem>>) {add = true}
      %dma_wait3A_356 = arith.constant 6 : i32
      %dma_wait3A_357 = arith.constant 0 : i32
      %dma_wait3A_358 = tpu.memref_slice %arg11[%dma_wait3A_356, %dma_wait3A_357] : memref<8x128xi32, #tpu.memory_space<vmem>> -> memref<1x128xi32, #tpu.memory_space<vmem>>
      %dma_wait3A_359 = tpu.memref_squeeze %dma_wait3A_358 : memref<1x128xi32, #tpu.memory_space<vmem>> -> memref<128xi32, #tpu.memory_space<vmem>>
      %dma_wait3A_360 = arith.constant 0 : i32
      %dma_wait3A_361 = arith.constant 0 : i32
      %dma_wait3A_362 = tpu.memref_slice %arg16[%dma_wait3A_360, %dma_wait3A_361] : memref<10240x128xf32, #tpu.memory_space<vmem_shared>> -> memref<10240x128xf32, #tpu.memory_space<vmem_shared>>
      tpu.wait_indirect_dma semaphore(%arg21 : memref<!tpu.dma_semaphore, #tpu.memory_space<semaphore_mem>>) src(%arg12 : memref<128x128xf32, #tpu.memory_space<vmem>>) dst(%dma_wait3A_362 : memref<10240x128xf32, #tpu.memory_space<vmem_shared>>)
      %dma_wait3A_363 = arith.constant 7 : i32
      %dma_wait3A_364 = arith.constant 0 : i32
      %dma_wait3A_365 = tpu.memref_slice %arg9[%dma_wait3A_363, %dma_wait3A_364] : memref<8x128xi32, #tpu.memory_space<vmem>> -> memref<1x128xi32, #tpu.memory_space<vmem>>
      %dma_wait3A_366 = tpu.memref_squeeze %dma_wait3A_365 : memref<1x128xi32, #tpu.memory_space<vmem>> -> memref<128xi32, #tpu.memory_space<vmem>>
      %dma_wait3A_367 = arith.constant 0 : i32
      %dma_wait3A_368 = arith.constant 0 : i32
      %dma_wait3A_369 = tpu.memref_slice %arg5[%dma_wait3A_367, %dma_wait3A_368] : memref<210000x128xf32, #tpu.memory_space<hbm>> -> memref<210000x128xf32, #tpu.memory_space<hbm>>
      tpu.wait_indirect_dma semaphore(%arg18 : memref<!tpu.dma_semaphore, #tpu.memory_space<semaphore_mem>>) src(%dma_wait3A_369 : memref<210000x128xf32, #tpu.memory_space<hbm>>) dst(%arg13 : memref<128x128xf32, #tpu.memory_space<vmem>>)
      %dma_wait3A_370 = arith.constant 7 : i32
      %dma_wait3A_371 = arith.constant 0 : i32
      %dma_wait3A_372 = tpu.memref_slice %arg10[%dma_wait3A_370, %dma_wait3A_371] : memref<8x128xi32, #tpu.memory_space<vmem>> -> memref<1x128xi32, #tpu.memory_space<vmem>>
      %dma_wait3A_373 = tpu.memref_squeeze %dma_wait3A_372 : memref<1x128xi32, #tpu.memory_space<vmem>> -> memref<128xi32, #tpu.memory_space<vmem>>
      %dma_wait3A_374 = arith.constant 0 : i32
      %dma_wait3A_375 = tpu.memref_slice %arg6[%dma_wait3A_374] : memref<204800xf32, #tpu.memory_space<hbm>> -> memref<204800xf32, #tpu.memory_space<hbm>>
      tpu.wait_indirect_dma semaphore(%arg20 : memref<!tpu.dma_semaphore, #tpu.memory_space<semaphore_mem>>) src(%dma_wait3A_375 : memref<204800xf32, #tpu.memory_space<hbm>>) dst(%arg15 : memref<128xf32, #tpu.memory_space<vmem>>)
      %scan3A_376 = arith.constant 0 : i32
      %scan3A_377 = arith.constant 0 : i32
      %scan3A_378 = arith.constant 32 : i32
      %scan3A_379 = arith.addi %scan3A_377, %scan3A_378 : i32
      %scan3A_380 = arith.constant 1 : i32
      %scan3A_381 = scf.for %scan3A_398 = %scan3A_377 to %scan3A_379 step %scan3A_380 iter_args(%scan3A_399 = %scan3A_376) -> (i32)  : i32 {
        %mul3A_400 = arith.constant 4 : i32
        %mul3A_401 = arith.muli %scan3A_398, %mul3A_400 : i32
        %add3A = arith.constant 0 : i32
        %add3A_402 = arith.addi %mul3A_401, %add3A : i32
        %broadcast_in_dim3A = vector.broadcast %add3A_402 : i32 to vector<16xi32>
        %gather3A = tpu.vector_load_idx %arg15[%broadcast_in_dim3A] : memref<128xf32, #tpu.memory_space<vmem>>[vector<16xi32>], vector<16xf32>,
        %get3A = arith.index_cast %add3A_402 : i32 to index
        %get3A_403 = arith.constant 0 : index
        %get3A_404 = tpu.vector_load %arg13[%get3A, %get3A_403] {strides = array<i32>} : memref<128x128xf32, #tpu.memory_space<vmem>>, vector<16xf32>,
        %mul3A_405 = arith.mulf %get3A_404, %gather3A : vector<16xf32>
        %swap3A = arith.index_cast %add3A_402 : i32 to index
        %swap3A_406 = arith.constant 0 : index
        %swap3A_407 = tpu.vector_load %arg13[%swap3A, %swap3A_406] {strides = array<i32>} : memref<128x128xf32, #tpu.memory_space<vmem>>, vector<16xf32>,
        tpu.vector_store %arg13[%swap3A, %swap3A_406], %mul3A_405 {strides = array<i32>} : memref<128x128xf32, #tpu.memory_space<vmem>>, vector<16xf32>,
        %get3A_408 = arith.index_cast %add3A_402 : i32 to index
        %get3A_409 = arith.constant 16 : index
        %get3A_410 = tpu.vector_load %arg13[%get3A_408, %get3A_409] {strides = array<i32>} : memref<128x128xf32, #tpu.memory_space<vmem>>, vector<16xf32>,
        %mul3A_411 = arith.mulf %get3A_410, %gather3A : vector<16xf32>
        %swap3A_412 = arith.index_cast %add3A_402 : i32 to index
        %swap3A_413 = arith.constant 16 : index
        %swap3A_414 = tpu.vector_load %arg13[%swap3A_412, %swap3A_413] {strides = array<i32>} : memref<128x128xf32, #tpu.memory_space<vmem>>, vector<16xf32>,
        tpu.vector_store %arg13[%swap3A_412, %swap3A_413], %mul3A_411 {strides = array<i32>} : memref<128x128xf32, #tpu.memory_space<vmem>>, vector<16xf32>,
        %get3A_415 = arith.index_cast %add3A_402 : i32 to index
        %get3A_416 = arith.constant 32 : index
        %get3A_417 = tpu.vector_load %arg13[%get3A_415, %get3A_416] {strides = array<i32>} : memref<128x128xf32, #tpu.memory_space<vmem>>, vector<16xf32>,
        %mul3A_418 = arith.mulf %get3A_417, %gather3A : vector<16xf32>
        %swap3A_419 = arith.index_cast %add3A_402 : i32 to index
        %swap3A_420 = arith.constant 32 : index
        %swap3A_421 = tpu.vector_load %arg13[%swap3A_419, %swap3A_420] {strides = array<i32>} : memref<128x128xf32, #tpu.memory_space<vmem>>, vector<16xf32>,
        tpu.vector_store %arg13[%swap3A_419, %swap3A_420], %mul3A_418 {strides = array<i32>} : memref<128x128xf32, #tpu.memory_space<vmem>>, vector<16xf32>,
        %get3A_422 = arith.index_cast %add3A_402 : i32 to index
        %get3A_423 = arith.constant 48 : index
        %get3A_424 = tpu.vector_load %arg13[%get3A_422, %get3A_423] {strides = array<i32>} : memref<128x128xf32, #tpu.memory_space<vmem>>, vector<16xf32>,
        %mul3A_425 = arith.mulf %get3A_424, %gather3A : vector<16xf32>
        %swap3A_426 = arith.index_cast %add3A_402 : i32 to index
        %swap3A_427 = arith.constant 48 : index
        %swap3A_428 = tpu.vector_load %arg13[%swap3A_426, %swap3A_427] {strides = array<i32>} : memref<128x128xf32, #tpu.memory_space<vmem>>, vector<16xf32>,
        tpu.vector_store %arg13[%swap3A_426, %swap3A_427], %mul3A_425 {strides = array<i32>} : memref<128x128xf32, #tpu.memory_space<vmem>>, vector<16xf32>,
        %get3A_429 = arith.index_cast %add3A_402 : i32 to index
        %get3A_430 = arith.constant 64 : index
        %get3A_431 = tpu.vector_load %arg13[%get3A_429, %get3A_430] {strides = array<i32>} : memref<128x128xf32, #tpu.memory_space<vmem>>, vector<16xf32>,
        %mul3A_432 = arith.mulf %get3A_431, %gather3A : vector<16xf32>
        %swap3A_433 = arith.index_cast %add3A_402 : i32 to index
        %swap3A_434 = arith.constant 64 : index
        %swap3A_435 = tpu.vector_load %arg13[%swap3A_433, %swap3A_434] {strides = array<i32>} : memref<128x128xf32, #tpu.memory_space<vmem>>, vector<16xf32>,
        tpu.vector_store %arg13[%swap3A_433, %swap3A_434], %mul3A_432 {strides = array<i32>} : memref<128x128xf32, #tpu.memory_space<vmem>>, vector<16xf32>,
        %get3A_436 = arith.index_cast %add3A_402 : i32 to index
        %get3A_437 = arith.constant 80 : index
        %get3A_438 = tpu.vector_load %arg13[%get3A_436, %get3A_437] {strides = array<i32>} : memref<128x128xf32, #tpu.memory_space<vmem>>, vector<16xf32>,
        %mul3A_439 = arith.mulf %get3A_438, %gather3A : vector<16xf32>
        %swap3A_440 = arith.index_cast %add3A_402 : i32 to index
        %swap3A_441 = arith.constant 80 : index
        %swap3A_442 = tpu.vector_load %arg13[%swap3A_440, %swap3A_441] {strides = array<i32>} : memref<128x128xf32, #tpu.memory_space<vmem>>, vector<16xf32>,
        tpu.vector_store %arg13[%swap3A_440, %swap3A_441], %mul3A_439 {strides = array<i32>} : memref<128x128xf32, #tpu.memory_space<vmem>>, vector<16xf32>,
        %get3A_443 = arith.index_cast %add3A_402 : i32 to index
        %get3A_444 = arith.constant 96 : index
        %get3A_445 = tpu.vector_load %arg13[%get3A_443, %get3A_444] {strides = array<i32>} : memref<128x128xf32, #tpu.memory_space<vmem>>, vector<16xf32>,
        %mul3A_446 = arith.mulf %get3A_445, %gather3A : vector<16xf32>
        %swap3A_447 = arith.index_cast %add3A_402 : i32 to index
        %swap3A_448 = arith.constant 96 : index
        %swap3A_449 = tpu.vector_load %arg13[%swap3A_447, %swap3A_448] {strides = array<i32>} : memref<128x128xf32, #tpu.memory_space<vmem>>, vector<16xf32>,
        tpu.vector_store %arg13[%swap3A_447, %swap3A_448], %mul3A_446 {strides = array<i32>} : memref<128x128xf32, #tpu.memory_space<vmem>>, vector<16xf32>,
        %get3A_450 = arith.index_cast %add3A_402 : i32 to index
        %get3A_451 = arith.constant 112 : index
        %get3A_452 = tpu.vector_load %arg13[%get3A_450, %get3A_451] {strides = array<i32>} : memref<128x128xf32, #tpu.memory_space<vmem>>, vector<16xf32>,
        %mul3A_453 = arith.mulf %get3A_452, %gather3A : vector<16xf32>
        %swap3A_454 = arith.index_cast %add3A_402 : i32 to index
        %swap3A_455 = arith.constant 112 : index
        %swap3A_456 = tpu.vector_load %arg13[%swap3A_454, %swap3A_455] {strides = array<i32>} : memref<128x128xf32, #tpu.memory_space<vmem>>, vector<16xf32>,
        tpu.vector_store %arg13[%swap3A_454, %swap3A_455], %mul3A_453 {strides = array<i32>} : memref<128x128xf32, #tpu.memory_space<vmem>>, vector<16xf32>,
        %add3A_457 = arith.constant 1 : i32
        %add3A_458 = arith.addi %mul3A_401, %add3A_457 : i32
        %broadcast_in_dim3A_459 = vector.broadcast %add3A_458 : i32 to vector<16xi32>
        %gather3A_460 = tpu.vector_load_idx %arg15[%broadcast_in_dim3A_459] : memref<128xf32, #tpu.memory_space<vmem>>[vector<16xi32>], vector<16xf32>,
        %get3A_461 = arith.index_cast %add3A_458 : i32 to index
        %get3A_462 = arith.constant 0 : index
        %get3A_463 = tpu.vector_load %arg13[%get3A_461, %get3A_462] {strides = array<i32>} : memref<128x128xf32, #tpu.memory_space<vmem>>, vector<16xf32>,
        %mul3A_464 = arith.mulf %get3A_463, %gather3A_460 : vector<16xf32>
        %swap3A_465 = arith.index_cast %add3A_458 : i32 to index
        %swap3A_466 = arith.constant 0 : index
        %swap3A_467 = tpu.vector_load %arg13[%swap3A_465, %swap3A_466] {strides = array<i32>} : memref<128x128xf32, #tpu.memory_space<vmem>>, vector<16xf32>,
        tpu.vector_store %arg13[%swap3A_465, %swap3A_466], %mul3A_464 {strides = array<i32>} : memref<128x128xf32, #tpu.memory_space<vmem>>, vector<16xf32>,
        %get3A_468 = arith.index_cast %add3A_458 : i32 to index
        %get3A_469 = arith.constant 16 : index
        %get3A_470 = tpu.vector_load %arg13[%get3A_468, %get3A_469] {strides = array<i32>} : memref<128x128xf32, #tpu.memory_space<vmem>>, vector<16xf32>,
        %mul3A_471 = arith.mulf %get3A_470, %gather3A_460 : vector<16xf32>
        %swap3A_472 = arith.index_cast %add3A_458 : i32 to index
        %swap3A_473 = arith.constant 16 : index
        %swap3A_474 = tpu.vector_load %arg13[%swap3A_472, %swap3A_473] {strides = array<i32>} : memref<128x128xf32, #tpu.memory_space<vmem>>, vector<16xf32>,
        tpu.vector_store %arg13[%swap3A_472, %swap3A_473], %mul3A_471 {strides = array<i32>} : memref<128x128xf32, #tpu.memory_space<vmem>>, vector<16xf32>,
        %get3A_475 = arith.index_cast %add3A_458 : i32 to index
        %get3A_476 = arith.constant 32 : index
        %get3A_477 = tpu.vector_load %arg13[%get3A_475, %get3A_476] {strides = array<i32>} : memref<128x128xf32, #tpu.memory_space<vmem>>, vector<16xf32>,
        %mul3A_478 = arith.mulf %get3A_477, %gather3A_460 : vector<16xf32>
        %swap3A_479 = arith.index_cast %add3A_458 : i32 to index
        %swap3A_480 = arith.constant 32 : index
        %swap3A_481 = tpu.vector_load %arg13[%swap3A_479, %swap3A_480] {strides = array<i32>} : memref<128x128xf32, #tpu.memory_space<vmem>>, vector<16xf32>,
        tpu.vector_store %arg13[%swap3A_479, %swap3A_480], %mul3A_478 {strides = array<i32>} : memref<128x128xf32, #tpu.memory_space<vmem>>, vector<16xf32>,
        %get3A_482 = arith.index_cast %add3A_458 : i32 to index
        %get3A_483 = arith.constant 48 : index
        %get3A_484 = tpu.vector_load %arg13[%get3A_482, %get3A_483] {strides = array<i32>} : memref<128x128xf32, #tpu.memory_space<vmem>>, vector<16xf32>,
        %mul3A_485 = arith.mulf %get3A_484, %gather3A_460 : vector<16xf32>
        %swap3A_486 = arith.index_cast %add3A_458 : i32 to index
        %swap3A_487 = arith.constant 48 : index
        %swap3A_488 = tpu.vector_load %arg13[%swap3A_486, %swap3A_487] {strides = array<i32>} : memref<128x128xf32, #tpu.memory_space<vmem>>, vector<16xf32>,
        tpu.vector_store %arg13[%swap3A_486, %swap3A_487], %mul3A_485 {strides = array<i32>} : memref<128x128xf32, #tpu.memory_space<vmem>>, vector<16xf32>,
        %get3A_489 = arith.index_cast %add3A_458 : i32 to index
        %get3A_490 = arith.constant 64 : index
        %get3A_491 = tpu.vector_load %arg13[%get3A_489, %get3A_490] {strides = array<i32>} : memref<128x128xf32, #tpu.memory_space<vmem>>, vector<16xf32>,
        %mul3A_492 = arith.mulf %get3A_491, %gather3A_460 : vector<16xf32>
        %swap3A_493 = arith.index_cast %add3A_458 : i32 to index
        %swap3A_494 = arith.constant 64 : index
        %swap3A_495 = tpu.vector_load %arg13[%swap3A_493, %swap3A_494] {strides = array<i32>} : memref<128x128xf32, #tpu.memory_space<vmem>>, vector<16xf32>,
        tpu.vector_store %arg13[%swap3A_493, %swap3A_494], %mul3A_492 {strides = array<i32>} : memref<128x128xf32, #tpu.memory_space<vmem>>, vector<16xf32>,
        %get3A_496 = arith.index_cast %add3A_458 : i32 to index
        %get3A_497 = arith.constant 80 : index
        %get3A_498 = tpu.vector_load %arg13[%get3A_496, %get3A_497] {strides = array<i32>} : memref<128x128xf32, #tpu.memory_space<vmem>>, vector<16xf32>,
        %mul3A_499 = arith.mulf %get3A_498, %gather3A_460 : vector<16xf32>
        %swap3A_500 = arith.index_cast %add3A_458 : i32 to index
        %swap3A_501 = arith.constant 80 : index
        %swap3A_502 = tpu.vector_load %arg13[%swap3A_500, %swap3A_501] {strides = array<i32>} : memref<128x128xf32, #tpu.memory_space<vmem>>, vector<16xf32>,
        tpu.vector_store %arg13[%swap3A_500, %swap3A_501], %mul3A_499 {strides = array<i32>} : memref<128x128xf32, #tpu.memory_space<vmem>>, vector<16xf32>,
        %get3A_503 = arith.index_cast %add3A_458 : i32 to index
        %get3A_504 = arith.constant 96 : index
        %get3A_505 = tpu.vector_load %arg13[%get3A_503, %get3A_504] {strides = array<i32>} : memref<128x128xf32, #tpu.memory_space<vmem>>, vector<16xf32>,
        %mul3A_506 = arith.mulf %get3A_505, %gather3A_460 : vector<16xf32>
        %swap3A_507 = arith.index_cast %add3A_458 : i32 to index
        %swap3A_508 = arith.constant 96 : index
        %swap3A_509 = tpu.vector_load %arg13[%swap3A_507, %swap3A_508] {strides = array<i32>} : memref<128x128xf32, #tpu.memory_space<vmem>>, vector<16xf32>,
        tpu.vector_store %arg13[%swap3A_507, %swap3A_508], %mul3A_506 {strides = array<i32>} : memref<128x128xf32, #tpu.memory_space<vmem>>, vector<16xf32>,
        %get3A_510 = arith.index_cast %add3A_458 : i32 to index
        %get3A_511 = arith.constant 112 : index
        %get3A_512 = tpu.vector_load %arg13[%get3A_510, %get3A_511] {strides = array<i32>} : memref<128x128xf32, #tpu.memory_space<vmem>>, vector<16xf32>,
        %mul3A_513 = arith.mulf %get3A_512, %gather3A_460 : vector<16xf32>
        %swap3A_514 = arith.index_cast %add3A_458 : i32 to index
        %swap3A_515 = arith.constant 112 : index
        %swap3A_516 = tpu.vector_load %arg13[%swap3A_514, %swap3A_515] {strides = array<i32>} : memref<128x128xf32, #tpu.memory_space<vmem>>, vector<16xf32>,
        tpu.vector_store %arg13[%swap3A_514, %swap3A_515], %mul3A_513 {strides = array<i32>} : memref<128x128xf32, #tpu.memory_space<vmem>>, vector<16xf32>,
        %add3A_517 = arith.constant 2 : i32
        %add3A_518 = arith.addi %mul3A_401, %add3A_517 : i32
        %broadcast_in_dim3A_519 = vector.broadcast %add3A_518 : i32 to vector<16xi32>
        %gather3A_520 = tpu.vector_load_idx %arg15[%broadcast_in_dim3A_519] : memref<128xf32, #tpu.memory_space<vmem>>[vector<16xi32>], vector<16xf32>,
        %get3A_521 = arith.index_cast %add3A_518 : i32 to index
        %get3A_522 = arith.constant 0 : index
        %get3A_523 = tpu.vector_load %arg13[%get3A_521, %get3A_522] {strides = array<i32>} : memref<128x128xf32, #tpu.memory_space<vmem>>, vector<16xf32>,
        %mul3A_524 = arith.mulf %get3A_523, %gather3A_520 : vector<16xf32>
        %swap3A_525 = arith.index_cast %add3A_518 : i32 to index
        %swap3A_526 = arith.constant 0 : index
        %swap3A_527 = tpu.vector_load %arg13[%swap3A_525, %swap3A_526] {strides = array<i32>} : memref<128x128xf32, #tpu.memory_space<vmem>>, vector<16xf32>,
        tpu.vector_store %arg13[%swap3A_525, %swap3A_526], %mul3A_524 {strides = array<i32>} : memref<128x128xf32, #tpu.memory_space<vmem>>, vector<16xf32>,
        %get3A_528 = arith.index_cast %add3A_518 : i32 to index
        %get3A_529 = arith.constant 16 : index
        %get3A_530 = tpu.vector_load %arg13[%get3A_528, %get3A_529] {strides = array<i32>} : memref<128x128xf32, #tpu.memory_space<vmem>>, vector<16xf32>,
        %mul3A_531 = arith.mulf %get3A_530, %gather3A_520 : vector<16xf32>
        %swap3A_532 = arith.index_cast %add3A_518 : i32 to index
        %swap3A_533 = arith.constant 16 : index
        %swap3A_534 = tpu.vector_load %arg13[%swap3A_532, %swap3A_533] {strides = array<i32>} : memref<128x128xf32, #tpu.memory_space<vmem>>, vector<16xf32>,
        tpu.vector_store %arg13[%swap3A_532, %swap3A_533], %mul3A_531 {strides = array<i32>} : memref<128x128xf32, #tpu.memory_space<vmem>>, vector<16xf32>,
        %get3A_535 = arith.index_cast %add3A_518 : i32 to index
        %get3A_536 = arith.constant 32 : index
        %get3A_537 = tpu.vector_load %arg13[%get3A_535, %get3A_536] {strides = array<i32>} : memref<128x128xf32, #tpu.memory_space<vmem>>, vector<16xf32>,
        %mul3A_538 = arith.mulf %get3A_537, %gather3A_520 : vector<16xf32>
        %swap3A_539 = arith.index_cast %add3A_518 : i32 to index
        %swap3A_540 = arith.constant 32 : index
        %swap3A_541 = tpu.vector_load %arg13[%swap3A_539, %swap3A_540] {strides = array<i32>} : memref<128x128xf32, #tpu.memory_space<vmem>>, vector<16xf32>,
        tpu.vector_store %arg13[%swap3A_539, %swap3A_540], %mul3A_538 {strides = array<i32>} : memref<128x128xf32, #tpu.memory_space<vmem>>, vector<16xf32>,
        %get3A_542 = arith.index_cast %add3A_518 : i32 to index
        %get3A_543 = arith.constant 48 : index
        %get3A_544 = tpu.vector_load %arg13[%get3A_542, %get3A_543] {strides = array<i32>} : memref<128x128xf32, #tpu.memory_space<vmem>>, vector<16xf32>,
        %mul3A_545 = arith.mulf %get3A_544, %gather3A_520 : vector<16xf32>
        %swap3A_546 = arith.index_cast %add3A_518 : i32 to index
        %swap3A_547 = arith.constant 48 : index
        %swap3A_548 = tpu.vector_load %arg13[%swap3A_546, %swap3A_547] {strides = array<i32>} : memref<128x128xf32, #tpu.memory_space<vmem>>, vector<16xf32>,
        tpu.vector_store %arg13[%swap3A_546, %swap3A_547], %mul3A_545 {strides = array<i32>} : memref<128x128xf32, #tpu.memory_space<vmem>>, vector<16xf32>,
        %get3A_549 = arith.index_cast %add3A_518 : i32 to index
        %get3A_550 = arith.constant 64 : index
        %get3A_551 = tpu.vector_load %arg13[%get3A_549, %get3A_550] {strides = array<i32>} : memref<128x128xf32, #tpu.memory_space<vmem>>, vector<16xf32>,
        %mul3A_552 = arith.mulf %get3A_551, %gather3A_520 : vector<16xf32>
        %swap3A_553 = arith.index_cast %add3A_518 : i32 to index
        %swap3A_554 = arith.constant 64 : index
        %swap3A_555 = tpu.vector_load %arg13[%swap3A_553, %swap3A_554] {strides = array<i32>} : memref<128x128xf32, #tpu.memory_space<vmem>>, vector<16xf32>,
        tpu.vector_store %arg13[%swap3A_553, %swap3A_554], %mul3A_552 {strides = array<i32>} : memref<128x128xf32, #tpu.memory_space<vmem>>, vector<16xf32>,
        %get3A_556 = arith.index_cast %add3A_518 : i32 to index
        %get3A_557 = arith.constant 80 : index
        %get3A_558 = tpu.vector_load %arg13[%get3A_556, %get3A_557] {strides = array<i32>} : memref<128x128xf32, #tpu.memory_space<vmem>>, vector<16xf32>,
        %mul3A_559 = arith.mulf %get3A_558, %gather3A_520 : vector<16xf32>
        %swap3A_560 = arith.index_cast %add3A_518 : i32 to index
        %swap3A_561 = arith.constant 80 : index
        %swap3A_562 = tpu.vector_load %arg13[%swap3A_560, %swap3A_561] {strides = array<i32>} : memref<128x128xf32, #tpu.memory_space<vmem>>, vector<16xf32>,
        tpu.vector_store %arg13[%swap3A_560, %swap3A_561], %mul3A_559 {strides = array<i32>} : memref<128x128xf32, #tpu.memory_space<vmem>>, vector<16xf32>,
        %get3A_563 = arith.index_cast %add3A_518 : i32 to index
        %get3A_564 = arith.constant 96 : index
        %get3A_565 = tpu.vector_load %arg13[%get3A_563, %get3A_564] {strides = array<i32>} : memref<128x128xf32, #tpu.memory_space<vmem>>, vector<16xf32>,
        %mul3A_566 = arith.mulf %get3A_565, %gather3A_520 : vector<16xf32>
        %swap3A_567 = arith.index_cast %add3A_518 : i32 to index
        %swap3A_568 = arith.constant 96 : index
        %swap3A_569 = tpu.vector_load %arg13[%swap3A_567, %swap3A_568] {strides = array<i32>} : memref<128x128xf32, #tpu.memory_space<vmem>>, vector<16xf32>,
        tpu.vector_store %arg13[%swap3A_567, %swap3A_568], %mul3A_566 {strides = array<i32>} : memref<128x128xf32, #tpu.memory_space<vmem>>, vector<16xf32>,
        %get3A_570 = arith.index_cast %add3A_518 : i32 to index
        %get3A_571 = arith.constant 112 : index
        %get3A_572 = tpu.vector_load %arg13[%get3A_570, %get3A_571] {strides = array<i32>} : memref<128x128xf32, #tpu.memory_space<vmem>>, vector<16xf32>,
        %mul3A_573 = arith.mulf %get3A_572, %gather3A_520 : vector<16xf32>
        %swap3A_574 = arith.index_cast %add3A_518 : i32 to index
        %swap3A_575 = arith.constant 112 : index
        %swap3A_576 = tpu.vector_load %arg13[%swap3A_574, %swap3A_575] {strides = array<i32>} : memref<128x128xf32, #tpu.memory_space<vmem>>, vector<16xf32>,
        tpu.vector_store %arg13[%swap3A_574, %swap3A_575], %mul3A_573 {strides = array<i32>} : memref<128x128xf32, #tpu.memory_space<vmem>>, vector<16xf32>,
        %add3A_577 = arith.constant 3 : i32
        %add3A_578 = arith.addi %mul3A_401, %add3A_577 : i32
        %broadcast_in_dim3A_579 = vector.broadcast %add3A_578 : i32 to vector<16xi32>
        %gather3A_580 = tpu.vector_load_idx %arg15[%broadcast_in_dim3A_579] : memref<128xf32, #tpu.memory_space<vmem>>[vector<16xi32>], vector<16xf32>,
        %get3A_581 = arith.index_cast %add3A_578 : i32 to index
        %get3A_582 = arith.constant 0 : index
        %get3A_583 = tpu.vector_load %arg13[%get3A_581, %get3A_582] {strides = array<i32>} : memref<128x128xf32, #tpu.memory_space<vmem>>, vector<16xf32>,
        %mul3A_584 = arith.mulf %get3A_583, %gather3A_580 : vector<16xf32>
        %swap3A_585 = arith.index_cast %add3A_578 : i32 to index
        %swap3A_586 = arith.constant 0 : index
        %swap3A_587 = tpu.vector_load %arg13[%swap3A_585, %swap3A_586] {strides = array<i32>} : memref<128x128xf32, #tpu.memory_space<vmem>>, vector<16xf32>,
        tpu.vector_store %arg13[%swap3A_585, %swap3A_586], %mul3A_584 {strides = array<i32>} : memref<128x128xf32, #tpu.memory_space<vmem>>, vector<16xf32>,
        %get3A_588 = arith.index_cast %add3A_578 : i32 to index
        %get3A_589 = arith.constant 16 : index
        %get3A_590 = tpu.vector_load %arg13[%get3A_588, %get3A_589] {strides = array<i32>} : memref<128x128xf32, #tpu.memory_space<vmem>>, vector<16xf32>,
        %mul3A_591 = arith.mulf %get3A_590, %gather3A_580 : vector<16xf32>
        %swap3A_592 = arith.index_cast %add3A_578 : i32 to index
        %swap3A_593 = arith.constant 16 : index
        %swap3A_594 = tpu.vector_load %arg13[%swap3A_592, %swap3A_593] {strides = array<i32>} : memref<128x128xf32, #tpu.memory_space<vmem>>, vector<16xf32>,
        tpu.vector_store %arg13[%swap3A_592, %swap3A_593], %mul3A_591 {strides = array<i32>} : memref<128x128xf32, #tpu.memory_space<vmem>>, vector<16xf32>,
        %get3A_595 = arith.index_cast %add3A_578 : i32 to index
        %get3A_596 = arith.constant 32 : index
        %get3A_597 = tpu.vector_load %arg13[%get3A_595, %get3A_596] {strides = array<i32>} : memref<128x128xf32, #tpu.memory_space<vmem>>, vector<16xf32>,
        %mul3A_598 = arith.mulf %get3A_597, %gather3A_580 : vector<16xf32>
        %swap3A_599 = arith.index_cast %add3A_578 : i32 to index
        %swap3A_600 = arith.constant 32 : index
        %swap3A_601 = tpu.vector_load %arg13[%swap3A_599, %swap3A_600] {strides = array<i32>} : memref<128x128xf32, #tpu.memory_space<vmem>>, vector<16xf32>,
        tpu.vector_store %arg13[%swap3A_599, %swap3A_600], %mul3A_598 {strides = array<i32>} : memref<128x128xf32, #tpu.memory_space<vmem>>, vector<16xf32>,
        %get3A_602 = arith.index_cast %add3A_578 : i32 to index
        %get3A_603 = arith.constant 48 : index
        %get3A_604 = tpu.vector_load %arg13[%get3A_602, %get3A_603] {strides = array<i32>} : memref<128x128xf32, #tpu.memory_space<vmem>>, vector<16xf32>,
        %mul3A_605 = arith.mulf %get3A_604, %gather3A_580 : vector<16xf32>
        %swap3A_606 = arith.index_cast %add3A_578 : i32 to index
        %swap3A_607 = arith.constant 48 : index
        %swap3A_608 = tpu.vector_load %arg13[%swap3A_606, %swap3A_607] {strides = array<i32>} : memref<128x128xf32, #tpu.memory_space<vmem>>, vector<16xf32>,
        tpu.vector_store %arg13[%swap3A_606, %swap3A_607], %mul3A_605 {strides = array<i32>} : memref<128x128xf32, #tpu.memory_space<vmem>>, vector<16xf32>,
        %get3A_609 = arith.index_cast %add3A_578 : i32 to index
        %get3A_610 = arith.constant 64 : index
        %get3A_611 = tpu.vector_load %arg13[%get3A_609, %get3A_610] {strides = array<i32>} : memref<128x128xf32, #tpu.memory_space<vmem>>, vector<16xf32>,
        %mul3A_612 = arith.mulf %get3A_611, %gather3A_580 : vector<16xf32>
        %swap3A_613 = arith.index_cast %add3A_578 : i32 to index
        %swap3A_614 = arith.constant 64 : index
        %swap3A_615 = tpu.vector_load %arg13[%swap3A_613, %swap3A_614] {strides = array<i32>} : memref<128x128xf32, #tpu.memory_space<vmem>>, vector<16xf32>,
        tpu.vector_store %arg13[%swap3A_613, %swap3A_614], %mul3A_612 {strides = array<i32>} : memref<128x128xf32, #tpu.memory_space<vmem>>, vector<16xf32>,
        %get3A_616 = arith.index_cast %add3A_578 : i32 to index
        %get3A_617 = arith.constant 80 : index
        %get3A_618 = tpu.vector_load %arg13[%get3A_616, %get3A_617] {strides = array<i32>} : memref<128x128xf32, #tpu.memory_space<vmem>>, vector<16xf32>,
        %mul3A_619 = arith.mulf %get3A_618, %gather3A_580 : vector<16xf32>
        %swap3A_620 = arith.index_cast %add3A_578 : i32 to index
        %swap3A_621 = arith.constant 80 : index
        %swap3A_622 = tpu.vector_load %arg13[%swap3A_620, %swap3A_621] {strides = array<i32>} : memref<128x128xf32, #tpu.memory_space<vmem>>, vector<16xf32>,
        tpu.vector_store %arg13[%swap3A_620, %swap3A_621], %mul3A_619 {strides = array<i32>} : memref<128x128xf32, #tpu.memory_space<vmem>>, vector<16xf32>,
        %get3A_623 = arith.index_cast %add3A_578 : i32 to index
        %get3A_624 = arith.constant 96 : index
        %get3A_625 = tpu.vector_load %arg13[%get3A_623, %get3A_624] {strides = array<i32>} : memref<128x128xf32, #tpu.memory_space<vmem>>, vector<16xf32>,
        %mul3A_626 = arith.mulf %get3A_625, %gather3A_580 : vector<16xf32>
        %swap3A_627 = arith.index_cast %add3A_578 : i32 to index
        %swap3A_628 = arith.constant 96 : index
        %swap3A_629 = tpu.vector_load %arg13[%swap3A_627, %swap3A_628] {strides = array<i32>} : memref<128x128xf32, #tpu.memory_space<vmem>>, vector<16xf32>,
        tpu.vector_store %arg13[%swap3A_627, %swap3A_628], %mul3A_626 {strides = array<i32>} : memref<128x128xf32, #tpu.memory_space<vmem>>, vector<16xf32>,
        %get3A_630 = arith.index_cast %add3A_578 : i32 to index
        %get3A_631 = arith.constant 112 : index
        %get3A_632 = tpu.vector_load %arg13[%get3A_630, %get3A_631] {strides = array<i32>} : memref<128x128xf32, #tpu.memory_space<vmem>>, vector<16xf32>,
        %mul3A_633 = arith.mulf %get3A_632, %gather3A_580 : vector<16xf32>
        %swap3A_634 = arith.index_cast %add3A_578 : i32 to index
        %swap3A_635 = arith.constant 112 : index
        %swap3A_636 = tpu.vector_load %arg13[%swap3A_634, %swap3A_635] {strides = array<i32>} : memref<128x128xf32, #tpu.memory_space<vmem>>, vector<16xf32>,
        tpu.vector_store %arg13[%swap3A_634, %swap3A_635], %mul3A_633 {strides = array<i32>} : memref<128x128xf32, #tpu.memory_space<vmem>>, vector<16xf32>,
        %scan3A_637 = arith.constant 0 : i32
        scf.yield %scan3A_637 : i32
      }
      %scan3A_382 = arith.constant 32 : i32
      %dma_start3A_383 = arith.constant 7 : i32
      %dma_start3A_384 = arith.constant 0 : i32
      %dma_start3A_385 = tpu.memref_slice %arg11[%dma_start3A_383, %dma_start3A_384] : memref<8x128xi32, #tpu.memory_space<vmem>> -> memref<1x128xi32, #tpu.memory_space<vmem>>
      %dma_start3A_386 = tpu.memref_squeeze %dma_start3A_385 : memref<1x128xi32, #tpu.memory_space<vmem>> -> memref<128xi32, #tpu.memory_space<vmem>>
      %dma_start3A_387 = arith.constant 0 : i32
      %dma_start3A_388 = arith.constant 0 : i32
      %dma_start3A_389 = tpu.memref_slice %arg16[%dma_start3A_387, %dma_start3A_388] : memref<10240x128xf32, #tpu.memory_space<vmem_shared>> -> memref<10240x128xf32, #tpu.memory_space<vmem_shared>>
      tpu.enqueue_indirect_dma source(%arg13 : memref<128x128xf32, #tpu.memory_space<vmem>>) target(%dma_start3A_389 : memref<10240x128xf32, #tpu.memory_space<vmem_shared>>) offsets(%dma_start3A_386 : memref<128xi32, #tpu.memory_space<vmem>>) semaphore(%arg22 : memref<!tpu.dma_semaphore, #tpu.memory_space<semaphore_mem>>) {add = true}
      %dma_wait3A_390 = arith.constant 7 : i32
      %dma_wait3A_391 = arith.constant 0 : i32
      %dma_wait3A_392 = tpu.memref_slice %arg11[%dma_wait3A_390, %dma_wait3A_391] : memref<8x128xi32, #tpu.memory_space<vmem>> -> memref<1x128xi32, #tpu.memory_space<vmem>>
      %dma_wait3A_393 = tpu.memref_squeeze %dma_wait3A_392 : memref<1x128xi32, #tpu.memory_space<vmem>> -> memref<128xi32, #tpu.memory_space<vmem>>
      %dma_wait3A_394 = arith.constant 0 : i32
      %dma_wait3A_395 = arith.constant 0 : i32
      %dma_wait3A_396 = tpu.memref_slice %arg16[%dma_wait3A_394, %dma_wait3A_395] : memref<10240x128xf32, #tpu.memory_space<vmem_shared>> -> memref<10240x128xf32, #tpu.memory_space<vmem_shared>>
      tpu.wait_indirect_dma semaphore(%arg22 : memref<!tpu.dma_semaphore, #tpu.memory_space<semaphore_mem>>) src(%arg13 : memref<128x128xf32, #tpu.memory_space<vmem>>) dst(%dma_wait3A_396 : memref<10240x128xf32, #tpu.memory_space<vmem_shared>>)
      %scan3A_397 = arith.constant 0 : i32
      scf.yield %scan3A_397 : i32
    }
    %scan3A_8 = arith.constant 20 : i32
    %barrier3A_9 = arith.constant 0 : index
    tpu.barrier barrier_id(%barrier3A_9)
    %mul3A_10 = arith.constant 640 : i32
    %mul3A_11 = arith.muli %arg1, %mul3A_10 : i32
    %mul3A_12 = arith.constant 640 : i32
    %mul3A_13 = arith.muli %arg1, %mul3A_12 : i32
    "tpu.region"() ({
      %run_scoped3A = tpu.sem_alloc : memref<!tpu.dma_semaphore, #tpu.memory_space<semaphore_mem>>
      %dma_start3A = arith.constant 0 : i32
      %dma_start3A_14 = tpu.memref_slice %arg8[%mul3A_13, %dma_start3A] : memref<10240x128xf32, #tpu.memory_space<hbm>> -> memref<640x128xf32, #tpu.memory_space<hbm>>
      %dma_start3A_15 = arith.constant 0 : i32
      %dma_start3A_16 = tpu.memref_slice %arg16[%mul3A_11, %dma_start3A_15] : memref<10240x128xf32, #tpu.memory_space<vmem_shared>> -> memref<640x128xf32, #tpu.memory_space<vmem_shared>>
      tpu.enqueue_dma source(%dma_start3A_16 : memref<640x128xf32, #tpu.memory_space<vmem_shared>>) target(%dma_start3A_14 : memref<640x128xf32, #tpu.memory_space<hbm>>) target_semaphore(%run_scoped3A : memref<!tpu.dma_semaphore, #tpu.memory_space<semaphore_mem>>)
      %dma_wait3A = arith.constant 0 : i32
      %dma_wait3A_17 = tpu.memref_slice %arg8[%mul3A_13, %dma_wait3A] : memref<10240x128xf32, #tpu.memory_space<hbm>> -> memref<640x128xf32, #tpu.memory_space<hbm>>
      %dma_wait3A_18 = arith.constant 0 : i32
      %dma_wait3A_19 = tpu.memref_slice %arg16[%mul3A_11, %dma_wait3A_18] : memref<10240x128xf32, #tpu.memory_space<vmem_shared>> -> memref<640x128xf32, #tpu.memory_space<vmem_shared>>
      tpu.wait_dma2 semaphore(%run_scoped3A : memref<!tpu.dma_semaphore, #tpu.memory_space<semaphore_mem>>) src(%dma_wait3A_19 : memref<640x128xf32, #tpu.memory_space<vmem_shared>>) dst(%dma_wait3A_17 : memref<640x128xf32, #tpu.memory_space<hbm>>)
      tpu.yield
    }) : () -> ()
    return
  }
}

#map = affine_map<(d0, d1) -> (0, 0, 0, 0)>
#map1 = affine_map<(d0, d1) -> (0)>
module attributes {stable_mosaic.version = 14 : i64} {
  func.func @_counts_k(%arg0: i32, %arg1: i32, %arg2: memref<16x20x8x128xi32, #tpu.memory_space<hbm>>, %arg3: memref<16x20x8x128xi32, #tpu.memory_space<hbm>>, %arg4: memref<204800xf32, #tpu.memory_space<hbm>>, %arg5: memref<204800xf32, #tpu.memory_space<hbm>>, %arg6: memref<8x128xi32, #tpu.memory_space<vmem>>, %arg7: memref<8x128xi32, #tpu.memory_space<vmem>>, %arg8: memref<128xf32, #tpu.memory_space<vmem>>, %arg9: memref<204800xf32, #tpu.memory_space<vmem_shared>>, %arg10: memref<!tpu.dma_semaphore, #tpu.memory_space<semaphore_mem>>) attributes {dimension_semantics = [#tpu.dimension_semantics<core_parallel>, #tpu.dimension_semantics<subcore_parallel>], iteration_bounds = array<i64: 1, 16>, scalar_prefetch = 0 : i64, scratch_operands = 5 : i64, tpu.core_type = #tpu.core_type<sc_vector_subcore>, window_params = [{transform_indices = #map}, {transform_indices = #map}, {transform_indices = #map1}, {transform_indices = #map1}]} {
    %mul3A = arith.constant 12800 : i32
    %mul3A_0 = arith.muli %arg1, %mul3A : i32
    %mul3A_1 = arith.constant 12800 : i32
    %mul3A_2 = arith.muli %arg1, %mul3A_1 : i32
    "tpu.region"() ({
      %run_scoped3A = tpu.sem_alloc : memref<!tpu.dma_semaphore, #tpu.memory_space<semaphore_mem>>
      %dma_start3A = tpu.memref_slice %arg9[%mul3A_2] : memref<204800xf32, #tpu.memory_space<vmem_shared>> -> memref<12800xf32, #tpu.memory_space<vmem_shared>>
      %dma_start3A_44 = tpu.memref_slice %arg4[%mul3A_0] : memref<204800xf32, #tpu.memory_space<hbm>> -> memref<12800xf32, #tpu.memory_space<hbm>>
      tpu.enqueue_dma source(%dma_start3A_44 : memref<12800xf32, #tpu.memory_space<hbm>>) target(%dma_start3A : memref<12800xf32, #tpu.memory_space<vmem_shared>>) target_semaphore(%run_scoped3A : memref<!tpu.dma_semaphore, #tpu.memory_space<semaphore_mem>>)
      %dma_wait3A = tpu.memref_slice %arg9[%mul3A_2] : memref<204800xf32, #tpu.memory_space<vmem_shared>> -> memref<12800xf32, #tpu.memory_space<vmem_shared>>
      %dma_wait3A_45 = tpu.memref_slice %arg4[%mul3A_0] : memref<204800xf32, #tpu.memory_space<hbm>> -> memref<12800xf32, #tpu.memory_space<hbm>>
      tpu.wait_dma2 semaphore(%run_scoped3A : memref<!tpu.dma_semaphore, #tpu.memory_space<semaphore_mem>>) src(%dma_wait3A_45 : memref<12800xf32, #tpu.memory_space<hbm>>) dst(%dma_wait3A : memref<12800xf32, #tpu.memory_space<vmem_shared>>)
      tpu.yield
    }) : () -> ()
    %broadcast_in_dim3A = arith.constant 1.000000e+00 : f32
    %broadcast_in_dim3A_3 = vector.broadcast %broadcast_in_dim3A : f32 to vector<16xf32>
    %swap3A = arith.constant 0 : index
    %swap3A_4 = tpu.vector_load %arg8[%swap3A] {strides = array<i32>} : memref<128xf32, #tpu.memory_space<vmem>>, vector<16xf32>,
    tpu.vector_store %arg8[%swap3A], %broadcast_in_dim3A_3 {strides = array<i32>} : memref<128xf32, #tpu.memory_space<vmem>>, vector<16xf32>,
    %broadcast_in_dim3A_5 = arith.constant 1.000000e+00 : f32
    %broadcast_in_dim3A_6 = vector.broadcast %broadcast_in_dim3A_5 : f32 to vector<16xf32>
    %swap3A_7 = arith.constant 16 : index
    %swap3A_8 = tpu.vector_load %arg8[%swap3A_7] {strides = array<i32>} : memref<128xf32, #tpu.memory_space<vmem>>, vector<16xf32>,
    tpu.vector_store %arg8[%swap3A_7], %broadcast_in_dim3A_6 {strides = array<i32>} : memref<128xf32, #tpu.memory_space<vmem>>, vector<16xf32>,
    %broadcast_in_dim3A_9 = arith.constant 1.000000e+00 : f32
    %broadcast_in_dim3A_10 = vector.broadcast %broadcast_in_dim3A_9 : f32 to vector<16xf32>
    %swap3A_11 = arith.constant 32 : index
    %swap3A_12 = tpu.vector_load %arg8[%swap3A_11] {strides = array<i32>} : memref<128xf32, #tpu.memory_space<vmem>>, vector<16xf32>,
    tpu.vector_store %arg8[%swap3A_11], %broadcast_in_dim3A_10 {strides = array<i32>} : memref<128xf32, #tpu.memory_space<vmem>>, vector<16xf32>,
    %broadcast_in_dim3A_13 = arith.constant 1.000000e+00 : f32
    %broadcast_in_dim3A_14 = vector.broadcast %broadcast_in_dim3A_13 : f32 to vector<16xf32>
    %swap3A_15 = arith.constant 48 : index
    %swap3A_16 = tpu.vector_load %arg8[%swap3A_15] {strides = array<i32>} : memref<128xf32, #tpu.memory_space<vmem>>, vector<16xf32>,
    tpu.vector_store %arg8[%swap3A_15], %broadcast_in_dim3A_14 {strides = array<i32>} : memref<128xf32, #tpu.memory_space<vmem>>, vector<16xf32>,
    %broadcast_in_dim3A_17 = arith.constant 1.000000e+00 : f32
    %broadcast_in_dim3A_18 = vector.broadcast %broadcast_in_dim3A_17 : f32 to vector<16xf32>
    %swap3A_19 = arith.constant 64 : index
    %swap3A_20 = tpu.vector_load %arg8[%swap3A_19] {strides = array<i32>} : memref<128xf32, #tpu.memory_space<vmem>>, vector<16xf32>,
    tpu.vector_store %arg8[%swap3A_19], %broadcast_in_dim3A_18 {strides = array<i32>} : memref<128xf32, #tpu.memory_space<vmem>>, vector<16xf32>,
    %broadcast_in_dim3A_21 = arith.constant 1.000000e+00 : f32
    %broadcast_in_dim3A_22 = vector.broadcast %broadcast_in_dim3A_21 : f32 to vector<16xf32>
    %swap3A_23 = arith.constant 80 : index
    %swap3A_24 = tpu.vector_load %arg8[%swap3A_23] {strides = array<i32>} : memref<128xf32, #tpu.memory_space<vmem>>, vector<16xf32>,
    tpu.vector_store %arg8[%swap3A_23], %broadcast_in_dim3A_22 {strides = array<i32>} : memref<128xf32, #tpu.memory_space<vmem>>, vector<16xf32>,
    %broadcast_in_dim3A_25 = arith.constant 1.000000e+00 : f32
    %broadcast_in_dim3A_26 = vector.broadcast %broadcast_in_dim3A_25 : f32 to vector<16xf32>
    %swap3A_27 = arith.constant 96 : index
    %swap3A_28 = tpu.vector_load %arg8[%swap3A_27] {strides = array<i32>} : memref<128xf32, #tpu.memory_space<vmem>>, vector<16xf32>,
    tpu.vector_store %arg8[%swap3A_27], %broadcast_in_dim3A_26 {strides = array<i32>} : memref<128xf32, #tpu.memory_space<vmem>>, vector<16xf32>,
    %broadcast_in_dim3A_29 = arith.constant 1.000000e+00 : f32
    %broadcast_in_dim3A_30 = vector.broadcast %broadcast_in_dim3A_29 : f32 to vector<16xf32>
    %swap3A_31 = arith.constant 112 : index
    %swap3A_32 = tpu.vector_load %arg8[%swap3A_31] {strides = array<i32>} : memref<128xf32, #tpu.memory_space<vmem>>, vector<16xf32>,
    tpu.vector_store %arg8[%swap3A_31], %broadcast_in_dim3A_30 {strides = array<i32>} : memref<128xf32, #tpu.memory_space<vmem>>, vector<16xf32>,
    %barrier3A = arith.constant 0 : index
    tpu.barrier barrier_id(%barrier3A)
    %scan3A = arith.constant 0 : i32
    %scan3A_33 = arith.constant 0 : i32
    %scan3A_34 = arith.constant 20 : i32
    %scan3A_35 = arith.addi %scan3A_33, %scan3A_34 : i32
    %scan3A_36 = arith.constant 1 : i32
    %scan3A_37 = scf.for %scan3A_44 = %scan3A_33 to %scan3A_35 step %scan3A_36 iter_args(%scan3A_45 = %scan3A) -> (i32)  : i32 {
      "tpu.region"() ({
        %run_scoped3A = tpu.sem_alloc : memref<!tpu.dma_semaphore, #tpu.memory_space<semaphore_mem>>
        %dma_start3A_148 = arith.constant 0 : i32
        %dma_start3A_149 = arith.constant 0 : i32
        %dma_start3A_150 = tpu.memref_slice %arg2[%arg1, %scan3A_44, %dma_start3A_148, %dma_start3A_149] : memref<16x20x8x128xi32, #tpu.memory_space<hbm>> -> memref<1x1x8x128xi32, #tpu.memory_space<hbm>>
        %dma_start3A_151 = tpu.memref_squeeze %dma_start3A_150 : memref<1x1x8x128xi32, #tpu.memory_space<hbm>> -> memref<8x128xi32, #tpu.memory_space<hbm>>
        %dma_start3A_152 = arith.constant 0 : i32
        %dma_start3A_153 = arith.constant 0 : i32
        %dma_start3A_154 = tpu.memref_slice %arg2[%arg1, %scan3A_44, %dma_start3A_152, %dma_start3A_153] : memref<16x20x8x128xi32, #tpu.memory_space<hbm>> -> memref<1x1x8x128xi32, #tpu.memory_space<hbm>>
        %dma_start3A_155 = tpu.memref_squeeze %dma_start3A_154 : memref<1x1x8x128xi32, #tpu.memory_space<hbm>> -> memref<8x128xi32, #tpu.memory_space<hbm>>
        tpu.enqueue_dma source(%dma_start3A_155 : memref<8x128xi32, #tpu.memory_space<hbm>>) target(%arg6 : memref<8x128xi32, #tpu.memory_space<vmem>>) target_semaphore(%run_scoped3A : memref<!tpu.dma_semaphore, #tpu.memory_space<semaphore_mem>>)
        %dma_wait3A_156 = arith.constant 0 : i32
        %dma_wait3A_157 = arith.constant 0 : i32
        %dma_wait3A_158 = tpu.memref_slice %arg2[%arg1, %scan3A_44, %dma_wait3A_156, %dma_wait3A_157] : memref<16x20x8x128xi32, #tpu.memory_space<hbm>> -> memref<1x1x8x128xi32, #tpu.memory_space<hbm>>
        %dma_wait3A_159 = tpu.memref_squeeze %dma_wait3A_158 : memref<1x1x8x128xi32, #tpu.memory_space<hbm>> -> memref<8x128xi32, #tpu.memory_space<hbm>>
        %dma_wait3A_160 = arith.constant 0 : i32
        %dma_wait3A_161 = arith.constant 0 : i32
        %dma_wait3A_162 = tpu.memref_slice %arg2[%arg1, %scan3A_44, %dma_wait3A_160, %dma_wait3A_161] : memref<16x20x8x128xi32, #tpu.memory_space<hbm>> -> memref<1x1x8x128xi32, #tpu.memory_space<hbm>>
        %dma_wait3A_163 = tpu.memref_squeeze %dma_wait3A_162 : memref<1x1x8x128xi32, #tpu.memory_space<hbm>> -> memref<8x128xi32, #tpu.memory_space<hbm>>
        tpu.wait_dma2 semaphore(%run_scoped3A : memref<!tpu.dma_semaphore, #tpu.memory_space<semaphore_mem>>) src(%dma_wait3A_163 : memref<8x128xi32, #tpu.memory_space<hbm>>) dst(%arg6 : memref<8x128xi32, #tpu.memory_space<vmem>>)
        tpu.yield
      }) : () -> ()
      "tpu.region"() ({
        %run_scoped3A = tpu.sem_alloc : memref<!tpu.dma_semaphore, #tpu.memory_space<semaphore_mem>>
        %dma_start3A_148 = arith.constant 0 : i32
        %dma_start3A_149 = arith.constant 0 : i32
        %dma_start3A_150 = tpu.memref_slice %arg3[%arg1, %scan3A_44, %dma_start3A_148, %dma_start3A_149] : memref<16x20x8x128xi32, #tpu.memory_space<hbm>> -> memref<1x1x8x128xi32, #tpu.memory_space<hbm>>
        %dma_start3A_151 = tpu.memref_squeeze %dma_start3A_150 : memref<1x1x8x128xi32, #tpu.memory_space<hbm>> -> memref<8x128xi32, #tpu.memory_space<hbm>>
        %dma_start3A_152 = arith.constant 0 : i32
        %dma_start3A_153 = arith.constant 0 : i32
        %dma_start3A_154 = tpu.memref_slice %arg3[%arg1, %scan3A_44, %dma_start3A_152, %dma_start3A_153] : memref<16x20x8x128xi32, #tpu.memory_space<hbm>> -> memref<1x1x8x128xi32, #tpu.memory_space<hbm>>
        %dma_start3A_155 = tpu.memref_squeeze %dma_start3A_154 : memref<1x1x8x128xi32, #tpu.memory_space<hbm>> -> memref<8x128xi32, #tpu.memory_space<hbm>>
        tpu.enqueue_dma source(%dma_start3A_155 : memref<8x128xi32, #tpu.memory_space<hbm>>) target(%arg7 : memref<8x128xi32, #tpu.memory_space<vmem>>) target_semaphore(%run_scoped3A : memref<!tpu.dma_semaphore, #tpu.memory_space<semaphore_mem>>)
        %dma_wait3A_156 = arith.constant 0 : i32
        %dma_wait3A_157 = arith.constant 0 : i32
        %dma_wait3A_158 = tpu.memref_slice %arg3[%arg1, %scan3A_44, %dma_wait3A_156, %dma_wait3A_157] : memref<16x20x8x128xi32, #tpu.memory_space<hbm>> -> memref<1x1x8x128xi32, #tpu.memory_space<hbm>>
        %dma_wait3A_159 = tpu.memref_squeeze %dma_wait3A_158 : memref<1x1x8x128xi32, #tpu.memory_space<hbm>> -> memref<8x128xi32, #tpu.memory_space<hbm>>
        %dma_wait3A_160 = arith.constant 0 : i32
        %dma_wait3A_161 = arith.constant 0 : i32
        %dma_wait3A_162 = tpu.memref_slice %arg3[%arg1, %scan3A_44, %dma_wait3A_160, %dma_wait3A_161] : memref<16x20x8x128xi32, #tpu.memory_space<hbm>> -> memref<1x1x8x128xi32, #tpu.memory_space<hbm>>
        %dma_wait3A_163 = tpu.memref_squeeze %dma_wait3A_162 : memref<1x1x8x128xi32, #tpu.memory_space<hbm>> -> memref<8x128xi32, #tpu.memory_space<hbm>>
        tpu.wait_dma2 semaphore(%run_scoped3A : memref<!tpu.dma_semaphore, #tpu.memory_space<semaphore_mem>>) src(%dma_wait3A_163 : memref<8x128xi32, #tpu.memory_space<hbm>>) dst(%arg7 : memref<8x128xi32, #tpu.memory_space<vmem>>)
        tpu.yield
      }) : () -> ()
      %scan3A_46 = arith.constant 0 : i32
      %scan3A_47 = arith.constant 0 : i32
      %scan3A_48 = arith.constant 8 : i32
      %scan3A_49 = arith.addi %scan3A_47, %scan3A_48 : i32
      %scan3A_50 = arith.constant 1 : i32
      %scan3A_51 = scf.for %scan3A_148 = %scan3A_47 to %scan3A_49 step %scan3A_50 iter_args(%scan3A_149 = %scan3A_46) -> (i32)  : i32 {
        %get3A = arith.index_cast %scan3A_148 : i32 to index
        %get3A_150 = arith.constant 0 : index
        %get3A_151 = tpu.vector_load %arg6[%get3A, %get3A_150] {strides = array<i32>} : memref<8x128xi32, #tpu.memory_space<vmem>>, vector<16xi32>,
        %mul3A_152 = arith.constant 20 : i32
        %mul3A_153 = vector.broadcast %mul3A_152 : i32 to vector<16xi32>
        %mul3A_154 = arith.muli %get3A_151, %mul3A_153 : vector<16xi32>
        %get3A_155 = arith.index_cast %scan3A_148 : i32 to index
        %get3A_156 = arith.constant 0 : index
        %get3A_157 = tpu.vector_load %arg7[%get3A_155, %get3A_156] {strides = array<i32>} : memref<8x128xi32, #tpu.memory_space<vmem>>, vector<16xi32>,
        %add3A = arith.addi %mul3A_154, %get3A_157 : vector<16xi32>
        %swap3A_158 = arith.index_cast %scan3A_148 : i32 to index
        %swap3A_159 = arith.constant 0 : index
        %swap3A_160 = tpu.vector_load %arg7[%swap3A_158, %swap3A_159] {strides = array<i32>} : memref<8x128xi32, #tpu.memory_space<vmem>>, vector<16xi32>,
        tpu.vector_store %arg7[%swap3A_158, %swap3A_159], %add3A {strides = array<i32>} : memref<8x128xi32, #tpu.memory_space<vmem>>, vector<16xi32>,
        %get3A_161 = arith.index_cast %scan3A_148 : i32 to index
        %get3A_162 = arith.constant 16 : index
        %get3A_163 = tpu.vector_load %arg6[%get3A_161, %get3A_162] {strides = array<i32>} : memref<8x128xi32, #tpu.memory_space<vmem>>, vector<16xi32>,
        %mul3A_164 = arith.constant 20 : i32
        %mul3A_165 = vector.broadcast %mul3A_164 : i32 to vector<16xi32>
        %mul3A_166 = arith.muli %get3A_163, %mul3A_165 : vector<16xi32>
        %get3A_167 = arith.index_cast %scan3A_148 : i32 to index
        %get3A_168 = arith.constant 16 : index
        %get3A_169 = tpu.vector_load %arg7[%get3A_167, %get3A_168] {strides = array<i32>} : memref<8x128xi32, #tpu.memory_space<vmem>>, vector<16xi32>,
        %add3A_170 = arith.addi %mul3A_166, %get3A_169 : vector<16xi32>
        %swap3A_171 = arith.index_cast %scan3A_148 : i32 to index
        %swap3A_172 = arith.constant 16 : index
        %swap3A_173 = tpu.vector_load %arg7[%swap3A_171, %swap3A_172] {strides = array<i32>} : memref<8x128xi32, #tpu.memory_space<vmem>>, vector<16xi32>,
        tpu.vector_store %arg7[%swap3A_171, %swap3A_172], %add3A_170 {strides = array<i32>} : memref<8x128xi32, #tpu.memory_space<vmem>>, vector<16xi32>,
        %get3A_174 = arith.index_cast %scan3A_148 : i32 to index
        %get3A_175 = arith.constant 32 : index
        %get3A_176 = tpu.vector_load %arg6[%get3A_174, %get3A_175] {strides = array<i32>} : memref<8x128xi32, #tpu.memory_space<vmem>>, vector<16xi32>,
        %mul3A_177 = arith.constant 20 : i32
        %mul3A_178 = vector.broadcast %mul3A_177 : i32 to vector<16xi32>
        %mul3A_179 = arith.muli %get3A_176, %mul3A_178 : vector<16xi32>
        %get3A_180 = arith.index_cast %scan3A_148 : i32 to index
        %get3A_181 = arith.constant 32 : index
        %get3A_182 = tpu.vector_load %arg7[%get3A_180, %get3A_181] {strides = array<i32>} : memref<8x128xi32, #tpu.memory_space<vmem>>, vector<16xi32>,
        %add3A_183 = arith.addi %mul3A_179, %get3A_182 : vector<16xi32>
        %swap3A_184 = arith.index_cast %scan3A_148 : i32 to index
        %swap3A_185 = arith.constant 32 : index
        %swap3A_186 = tpu.vector_load %arg7[%swap3A_184, %swap3A_185] {strides = array<i32>} : memref<8x128xi32, #tpu.memory_space<vmem>>, vector<16xi32>,
        tpu.vector_store %arg7[%swap3A_184, %swap3A_185], %add3A_183 {strides = array<i32>} : memref<8x128xi32, #tpu.memory_space<vmem>>, vector<16xi32>,
        %get3A_187 = arith.index_cast %scan3A_148 : i32 to index
        %get3A_188 = arith.constant 48 : index
        %get3A_189 = tpu.vector_load %arg6[%get3A_187, %get3A_188] {strides = array<i32>} : memref<8x128xi32, #tpu.memory_space<vmem>>, vector<16xi32>,
        %mul3A_190 = arith.constant 20 : i32
        %mul3A_191 = vector.broadcast %mul3A_190 : i32 to vector<16xi32>
        %mul3A_192 = arith.muli %get3A_189, %mul3A_191 : vector<16xi32>
        %get3A_193 = arith.index_cast %scan3A_148 : i32 to index
        %get3A_194 = arith.constant 48 : index
        %get3A_195 = tpu.vector_load %arg7[%get3A_193, %get3A_194] {strides = array<i32>} : memref<8x128xi32, #tpu.memory_space<vmem>>, vector<16xi32>,
        %add3A_196 = arith.addi %mul3A_192, %get3A_195 : vector<16xi32>
        %swap3A_197 = arith.index_cast %scan3A_148 : i32 to index
        %swap3A_198 = arith.constant 48 : index
        %swap3A_199 = tpu.vector_load %arg7[%swap3A_197, %swap3A_198] {strides = array<i32>} : memref<8x128xi32, #tpu.memory_space<vmem>>, vector<16xi32>,
        tpu.vector_store %arg7[%swap3A_197, %swap3A_198], %add3A_196 {strides = array<i32>} : memref<8x128xi32, #tpu.memory_space<vmem>>, vector<16xi32>,
        %get3A_200 = arith.index_cast %scan3A_148 : i32 to index
        %get3A_201 = arith.constant 64 : index
        %get3A_202 = tpu.vector_load %arg6[%get3A_200, %get3A_201] {strides = array<i32>} : memref<8x128xi32, #tpu.memory_space<vmem>>, vector<16xi32>,
        %mul3A_203 = arith.constant 20 : i32
        %mul3A_204 = vector.broadcast %mul3A_203 : i32 to vector<16xi32>
        %mul3A_205 = arith.muli %get3A_202, %mul3A_204 : vector<16xi32>
        %get3A_206 = arith.index_cast %scan3A_148 : i32 to index
        %get3A_207 = arith.constant 64 : index
        %get3A_208 = tpu.vector_load %arg7[%get3A_206, %get3A_207] {strides = array<i32>} : memref<8x128xi32, #tpu.memory_space<vmem>>, vector<16xi32>,
        %add3A_209 = arith.addi %mul3A_205, %get3A_208 : vector<16xi32>
        %swap3A_210 = arith.index_cast %scan3A_148 : i32 to index
        %swap3A_211 = arith.constant 64 : index
        %swap3A_212 = tpu.vector_load %arg7[%swap3A_210, %swap3A_211] {strides = array<i32>} : memref<8x128xi32, #tpu.memory_space<vmem>>, vector<16xi32>,
        tpu.vector_store %arg7[%swap3A_210, %swap3A_211], %add3A_209 {strides = array<i32>} : memref<8x128xi32, #tpu.memory_space<vmem>>, vector<16xi32>,
        %get3A_213 = arith.index_cast %scan3A_148 : i32 to index
        %get3A_214 = arith.constant 80 : index
        %get3A_215 = tpu.vector_load %arg6[%get3A_213, %get3A_214] {strides = array<i32>} : memref<8x128xi32, #tpu.memory_space<vmem>>, vector<16xi32>,
        %mul3A_216 = arith.constant 20 : i32
        %mul3A_217 = vector.broadcast %mul3A_216 : i32 to vector<16xi32>
        %mul3A_218 = arith.muli %get3A_215, %mul3A_217 : vector<16xi32>
        %get3A_219 = arith.index_cast %scan3A_148 : i32 to index
        %get3A_220 = arith.constant 80 : index
        %get3A_221 = tpu.vector_load %arg7[%get3A_219, %get3A_220] {strides = array<i32>} : memref<8x128xi32, #tpu.memory_space<vmem>>, vector<16xi32>,
        %add3A_222 = arith.addi %mul3A_218, %get3A_221 : vector<16xi32>
        %swap3A_223 = arith.index_cast %scan3A_148 : i32 to index
        %swap3A_224 = arith.constant 80 : index
        %swap3A_225 = tpu.vector_load %arg7[%swap3A_223, %swap3A_224] {strides = array<i32>} : memref<8x128xi32, #tpu.memory_space<vmem>>, vector<16xi32>,
        tpu.vector_store %arg7[%swap3A_223, %swap3A_224], %add3A_222 {strides = array<i32>} : memref<8x128xi32, #tpu.memory_space<vmem>>, vector<16xi32>,
        %get3A_226 = arith.index_cast %scan3A_148 : i32 to index
        %get3A_227 = arith.constant 96 : index
        %get3A_228 = tpu.vector_load %arg6[%get3A_226, %get3A_227] {strides = array<i32>} : memref<8x128xi32, #tpu.memory_space<vmem>>, vector<16xi32>,
        %mul3A_229 = arith.constant 20 : i32
        %mul3A_230 = vector.broadcast %mul3A_229 : i32 to vector<16xi32>
        %mul3A_231 = arith.muli %get3A_228, %mul3A_230 : vector<16xi32>
        %get3A_232 = arith.index_cast %scan3A_148 : i32 to index
        %get3A_233 = arith.constant 96 : index
        %get3A_234 = tpu.vector_load %arg7[%get3A_232, %get3A_233] {strides = array<i32>} : memref<8x128xi32, #tpu.memory_space<vmem>>, vector<16xi32>,
        %add3A_235 = arith.addi %mul3A_231, %get3A_234 : vector<16xi32>
        %swap3A_236 = arith.index_cast %scan3A_148 : i32 to index
        %swap3A_237 = arith.constant 96 : index
        %swap3A_238 = tpu.vector_load %arg7[%swap3A_236, %swap3A_237] {strides = array<i32>} : memref<8x128xi32, #tpu.memory_space<vmem>>, vector<16xi32>,
        tpu.vector_store %arg7[%swap3A_236, %swap3A_237], %add3A_235 {strides = array<i32>} : memref<8x128xi32, #tpu.memory_space<vmem>>, vector<16xi32>,
        %get3A_239 = arith.index_cast %scan3A_148 : i32 to index
        %get3A_240 = arith.constant 112 : index
        %get3A_241 = tpu.vector_load %arg6[%get3A_239, %get3A_240] {strides = array<i32>} : memref<8x128xi32, #tpu.memory_space<vmem>>, vector<16xi32>,
        %mul3A_242 = arith.constant 20 : i32
        %mul3A_243 = vector.broadcast %mul3A_242 : i32 to vector<16xi32>
        %mul3A_244 = arith.muli %get3A_241, %mul3A_243 : vector<16xi32>
        %get3A_245 = arith.index_cast %scan3A_148 : i32 to index
        %get3A_246 = arith.constant 112 : index
        %get3A_247 = tpu.vector_load %arg7[%get3A_245, %get3A_246] {strides = array<i32>} : memref<8x128xi32, #tpu.memory_space<vmem>>, vector<16xi32>,
        %add3A_248 = arith.addi %mul3A_244, %get3A_247 : vector<16xi32>
        %swap3A_249 = arith.index_cast %scan3A_148 : i32 to index
        %swap3A_250 = arith.constant 112 : index
        %swap3A_251 = tpu.vector_load %arg7[%swap3A_249, %swap3A_250] {strides = array<i32>} : memref<8x128xi32, #tpu.memory_space<vmem>>, vector<16xi32>,
        tpu.vector_store %arg7[%swap3A_249, %swap3A_250], %add3A_248 {strides = array<i32>} : memref<8x128xi32, #tpu.memory_space<vmem>>, vector<16xi32>,
        %scan3A_252 = arith.constant 0 : i32
        scf.yield %scan3A_252 : i32
      }
      %scan3A_52 = arith.constant 8 : i32
      %dma_start3A = arith.constant 0 : i32
      %dma_start3A_53 = arith.constant 0 : i32
      %dma_start3A_54 = tpu.memref_slice %arg7[%dma_start3A, %dma_start3A_53] : memref<8x128xi32, #tpu.memory_space<vmem>> -> memref<1x128xi32, #tpu.memory_space<vmem>>
      %dma_start3A_55 = tpu.memref_squeeze %dma_start3A_54 : memref<1x128xi32, #tpu.memory_space<vmem>> -> memref<128xi32, #tpu.memory_space<vmem>>
      %dma_start3A_56 = arith.constant 0 : i32
      %dma_start3A_57 = tpu.memref_slice %arg9[%dma_start3A_56] : memref<204800xf32, #tpu.memory_space<vmem_shared>> -> memref<204800xf32, #tpu.memory_space<vmem_shared>>
      tpu.enqueue_indirect_dma source(%arg8 : memref<128xf32, #tpu.memory_space<vmem>>) target(%dma_start3A_57 : memref<204800xf32, #tpu.memory_space<vmem_shared>>) offsets(%dma_start3A_55 : memref<128xi32, #tpu.memory_space<vmem>>) semaphore(%arg10 : memref<!tpu.dma_semaphore, #tpu.memory_space<semaphore_mem>>) {add = true}
      %dma_start3A_58 = arith.constant 1 : i32
      %dma_start3A_59 = arith.constant 0 : i32
      %dma_start3A_60 = tpu.memref_slice %arg7[%dma_start3A_58, %dma_start3A_59] : memref<8x128xi32, #tpu.memory_space<vmem>> -> memref<1x128xi32, #tpu.memory_space<vmem>>
      %dma_start3A_61 = tpu.memref_squeeze %dma_start3A_60 : memref<1x128xi32, #tpu.memory_space<vmem>> -> memref<128xi32, #tpu.memory_space<vmem>>
      %dma_start3A_62 = arith.constant 0 : i32
      %dma_start3A_63 = tpu.memref_slice %arg9[%dma_start3A_62] : memref<204800xf32, #tpu.memory_space<vmem_shared>> -> memref<204800xf32, #tpu.memory_space<vmem_shared>>
      tpu.enqueue_indirect_dma source(%arg8 : memref<128xf32, #tpu.memory_space<vmem>>) target(%dma_start3A_63 : memref<204800xf32, #tpu.memory_space<vmem_shared>>) offsets(%dma_start3A_61 : memref<128xi32, #tpu.memory_space<vmem>>) semaphore(%arg10 : memref<!tpu.dma_semaphore, #tpu.memory_space<semaphore_mem>>) {add = true}
      %dma_start3A_64 = arith.constant 2 : i32
      %dma_start3A_65 = arith.constant 0 : i32
      %dma_start3A_66 = tpu.memref_slice %arg7[%dma_start3A_64, %dma_start3A_65] : memref<8x128xi32, #tpu.memory_space<vmem>> -> memref<1x128xi32, #tpu.memory_space<vmem>>
      %dma_start3A_67 = tpu.memref_squeeze %dma_start3A_66 : memref<1x128xi32, #tpu.memory_space<vmem>> -> memref<128xi32, #tpu.memory_space<vmem>>
      %dma_start3A_68 = arith.constant 0 : i32
      %dma_start3A_69 = tpu.memref_slice %arg9[%dma_start3A_68] : memref<204800xf32, #tpu.memory_space<vmem_shared>> -> memref<204800xf32, #tpu.memory_space<vmem_shared>>
      tpu.enqueue_indirect_dma source(%arg8 : memref<128xf32, #tpu.memory_space<vmem>>) target(%dma_start3A_69 : memref<204800xf32, #tpu.memory_space<vmem_shared>>) offsets(%dma_start3A_67 : memref<128xi32, #tpu.memory_space<vmem>>) semaphore(%arg10 : memref<!tpu.dma_semaphore, #tpu.memory_space<semaphore_mem>>) {add = true}
      %dma_start3A_70 = arith.constant 3 : i32
      %dma_start3A_71 = arith.constant 0 : i32
      %dma_start3A_72 = tpu.memref_slice %arg7[%dma_start3A_70, %dma_start3A_71] : memref<8x128xi32, #tpu.memory_space<vmem>> -> memref<1x128xi32, #tpu.memory_space<vmem>>
      %dma_start3A_73 = tpu.memref_squeeze %dma_start3A_72 : memref<1x128xi32, #tpu.memory_space<vmem>> -> memref<128xi32, #tpu.memory_space<vmem>>
      %dma_start3A_74 = arith.constant 0 : i32
      %dma_start3A_75 = tpu.memref_slice %arg9[%dma_start3A_74] : memref<204800xf32, #tpu.memory_space<vmem_shared>> -> memref<204800xf32, #tpu.memory_space<vmem_shared>>
      tpu.enqueue_indirect_dma source(%arg8 : memref<128xf32, #tpu.memory_space<vmem>>) target(%dma_start3A_75 : memref<204800xf32, #tpu.memory_space<vmem_shared>>) offsets(%dma_start3A_73 : memref<128xi32, #tpu.memory_space<vmem>>) semaphore(%arg10 : memref<!tpu.dma_semaphore, #tpu.memory_space<semaphore_mem>>) {add = true}
      %dma_start3A_76 = arith.constant 4 : i32
      %dma_start3A_77 = arith.constant 0 : i32
      %dma_start3A_78 = tpu.memref_slice %arg7[%dma_start3A_76, %dma_start3A_77] : memref<8x128xi32, #tpu.memory_space<vmem>> -> memref<1x128xi32, #tpu.memory_space<vmem>>
      %dma_start3A_79 = tpu.memref_squeeze %dma_start3A_78 : memref<1x128xi32, #tpu.memory_space<vmem>> -> memref<128xi32, #tpu.memory_space<vmem>>
      %dma_start3A_80 = arith.constant 0 : i32
      %dma_start3A_81 = tpu.memref_slice %arg9[%dma_start3A_80] : memref<204800xf32, #tpu.memory_space<vmem_shared>> -> memref<204800xf32, #tpu.memory_space<vmem_shared>>
      tpu.enqueue_indirect_dma source(%arg8 : memref<128xf32, #tpu.memory_space<vmem>>) target(%dma_start3A_81 : memref<204800xf32, #tpu.memory_space<vmem_shared>>) offsets(%dma_start3A_79 : memref<128xi32, #tpu.memory_space<vmem>>) semaphore(%arg10 : memref<!tpu.dma_semaphore, #tpu.memory_space<semaphore_mem>>) {add = true}
      %dma_start3A_82 = arith.constant 5 : i32
      %dma_start3A_83 = arith.constant 0 : i32
      %dma_start3A_84 = tpu.memref_slice %arg7[%dma_start3A_82, %dma_start3A_83] : memref<8x128xi32, #tpu.memory_space<vmem>> -> memref<1x128xi32, #tpu.memory_space<vmem>>
      %dma_start3A_85 = tpu.memref_squeeze %dma_start3A_84 : memref<1x128xi32, #tpu.memory_space<vmem>> -> memref<128xi32, #tpu.memory_space<vmem>>
      %dma_start3A_86 = arith.constant 0 : i32
      %dma_start3A_87 = tpu.memref_slice %arg9[%dma_start3A_86] : memref<204800xf32, #tpu.memory_space<vmem_shared>> -> memref<204800xf32, #tpu.memory_space<vmem_shared>>
      tpu.enqueue_indirect_dma source(%arg8 : memref<128xf32, #tpu.memory_space<vmem>>) target(%dma_start3A_87 : memref<204800xf32, #tpu.memory_space<vmem_shared>>) offsets(%dma_start3A_85 : memref<128xi32, #tpu.memory_space<vmem>>) semaphore(%arg10 : memref<!tpu.dma_semaphore, #tpu.memory_space<semaphore_mem>>) {add = true}
      %dma_start3A_88 = arith.constant 6 : i32
      %dma_start3A_89 = arith.constant 0 : i32
      %dma_start3A_90 = tpu.memref_slice %arg7[%dma_start3A_88, %dma_start3A_89] : memref<8x128xi32, #tpu.memory_space<vmem>> -> memref<1x128xi32, #tpu.memory_space<vmem>>
      %dma_start3A_91 = tpu.memref_squeeze %dma_start3A_90 : memref<1x128xi32, #tpu.memory_space<vmem>> -> memref<128xi32, #tpu.memory_space<vmem>>
      %dma_start3A_92 = arith.constant 0 : i32
      %dma_start3A_93 = tpu.memref_slice %arg9[%dma_start3A_92] : memref<204800xf32, #tpu.memory_space<vmem_shared>> -> memref<204800xf32, #tpu.memory_space<vmem_shared>>
      tpu.enqueue_indirect_dma source(%arg8 : memref<128xf32, #tpu.memory_space<vmem>>) target(%dma_start3A_93 : memref<204800xf32, #tpu.memory_space<vmem_shared>>) offsets(%dma_start3A_91 : memref<128xi32, #tpu.memory_space<vmem>>) semaphore(%arg10 : memref<!tpu.dma_semaphore, #tpu.memory_space<semaphore_mem>>) {add = true}
      %dma_start3A_94 = arith.constant 7 : i32
      %dma_start3A_95 = arith.constant 0 : i32
      %dma_start3A_96 = tpu.memref_slice %arg7[%dma_start3A_94, %dma_start3A_95] : memref<8x128xi32, #tpu.memory_space<vmem>> -> memref<1x128xi32, #tpu.memory_space<vmem>>
      %dma_start3A_97 = tpu.memref_squeeze %dma_start3A_96 : memref<1x128xi32, #tpu.memory_space<vmem>> -> memref<128xi32, #tpu.memory_space<vmem>>
      %dma_start3A_98 = arith.constant 0 : i32
      %dma_start3A_99 = tpu.memref_slice %arg9[%dma_start3A_98] : memref<204800xf32, #tpu.memory_space<vmem_shared>> -> memref<204800xf32, #tpu.memory_space<vmem_shared>>
      tpu.enqueue_indirect_dma source(%arg8 : memref<128xf32, #tpu.memory_space<vmem>>) target(%dma_start3A_99 : memref<204800xf32, #tpu.memory_space<vmem_shared>>) offsets(%dma_start3A_97 : memref<128xi32, #tpu.memory_space<vmem>>) semaphore(%arg10 : memref<!tpu.dma_semaphore, #tpu.memory_space<semaphore_mem>>) {add = true}
      %dma_wait3A = arith.constant 0 : i32
      %dma_wait3A_100 = arith.constant 0 : i32
      %dma_wait3A_101 = tpu.memref_slice %arg7[%dma_wait3A, %dma_wait3A_100] : memref<8x128xi32, #tpu.memory_space<vmem>> -> memref<1x128xi32, #tpu.memory_space<vmem>>
      %dma_wait3A_102 = tpu.memref_squeeze %dma_wait3A_101 : memref<1x128xi32, #tpu.memory_space<vmem>> -> memref<128xi32, #tpu.memory_space<vmem>>
      %dma_wait3A_103 = arith.constant 0 : i32
      %dma_wait3A_104 = tpu.memref_slice %arg9[%dma_wait3A_103] : memref<204800xf32, #tpu.memory_space<vmem_shared>> -> memref<204800xf32, #tpu.memory_space<vmem_shared>>
      tpu.wait_indirect_dma semaphore(%arg10 : memref<!tpu.dma_semaphore, #tpu.memory_space<semaphore_mem>>) src(%arg8 : memref<128xf32, #tpu.memory_space<vmem>>) dst(%dma_wait3A_104 : memref<204800xf32, #tpu.memory_space<vmem_shared>>)
      %dma_wait3A_105 = arith.constant 1 : i32
      %dma_wait3A_106 = arith.constant 0 : i32
      %dma_wait3A_107 = tpu.memref_slice %arg7[%dma_wait3A_105, %dma_wait3A_106] : memref<8x128xi32, #tpu.memory_space<vmem>> -> memref<1x128xi32, #tpu.memory_space<vmem>>
      %dma_wait3A_108 = tpu.memref_squeeze %dma_wait3A_107 : memref<1x128xi32, #tpu.memory_space<vmem>> -> memref<128xi32, #tpu.memory_space<vmem>>
      %dma_wait3A_109 = arith.constant 0 : i32
      %dma_wait3A_110 = tpu.memref_slice %arg9[%dma_wait3A_109] : memref<204800xf32, #tpu.memory_space<vmem_shared>> -> memref<204800xf32, #tpu.memory_space<vmem_shared>>
      tpu.wait_indirect_dma semaphore(%arg10 : memref<!tpu.dma_semaphore, #tpu.memory_space<semaphore_mem>>) src(%arg8 : memref<128xf32, #tpu.memory_space<vmem>>) dst(%dma_wait3A_110 : memref<204800xf32, #tpu.memory_space<vmem_shared>>)
      %dma_wait3A_111 = arith.constant 2 : i32
      %dma_wait3A_112 = arith.constant 0 : i32
      %dma_wait3A_113 = tpu.memref_slice %arg7[%dma_wait3A_111, %dma_wait3A_112] : memref<8x128xi32, #tpu.memory_space<vmem>> -> memref<1x128xi32, #tpu.memory_space<vmem>>
      %dma_wait3A_114 = tpu.memref_squeeze %dma_wait3A_113 : memref<1x128xi32, #tpu.memory_space<vmem>> -> memref<128xi32, #tpu.memory_space<vmem>>
      %dma_wait3A_115 = arith.constant 0 : i32
      %dma_wait3A_116 = tpu.memref_slice %arg9[%dma_wait3A_115] : memref<204800xf32, #tpu.memory_space<vmem_shared>> -> memref<204800xf32, #tpu.memory_space<vmem_shared>>
      tpu.wait_indirect_dma semaphore(%arg10 : memref<!tpu.dma_semaphore, #tpu.memory_space<semaphore_mem>>) src(%arg8 : memref<128xf32, #tpu.memory_space<vmem>>) dst(%dma_wait3A_116 : memref<204800xf32, #tpu.memory_space<vmem_shared>>)
      %dma_wait3A_117 = arith.constant 3 : i32
      %dma_wait3A_118 = arith.constant 0 : i32
      %dma_wait3A_119 = tpu.memref_slice %arg7[%dma_wait3A_117, %dma_wait3A_118] : memref<8x128xi32, #tpu.memory_space<vmem>> -> memref<1x128xi32, #tpu.memory_space<vmem>>
      %dma_wait3A_120 = tpu.memref_squeeze %dma_wait3A_119 : memref<1x128xi32, #tpu.memory_space<vmem>> -> memref<128xi32, #tpu.memory_space<vmem>>
      %dma_wait3A_121 = arith.constant 0 : i32
      %dma_wait3A_122 = tpu.memref_slice %arg9[%dma_wait3A_121] : memref<204800xf32, #tpu.memory_space<vmem_shared>> -> memref<204800xf32, #tpu.memory_space<vmem_shared>>
      tpu.wait_indirect_dma semaphore(%arg10 : memref<!tpu.dma_semaphore, #tpu.memory_space<semaphore_mem>>) src(%arg8 : memref<128xf32, #tpu.memory_space<vmem>>) dst(%dma_wait3A_122 : memref<204800xf32, #tpu.memory_space<vmem_shared>>)
      %dma_wait3A_123 = arith.constant 4 : i32
      %dma_wait3A_124 = arith.constant 0 : i32
      %dma_wait3A_125 = tpu.memref_slice %arg7[%dma_wait3A_123, %dma_wait3A_124] : memref<8x128xi32, #tpu.memory_space<vmem>> -> memref<1x128xi32, #tpu.memory_space<vmem>>
      %dma_wait3A_126 = tpu.memref_squeeze %dma_wait3A_125 : memref<1x128xi32, #tpu.memory_space<vmem>> -> memref<128xi32, #tpu.memory_space<vmem>>
      %dma_wait3A_127 = arith.constant 0 : i32
      %dma_wait3A_128 = tpu.memref_slice %arg9[%dma_wait3A_127] : memref<204800xf32, #tpu.memory_space<vmem_shared>> -> memref<204800xf32, #tpu.memory_space<vmem_shared>>
      tpu.wait_indirect_dma semaphore(%arg10 : memref<!tpu.dma_semaphore, #tpu.memory_space<semaphore_mem>>) src(%arg8 : memref<128xf32, #tpu.memory_space<vmem>>) dst(%dma_wait3A_128 : memref<204800xf32, #tpu.memory_space<vmem_shared>>)
      %dma_wait3A_129 = arith.constant 5 : i32
      %dma_wait3A_130 = arith.constant 0 : i32
      %dma_wait3A_131 = tpu.memref_slice %arg7[%dma_wait3A_129, %dma_wait3A_130] : memref<8x128xi32, #tpu.memory_space<vmem>> -> memref<1x128xi32, #tpu.memory_space<vmem>>
      %dma_wait3A_132 = tpu.memref_squeeze %dma_wait3A_131 : memref<1x128xi32, #tpu.memory_space<vmem>> -> memref<128xi32, #tpu.memory_space<vmem>>
      %dma_wait3A_133 = arith.constant 0 : i32
      %dma_wait3A_134 = tpu.memref_slice %arg9[%dma_wait3A_133] : memref<204800xf32, #tpu.memory_space<vmem_shared>> -> memref<204800xf32, #tpu.memory_space<vmem_shared>>
      tpu.wait_indirect_dma semaphore(%arg10 : memref<!tpu.dma_semaphore, #tpu.memory_space<semaphore_mem>>) src(%arg8 : memref<128xf32, #tpu.memory_space<vmem>>) dst(%dma_wait3A_134 : memref<204800xf32, #tpu.memory_space<vmem_shared>>)
      %dma_wait3A_135 = arith.constant 6 : i32
      %dma_wait3A_136 = arith.constant 0 : i32
      %dma_wait3A_137 = tpu.memref_slice %arg7[%dma_wait3A_135, %dma_wait3A_136] : memref<8x128xi32, #tpu.memory_space<vmem>> -> memref<1x128xi32, #tpu.memory_space<vmem>>
      %dma_wait3A_138 = tpu.memref_squeeze %dma_wait3A_137 : memref<1x128xi32, #tpu.memory_space<vmem>> -> memref<128xi32, #tpu.memory_space<vmem>>
      %dma_wait3A_139 = arith.constant 0 : i32
      %dma_wait3A_140 = tpu.memref_slice %arg9[%dma_wait3A_139] : memref<204800xf32, #tpu.memory_space<vmem_shared>> -> memref<204800xf32, #tpu.memory_space<vmem_shared>>
      tpu.wait_indirect_dma semaphore(%arg10 : memref<!tpu.dma_semaphore, #tpu.memory_space<semaphore_mem>>) src(%arg8 : memref<128xf32, #tpu.memory_space<vmem>>) dst(%dma_wait3A_140 : memref<204800xf32, #tpu.memory_space<vmem_shared>>)
      %dma_wait3A_141 = arith.constant 7 : i32
      %dma_wait3A_142 = arith.constant 0 : i32
      %dma_wait3A_143 = tpu.memref_slice %arg7[%dma_wait3A_141, %dma_wait3A_142] : memref<8x128xi32, #tpu.memory_space<vmem>> -> memref<1x128xi32, #tpu.memory_space<vmem>>
      %dma_wait3A_144 = tpu.memref_squeeze %dma_wait3A_143 : memref<1x128xi32, #tpu.memory_space<vmem>> -> memref<128xi32, #tpu.memory_space<vmem>>
      %dma_wait3A_145 = arith.constant 0 : i32
      %dma_wait3A_146 = tpu.memref_slice %arg9[%dma_wait3A_145] : memref<204800xf32, #tpu.memory_space<vmem_shared>> -> memref<204800xf32, #tpu.memory_space<vmem_shared>>
      tpu.wait_indirect_dma semaphore(%arg10 : memref<!tpu.dma_semaphore, #tpu.memory_space<semaphore_mem>>) src(%arg8 : memref<128xf32, #tpu.memory_space<vmem>>) dst(%dma_wait3A_146 : memref<204800xf32, #tpu.memory_space<vmem_shared>>)
      %scan3A_147 = arith.constant 0 : i32
      scf.yield %scan3A_147 : i32
    }
    %scan3A_38 = arith.constant 20 : i32
    %barrier3A_39 = arith.constant 0 : index
    tpu.barrier barrier_id(%barrier3A_39)
    %mul3A_40 = arith.constant 12800 : i32
    %mul3A_41 = arith.muli %arg1, %mul3A_40 : i32
    %mul3A_42 = arith.constant 12800 : i32
    %mul3A_43 = arith.muli %arg1, %mul3A_42 : i32
    "tpu.region"() ({
      %run_scoped3A = tpu.sem_alloc : memref<!tpu.dma_semaphore, #tpu.memory_space<semaphore_mem>>
      %dma_start3A = tpu.memref_slice %arg5[%mul3A_43] : memref<204800xf32, #tpu.memory_space<hbm>> -> memref<12800xf32, #tpu.memory_space<hbm>>
      %dma_start3A_44 = tpu.memref_slice %arg9[%mul3A_41] : memref<204800xf32, #tpu.memory_space<vmem_shared>> -> memref<12800xf32, #tpu.memory_space<vmem_shared>>
      tpu.enqueue_dma source(%dma_start3A_44 : memref<12800xf32, #tpu.memory_space<vmem_shared>>) target(%dma_start3A : memref<12800xf32, #tpu.memory_space<hbm>>) target_semaphore(%run_scoped3A : memref<!tpu.dma_semaphore, #tpu.memory_space<semaphore_mem>>)
      %dma_wait3A = tpu.memref_slice %arg5[%mul3A_43] : memref<204800xf32, #tpu.memory_space<hbm>> -> memref<12800xf32, #tpu.memory_space<hbm>>
      %dma_wait3A_45 = tpu.memref_slice %arg9[%mul3A_41] : memref<204800xf32, #tpu.memory_space<vmem_shared>> -> memref<12800xf32, #tpu.memory_space<vmem_shared>>
      tpu.wait_dma2 semaphore(%run_scoped3A : memref<!tpu.dma_semaphore, #tpu.memory_space<semaphore_mem>>) src(%dma_wait3A_45 : memref<12800xf32, #tpu.memory_space<vmem_shared>>) dst(%dma_wait3A : memref<12800xf32, #tpu.memory_space<hbm>>)
      tpu.yield
    }) : () -> ()
    return
  }
}

module attributes {stable_mosaic.version = 14 : i64} {
  func.func @_wr_body(%arg0: memref<20x10xf32, #tpu.memory_space<vmem>>, %arg1: memref<10x16384xf32, #tpu.memory_space<vmem>>, %arg2: memref<20x16384xf32, #tpu.memory_space<vmem>>) attributes {dimension_semantics = [], scalar_prefetch = 0 : i64, scratch_operands = 0 : i64, tpu.core_type = #tpu.core_type<tc>} {
    %get3A = arith.constant 0 : index
    %get3A_0 = arith.constant 0 : index
    %get3A_1 = vector.load %arg0[%get3A, %get3A_0] : memref<20x10xf32, #tpu.memory_space<vmem>>, vector<20x10xf32>
    %get3A_2 = arith.constant 0 : index
    %get3A_3 = arith.constant 0 : index
    %get3A_4 = vector.load %arg1[%get3A_2, %get3A_3] : memref<10x16384xf32, #tpu.memory_space<vmem>>, vector<10x16384xf32>
    %dot_general3A = arith.constant dense<0.000000e+00> : vector<20x16384xf32>
    %dot_general3A_5 = tpu.matmul %get3A_1, %get3A_4, %dot_general3A {dimension_numbers = #tpu.dot_dimension_numbers<[1], [0], [0], [1], [0, 0, 1, 1], [], []>, transpose_lhs_hint = false} : vector<20x10xf32>, vector<10x16384xf32>, vector<20x16384xf32> -> vector<20x16384xf32>
    %swap3A = arith.constant 0 : index
    %swap3A_6 = arith.constant 0 : index
    %swap3A_7 = vector.load %arg2[%swap3A, %swap3A_6] : memref<20x16384xf32, #tpu.memory_space<vmem>>, vector<20x16384xf32>
    tpu.vector_store %arg2[%swap3A, %swap3A_6], %dot_general3A_5 {strides = array<i32>} : memref<20x16384xf32, #tpu.memory_space<vmem>>, vector<20x16384xf32>,
    return
  }
}

module attributes {stable_mosaic.version = 14 : i64} {
  func.func @_inv_body(%arg0: memref<1600x128xf32, #tpu.memory_space<vmem>>, %arg1: memref<1600x128xf32, #tpu.memory_space<vmem>>) attributes {dimension_semantics = [], scalar_prefetch = 0 : i64, scratch_operands = 0 : i64, tpu.core_type = #tpu.core_type<tc>} {
    %get3A = arith.constant 0 : index
    %get3A_0 = arith.constant 0 : index
    %get3A_1 = vector.load %arg0[%get3A, %get3A_0] : memref<1600x128xf32, #tpu.memory_space<vmem>>, vector<1600x128xf32>
    %max3A = arith.constant 1.000000e+00 : f32
    %max3A_2 = vector.broadcast %max3A : f32 to vector<1600x128xf32>
    %max3A_3 = arith.maximumf %get3A_1, %max3A_2 : vector<1600x128xf32>
    %div3A = arith.constant 1.000000e+00 : f32
    %div3A_4 = vector.broadcast %div3A : f32 to vector<1600x128xf32>
    %div3A_5 = arith.divf %div3A_4, %max3A_3 : vector<1600x128xf32>
    %swap3A = arith.constant 0 : index
    %swap3A_6 = arith.constant 0 : index
    %swap3A_7 = vector.load %arg1[%swap3A, %swap3A_6] : memref<1600x128xf32, #tpu.memory_space<vmem>>, vector<1600x128xf32>
    tpu.vector_store %arg1[%swap3A, %swap3A_6], %div3A_5 {strides = array<i32>} : memref<1600x128xf32, #tpu.memory_space<vmem>>, vector<1600x128xf32>,
    return
  }
}

module attributes {stable_mosaic.version = 14 : i64} {
  func.func @_y_body(%arg0: i32, %arg1: i32, %arg2: memref<1000x128xf32, #tpu.memory_space<vmem>>, %arg3: memref<1x128x128xf32, #tpu.memory_space<vmem>>, %arg4: memref<1x1000x128xf32, #tpu.memory_space<vmem>>) attributes {dimension_semantics = [#tpu.dimension_semantics<arbitrary>, #tpu.dimension_semantics<arbitrary>], iteration_bounds = array<i64: 10, 21>, scalar_prefetch = 0 : i64, scratch_operands = 0 : i64, tpu.core_type = #tpu.core_type<tc>, window_params = [{transform_indices = @transform_0, window_bounds = array<i64: 1000, 128>}, {transform_indices = @transform_1, window_bounds = array<i64: 1, 128, 128>}, {transform_indices = @transform_2, window_bounds = array<i64: 1, 1000, 128>}]} {
    %get3A = arith.constant 0 : index
    %get3A_0 = arith.constant 0 : index
    %get3A_1 = vector.load %arg2[%get3A, %get3A_0] : memref<1000x128xf32, #tpu.memory_space<vmem>>, vector<1000x128xf32>
    %get3A_2 = arith.constant 0 : index
    %get3A_3 = arith.constant 0 : index
    %get3A_4 = arith.constant 0 : index
    %get3A_5 = vector.load %arg3[%get3A_2, %get3A_3, %get3A_4] : memref<1x128x128xf32, #tpu.memory_space<vmem>>, vector<1x128x128xf32>
    %get3A_6 = vector.shape_cast %get3A_5 : vector<1x128x128xf32> to vector<128x128xf32>
    %dot_general3A = arith.constant dense<0.000000e+00> : vector<1000x128xf32>
    %dot_general3A_7 = tpu.matmul %get3A_1, %get3A_6, %dot_general3A {dimension_numbers = #tpu.dot_dimension_numbers<[1], [0], [0], [1], [0, 0, 1, 1], [], []>, transpose_lhs_hint = false} : vector<1000x128xf32>, vector<128x128xf32>, vector<1000x128xf32> -> vector<1000x128xf32>
    %swap3A = arith.constant 0 : index
    %swap3A_8 = arith.constant 0 : index
    %swap3A_9 = arith.constant 0 : index
    %swap3A_10 = vector.load %arg4[%swap3A, %swap3A_8, %swap3A_9] : memref<1x1000x128xf32, #tpu.memory_space<vmem>>, vector<1x1000x128xf32>
    %swap3A_11 = vector.shape_cast %swap3A_10 : vector<1x1000x128xf32> to vector<1000x128xf32>
    %swap3A_12 = vector.shape_cast %dot_general3A_7 : vector<1000x128xf32> to vector<1x1000x128xf32>
    tpu.vector_store %arg4[%swap3A, %swap3A_8, %swap3A_9], %swap3A_12 {strides = array<i32>} : memref<1x1000x128xf32, #tpu.memory_space<vmem>>, vector<1x1000x128xf32>,
    return
  }
  func.func @transform_0(%arg0: i32, %arg1: i32) -> (i32, i32) {
    %c0_i32 = arith.constant 0 : i32
    %c0_i32_0 = arith.constant 0 : i32
    return %arg0, %c0_i32 : i32, i32
  }
  func.func @transform_1(%arg0: i32, %arg1: i32) -> (i32, i32, i32) {
    %c0_i32 = arith.constant 0 : i32
    %c0_i32_0 = arith.constant 0 : i32
    %c0_i32_1 = arith.constant 0 : i32
    return %arg1, %c0_i32, %c0_i32_0 : i32, i32, i32
  }
  func.func @transform_2(%arg0: i32, %arg1: i32) -> (i32, i32, i32) {
    %c0_i32 = arith.constant 0 : i32
    %c0_i32_0 = arith.constant 0 : i32
    return %arg1, %arg0, %c0_i32 : i32, i32, i32
  }
}

module attributes {stable_mosaic.version = 14 : i64} {
  func.func @_final_body(%arg0: i32, %arg1: memref<400x128xf32, #tpu.memory_space<vmem>>, %arg2: memref<400x128xf32, #tpu.memory_space<vmem>>, %arg3: memref<1x128xf32, #tpu.memory_space<vmem>>, %arg4: memref<400x128xf32, #tpu.memory_space<vmem>>) attributes {dimension_semantics = [#tpu.dimension_semantics<arbitrary>], iteration_bounds = array<i64: 25>, scalar_prefetch = 0 : i64, scratch_operands = 0 : i64, tpu.core_type = #tpu.core_type<tc>, window_params = [{transform_indices = @transform_0, window_bounds = array<i64: 400, 128>}, {transform_indices = @transform_1, window_bounds = array<i64: 400, 128>}, {pipeline_mode = #tpu.pipeline_mode<synchronous>, transform_indices = @transform_2, window_bounds = array<i64: 1, 128>}, {transform_indices = @transform_3, window_bounds = array<i64: 400, 128>}]} {
    %get3A = arith.constant 0 : index
    %get3A_0 = arith.constant 0 : index
    %get3A_1 = vector.load %arg1[%get3A, %get3A_0] : memref<400x128xf32, #tpu.memory_space<vmem>>, vector<400x128xf32>
    %get3A_2 = arith.constant 0 : index
    %get3A_3 = arith.constant 0 : index
    %get3A_4 = vector.load %arg2[%get3A_2, %get3A_3] : memref<400x128xf32, #tpu.memory_space<vmem>>, vector<400x128xf32>
    %add3A = arith.addf %get3A_1, %get3A_4 : vector<400x128xf32>
    %get3A_5 = arith.constant 0 : index
    %get3A_6 = arith.constant 0 : index
    %get3A_7 = vector.load %arg3[%get3A_5, %get3A_6] : memref<1x128xf32, #tpu.memory_space<vmem>>, vector<1x128xf32>
    %add3A_8 = vector.broadcast %get3A_7 : vector<1x128xf32> to vector<400x128xf32>
    %add3A_9 = arith.addf %add3A, %add3A_8 : vector<400x128xf32>
    %swap3A = arith.constant 0 : index
    %swap3A_10 = arith.constant 0 : index
    %swap3A_11 = vector.load %arg4[%swap3A, %swap3A_10] : memref<400x128xf32, #tpu.memory_space<vmem>>, vector<400x128xf32>
    tpu.vector_store %arg4[%swap3A, %swap3A_10], %add3A_9 {strides = array<i32>} : memref<400x128xf32, #tpu.memory_space<vmem>>, vector<400x128xf32>,
    return
  }
  func.func @transform_0(%arg0: i32) -> (i32, i32) {
    %c0_i32 = arith.constant 0 : i32
    %c0_i32_0 = arith.constant 0 : i32
    return %arg0, %c0_i32 : i32, i32
  }
  func.func @transform_1(%arg0: i32) -> (i32, i32) {
    %c0_i32 = arith.constant 0 : i32
    %c0_i32_0 = arith.constant 0 : i32
    return %arg0, %c0_i32 : i32, i32
  }
  func.func @transform_2(%arg0: i32) -> (i32, i32) {
    %c0_i32 = arith.constant 0 : i32
    %c0_i32_0 = arith.constant 0 : i32
    %c0_i32_1 = arith.constant 0 : i32
    return %c0_i32, %c0_i32_0 : i32, i32
  }
  func.func @transform_3(%arg0: i32) -> (i32, i32) {
    %c0_i32 = arith.constant 0 : i32
    %c0_i32_0 = arith.constant 0 : i32
    return %arg0, %c0_i32 : i32, i32
  }
}

</mosaic_0001>

<sc_bundles>
// kernel: kernel.11.cloned.1.call-start
scs
__scs_entry_jumppad:
0x0: {  	(pc) =	sbr.rel $0x88, $3  }
0x1: {  	(tag) =	ssettag $0x0;
	lr =	simm.s32 $0x1  }
0x2: {  	[smem:$0x3F9A] =	sst lr;
	_ =	strace $0xD0000000  }
0x3: {  	_ = 	snop  }
0x4: {  	_ = 	snop  }
0x5: {  	_ = 	snop  }
0x6: {  	_ = 	snop  }
0x7: {  	_ = 	snop  }
__scs_overlays_trampoline_lowered:
0x8: {  	[smem:$0x3FA9] =	sst s0  }
0x9: {  	[smem:$0x3FAA] =	sst s1  }
0xa: {  	[smem:$0x3FAB] =	sst s2  }
0xb: {  	[smem:$0x3FAC] =	sst s3  }
0xc: {  	[smem:$0x3FAD] =	sst s4  }
0xd: {  	[smem:$0x3FAE] =	sst s5  }
0xe: {  	[smem:$0x3FAF] =	sst s6  }
0xf: {  	[smem:$0x3FB0] =	sst s7  }
0x10: {  	[smem:$0x3FB1] =	sst s8  }
0x11: {  	[smem:$0x3FB2] =	sst s9;
	s0 =	simm.s32 @!p0 $0x0  }
0x12: {  	s1 =	sld [smem:$0x3F98];
	s0 =	simm.s32 @p0 $0x1  }
0x13: {  	[smem:$0x3FB3] =	sst s0;
	s0 =	simm.s32 @!p1 $0x0  }
0x14: {  	s2 =	sld [smem:$0x3F97];
	s0 =	simm.s32 @p1 $0x1  }
0x15: {  	[smem:$0x3FB4] =	sst s0;
	s0 =	simm.s32 @!p2 $0x0  }
0x16: {  	s3 =	sld [smem:$0x3FDB];
	s0 =	simm.s32 @p2 $0x1  }
0x17: {  	s4 =	simm.s32 $0x1BF5;
	[smem:$0x3FB6] =	sst s0  }
0x18: {  	s0 =	sld [smem:$0x3F99];
	_ =	swait.ge [sflag:s4], $0x0  }
0x19: {  	s7 =	sld [smem:$0x3F9A]  }
0x1a: {  	s8 =	sadd.s32 $0xFFFFE003, lr  }
0x1b: {  	s9 =	sadd.s32 $0xFFFFFEF7, lr;
	s5 =	simm.s32 $0xFFFFFFFF;
	p2 =	slt.u32 s8, $0xFFFFF086  }
0x1c: {  	p1 =	slt.u32 s9, $0xF7A;
	s5 =	simm.s32 @!p2 $0x0  }
0x1d: {  	s5 =	simm.s32 @p1 $0x1;
	p0 =	seq.s32 s7, s2  }
0x1e: {  	s7 =	smul.u32 @!p0 $0xF7A, s2;
	p2 =	seq.s32 @!p0 s5, $0x0  }
0x1f: {  	s9 =	smul.u32 $0xF7A, s1;
	s8 =	simm.s32 @!p0 $0x1BF5;
	p2 =	por !p2, p0  }
0x20: {  	[sflag:s8] =	ssyncset.s32 @!p0 $0xFFFFF086;
	s6 =	sadd.s32 @!p0 s3, s7;
	s7 =	simm.s32 @!p0 $0x108  }
0x21: {  	s3 =	sadd.s32 s3, s9;
	s6 =	sadd.s32 @!p0 $0x88, s6;
	s7 =	simm.s32 @p2 $0x1082  }
0x22: {  	[simem:s7], [sflag:s8] =	dma.local @!p0 [hbm:s6], $0xF7A  }
0x23: {  	s9 =	sor.u32 $0xD0000000, s2;
	s6 =	simm.s32 $0x108;
	_ =	swait.ge @!p0 [sflag:s8], $0x0  }
0x24: {  	s3 =	sadd.s32 $0x88, s3;
	s6 =	simm.s32 @!p1 $0x1082;
	[sflag:s4] =	ssyncset.s32 $0xFFFFF086  }
0x25: {  	[simem:s6], [sflag:s4] =	dma.local [hbm:s3], $0xF7A  }
0x26: {  	[smem:$0x3F9A] =	sst s1;
	(tag) =	ssettag s2;
	_ =	strace s9  }
0x27: {  	s1 =	sld [smem:$0x3FAA]  }
0x28: {  	s2 =	sld [smem:$0x3FAB]  }
0x29: {  	s4 =	sld [smem:$0x3FAD]  }
0x2a: {  	p0 =	seq.s32 s5, $0x0;
	s5 =	sld [smem:$0x3FAE]  }
0x2b: {  	s6 =	sld [smem:$0x3FAF]  }
0x2c: {  	s7 =	sld [smem:$0x3FB0]  }
0x2d: {  	s3 =	simm.s32 $0x108;
	s8 =	sld [smem:$0x3FB1]  }
0x2e: {  	s3 =	simm.s32 @!p0 $0x1082;
	s9 =	sld [smem:$0x3FB2]  }
0x2f: {  	lr =	sadd.s32 s0, s3;
	s0 =	sld [smem:$0x3FA9]  }
0x30: {  	s3 =	sld [smem:$0x3FAC]  }
0x31: {  	[smem:$0x3FB5] =	sst s10  }
0x32: {  	s10 =	sld [smem:$0x3FB3];
	_ =	sdelay $0x3  }
0x33: {  	p0 =	seq.s32 s10, $0x1;
	s10 =	sld [smem:$0x3FB5];
	_ =	sdelay $0x3  }
0x34: {  	[smem:$0x3FB5] =	sst s10  }
0x35: {  	s10 =	sld [smem:$0x3FB4];
	_ =	sdelay $0x3  }
0x36: {  	p1 =	seq.s32 s10, $0x1;
	s10 =	sld [smem:$0x3FB5];
	_ =	sdelay $0x3  }
0x37: {  	[smem:$0x3FB5] =	sst s10  }
0x38: {  	s10 =	sld [smem:$0x3FB6]  }
0x39: {  	_ = 	snop;
	(pc) =	sbr.ind lr, $3  }
0x3a: {  	_ = 	snop  }
0x3b: {  	_ = 	snop  }
0x3c: {  	p2 =	seq.s32 s10, $0x1;
	s10 =	sld [smem:$0x3FB5]  }
0x3d: {  	_ =	shalt  }
0x3e: {  	_ =	shalt  }
0x3f: {  	_ =	shalt  }
0x40: {  	_ =	shalt  }
0x41: {  	_ =	shalt  }
0x42: {  	_ =	shalt  }
0x43: {  	_ =	shalt  }
0x44: {  	_ =	shalt  }
0x45: {  	_ =	shalt  }
0x46: {  	_ =	shalt  }
0x47: {  	_ =	shalt  }
0x48: {  	_ =	shalt  }
0x49: {  	_ =	shalt  }
0x4a: {  	_ =	shalt  }
0x4b: {  	_ =	shalt  }
0x4c: {  	_ =	shalt  }
0x4d: {  	_ =	shalt  }
0x4e: {  	_ =	shalt  }
0x4f: {  	_ =	shalt  }
0x50: {  	_ =	shalt  }
0x51: {  	_ =	shalt  }
0x52: {  	_ =	shalt  }
0x53: {  	_ =	shalt  }
0x54: {  	_ =	shalt  }
0x55: {  	_ =	shalt  }
0x56: {  	_ =	shalt  }
0x57: {  	_ =	shalt  }
0x58: {  	_ =	shalt  }
0x59: {  	_ =	shalt  }
0x5a: {  	_ =	shalt  }
0x5b: {  	_ =	shalt  }
0x5c: {  	_ =	shalt  }
0x5d: {  	_ =	shalt  }
0x5e: {  	_ =	shalt  }
0x5f: {  	_ =	shalt  }
0x60: {  	_ =	shalt  }
0x61: {  	_ =	shalt  }
0x62: {  	_ =	shalt  }
0x63: {  	_ =	shalt  }
0x64: {  	_ =	shalt  }
0x65: {  	_ =	shalt  }
0x66: {  	_ =	shalt  }
0x67: {  	_ =	shalt  }
0x68: {  	_ =	shalt  }
0x69: {  	_ =	shalt  }
0x6a: {  	_ =	shalt  }
0x6b: {  	_ =	shalt  }
0x6c: {  	_ =	shalt  }
0x6d: {  	_ =	shalt  }
0x6e: {  	_ =	shalt  }
0x6f: {  	_ =	shalt  }
0x70: {  	_ =	shalt  }
0x71: {  	_ =	shalt  }
0x72: {  	_ =	shalt  }
0x73: {  	_ =	shalt  }
0x74: {  	_ =	shalt  }
0x75: {  	_ =	shalt  }
0x76: {  	_ =	shalt  }
0x77: {  	_ =	shalt  }
0x78: {  	_ =	shalt  }
0x79: {  	_ =	shalt  }
0x7a: {  	_ =	shalt  }
0x7b: {  	_ =	shalt  }
0x7c: {  	_ =	shalt  }
0x7d: {  	_ =	shalt  }
0x7e: {  	_ =	shalt  }
0x7f: {  	_ =	shalt  }
0x80: {  	_ =	shalt  }
0x81: {  	_ =	shalt  }
0x82: {  	_ =	shalt  }
0x83: {  	_ =	shalt  }
0x84: {  	_ =	shalt  }
0x85: {  	_ =	shalt  }
0x86: {  	_ =	shalt  }
0x87: {  	_ =	shalt  }
.Lfunc_end0:
.L_simem_size_0:
called_computation.1_lowered:
.L_overlay_start_0:
0x88: {  	s0 =	sld [smem:$0x3FD9]  }
0x89: {  	s1 =	sld [smem:$0x3FFE];
	_ =	sdelay $0x3  }
0x8a: {  	s0 =	sadd.s32 s1, s0  }
0x8b: {  	[smem:$0x3FC1] =	sst s0  }
0x8c: {  	_ = 	snop  }
0x8d: {  	s0 =	sld [smem:$0x3FD0];
	(tm) =	ssettm $0x1  }
0x8e: {  	s16 =	sld [smem:$0x3FFB];
	_ =	sdelay $0x3  }
0x8f: {  	_ =	strace s16  }
0x90: {  	s1 =	sld [smem:$0x3FFC];
	_ =	sdelay $0x3  }
0x91: {  	_ =	strace s1  }
0x92: {  	s1 =	sld [smem:$0x3FFD];
	_ =	sdelay $0x3  }
0x93: {  	_ =	strace s1  }
0x94: {  	_ =	strace $0x8FFFFFFF  }
0x95: {  	s17 =	sld [smem:$0x3FDB];
	_ =	sdelay $0x1  }
0x96: {  	s2 =	simm.s32 $_scs_section_size  }
0x97: {  	s3 =	simm.s32 $_size__tile_overlayer_lowered;
	s4 =	simm.s32 $_tile_overlayer_lowered  }
0x98: {  	s20 =	simm.s32 $0x1BFF;
	s19 =	sshll.u32 s4, $0x1;
	s1 =	sadd.s32 s2, s17  }
0x99: {  	s5 =	simm.s32 $0x0;
	s18 =	sshll.u32 s3, $0x1;
	s3 =	sadd.s32 s19, s1  }
0x9a: {  	[timem:s5], [sflag:s20] =	dma.local [hbm:s3], s18  }
0x9b: {  	_ =	swait.ge [sflag:s20], s18  }
0x9c: {  	s2 =	ssub.s32 $0x0, s18;
	[sflag:s20] =	ssyncset.done $0x0  }
0x9d: {  	[sflag:s20] =	ssyncadd.s32 s2;
	_ =	sdelay $0x1  }
0x9e: {  	s21 =	simm.s32 $0x1B8B  }
0x9f: {  	_ =	swait.ge [sflag:s21], $0x1  }
0xa0: {  	[sflag:s21] =	ssyncset.done $0x0  }
0xa1: {  	s23 =	simm.s32 $0x1B8E;
	s22 =	sld [smem:$0x3FFE];
	[sflag:s21] =	ssyncadd.s32 $0xFFFFFFFF  }
0xa2: {  	s24 =	simm.s32 $execute0_lowered;
	[smem:$0x3FD2] =	sst s23  }
0xa3: {  	s3 =	sshll.u32 s24, $0x1;
	_ =	strace $0x80000049;
	[dreg:$0x1] =	wrdreg $0xFFFFFFFF  }
0xa4: {  	s25 =	simm.s32 $_size_execute0_lowered;
	s1 =	sadd.s32 s1, s3;
	[dreg:$0x0] =	wrdreg $0x0  }
0xa5: {  	s3 =	sshll.u32 s25, $0x1;
	[dreg:$0x2] =	wrdreg s1  }
0xa6: {  	[dreg:$0x3] =	wrdreg s3  }
0xa7: {  	[dreg:$0x4] =	wrdreg $0xC0  }
0xa8: {  	_ =	task [dreg:s5], $0x5FFFF  }
0xa9: {  	[dreg:$0x1] =	wrdreg $0xFFFFFFFF  }
0xaa: {  	[dreg:$0x0] =	wrdreg $0x60  }
0xab: {  	[dreg:$0x2] =	wrdreg s0  }
0xac: {  	[dreg:$0x3] =	wrdreg s22  }
0xad: {  	[dreg:$0x4] =	wrdreg $0x8D000  }
0xae: {  	[dreg:$0x5] =	wrdreg $0x9  }
0xaf: {  	_ =	task.clear_ibuf [dreg:s5], $0x6FFFF;
	_ =	strace $0x90000049  }
0xb0: {  	s26 =	simm.s32 $0x9;
	_ =	strace $0x8000004B  }
0xb1: {  	_ =	swait.ge [sflag:s26], $0x1  }
0xb2: {  	[sflag:s26] =	ssyncadd.s32 $0xFFFFFFFF  }
0xb3: {  	_ =	strace $0x9000004B  }
0xb4: {  	_ =	sfence  }
0xb5: {  	s28 =	sld [smem:$0x0];
	_ =	sdelay $0x1  }
0xb6: {  	s29 =	srdreg.scid  }
0xb7: {  	s30 =	sshll.u32 s29, $0xD;
	s31 =	sshrl.u32 s29, $0x2  }
0xb8: {  	s2 =	sand.u32 $0x4000, s30;
	s1 =	sand.u32 $0x1, s29;
	s0 =	sadd.s32 s31, s28  }
0xb9: {  	s1 =	sor.u32 s2, s1;
	s0 =	sshll.u32 s0, $0x11  }
0xba: {  	s0 =	sor.u32 s0, s1  }
0xbb: {  	s0 =	sadd.s32 $0x8F2B, s0  }
0xbc: {  	[sflag:s0] =	ssyncadd.remote.s32 $0x1  }
0xbd: {  	_ =	sfence.sel $0xFFFF  }
0xbe: {  	[dreg:$0x0] =	wrdreg $0xFFFFFFFF;
	(pc) =	sbr.abs _section_cstart, $3  }
0xbf: {  	[dreg:$0x1] =	wrdreg $0xFFFFFFFF  }
0xc0: {  	_ =	task.clear_ibuf [dreg:s5], $0x2FFFF;
	_ =	strace $0x9FFFFFFF  }
0xc1: {  	(tm) =	ssettm $0x7FFFFFFF  }
tec
execute0_lowered:
.L_overlay_start_1:
0x0: {  	(tag) =	ssettag $0x1  }
0x1: {  	s0 =	rddreg [dreg:$0x1]  }
0x2: {  	s3 =	rddreg [dreg:$0x2]  }
0x3: {  	s6 =	stileid.u32;
	s4 =	simm.s32 $0x0;
	s8 =	simm.s32 $0x7  }
0x4: {  	s15 =	simm.s32 $0x400;
	s16 =	simm.s32 $0x800;
	s17 =	simm.s32 $0x80  }
0x5: {  	s18 =	simm.s32 $0xC00;
	s19 =	simm.s32 $0x8C00;
	s20 =	simm.s32 $0x4C00  }
0x6: {  	s22 =	simm.s32 $0x8C80;
	s23 =	simm.s32 $0x1;
	s24 =	simm.s32 $0x3  }
0x7: {  	s25 =	simm.s32 $0x5;
	s29 =	simm.s32 $0x2;
	s30 =	simm.s32 $0x4  }
0x8: {  	s7 =	simm.s32 $0xB00;
	s21 =	simm.s32 $0x0;
	s1 =	smul.u32 $0x50000, s6  }
0x9: {  	[smem:$0x7FF] =	sst s4;
	s2 =	smul.u32 $0x2800, s6;
	s5 =	sshll.u32 s6, $0x6  }
0xa: {  	s9 =	sadd.s32 $0xB800, s0;
	_ =	strace $0x8000004A;
	s1 =	sshrl.u32 s1, $0x2  }
0xb: {  	s5 =	sor.u32 $0x1C07, s5;
	[dreg:$0x4] =	wrdreg s2;
	s1 =	sadd.s32 s1, s3  }
0xc: {  	s2 =	sadd.s32 s2, s0;
	[dreg:$0x5] =	wrdreg s5;
	s1 =	sshrl.u32 s1, $0x3  }
0xd: {  	s10 =	sadd.s32 $0x1800, s0;
	s2 =	sadd.s32 $0x356600, s2;
	[dreg:$0x6] =	wrdreg s1  }
0xe: {  	[spmem:s1], [sflag:s5] =	dma.local [hbm:s2], $0x2800  }
0xf: {  	s11 =	sadd.s32 $0x22000, s0;
	s13 =	sadd.s32 $0x15800, s0;
	_ =	swait.ge [sflag:s8], $0x2800  }
0x10: {  	s14 =	smul.u32 $0x5000, s6;
	s0 =	sadd.s32 $0x37E600, s0;
	[sflag:s8] =	ssyncset.done $0x0  }
0x11: {  	s6 =	simm.s32 $0x780;
	[dreg:$0x7] =	wrdreg s0;
	[sflag:s8] =	ssyncadd.s32 $0xFFFFD800  }
0x12: {  	s2 =	simm.s32 $0xB80;
	s0 =	simm.s32 $0x6;
	[bflag:$0x0] =	sbarrier.arrive $0xFFFF  }
.LBB2_1:
0x13: {  	s12 =	sshll.u32 s21, $0xA  }
0x14: {  	s12 =	sadd.s32 s14, s12  }
0x15: {  	s1 =	rddreg [dreg:$0x0];
	s12 =	sshrl.u32 s12, $0x3  }
0x16: {  	s26 =	sadd.s32 s1, s12  }
0x17: {  	[tilespmem:s4], [sflag:$0x7] =	stream.linear.gather [hbm4b:s26+s4], $0x400, $0x38;
	[tilespmem:$0x1CD00] =	vst v63  }
0x18: {  	_ =	swait.ge [sflag:s8], $0x400  }
0x19: {  	[sflag:s8] =	ssyncset.done $0x0  }
0x1a: {  	s31 =	sadd.s32 s9, s12;
	[sflag:s8] =	ssyncadd.s32 $0xFFFFFC00  }
0x1b: {  	[tilespmem:s15], [sflag:$0x7] =	stream.linear.gather [hbm4b:s31+s4], $0x400, $0x38;
	[tilespmem:$0x1CD00] =	vst v63  }
0x1c: {  	_ =	swait.ge [sflag:s8], $0x400  }
0x1d: {  	[sflag:s8] =	ssyncset.done $0x0  }
0x1e: {  	s12 =	sadd.s32 s10, s12;
	[sflag:s8] =	ssyncadd.s32 $0xFFFFFC00  }
0x1f: {  	[tilespmem:s16], [sflag:$0x7] =	stream.linear.gather [hbm4b:s12+s4], $0x400, $0x38;
	[tilespmem:$0x1CD00] =	vst v63  }
0x20: {  	_ =	swait.ge [sflag:s8], $0x400  }
0x21: {  	[sflag:s8] =	ssyncset.done $0x0  }
0x22: {  	s12 =	simm.s32 $0x0;
	[sflag:s8] =	ssyncadd.s32 $0xFFFFFC00  }
0x23: {  	v5 =	vld [tilespmem:s12+$0x870]  }
0x24: {  	v1 =	vld [tilespmem:s12+$0x830]  }
0x25: {  	v3 =	vld [tilespmem:s12+$0x860]  }
0x26: {  	v7 =	vld [tilespmem:s12+$0x820]  }
0x27: {  	v8 =	vld [tilespmem:s12+$0x460]  }
0x28: {  	v2 =	vld [tilespmem:s12+$0x850]  }
0x29: {  	v6 =	vld [tilespmem:s12+$0x450]  }
0x2a: {  	v14 =	vld [tilespmem:s12+$0x470]  }
0x2b: {  	v4 =	vld [tilespmem:s12+$0x840]  }
0x2c: {  	v9 =	vld [tilespmem:s12+$0x440]  }
0x2d: {  	v10 =	vld [tilespmem:s12+$0x40]  }
0x2e: {  	v11 =	vld [tilespmem:s12+$0x800]  }
0x2f: {  	v12 =	vld [tilespmem:s12+$0x70]  }
0x30: {  	v0 =	vld [tilespmem:s12+$0x410]  }
0x31: {  	v13 =	vld [tilespmem:s12+$0x60];
	v15 =	vmul.u32 $0x2710, v9  }
0x32: {  	v16 =	vld [tilespmem:s12+$0x400];
	v4 =	vmul.u32 $0x14, v4  }
0x33: {  	v17 =	vld [tilespmem:s12+$0x50];
	v18 =	vmul.u32 $0x2710, v6;
	v19 =	vmul.u32 $0x2710, v8;
	v10 =	vadd.s32 v10, v15  }
0x34: {  	v20 =	vmul.u32 $0x14, v11;
	v1 =	vmul.u32 $0x14, v1;
	v15 =	vld [tilespmem:s12+$0x10];
	[tilespmem:s12+$0x40] =	vst v10;
	v10 =	vmul.u32 $0x14, v2  }
0x35: {  	v11 =	vmul.u32 $0x2710, v14;
	v63 =	vmul.u32 $0x2710, v0;
	v9 =	vadd.s32 v9, v4;
	v4 =	vld [tilespmem:s12+$0x420]  }
0x36: {  	v22 =	vmul.u32 $0x14, v5;
	[tilespmem:s12+$0x440] =	vst v9;
	v2 =	vld [tilespmem:s12+$0x810];
	v9 =	vadd.s32 v6, v10;
	v10 =	vmul.u32 $0x14, v3  }
0x37: {  	v5 =	vmul.u32 $0x2710, v16;
	v6 =	vld [tilespmem:s12+$0x20];
	[tilespmem:s12+$0x450] =	vst v9;
	v9 =	vmul.u32 $0x14, v7;
	v7 =	vadd.s32 v13, v19  }
0x38: {  	v11 =	vadd.s32 v12, v11;
	v12 =	vadd.s32 v16, v20;
	v3 =	vld [tilespmem:s12+$0x30];
	v21 =	vadd.s32 v8, v10;
	[tilespmem:s12+$0x60] =	vst v7  }
0x39: {  	s26 =	simm.s32 $0x200;
	v13 =	vadd.s32 v17, v18;
	v10 =	vld [tilespmem:s12+$0x430];
	v8 =	vadd.s32 v15, v63;
	v7 =	vadd.s32 v14, v22;
	[tilespmem:s12+$0x460] =	vst v21  }
.LBB2_2:
0x3a: {  	s28 =	sshra.s32 s26, $0x2;
	p0 =	sne.s32 s26, $0xE00;
	s26 =	sadd.s32 $0x200, s26;
	v14 =	vld [tilespmem:s12+$0x0];
	v15 =	vmul.u32 $0x2710, v4;
	v4 =	vadd.s32 v4, v9;
	[tilespmem:s12+$0x50] =	vst v13  }
0x3b: {  	v13 =	vld [tilespmem:s28+$0x870];
	v2 =	vmul.u32 $0x14, v2;
	[tilespmem:s12+$0x420] =	vst v4  }
0x3c: {  	v9 =	vld [tilespmem:s28+$0x830];
	[tilespmem:s12+$0x400] =	vst v12;
	v4 =	vadd.s32 v6, v15  }
0x3d: {  	v6 =	vld [tilespmem:s28+$0x860];
	v0 =	vadd.s32 v0, v2;
	[tilespmem:s12+$0x70] =	vst v11  }
0x3e: {  	v11 =	vld [tilespmem:s28+$0x820];
	[tilespmem:s12+$0x20] =	vst v4;
	v2 =	vmul.u32 $0x2710, v10;
	v1 =	vadd.s32 v10, v1  }
0x3f: {  	v10 =	vld [tilespmem:s28+$0x460];
	[tilespmem:s12+$0x430] =	vst v1  }
0x40: {  	v4 =	vadd.s32 v14, v5;
	v1 =	vld [tilespmem:s28+$0x850];
	[tilespmem:s12+$0x10] =	vst v8;
	v2 =	vadd.s32 v3, v2  }
0x41: {  	v3 =	vld [tilespmem:s28+$0x450];
	[tilespmem:s12+$0x470] =	vst v7  }
0x42: {  	v7 =	vld [tilespmem:s28+$0x470];
	[tilespmem:s12+$0x30] =	vst v2  }
0x43: {  	v2 =	vld [tilespmem:s28+$0x840];
	[tilespmem:s12+$0x0] =	vst v4  }
0x44: {  	v4 =	vld [tilespmem:s28+$0x440];
	[tilespmem:s12+$0x410] =	vst v0;
	s12 =	smov.u32 s28  }
0x45: {  	v5 =	vld [tilespmem:s12+$0x40]  }
0x46: {  	v8 =	vld [tilespmem:s12+$0x800]  }
0x47: {  	v12 =	vld [tilespmem:s12+$0x70]  }
0x48: {  	v0 =	vld [tilespmem:s12+$0x410]  }
0x49: {  	v2 =	vmul.u32 $0x14, v2;
	v14 =	vmul.u32 $0x2710, v4;
	v15 =	vld [tilespmem:s12+$0x60]  }
0x4a: {  	v17 =	vmul.u32 $0x2710, v3;
	v16 =	vld [tilespmem:s12+$0x400]  }
0x4b: {  	v18 =	vmul.u32 $0x14, v1;
	v8 =	vmul.u32 $0x14, v8;
	v5 =	vadd.s32 v5, v14;
	v14 =	vld [tilespmem:s12+$0x50]  }
0x4c: {  	v2 =	vadd.s32 v4, v2;
	v19 =	vld [tilespmem:s12+$0x10];
	[tilespmem:s12+$0x40] =	vst v5;
	v5 =	vmul.u32 $0x2710, v10  }
.Ltmp0:
0x4d: {  	v1 =	vmul.u32 $0x14, v9;
	v3 =	vadd.s32 v3, v18;
	v18 =	vmul.u32 $0x14, v6;
	v4 =	vld [tilespmem:s12+$0x420];
	[tilespmem:s12+$0x440] =	vst v2;
	(pc) =	sbr.rel @p0 .LBB2_2-.Ltmp0, $4  }
0x4e: {  	v9 =	vmul.u32 $0x14, v11;
	v2 =	vld [tilespmem:s12+$0x810];
	v11 =	vadd.s32 v15, v5;
	v15 =	vmul.u32 $0x2710, v7  }
0x4f: {  	v21 =	vmul.u32 $0x14, v13;
	v18 =	vadd.s32 v10, v18;
	v20 =	vmul.u32 $0x2710, v0;
	v6 =	vld [tilespmem:s12+$0x20];
	[tilespmem:s12+$0x450] =	vst v3  }
0x50: {  	v5 =	vmul.u32 $0x2710, v16;
	v3 =	vld [tilespmem:s12+$0x30];
	v13 =	vadd.s32 v14, v17;
	[tilespmem:s12+$0x60] =	vst v11;
	v11 =	vadd.s32 v12, v15  }
0x51: {  	v7 =	vadd.s32 v7, v21;
	v12 =	vadd.s32 v16, v8;
	v8 =	vadd.s32 v19, v20;
	v10 =	vld [tilespmem:s12+$0x430];
	[tilespmem:s12+$0x460] =	vst v18  }
0x52: {  	[tilespmem:s12+$0x50] =	vst v13  }
0x53: {  	[tilespmem:s12+$0x400] =	vst v12  }
0x54: {  	v9 =	vadd.s32 v4, v9;
	v4 =	vmul.u32 $0x2710, v4;
	[tilespmem:s12+$0x70] =	vst v11  }
0x55: {  	v14 =	vld [tilespmem:s12+$0x0];
	[tilespmem:s12+$0x10] =	vst v8  }
0x56: {  	[tilespmem:s12+$0x470] =	vst v7;
	v4 =	vadd.s32 v6, v4  }
0x57: {  	[tilespmem:s12+$0x20] =	vst v4;
	v4 =	vmul.u32 $0x2710, v10  }
0x58: {  	[tilespmem:s12+$0x420] =	vst v9;
	v1 =	vadd.s32 v10, v1  }
0x59: {  	[tilespmem:s12+$0x430] =	vst v1;
	v1 =	vmul.u32 $0x14, v2;
	v2 =	vadd.s32 v3, v4  }
0x5a: {  	v3 =	vadd.s32 v14, v5;
	[tilespmem:s12+$0x30] =	vst v2  }
0x5b: {  	v0 =	vadd.s32 v0, v1;
	[tilespmem:s12+$0x0] =	vst v3  }
0x5c: {  	s28 =	simm.s32 $0x0;
	[tilespmem:s12+$0x410] =	vst v0  }
0x5d: {  	[tilespmem:s18], [sflag:$0x1] =	stream.indirect.gather [hbm4b:s11+s17], $0x80, s28, s17, $0xb8;
	[tilespmem:$0x1CD00] =	vst v63  }
0x5e: {  	_ = 	snop  }
0x5f: {  	[tilespmem:s19], [sflag:$0x3] =	stream.indirect.gather [hbm4b:s13+s17], $0x1, s15, s17, $0xb8;
	[tilespmem:$0x1CD00] =	vst v63  }
0x60: {  	_ = 	snop  }
0x61: {  	[tilespmem:s20], [sflag:$0x2] =	stream.indirect.gather [hbm4b:s11+s17], $0x80, s17, s17, $0xb8;
	[tilespmem:$0x1CD00] =	vst v63  }
0x62: {  	s1 =	simm.s32 $0x480  }
0x63: {  	v0 =	vmov s28;
	[tilespmem:s22], [sflag:$0x4] =	stream.indirect.gather [hbm4b:s13+s17], $0x1, s1, s17, $0xb8;
	[tilespmem:$0x1CD00] =	vst v63  }
0x64: {  	v0 =	vand.u32 $0xFFFFFFFC, v0;
	_ =	swait.ge [sflag:s23], $0x4000  }
0x65: {  	v0 =	vbroadcast v0, $0x0;
	[sflag:s23] =	ssyncset.done $0x0  }
0x66: {  	[sflag:s23] =	ssyncadd.s32 $0xFFFFC000  }
0x67: {  	_ =	swait.ge [sflag:s24], $0x80  }
0x68: {  	[sflag:s24] =	ssyncset.done $0x0  }
0x69: {  	s26 =	simm.s32 $0xD00;
	[sflag:s24] =	ssyncadd.s32 $0xFFFFFF80  }
0x6a: {  	v1 =	vld [tilespmem:s26+$0xFFFFFF70]  }
0x6b: {  	v0 =	vld.idx.msk [tilespmem:v0+s19+$0x0], $0xffff  }
0x6c: {  	v2 =	vld [tilespmem:s26+$0xFFFFFF00]  }
0x6d: {  	v3 =	vld [tilespmem:s26+$0xFFFFFF20]  }
0x6e: {  	v4 =	vld [tilespmem:s26+$0xFFFFFF50]  }
0x6f: {  	v5 =	vld [tilespmem:s26+$0xFFFFFF40]  }
0x70: {  	v6 =	vld [tilespmem:s26+$0xFFFFFF60];
	v1 =	vmul.f32 v1, v0  }
0x71: {  	s1 =	simm.s32 $0x1;
	v7 =	vld [tilespmem:s26+$0xFFFFFF30];
	v2 =	vmul.f32 v2, v0  }
0x72: {  	v8 =	vld [tilespmem:s26+$0xFFFFFF10];
	v3 =	vmul.f32 v3, v0;
	[tilespmem:s26+$0xFFFFFF70] =	vst v1;
	v1 =	vmov s1  }
0x73: {  	v4 =	vmul.f32 v4, v0;
	[tilespmem:s26+$0xFFFFFF00] =	vst v2;
	v1 =	vand.u32 $0xFFFFFFFD, v1  }
0x74: {  	v2 =	vmul.f32 v5, v0;
	[tilespmem:s26+$0xFFFFFF20] =	vst v3;
	v1 =	vbroadcast v1, $0x0  }
0x75: {  	v3 =	vmul.f32 v6, v0;
	[tilespmem:s26+$0xFFFFFF50] =	vst v4  }
0x76: {  	v4 =	vmul.f32 v7, v0;
	[tilespmem:s26+$0xFFFFFF40] =	vst v2  }
0x77: {  	v0 =	vmul.f32 v8, v0;
	[tilespmem:s26+$0xFFFFFF60] =	vst v3  }
0x78: {  	[tilespmem:s26+$0xFFFFFF30] =	vst v4  }
0x79: {  	[tilespmem:s26+$0xFFFFFF10] =	vst v0;
	v0 =	vld [tilespmem:s26+$0xFFFFFF90]  }
0x7a: {  	v2 =	vld.idx.msk [tilespmem:v1+s19+$0x0], $0xffff  }
0x7b: {  	v1 =	vld [tilespmem:s26+$0xFFFFFFA0]  }
0x7c: {  	v3 =	vld [tilespmem:s26+$0xFFFFFF80]  }
0x7d: {  	v4 =	vld [tilespmem:s26+$0xFFFFFFB0]  }
0x7e: {  	v5 =	vld [tilespmem:s26+$0xFFFFFFC0]  }
0x7f: {  	v6 =	vld [tilespmem:s26+$0xFFFFFFD0];
	v0 =	vmul.f32 v0, v2  }
0x80: {  	s5 =	simm.s32 $0x2;
	v7 =	vld [tilespmem:s26+$0xFFFFFFF0];
	v1 =	vmul.f32 v1, v2  }
0x81: {  	v8 =	vld [tilespmem:s26+$0xFFFFFFE0];
	v3 =	vmul.f32 v3, v2;
	[tilespmem:s26+$0xFFFFFF90] =	vst v0;
	v0 =	vmov s5  }
0x82: {  	v4 =	vmul.f32 v4, v2;
	[tilespmem:s26+$0xFFFFFFA0] =	vst v1;
	v0 =	vand.u32 $0xFFFFFFFE, v0  }
0x83: {  	v1 =	vmul.f32 v5, v2;
	[tilespmem:s26+$0xFFFFFF80] =	vst v3;
	v5 =	vld [tilespmem:s26+$0x60];
	v63 =	vbroadcast v0, $0x0  }
0x84: {  	v3 =	vmul.f32 v6, v2;
	[tilespmem:s26+$0xFFFFFFB0] =	vst v4;
	v6 =	vld [tilespmem:s26+$0x0]  }
0x85: {  	v4 =	vmul.f32 v7, v2;
	v0 =	vld [tilespmem:s26+$0x20];
	[tilespmem:s26+$0xFFFFFFC0] =	vst v1  }
0x86: {  	v2 =	vmul.f32 v8, v2;
	v1 =	vld [tilespmem:s26+$0x30];
	[tilespmem:s26+$0xFFFFFFD0] =	vst v3  }
0x87: {  	[tilespmem:s26+$0xFFFFFFF0] =	vst v4;
	v3 =	vld [tilespmem:s26+$0x40]  }
0x88: {  	[tilespmem:s26+$0xFFFFFFE0] =	vst v2;
	v4 =	vld [tilespmem:s26+$0x10]  }
0x89: {  	s31 =	simm.s32 $0x4;
	s12 =	simm.s32 $0xD00;
	v2 =	vld.idx.msk [tilespmem:v63+s19+$0x0], $0xffff  }
.LBB2_4:
0x8a: {  	p0 =	sne.s32 s31, $0x7C  }
0x8b: {  	v7 =	vld [tilespmem:s26+$0x50];
	s12 =	sadd.s32 $0x200, s12;
	s1 =	smov.u32 s31;
	s31 =	sadd.s32 $0x4, s31  }
0x8c: {  	v8 =	vld [tilespmem:s26+$0x70];
	_ =	sdelay $0x1  }
0x8d: {  	v5 =	vmul.f32 v5, v2;
	v6 =	vmul.f32 v6, v2  }
0x8e: {  	v3 =	vmul.f32 v3, v2;
	v4 =	vmul.f32 v4, v2  }
0x8f: {  	v0 =	vmul.f32 v0, v2;
	v1 =	vmul.f32 v1, v2;
	[tilespmem:s26+$0x60] =	vst v5  }
0x90: {  	[tilespmem:s26+$0x40] =	vst v3;
	v3 =	vmul.f32 v7, v2;
	v2 =	vmul.f32 v8, v2  }
0x91: {  	s5 =	sadd.s32 $0x3, s28;
	s28 =	smov.u32 s1;
	[tilespmem:s26+$0x20] =	vst v0;
	v5 =	vld [tilespmem:s26+$0x80]  }
0x92: {  	v0 =	vld [tilespmem:s12+$0x20];
	[tilespmem:s26+$0x0] =	vst v6;
	v6 =	vmov s5  }
0x93: {  	[tilespmem:s26+$0x50] =	vst v3;
	v3 =	vld [tilespmem:s26+$0xE0]  }
0x94: {  	[tilespmem:s26+$0x30] =	vst v1;
	v7 =	vld [tilespmem:s26+$0xC0]  }
0x95: {  	v1 =	vld [tilespmem:s12+$0x30];
	[tilespmem:s26+$0x10] =	vst v4  }
0x96: {  	[tilespmem:s26+$0x70] =	vst v2;
	v2 =	vld [tilespmem:s26+$0xA0]  }
0x97: {  	v4 =	vld.idx.msk [tilespmem:v6+s19+$0x0], $0xffff  }
0x98: {  	v6 =	vld [tilespmem:s26+$0x90]  }
0x99: {  	v8 =	vld [tilespmem:s26+$0xB0]  }
0x9a: {  	v9 =	vld [tilespmem:s26+$0xD0]  }
0x9b: {  	v10 =	vld [tilespmem:s26+$0xF0];
	_ =	sdelay $0x1  }
0x9c: {  	v5 =	vmul.f32 v5, v4;
	v6 =	vmul.f32 v6, v4  }
0x9d: {  	v2 =	vmul.f32 v2, v4;
	v8 =	vmul.f32 v8, v4  }
0x9e: {  	v11 =	vmov s28;
	[tilespmem:s26+$0x80] =	vst v5;
	v5 =	vmul.f32 v7, v4;
	v7 =	vmul.f32 v9, v4  }
0x9f: {  	v9 =	vand.u32 $0xFFFFFFFC, v11;
	[tilespmem:s26+$0xA0] =	vst v2;
	v2 =	vmul.f32 v3, v4;
	v3 =	vmul.f32 v10, v4  }
0xa0: {  	v4 =	vbroadcast v9, $0x0;
	[tilespmem:s26+$0xC0] =	vst v5  }
0xa1: {  	[tilespmem:s26+$0xF0] =	vst v3  }
0xa2: {  	v3 =	vld [tilespmem:s12+$0xFFFFFF40];
	[tilespmem:s26+$0xE0] =	vst v2  }
0xa3: {  	v2 =	vld [tilespmem:s12+$0xFFFFFF50];
	[tilespmem:s26+$0x90] =	vst v6  }
0xa4: {  	v5 =	vld [tilespmem:s12+$0xFFFFFF60];
	[tilespmem:s26+$0xB0] =	vst v8  }
0xa5: {  	v6 =	vld [tilespmem:s12+$0xFFFFFF70];
	[tilespmem:s26+$0xD0] =	vst v7;
	s26 =	smov.u32 s12  }
0xa6: {  	v4 =	vld.idx.msk [tilespmem:v4+s19+$0x0], $0xffff  }
0xa7: {  	v7 =	vld [tilespmem:s12+$0xFFFFFF00]  }
0xa8: {  	v8 =	vld [tilespmem:s12+$0xFFFFFF20]  }
0xa9: {  	v9 =	vld [tilespmem:s12+$0xFFFFFF10]  }
0xaa: {  	v10 =	vld [tilespmem:s12+$0xFFFFFF30];
	_ =	sdelay $0x1  }
0xab: {  	v6 =	vmul.f32 v6, v4;
	v7 =	vmul.f32 v7, v4  }
0xac: {  	s1 =	sadd.s32 $0x1, s28;
	v5 =	vmul.f32 v5, v4;
	v8 =	vmul.f32 v8, v4  }
0xad: {  	v2 =	vmul.f32 v2, v4;
	v9 =	vmul.f32 v9, v4;
	[tilespmem:s12+$0xFFFFFF70] =	vst v6;
	v6 =	vmov s1  }
0xae: {  	v3 =	vmul.f32 v3, v4;
	[tilespmem:s12+$0xFFFFFF00] =	vst v7;
	v7 =	vmul.f32 v10, v4;
	v4 =	vand.u32 $0xFFFFFFFD, v6  }
0xaf: {  	[tilespmem:s12+$0xFFFFFF20] =	vst v8;
	v4 =	vbroadcast v4, $0x0  }
0xb0: {  	[tilespmem:s12+$0xFFFFFF50] =	vst v2  }
0xb1: {  	[tilespmem:s12+$0xFFFFFF40] =	vst v3;
	v2 =	vld [tilespmem:s12+$0xFFFFFFF0]  }
0xb2: {  	[tilespmem:s12+$0xFFFFFF60] =	vst v5;
	v3 =	vld [tilespmem:s12+$0xFFFFFFC0]  }
0xb3: {  	[tilespmem:s12+$0xFFFFFF30] =	vst v7;
	v5 =	vld [tilespmem:s12+$0xFFFFFFD0]  }
0xb4: {  	[tilespmem:s12+$0xFFFFFF10] =	vst v9;
	v6 =	vld [tilespmem:s12+$0xFFFFFF90]  }
0xb5: {  	v4 =	vld.idx.msk [tilespmem:v4+s19+$0x0], $0xffff  }
0xb6: {  	v7 =	vld [tilespmem:s12+$0xFFFFFF80]  }
0xb7: {  	v8 =	vld [tilespmem:s12+$0xFFFFFFA0]  }
0xb8: {  	v9 =	vld [tilespmem:s12+$0xFFFFFFB0]  }
0xb9: {  	v10 =	vld [tilespmem:s12+$0xFFFFFFE0];
	_ =	sdelay $0x1  }
0xba: {  	v6 =	vmul.f32 v6, v4;
	v7 =	vmul.f32 v7, v4  }
0xbb: {  	s1 =	sadd.s32 $0x2, s28;
	v5 =	vmul.f32 v5, v4;
	v8 =	vmul.f32 v8, v4  }
0xbc: {  	v3 =	vmul.f32 v3, v4;
	[tilespmem:s12+$0xFFFFFF90] =	vst v6;
	v6 =	vmul.f32 v9, v4;
	v9 =	vmov s1  }
0xbd: {  	v2 =	vmul.f32 v2, v4;
	[tilespmem:s12+$0xFFFFFFA0] =	vst v8;
	v8 =	vmul.f32 v10, v4;
	v4 =	vand.u32 $0xFFFFFFFE, v9  }
0xbe: {  	[tilespmem:s12+$0xFFFFFF80] =	vst v7;
	v4 =	vbroadcast v4, $0x0  }
0xbf: {  	[tilespmem:s12+$0xFFFFFFB0] =	vst v6  }
0xc0: {  	[tilespmem:s12+$0xFFFFFFC0] =	vst v3  }
0xc1: {  	[tilespmem:s12+$0xFFFFFFD0] =	vst v5  }
.Ltmp1:
0xc2: {  	[tilespmem:s12+$0xFFFFFFF0] =	vst v2;
	v3 =	vld [tilespmem:s12+$0x40];
	(pc) =	sbr.rel @p0 .LBB2_4-.Ltmp1, $4  }
0xc3: {  	[tilespmem:s12+$0xFFFFFFE0] =	vst v8;
	v5 =	vld [tilespmem:s12+$0x60]  }
0xc4: {  	v2 =	vld.idx.msk [tilespmem:v4+s19+$0x0], $0xffff  }
0xc5: {  	v6 =	vld [tilespmem:s12+$0x0]  }
0xc6: {  	v4 =	vld [tilespmem:s12+$0x10]  }
0xc7: {  	_ =	sdelay $0x1  }
0xc8: {  	v5 =	vmul.f32 v5, v2  }
0xc9: {  	v7 =	vld [tilespmem:s26+$0x50];
	v3 =	vmul.f32 v3, v2  }
0xca: {  	v8 =	vld [tilespmem:s26+$0x70];
	v0 =	vmul.f32 v0, v2;
	[tilespmem:s26+$0x60] =	vst v5  }
0xcb: {  	v5 =	vmul.f32 v6, v2;
	[tilespmem:s26+$0x40] =	vst v3  }
0xcc: {  	s1 =	sadd.s32 $0x3, s28;
	[tilespmem:s26+$0x20] =	vst v0;
	v0 =	vmul.f32 v1, v2  }
0xcd: {  	v4 =	vmul.f32 v4, v2;
	[tilespmem:s26+$0x0] =	vst v5;
	v5 =	vmov s1  }
0xce: {  	v3 =	vmul.f32 v7, v2;
	[tilespmem:s26+$0x30] =	vst v0  }
0xcf: {  	v2 =	vmul.f32 v8, v2;
	[tilespmem:s26+$0x10] =	vst v4  }
0xd0: {  	[tilespmem:s26+$0x50] =	vst v3  }
0xd1: {  	v1 =	vld [tilespmem:s26+$0x80];
	[tilespmem:s26+$0x70] =	vst v2  }
0xd2: {  	v0 =	vld.idx.msk [tilespmem:v5+s19+$0x0], $0xffff  }
0xd3: {  	v2 =	vld [tilespmem:s26+$0xA0]  }
0xd4: {  	v3 =	vld [tilespmem:s26+$0xC0]  }
0xd5: {  	v4 =	vld [tilespmem:s26+$0xF0]  }
0xd6: {  	v5 =	vld [tilespmem:s26+$0xE0]  }
0xd7: {  	v6 =	vld [tilespmem:s26+$0x90];
	v1 =	vmul.f32 v1, v0  }
0xd8: {  	v7 =	vld [tilespmem:s26+$0xB0];
	v2 =	vmul.f32 v2, v0  }
0xd9: {  	v8 =	vld [tilespmem:s26+$0xD0];
	[tilespmem:s26+$0x80] =	vst v1;
	v1 =	vmul.f32 v3, v0  }
0xda: {  	[tilespmem:s26+$0xA0] =	vst v2;
	v2 =	vmul.f32 v4, v0  }
0xdb: {  	v3 =	vmul.f32 v5, v0;
	[tilespmem:s26+$0xC0] =	vst v1  }
0xdc: {  	v1 =	vmul.f32 v6, v0;
	[tilespmem:s26+$0xF0] =	vst v2  }
0xdd: {  	v2 =	vmul.f32 v7, v0;
	[tilespmem:s26+$0xE0] =	vst v3  }
0xde: {  	v0 =	vmul.f32 v8, v0;
	[tilespmem:s26+$0x90] =	vst v1  }
0xdf: {  	[tilespmem:s26+$0xB0] =	vst v2  }
0xe0: {  	[tilespmem:s26+$0xD0] =	vst v0  }
0xe1: {  	[spmem:s3] =	stream.indirect.scatter.add.f32 [tilespmem:s18], [sflag:$0x5], $0x80, s16, s17, $0xb8;
	[tilespmem:$0x1CD00] =	vst v63  }
0xe2: {  	_ =	swait.ge [sflag:s25], $0x4000  }
0xe3: {  	[sflag:s25] =	ssyncset.done $0x0  }
0xe4: {  	s12 =	simm.s32 $0x100;
	[sflag:s25] =	ssyncadd.s32 $0xFFFFC000  }
0xe5: {  	[tilespmem:s18], [sflag:$0x1] =	stream.indirect.gather [hbm4b:s11+s17], $0x80, s12, s17, $0xb8;
	[tilespmem:$0x1CD00] =	vst v63  }
0xe6: {  	s28 =	simm.s32 $0x0;
	s26 =	simm.s32 $0x500  }
0xe7: {  	v0 =	vmov s28;
	[tilespmem:s19], [sflag:$0x3] =	stream.indirect.gather [hbm4b:s13+s17], $0x1, s26, s17, $0xb8;
	[tilespmem:$0x1CD00] =	vst v63  }
0xe8: {  	v0 =	vand.u32 $0xFFFFFFFC, v0;
	_ =	swait.ge [sflag:s29], $0x4000  }
0xe9: {  	v0 =	vbroadcast v0, $0x0;
	[sflag:s29] =	ssyncset.done $0x0  }
0xea: {  	[sflag:s29] =	ssyncadd.s32 $0xFFFFC000  }
0xeb: {  	_ =	swait.ge [sflag:s30], $0x80  }
0xec: {  	[sflag:s30] =	ssyncset.done $0x0  }
0xed: {  	s26 =	simm.s32 $0x4D00;
	[sflag:s30] =	ssyncadd.s32 $0xFFFFFF80  }
0xee: {  	v1 =	vld [tilespmem:s26+$0xFFFFFF70]  }
0xef: {  	v0 =	vld.idx.msk [tilespmem:v0+s22+$0x0], $0xffff  }
0xf0: {  	v2 =	vld [tilespmem:s26+$0xFFFFFF00]  }
0xf1: {  	v3 =	vld [tilespmem:s26+$0xFFFFFF20]  }
0xf2: {  	v4 =	vld [tilespmem:s26+$0xFFFFFF50]  }
0xf3: {  	v5 =	vld [tilespmem:s26+$0xFFFFFF40]  }
0xf4: {  	v6 =	vld [tilespmem:s26+$0xFFFFFF60];
	v1 =	vmul.f32 v1, v0  }
0xf5: {  	s5 =	simm.s32 $0x1;
	v7 =	vld [tilespmem:s26+$0xFFFFFF30];
	v2 =	vmul.f32 v2, v0  }
0xf6: {  	v8 =	vld [tilespmem:s26+$0xFFFFFF10];
	v3 =	vmul.f32 v3, v0;
	[tilespmem:s26+$0xFFFFFF70] =	vst v1;
	v1 =	vmov s5  }
0xf7: {  	v4 =	vmul.f32 v4, v0;
	[tilespmem:s26+$0xFFFFFF00] =	vst v2;
	v1 =	vand.u32 $0xFFFFFFFD, v1  }
0xf8: {  	v2 =	vmul.f32 v5, v0;
	[tilespmem:s26+$0xFFFFFF20] =	vst v3;
	v1 =	vbroadcast v1, $0x0  }
0xf9: {  	v3 =	vmul.f32 v6, v0;
	[tilespmem:s26+$0xFFFFFF50] =	vst v4  }
0xfa: {  	v4 =	vmul.f32 v7, v0;
	[tilespmem:s26+$0xFFFFFF40] =	vst v2  }
0xfb: {  	v0 =	vmul.f32 v8, v0;
	[tilespmem:s26+$0xFFFFFF60] =	vst v3  }
0xfc: {  	[tilespmem:s26+$0xFFFFFF30] =	vst v4  }
0xfd: {  	[tilespmem:s26+$0xFFFFFF10] =	vst v0;
	v0 =	vld [tilespmem:s26+$0xFFFFFF90]  }
0xfe: {  	v2 =	vld.idx.msk [tilespmem:v1+s22+$0x0], $0xffff  }
0xff: {  	v1 =	vld [tilespmem:s26+$0xFFFFFFA0]  }
0x100: {  	v3 =	vld [tilespmem:s26+$0xFFFFFF80]  }
0x101: {  	v4 =	vld [tilespmem:s26+$0xFFFFFFB0]  }
0x102: {  	v5 =	vld [tilespmem:s26+$0xFFFFFFC0]  }
0x103: {  	v6 =	vld [tilespmem:s26+$0xFFFFFFD0];
	v0 =	vmul.f32 v0, v2  }
0x104: {  	s12 =	simm.s32 $0x2;
	v7 =	vld [tilespmem:s26+$0xFFFFFFF0];
	v1 =	vmul.f32 v1, v2  }
0x105: {  	v8 =	vld [tilespmem:s26+$0xFFFFFFE0];
	v3 =	vmul.f32 v3, v2;
	[tilespmem:s26+$0xFFFFFF90] =	vst v0;
	v0 =	vmov s12  }
0x106: {  	v4 =	vmul.f32 v4, v2;
	[tilespmem:s26+$0xFFFFFFA0] =	vst v1;
	v0 =	vand.u32 $0xFFFFFFFE, v0  }
0x107: {  	v1 =	vmul.f32 v5, v2;
	[tilespmem:s26+$0xFFFFFF80] =	vst v3;
	v5 =	vld [tilespmem:s26+$0x60];
	v9 =	vbroadcast v0, $0x0  }
0x108: {  	v3 =	vmul.f32 v6, v2;
	[tilespmem:s26+$0xFFFFFFB0] =	vst v4;
	v6 =	vld [tilespmem:s26+$0x0]  }
0x109: {  	v4 =	vmul.f32 v7, v2;
	v0 =	vld [tilespmem:s26+$0x20];
	[tilespmem:s26+$0xFFFFFFC0] =	vst v1  }
0x10a: {  	v2 =	vmul.f32 v8, v2;
	v1 =	vld [tilespmem:s26+$0x30];
	[tilespmem:s26+$0xFFFFFFD0] =	vst v3  }
0x10b: {  	[tilespmem:s26+$0xFFFFFFF0] =	vst v4;
	v3 =	vld [tilespmem:s26+$0x40]  }
0x10c: {  	[tilespmem:s26+$0xFFFFFFE0] =	vst v2;
	v4 =	vld [tilespmem:s26+$0x10]  }
0x10d: {  	s31 =	simm.s32 $0x4;
	s12 =	simm.s32 $0x4D00;
	v2 =	vld.idx.msk [tilespmem:v9+s22+$0x0], $0xffff  }
.LBB2_6:
0x10e: {  	p0 =	sne.s32 s31, $0x7C  }
0x10f: {  	v7 =	vld [tilespmem:s26+$0x50];
	s12 =	sadd.s32 $0x200, s12;
	s1 =	smov.u32 s31;
	s31 =	sadd.s32 $0x4, s31  }
0x110: {  	v8 =	vld [tilespmem:s26+$0x70];
	_ =	sdelay $0x1  }
0x111: {  	v5 =	vmul.f32 v5, v2;
	v6 =	vmul.f32 v6, v2  }
0x112: {  	v3 =	vmul.f32 v3, v2;
	v4 =	vmul.f32 v4, v2  }
0x113: {  	v0 =	vmul.f32 v0, v2;
	v1 =	vmul.f32 v1, v2;
	[tilespmem:s26+$0x60] =	vst v5  }
0x114: {  	[tilespmem:s26+$0x40] =	vst v3;
	v3 =	vmul.f32 v7, v2;
	v2 =	vmul.f32 v8, v2  }
0x115: {  	s5 =	sadd.s32 $0x3, s28;
	s28 =	smov.u32 s1;
	[tilespmem:s26+$0x20] =	vst v0;
	v5 =	vld [tilespmem:s26+$0x80]  }
0x116: {  	v0 =	vld [tilespmem:s12+$0x20];
	[tilespmem:s26+$0x0] =	vst v6;
	v6 =	vmov s5  }
0x117: {  	[tilespmem:s26+$0x50] =	vst v3;
	v3 =	vld [tilespmem:s26+$0xE0]  }
0x118: {  	[tilespmem:s26+$0x30] =	vst v1;
	v7 =	vld [tilespmem:s26+$0xC0]  }
0x119: {  	v1 =	vld [tilespmem:s12+$0x30];
	[tilespmem:s26+$0x10] =	vst v4  }
0x11a: {  	[tilespmem:s26+$0x70] =	vst v2;
	v2 =	vld [tilespmem:s26+$0xA0]  }
0x11b: {  	v4 =	vld.idx.msk [tilespmem:v6+s22+$0x0], $0xffff  }
0x11c: {  	v6 =	vld [tilespmem:s26+$0x90]  }
0x11d: {  	v8 =	vld [tilespmem:s26+$0xB0]  }
0x11e: {  	v9 =	vld [tilespmem:s26+$0xD0]  }
0x11f: {  	v10 =	vld [tilespmem:s26+$0xF0];
	_ =	sdelay $0x1  }
0x120: {  	v5 =	vmul.f32 v5, v4;
	v6 =	vmul.f32 v6, v4  }
0x121: {  	v2 =	vmul.f32 v2, v4;
	v8 =	vmul.f32 v8, v4  }
0x122: {  	v11 =	vmov s28;
	[tilespmem:s26+$0x80] =	vst v5;
	v5 =	vmul.f32 v7, v4;
	v7 =	vmul.f32 v9, v4  }
0x123: {  	v9 =	vand.u32 $0xFFFFFFFC, v11;
	[tilespmem:s26+$0xA0] =	vst v2;
	v2 =	vmul.f32 v3, v4;
	v3 =	vmul.f32 v10, v4  }
0x124: {  	v4 =	vbroadcast v9, $0x0;
	[tilespmem:s26+$0xC0] =	vst v5  }
0x125: {  	[tilespmem:s26+$0xF0] =	vst v3  }
0x126: {  	v3 =	vld [tilespmem:s12+$0xFFFFFF40];
	[tilespmem:s26+$0xE0] =	vst v2  }
0x127: {  	v2 =	vld [tilespmem:s12+$0xFFFFFF50];
	[tilespmem:s26+$0x90] =	vst v6  }
0x128: {  	v5 =	vld [tilespmem:s12+$0xFFFFFF60];
	[tilespmem:s26+$0xB0] =	vst v8  }
0x129: {  	v6 =	vld [tilespmem:s12+$0xFFFFFF70];
	[tilespmem:s26+$0xD0] =	vst v7;
	s26 =	smov.u32 s12  }
0x12a: {  	v4 =	vld.idx.msk [tilespmem:v4+s22+$0x0], $0xffff  }
0x12b: {  	v7 =	vld [tilespmem:s12+$0xFFFFFF00]  }
0x12c: {  	v8 =	vld [tilespmem:s12+$0xFFFFFF20]  }
0x12d: {  	v9 =	vld [tilespmem:s12+$0xFFFFFF10]  }
0x12e: {  	v10 =	vld [tilespmem:s12+$0xFFFFFF30];
	_ =	sdelay $0x1  }
0x12f: {  	v6 =	vmul.f32 v6, v4;
	v7 =	vmul.f32 v7, v4  }
0x130: {  	s1 =	sadd.s32 $0x1, s28;
	v5 =	vmul.f32 v5, v4;
	v8 =	vmul.f32 v8, v4  }
0x131: {  	v2 =	vmul.f32 v2, v4;
	v9 =	vmul.f32 v9, v4;
	[tilespmem:s12+$0xFFFFFF70] =	vst v6;
	v6 =	vmov s1  }
0x132: {  	v3 =	vmul.f32 v3, v4;
	[tilespmem:s12+$0xFFFFFF00] =	vst v7;
	v7 =	vmul.f32 v10, v4;
	v4 =	vand.u32 $0xFFFFFFFD, v6  }
0x133: {  	[tilespmem:s12+$0xFFFFFF20] =	vst v8;
	v4 =	vbroadcast v4, $0x0  }
0x134: {  	[tilespmem:s12+$0xFFFFFF50] =	vst v2  }
0x135: {  	[tilespmem:s12+$0xFFFFFF40] =	vst v3;
	v2 =	vld [tilespmem:s12+$0xFFFFFFF0]  }
0x136: {  	[tilespmem:s12+$0xFFFFFF60] =	vst v5;
	v3 =	vld [tilespmem:s12+$0xFFFFFFC0]  }
0x137: {  	[tilespmem:s12+$0xFFFFFF30] =	vst v7;
	v5 =	vld [tilespmem:s12+$0xFFFFFFD0]  }
0x138: {  	[tilespmem:s12+$0xFFFFFF10] =	vst v9;
	v6 =	vld [tilespmem:s12+$0xFFFFFF90]  }
0x139: {  	v4 =	vld.idx.msk [tilespmem:v4+s22+$0x0], $0xffff  }
0x13a: {  	v7 =	vld [tilespmem:s12+$0xFFFFFF80]  }
0x13b: {  	v8 =	vld [tilespmem:s12+$0xFFFFFFA0]  }
0x13c: {  	v9 =	vld [tilespmem:s12+$0xFFFFFFB0]  }
0x13d: {  	v10 =	vld [tilespmem:s12+$0xFFFFFFE0];
	_ =	sdelay $0x1  }
0x13e: {  	v6 =	vmul.f32 v6, v4;
	v7 =	vmul.f32 v7, v4  }
0x13f: {  	s1 =	sadd.s32 $0x2, s28;
	v5 =	vmul.f32 v5, v4;
	v8 =	vmul.f32 v8, v4  }
0x140: {  	v3 =	vmul.f32 v3, v4;
	[tilespmem:s12+$0xFFFFFF90] =	vst v6;
	v6 =	vmul.f32 v9, v4;
	v9 =	vmov s1  }
0x141: {  	v2 =	vmul.f32 v2, v4;
	[tilespmem:s12+$0xFFFFFFA0] =	vst v8;
	v8 =	vmul.f32 v10, v4;
	v4 =	vand.u32 $0xFFFFFFFE, v9  }
0x142: {  	[tilespmem:s12+$0xFFFFFF80] =	vst v7;
	v4 =	vbroadcast v4, $0x0  }
0x143: {  	[tilespmem:s12+$0xFFFFFFB0] =	vst v6  }
0x144: {  	[tilespmem:s12+$0xFFFFFFC0] =	vst v3  }
0x145: {  	[tilespmem:s12+$0xFFFFFFD0] =	vst v5  }
.Ltmp2:
0x146: {  	[tilespmem:s12+$0xFFFFFFF0] =	vst v2;
	v3 =	vld [tilespmem:s12+$0x40];
	(pc) =	sbr.rel @p0 .LBB2_6-.Ltmp2, $4  }
0x147: {  	[tilespmem:s12+$0xFFFFFFE0] =	vst v8;
	v5 =	vld [tilespmem:s12+$0x60]  }
0x148: {  	v2 =	vld.idx.msk [tilespmem:v4+s22+$0x0], $0xffff  }
0x149: {  	v6 =	vld [tilespmem:s12+$0x0]  }
0x14a: {  	v4 =	vld [tilespmem:s12+$0x10]  }
0x14b: {  	_ =	sdelay $0x1  }
0x14c: {  	v5 =	vmul.f32 v5, v2  }
0x14d: {  	v7 =	vld [tilespmem:s26+$0x50];
	v3 =	vmul.f32 v3, v2  }
0x14e: {  	v8 =	vld [tilespmem:s26+$0x70];
	v0 =	vmul.f32 v0, v2;
	[tilespmem:s26+$0x60] =	vst v5  }
0x14f: {  	v5 =	vmul.f32 v6, v2;
	[tilespmem:s26+$0x40] =	vst v3  }
0x150: {  	s1 =	sadd.s32 $0x3, s28;
	[tilespmem:s26+$0x20] =	vst v0;
	v0 =	vmul.f32 v1, v2  }
0x151: {  	v4 =	vmul.f32 v4, v2;
	[tilespmem:s26+$0x0] =	vst v5;
	v5 =	vmov s1  }
0x152: {  	v3 =	vmul.f32 v7, v2;
	[tilespmem:s26+$0x30] =	vst v0  }
0x153: {  	v2 =	vmul.f32 v8, v2;
	[tilespmem:s26+$0x10] =	vst v4  }
0x154: {  	[tilespmem:s26+$0x50] =	vst v3  }
0x155: {  	v1 =	vld [tilespmem:s26+$0x80];
	[tilespmem:s26+$0x70] =	vst v2  }
0x156: {  	v0 =	vld.idx.msk [tilespmem:v5+s22+$0x0], $0xffff  }
0x157: {  	v2 =	vld [tilespmem:s26+$0xA0]  }
0x158: {  	v3 =	vld [tilespmem:s26+$0xC0]  }
0x159: {  	v4 =	vld [tilespmem:s26+$0xF0]  }
0x15a: {  	v5 =	vld [tilespmem:s26+$0xE0]  }
0x15b: {  	v6 =	vld [tilespmem:s26+$0x90];
	v1 =	vmul.f32 v1, v0  }
0x15c: {  	v7 =	vld [tilespmem:s26+$0xB0];
	v2 =	vmul.f32 v2, v0  }
0x15d: {  	v8 =	vld [tilespmem:s26+$0xD0];
	[tilespmem:s26+$0x80] =	vst v1;
	v1 =	vmul.f32 v3, v0  }
0x15e: {  	[tilespmem:s26+$0xA0] =	vst v2;
	v2 =	vmul.f32 v4, v0  }
0x15f: {  	v3 =	vmul.f32 v5, v0;
	[tilespmem:s26+$0xC0] =	vst v1  }
0x160: {  	v1 =	vmul.f32 v6, v0;
	[tilespmem:s26+$0xF0] =	vst v2  }
0x161: {  	v2 =	vmul.f32 v7, v0;
	[tilespmem:s26+$0xE0] =	vst v3  }
0x162: {  	v0 =	vmul.f32 v8, v0;
	[tilespmem:s26+$0x90] =	vst v1  }
0x163: {  	[tilespmem:s26+$0xB0] =	vst v2  }
0x164: {  	s5 =	simm.s32 $0x880;
	[tilespmem:s26+$0xD0] =	vst v0  }
0x165: {  	[spmem:s3] =	stream.indirect.scatter.add.f32 [tilespmem:s20], [sflag:$0x6], $0x80, s5, s17, $0xb8;
	[tilespmem:$0x1CD00] =	vst v63  }
0x166: {  	_ =	swait.ge [sflag:s0], $0x4000  }
0x167: {  	[sflag:s0] =	ssyncset.done $0x0  }
0x168: {  	s12 =	simm.s32 $0x180;
	[sflag:s0] =	ssyncadd.s32 $0xFFFFC000  }
0x169: {  	[tilespmem:s20], [sflag:$0x2] =	stream.indirect.gather [hbm4b:s11+s17], $0x80, s12, s17, $0xb8;
	[tilespmem:$0x1CD00] =	vst v63  }
0x16a: {  	s28 =	simm.s32 $0x0;
	s26 =	simm.s32 $0x580  }
0x16b: {  	v0 =	vmov s28;
	[tilespmem:s22], [sflag:$0x4] =	stream.indirect.gather [hbm4b:s13+s17], $0x1, s26, s17, $0xb8;
	[tilespmem:$0x1CD00] =	vst v63  }
0x16c: {  	v0 =	vand.u32 $0xFFFFFFFC, v0;
	_ =	swait.ge [sflag:s23], $0x4000  }
0x16d: {  	v0 =	vbroadcast v0, $0x0;
	[sflag:s23] =	ssyncset.done $0x0  }
0x16e: {  	[sflag:s23] =	ssyncadd.s32 $0xFFFFC000  }
0x16f: {  	_ =	swait.ge [sflag:s24], $0x80  }
0x170: {  	[sflag:s24] =	ssyncset.done $0x0  }
0x171: {  	s26 =	simm.s32 $0xD00;
	[sflag:s24] =	ssyncadd.s32 $0xFFFFFF80  }
0x172: {  	v1 =	vld [tilespmem:s26+$0xFFFFFF70]  }
0x173: {  	v0 =	vld.idx.msk [tilespmem:v0+s19+$0x0], $0xffff  }
0x174: {  	v2 =	vld [tilespmem:s26+$0xFFFFFF00]  }
0x175: {  	v3 =	vld [tilespmem:s26+$0xFFFFFF20]  }
0x176: {  	v4 =	vld [tilespmem:s26+$0xFFFFFF50]  }
0x177: {  	v5 =	vld [tilespmem:s26+$0xFFFFFF40]  }
0x178: {  	v6 =	vld [tilespmem:s26+$0xFFFFFF60];
	v1 =	vmul.f32 v1, v0  }
0x179: {  	s5 =	simm.s32 $0x1;
	v7 =	vld [tilespmem:s26+$0xFFFFFF30];
	v2 =	vmul.f32 v2, v0  }
0x17a: {  	v8 =	vld [tilespmem:s26+$0xFFFFFF10];
	v3 =	vmul.f32 v3, v0;
	[tilespmem:s26+$0xFFFFFF70] =	vst v1;
	v1 =	vmov s5  }
0x17b: {  	v4 =	vmul.f32 v4, v0;
	[tilespmem:s26+$0xFFFFFF00] =	vst v2;
	v1 =	vand.u32 $0xFFFFFFFD, v1  }
0x17c: {  	v2 =	vmul.f32 v5, v0;
	[tilespmem:s26+$0xFFFFFF20] =	vst v3;
	v1 =	vbroadcast v1, $0x0  }
0x17d: {  	v3 =	vmul.f32 v6, v0;
	[tilespmem:s26+$0xFFFFFF50] =	vst v4  }
0x17e: {  	v4 =	vmul.f32 v7, v0;
	[tilespmem:s26+$0xFFFFFF40] =	vst v2  }
0x17f: {  	v0 =	vmul.f32 v8, v0;
	[tilespmem:s26+$0xFFFFFF60] =	vst v3  }
0x180: {  	[tilespmem:s26+$0xFFFFFF30] =	vst v4  }
0x181: {  	[tilespmem:s26+$0xFFFFFF10] =	vst v0;
	v0 =	vld [tilespmem:s26+$0xFFFFFF90]  }
0x182: {  	v2 =	vld.idx.msk [tilespmem:v1+s19+$0x0], $0xffff  }
0x183: {  	v1 =	vld [tilespmem:s26+$0xFFFFFFA0]  }
0x184: {  	v3 =	vld [tilespmem:s26+$0xFFFFFF80]  }
0x185: {  	v4 =	vld [tilespmem:s26+$0xFFFFFFB0]  }
0x186: {  	v5 =	vld [tilespmem:s26+$0xFFFFFFC0]  }
0x187: {  	v6 =	vld [tilespmem:s26+$0xFFFFFFD0];
	v0 =	vmul.f32 v0, v2  }
0x188: {  	s12 =	simm.s32 $0x2;
	v7 =	vld [tilespmem:s26+$0xFFFFFFF0];
	v1 =	vmul.f32 v1, v2  }
0x189: {  	v8 =	vld [tilespmem:s26+$0xFFFFFFE0];
	v3 =	vmul.f32 v3, v2;
	[tilespmem:s26+$0xFFFFFF90] =	vst v0;
	v0 =	vmov s12  }
0x18a: {  	v4 =	vmul.f32 v4, v2;
	[tilespmem:s26+$0xFFFFFFA0] =	vst v1;
	v0 =	vand.u32 $0xFFFFFFFE, v0  }
0x18b: {  	v1 =	vmul.f32 v5, v2;
	[tilespmem:s26+$0xFFFFFF80] =	vst v3;
	v5 =	vld [tilespmem:s26+$0x60];
	v9 =	vbroadcast v0, $0x0  }
0x18c: {  	v3 =	vmul.f32 v6, v2;
	[tilespmem:s26+$0xFFFFFFB0] =	vst v4;
	v6 =	vld [tilespmem:s26+$0x0]  }
0x18d: {  	v4 =	vmul.f32 v7, v2;
	v0 =	vld [tilespmem:s26+$0x20];
	[tilespmem:s26+$0xFFFFFFC0] =	vst v1  }
0x18e: {  	v2 =	vmul.f32 v8, v2;
	v1 =	vld [tilespmem:s26+$0x30];
	[tilespmem:s26+$0xFFFFFFD0] =	vst v3  }
0x18f: {  	[tilespmem:s26+$0xFFFFFFF0] =	vst v4;
	v3 =	vld [tilespmem:s26+$0x40]  }
0x190: {  	[tilespmem:s26+$0xFFFFFFE0] =	vst v2;
	v4 =	vld [tilespmem:s26+$0x10]  }
0x191: {  	s31 =	simm.s32 $0x4;
	s12 =	simm.s32 $0xD00;
	v2 =	vld.idx.msk [tilespmem:v9+s19+$0x0], $0xffff  }
.LBB2_8:
0x192: {  	p0 =	sne.s32 s31, $0x7C  }
0x193: {  	v7 =	vld [tilespmem:s26+$0x50];
	s12 =	sadd.s32 $0x200, s12;
	s1 =	smov.u32 s31;
	s31 =	sadd.s32 $0x4, s31  }
0x194: {  	v8 =	vld [tilespmem:s26+$0x70];
	_ =	sdelay $0x1  }
0x195: {  	v5 =	vmul.f32 v5, v2;
	v6 =	vmul.f32 v6, v2  }
0x196: {  	v3 =	vmul.f32 v3, v2;
	v4 =	vmul.f32 v4, v2  }
0x197: {  	v0 =	vmul.f32 v0, v2;
	v1 =	vmul.f32 v1, v2;
	[tilespmem:s26+$0x60] =	vst v5  }
0x198: {  	[tilespmem:s26+$0x40] =	vst v3;
	v3 =	vmul.f32 v7, v2;
	v2 =	vmul.f32 v8, v2  }
0x199: {  	s5 =	sadd.s32 $0x3, s28;
	s28 =	smov.u32 s1;
	[tilespmem:s26+$0x20] =	vst v0;
	v5 =	vld [tilespmem:s26+$0x80]  }
0x19a: {  	v0 =	vld [tilespmem:s12+$0x20];
	[tilespmem:s26+$0x0] =	vst v6;
	v6 =	vmov s5  }
0x19b: {  	[tilespmem:s26+$0x50] =	vst v3;
	v3 =	vld [tilespmem:s26+$0xE0]  }
0x19c: {  	[tilespmem:s26+$0x30] =	vst v1;
	v7 =	vld [tilespmem:s26+$0xC0]  }
0x19d: {  	v1 =	vld [tilespmem:s12+$0x30];
	[tilespmem:s26+$0x10] =	vst v4  }
0x19e: {  	[tilespmem:s26+$0x70] =	vst v2;
	v2 =	vld [tilespmem:s26+$0xA0]  }
0x19f: {  	v4 =	vld.idx.msk [tilespmem:v6+s19+$0x0], $0xffff  }
0x1a0: {  	v6 =	vld [tilespmem:s26+$0x90]  }
0x1a1: {  	v8 =	vld [tilespmem:s26+$0xB0]  }
0x1a2: {  	v9 =	vld [tilespmem:s26+$0xD0]  }
0x1a3: {  	v10 =	vld [tilespmem:s26+$0xF0];
	_ =	sdelay $0x1  }
0x1a4: {  	v5 =	vmul.f32 v5, v4;
	v6 =	vmul.f32 v6, v4  }
0x1a5: {  	v2 =	vmul.f32 v2, v4;
	v8 =	vmul.f32 v8, v4  }
0x1a6: {  	v11 =	vmov s28;
	[tilespmem:s26+$0x80] =	vst v5;
	v5 =	vmul.f32 v7, v4;
	v7 =	vmul.f32 v9, v4  }
0x1a7: {  	v9 =	vand.u32 $0xFFFFFFFC, v11;
	[tilespmem:s26+$0xA0] =	vst v2;
	v2 =	vmul.f32 v3, v4;
	v3 =	vmul.f32 v10, v4  }
0x1a8: {  	v4 =	vbroadcast v9, $0x0;
	[tilespmem:s26+$0xC0] =	vst v5  }
0x1a9: {  	[tilespmem:s26+$0xF0] =	vst v3  }
0x1aa: {  	v3 =	vld [tilespmem:s12+$0xFFFFFF40];
	[tilespmem:s26+$0xE0] =	vst v2  }
0x1ab: {  	v2 =	vld [tilespmem:s12+$0xFFFFFF50];
	[tilespmem:s26+$0x90] =	vst v6  }
0x1ac: {  	v5 =	vld [tilespmem:s12+$0xFFFFFF60];
	[tilespmem:s26+$0xB0] =	vst v8  }
0x1ad: {  	v6 =	vld [tilespmem:s12+$0xFFFFFF70];
	[tilespmem:s26+$0xD0] =	vst v7;
	s26 =	smov.u32 s12  }
0x1ae: {  	v4 =	vld.idx.msk [tilespmem:v4+s19+$0x0], $0xffff  }
0x1af: {  	v7 =	vld [tilespmem:s12+$0xFFFFFF00]  }
0x1b0: {  	v8 =	vld [tilespmem:s12+$0xFFFFFF20]  }
0x1b1: {  	v9 =	vld [tilespmem:s12+$0xFFFFFF10]  }
0x1b2: {  	v10 =	vld [tilespmem:s12+$0xFFFFFF30];
	_ =	sdelay $0x1  }
0x1b3: {  	v6 =	vmul.f32 v6, v4;
	v7 =	vmul.f32 v7, v4  }
0x1b4: {  	s1 =	sadd.s32 $0x1, s28;
	v5 =	vmul.f32 v5, v4;
	v8 =	vmul.f32 v8, v4  }
0x1b5: {  	v2 =	vmul.f32 v2, v4;
	v9 =	vmul.f32 v9, v4;
	[tilespmem:s12+$0xFFFFFF70] =	vst v6;
	v6 =	vmov s1  }
0x1b6: {  	v3 =	vmul.f32 v3, v4;
	[tilespmem:s12+$0xFFFFFF00] =	vst v7;
	v7 =	vmul.f32 v10, v4;
	v4 =	vand.u32 $0xFFFFFFFD, v6  }
0x1b7: {  	[tilespmem:s12+$0xFFFFFF20] =	vst v8;
	v4 =	vbroadcast v4, $0x0  }
0x1b8: {  	[tilespmem:s12+$0xFFFFFF50] =	vst v2  }
0x1b9: {  	[tilespmem:s12+$0xFFFFFF40] =	vst v3;
	v2 =	vld [tilespmem:s12+$0xFFFFFFF0]  }
0x1ba: {  	[tilespmem:s12+$0xFFFFFF60] =	vst v5;
	v3 =	vld [tilespmem:s12+$0xFFFFFFC0]  }
0x1bb: {  	[tilespmem:s12+$0xFFFFFF30] =	vst v7;
	v5 =	vld [tilespmem:s12+$0xFFFFFFD0]  }
0x1bc: {  	[tilespmem:s12+$0xFFFFFF10] =	vst v9;
	v6 =	vld [tilespmem:s12+$0xFFFFFF90]  }
0x1bd: {  	v4 =	vld.idx.msk [tilespmem:v4+s19+$0x0], $0xffff  }
0x1be: {  	v7 =	vld [tilespmem:s12+$0xFFFFFF80]  }
0x1bf: {  	v8 =	vld [tilespmem:s12+$0xFFFFFFA0]  }
0x1c0: {  	v9 =	vld [tilespmem:s12+$0xFFFFFFB0]  }
0x1c1: {  	v10 =	vld [tilespmem:s12+$0xFFFFFFE0];
	_ =	sdelay $0x1  }
0x1c2: {  	v6 =	vmul.f32 v6, v4;
	v7 =	vmul.f32 v7, v4  }
0x1c3: {  	s1 =	sadd.s32 $0x2, s28;
	v5 =	vmul.f32 v5, v4;
	v8 =	vmul.f32 v8, v4  }
0x1c4: {  	v3 =	vmul.f32 v3, v4;
	[tilespmem:s12+$0xFFFFFF90] =	vst v6;
	v6 =	vmul.f32 v9, v4;
	v9 =	vmov s1  }
0x1c5: {  	v2 =	vmul.f32 v2, v4;
	[tilespmem:s12+$0xFFFFFFA0] =	vst v8;
	v8 =	vmul.f32 v10, v4;
	v4 =	vand.u32 $0xFFFFFFFE, v9  }
0x1c6: {  	[tilespmem:s12+$0xFFFFFF80] =	vst v7;
	v4 =	vbroadcast v4, $0x0  }
0x1c7: {  	[tilespmem:s12+$0xFFFFFFB0] =	vst v6  }
0x1c8: {  	[tilespmem:s12+$0xFFFFFFC0] =	vst v3  }
0x1c9: {  	[tilespmem:s12+$0xFFFFFFD0] =	vst v5  }
.Ltmp3:
0x1ca: {  	[tilespmem:s12+$0xFFFFFFF0] =	vst v2;
	v3 =	vld [tilespmem:s12+$0x40];
	(pc) =	sbr.rel @p0 .LBB2_8-.Ltmp3, $4  }
0x1cb: {  	[tilespmem:s12+$0xFFFFFFE0] =	vst v8;
	v5 =	vld [tilespmem:s12+$0x60]  }
0x1cc: {  	v2 =	vld.idx.msk [tilespmem:v4+s19+$0x0], $0xffff  }
0x1cd: {  	v6 =	vld [tilespmem:s12+$0x0]  }
0x1ce: {  	v4 =	vld [tilespmem:s12+$0x10]  }
0x1cf: {  	_ =	sdelay $0x1  }
0x1d0: {  	v5 =	vmul.f32 v5, v2  }
0x1d1: {  	v7 =	vld [tilespmem:s26+$0x50];
	v3 =	vmul.f32 v3, v2  }
0x1d2: {  	v8 =	vld [tilespmem:s26+$0x70];
	v0 =	vmul.f32 v0, v2;
	[tilespmem:s26+$0x60] =	vst v5  }
0x1d3: {  	v5 =	vmul.f32 v6, v2;
	[tilespmem:s26+$0x40] =	vst v3  }
0x1d4: {  	s1 =	sadd.s32 $0x3, s28;
	[tilespmem:s26+$0x20] =	vst v0;
	v0 =	vmul.f32 v1, v2  }
0x1d5: {  	v4 =	vmul.f32 v4, v2;
	[tilespmem:s26+$0x0] =	vst v5;
	v5 =	vmov s1  }
0x1d6: {  	v3 =	vmul.f32 v7, v2;
	[tilespmem:s26+$0x30] =	vst v0  }
0x1d7: {  	v2 =	vmul.f32 v8, v2;
	[tilespmem:s26+$0x10] =	vst v4  }
0x1d8: {  	[tilespmem:s26+$0x50] =	vst v3  }
0x1d9: {  	v1 =	vld [tilespmem:s26+$0x80];
	[tilespmem:s26+$0x70] =	vst v2  }
0x1da: {  	v0 =	vld.idx.msk [tilespmem:v5+s19+$0x0], $0xffff  }
0x1db: {  	v2 =	vld [tilespmem:s26+$0xA0]  }
0x1dc: {  	v3 =	vld [tilespmem:s26+$0xC0]  }
0x1dd: {  	v4 =	vld [tilespmem:s26+$0xF0]  }
0x1de: {  	v5 =	vld [tilespmem:s26+$0xE0]  }
0x1df: {  	v6 =	vld [tilespmem:s26+$0x90];
	v1 =	vmul.f32 v1, v0  }
0x1e0: {  	v7 =	vld [tilespmem:s26+$0xB0];
	v2 =	vmul.f32 v2, v0  }
0x1e1: {  	v8 =	vld [tilespmem:s26+$0xD0];
	[tilespmem:s26+$0x80] =	vst v1;
	v1 =	vmul.f32 v3, v0  }
0x1e2: {  	[tilespmem:s26+$0xA0] =	vst v2;
	v2 =	vmul.f32 v4, v0  }
0x1e3: {  	v3 =	vmul.f32 v5, v0;
	[tilespmem:s26+$0xC0] =	vst v1  }
0x1e4: {  	v1 =	vmul.f32 v6, v0;
	[tilespmem:s26+$0xF0] =	vst v2  }
0x1e5: {  	v2 =	vmul.f32 v7, v0;
	[tilespmem:s26+$0xE0] =	vst v3  }
0x1e6: {  	v0 =	vmul.f32 v8, v0;
	[tilespmem:s26+$0x90] =	vst v1  }
0x1e7: {  	[tilespmem:s26+$0xB0] =	vst v2  }
0x1e8: {  	s5 =	simm.s32 $0x900;
	[tilespmem:s26+$0xD0] =	vst v0  }
0x1e9: {  	[spmem:s3] =	stream.indirect.scatter.add.f32 [tilespmem:s18], [sflag:$0x5], $0x80, s5, s17, $0xb8;
	[tilespmem:$0x1CD00] =	vst v63  }
0x1ea: {  	_ =	swait.ge [sflag:s25], $0x4000  }
0x1eb: {  	[sflag:s25] =	ssyncset.done $0x0  }
0x1ec: {  	s12 =	simm.s32 $0x200;
	[sflag:s25] =	ssyncadd.s32 $0xFFFFC000  }
0x1ed: {  	[tilespmem:s18], [sflag:$0x1] =	stream.indirect.gather [hbm4b:s11+s17], $0x80, s12, s17, $0xb8;
	[tilespmem:$0x1CD00] =	vst v63  }
0x1ee: {  	s28 =	simm.s32 $0x0;
	s26 =	simm.s32 $0x600  }
0x1ef: {  	v0 =	vmov s28;
	[tilespmem:s19], [sflag:$0x3] =	stream.indirect.gather [hbm4b:s13+s17], $0x1, s26, s17, $0xb8;
	[tilespmem:$0x1CD00] =	vst v63  }
0x1f0: {  	v0 =	vand.u32 $0xFFFFFFFC, v0;
	_ =	swait.ge [sflag:s29], $0x4000  }
0x1f1: {  	v0 =	vbroadcast v0, $0x0;
	[sflag:s29] =	ssyncset.done $0x0  }
0x1f2: {  	[sflag:s29] =	ssyncadd.s32 $0xFFFFC000  }
0x1f3: {  	_ =	swait.ge [sflag:s30], $0x80  }
0x1f4: {  	[sflag:s30] =	ssyncset.done $0x0  }
0x1f5: {  	s26 =	simm.s32 $0x4D00;
	[sflag:s30] =	ssyncadd.s32 $0xFFFFFF80  }
0x1f6: {  	v1 =	vld [tilespmem:s26+$0xFFFFFF70]  }
0x1f7: {  	v0 =	vld.idx.msk [tilespmem:v0+s22+$0x0], $0xffff  }
0x1f8: {  	v2 =	vld [tilespmem:s26+$0xFFFFFF00]  }
0x1f9: {  	v3 =	vld [tilespmem:s26+$0xFFFFFF20]  }
0x1fa: {  	v4 =	vld [tilespmem:s26+$0xFFFFFF50]  }
0x1fb: {  	v5 =	vld [tilespmem:s26+$0xFFFFFF40]  }
0x1fc: {  	v6 =	vld [tilespmem:s26+$0xFFFFFF60];
	v1 =	vmul.f32 v1, v0  }
0x1fd: {  	s5 =	simm.s32 $0x1;
	v7 =	vld [tilespmem:s26+$0xFFFFFF30];
	v2 =	vmul.f32 v2, v0  }
0x1fe: {  	v8 =	vld [tilespmem:s26+$0xFFFFFF10];
	v3 =	vmul.f32 v3, v0;
	[tilespmem:s26+$0xFFFFFF70] =	vst v1;
	v1 =	vmov s5  }
0x1ff: {  	v4 =	vmul.f32 v4, v0;
	[tilespmem:s26+$0xFFFFFF00] =	vst v2;
	v1 =	vand.u32 $0xFFFFFFFD, v1  }
0x200: {  	v2 =	vmul.f32 v5, v0;
	[tilespmem:s26+$0xFFFFFF20] =	vst v3;
	v1 =	vbroadcast v1, $0x0  }
0x201: {  	v3 =	vmul.f32 v6, v0;
	[tilespmem:s26+$0xFFFFFF50] =	vst v4  }
0x202: {  	v4 =	vmul.f32 v7, v0;
	[tilespmem:s26+$0xFFFFFF40] =	vst v2  }
0x203: {  	v0 =	vmul.f32 v8, v0;
	[tilespmem:s26+$0xFFFFFF60] =	vst v3  }
0x204: {  	[tilespmem:s26+$0xFFFFFF30] =	vst v4  }
0x205: {  	[tilespmem:s26+$0xFFFFFF10] =	vst v0;
	v0 =	vld [tilespmem:s26+$0xFFFFFF90]  }
0x206: {  	v2 =	vld.idx.msk [tilespmem:v1+s22+$0x0], $0xffff  }
0x207: {  	v1 =	vld [tilespmem:s26+$0xFFFFFFA0]  }
0x208: {  	v3 =	vld [tilespmem:s26+$0xFFFFFF80]  }
0x209: {  	v4 =	vld [tilespmem:s26+$0xFFFFFFB0]  }
0x20a: {  	v5 =	vld [tilespmem:s26+$0xFFFFFFC0]  }
0x20b: {  	v6 =	vld [tilespmem:s26+$0xFFFFFFD0];
	v0 =	vmul.f32 v0, v2  }
0x20c: {  	s12 =	simm.s32 $0x2;
	v7 =	vld [tilespmem:s26+$0xFFFFFFF0];
	v1 =	vmul.f32 v1, v2  }
0x20d: {  	v8 =	vld [tilespmem:s26+$0xFFFFFFE0];
	v3 =	vmul.f32 v3, v2;
	[tilespmem:s26+$0xFFFFFF90] =	vst v0;
	v0 =	vmov s12  }
0x20e: {  	v4 =	vmul.f32 v4, v2;
	[tilespmem:s26+$0xFFFFFFA0] =	vst v1;
	v0 =	vand.u32 $0xFFFFFFFE, v0  }
0x20f: {  	v1 =	vmul.f32 v5, v2;
	[tilespmem:s26+$0xFFFFFF80] =	vst v3;
	v5 =	vld [tilespmem:s26+$0x60];
	v9 =	vbroadcast v0, $0x0  }
0x210: {  	v3 =	vmul.f32 v6, v2;
	[tilespmem:s26+$0xFFFFFFB0] =	vst v4;
	v6 =	vld [tilespmem:s26+$0x0]  }
0x211: {  	v4 =	vmul.f32 v7, v2;
	v0 =	vld [tilespmem:s26+$0x20];
	[tilespmem:s26+$0xFFFFFFC0] =	vst v1  }
0x212: {  	v2 =	vmul.f32 v8, v2;
	v1 =	vld [tilespmem:s26+$0x30];
	[tilespmem:s26+$0xFFFFFFD0] =	vst v3  }
0x213: {  	[tilespmem:s26+$0xFFFFFFF0] =	vst v4;
	v3 =	vld [tilespmem:s26+$0x40]  }
0x214: {  	[tilespmem:s26+$0xFFFFFFE0] =	vst v2;
	v4 =	vld [tilespmem:s26+$0x10]  }
0x215: {  	s31 =	simm.s32 $0x4;
	s12 =	simm.s32 $0x4D00;
	v2 =	vld.idx.msk [tilespmem:v9+s22+$0x0], $0xffff  }
.LBB2_10:
0x216: {  	p0 =	sne.s32 s31, $0x7C  }
0x217: {  	v7 =	vld [tilespmem:s26+$0x50];
	s12 =	sadd.s32 $0x200, s12;
	s1 =	smov.u32 s31;
	s31 =	sadd.s32 $0x4, s31  }
0x218: {  	v8 =	vld [tilespmem:s26+$0x70];
	_ =	sdelay $0x1  }
0x219: {  	v5 =	vmul.f32 v5, v2;
	v6 =	vmul.f32 v6, v2  }
0x21a: {  	v3 =	vmul.f32 v3, v2;
	v4 =	vmul.f32 v4, v2  }
0x21b: {  	v0 =	vmul.f32 v0, v2;
	v1 =	vmul.f32 v1, v2;
	[tilespmem:s26+$0x60] =	vst v5  }
0x21c: {  	[tilespmem:s26+$0x40] =	vst v3;
	v3 =	vmul.f32 v7, v2;
	v2 =	vmul.f32 v8, v2  }
0x21d: {  	s5 =	sadd.s32 $0x3, s28;
	s28 =	smov.u32 s1;
	[tilespmem:s26+$0x20] =	vst v0;
	v5 =	vld [tilespmem:s26+$0x80]  }
0x21e: {  	v0 =	vld [tilespmem:s12+$0x20];
	[tilespmem:s26+$0x0] =	vst v6;
	v6 =	vmov s5  }
0x21f: {  	[tilespmem:s26+$0x50] =	vst v3;
	v3 =	vld [tilespmem:s26+$0xE0]  }
0x220: {  	[tilespmem:s26+$0x30] =	vst v1;
	v7 =	vld [tilespmem:s26+$0xC0]  }
0x221: {  	v1 =	vld [tilespmem:s12+$0x30];
	[tilespmem:s26+$0x10] =	vst v4  }
0x222: {  	[tilespmem:s26+$0x70] =	vst v2;
	v2 =	vld [tilespmem:s26+$0xA0]  }
0x223: {  	v4 =	vld.idx.msk [tilespmem:v6+s22+$0x0], $0xffff  }
0x224: {  	v6 =	vld [tilespmem:s26+$0x90]  }
0x225: {  	v8 =	vld [tilespmem:s26+$0xB0]  }
0x226: {  	v9 =	vld [tilespmem:s26+$0xD0]  }
0x227: {  	v10 =	vld [tilespmem:s26+$0xF0];
	_ =	sdelay $0x1  }
0x228: {  	v5 =	vmul.f32 v5, v4;
	v6 =	vmul.f32 v6, v4  }
0x229: {  	v2 =	vmul.f32 v2, v4;
	v8 =	vmul.f32 v8, v4  }
0x22a: {  	v11 =	vmov s28;
	[tilespmem:s26+$0x80] =	vst v5;
	v5 =	vmul.f32 v7, v4;
	v7 =	vmul.f32 v9, v4  }
0x22b: {  	v9 =	vand.u32 $0xFFFFFFFC, v11;
	[tilespmem:s26+$0xA0] =	vst v2;
	v2 =	vmul.f32 v3, v4;
	v3 =	vmul.f32 v10, v4  }
0x22c: {  	v4 =	vbroadcast v9, $0x0;
	[tilespmem:s26+$0xC0] =	vst v5  }
0x22d: {  	[tilespmem:s26+$0xF0] =	vst v3  }
0x22e: {  	v3 =	vld [tilespmem:s12+$0xFFFFFF40];
	[tilespmem:s26+$0xE0] =	vst v2  }
0x22f: {  	v2 =	vld [tilespmem:s12+$0xFFFFFF50];
	[tilespmem:s26+$0x90] =	vst v6  }
0x230: {  	v5 =	vld [tilespmem:s12+$0xFFFFFF60];
	[tilespmem:s26+$0xB0] =	vst v8  }
0x231: {  	v6 =	vld [tilespmem:s12+$0xFFFFFF70];
	[tilespmem:s26+$0xD0] =	vst v7;
	s26 =	smov.u32 s12  }
0x232: {  	v4 =	vld.idx.msk [tilespmem:v4+s22+$0x0], $0xffff  }
0x233: {  	v7 =	vld [tilespmem:s12+$0xFFFFFF00]  }
0x234: {  	v8 =	vld [tilespmem:s12+$0xFFFFFF20]  }
0x235: {  	v9 =	vld [tilespmem:s12+$0xFFFFFF10]  }
0x236: {  	v10 =	vld [tilespmem:s12+$0xFFFFFF30];
	_ =	sdelay $0x1  }
0x237: {  	v6 =	vmul.f32 v6, v4;
	v7 =	vmul.f32 v7, v4  }
0x238: {  	s1 =	sadd.s32 $0x1, s28;
	v5 =	vmul.f32 v5, v4;
	v8 =	vmul.f32 v8, v4  }
0x239: {  	v2 =	vmul.f32 v2, v4;
	v9 =	vmul.f32 v9, v4;
	[tilespmem:s12+$0xFFFFFF70] =	vst v6;
	v6 =	vmov s1  }
0x23a: {  	v3 =	vmul.f32 v3, v4;
	[tilespmem:s12+$0xFFFFFF00] =	vst v7;
	v7 =	vmul.f32 v10, v4;
	v4 =	vand.u32 $0xFFFFFFFD, v6  }
0x23b: {  	[tilespmem:s12+$0xFFFFFF20] =	vst v8;
	v4 =	vbroadcast v4, $0x0  }
0x23c: {  	[tilespmem:s12+$0xFFFFFF50] =	vst v2  }
0x23d: {  	[tilespmem:s12+$0xFFFFFF40] =	vst v3;
	v2 =	vld [tilespmem:s12+$0xFFFFFFF0]  }
0x23e: {  	[tilespmem:s12+$0xFFFFFF60] =	vst v5;
	v3 =	vld [tilespmem:s12+$0xFFFFFFC0]  }
0x23f: {  	[tilespmem:s12+$0xFFFFFF30] =	vst v7;
	v5 =	vld [tilespmem:s12+$0xFFFFFFD0]  }
0x240: {  	[tilespmem:s12+$0xFFFFFF10] =	vst v9;
	v6 =	vld [tilespmem:s12+$0xFFFFFF90]  }
0x241: {  	v4 =	vld.idx.msk [tilespmem:v4+s22+$0x0], $0xffff  }
0x242: {  	v7 =	vld [tilespmem:s12+$0xFFFFFF80]  }
0x243: {  	v8 =	vld [tilespmem:s12+$0xFFFFFFA0]  }
0x244: {  	v9 =	vld [tilespmem:s12+$0xFFFFFFB0]  }
0x245: {  	v10 =	vld [tilespmem:s12+$0xFFFFFFE0];
	_ =	sdelay $0x1  }
0x246: {  	v6 =	vmul.f32 v6, v4;
	v7 =	vmul.f32 v7, v4  }
0x247: {  	s1 =	sadd.s32 $0x2, s28;
	v5 =	vmul.f32 v5, v4;
	v8 =	vmul.f32 v8, v4  }
0x248: {  	v3 =	vmul.f32 v3, v4;
	[tilespmem:s12+$0xFFFFFF90] =	vst v6;
	v6 =	vmul.f32 v9, v4;
	v9 =	vmov s1  }
0x249: {  	v2 =	vmul.f32 v2, v4;
	[tilespmem:s12+$0xFFFFFFA0] =	vst v8;
	v8 =	vmul.f32 v10, v4;
	v4 =	vand.u32 $0xFFFFFFFE, v9  }
0x24a: {  	[tilespmem:s12+$0xFFFFFF80] =	vst v7;
	v4 =	vbroadcast v4, $0x0  }
0x24b: {  	[tilespmem:s12+$0xFFFFFFB0] =	vst v6  }
0x24c: {  	[tilespmem:s12+$0xFFFFFFC0] =	vst v3  }
0x24d: {  	[tilespmem:s12+$0xFFFFFFD0] =	vst v5  }
.Ltmp4:
0x24e: {  	[tilespmem:s12+$0xFFFFFFF0] =	vst v2;
	v3 =	vld [tilespmem:s12+$0x40];
	(pc) =	sbr.rel @p0 .LBB2_10-.Ltmp4, $4  }
0x24f: {  	[tilespmem:s12+$0xFFFFFFE0] =	vst v8;
	v5 =	vld [tilespmem:s12+$0x60]  }
0x250: {  	v2 =	vld.idx.msk [tilespmem:v4+s22+$0x0], $0xffff  }
0x251: {  	v6 =	vld [tilespmem:s12+$0x0]  }
0x252: {  	v4 =	vld [tilespmem:s12+$0x10]  }
0x253: {  	_ =	sdelay $0x1  }
0x254: {  	v5 =	vmul.f32 v5, v2  }
0x255: {  	v7 =	vld [tilespmem:s26+$0x50];
	v3 =	vmul.f32 v3, v2  }
0x256: {  	v8 =	vld [tilespmem:s26+$0x70];
	v0 =	vmul.f32 v0, v2;
	[tilespmem:s26+$0x60] =	vst v5  }
0x257: {  	v5 =	vmul.f32 v6, v2;
	[tilespmem:s26+$0x40] =	vst v3  }
0x258: {  	s1 =	sadd.s32 $0x3, s28;
	[tilespmem:s26+$0x20] =	vst v0;
	v0 =	vmul.f32 v1, v2  }
0x259: {  	v4 =	vmul.f32 v4, v2;
	[tilespmem:s26+$0x0] =	vst v5;
	v5 =	vmov s1  }
0x25a: {  	v3 =	vmul.f32 v7, v2;
	[tilespmem:s26+$0x30] =	vst v0  }
0x25b: {  	v2 =	vmul.f32 v8, v2;
	[tilespmem:s26+$0x10] =	vst v4  }
0x25c: {  	[tilespmem:s26+$0x50] =	vst v3  }
0x25d: {  	v1 =	vld [tilespmem:s26+$0x80];
	[tilespmem:s26+$0x70] =	vst v2  }
0x25e: {  	v0 =	vld.idx.msk [tilespmem:v5+s22+$0x0], $0xffff  }
0x25f: {  	v2 =	vld [tilespmem:s26+$0xA0]  }
0x260: {  	v3 =	vld [tilespmem:s26+$0xC0]  }
0x261: {  	v4 =	vld [tilespmem:s26+$0xF0]  }
0x262: {  	v5 =	vld [tilespmem:s26+$0xE0]  }
0x263: {  	v6 =	vld [tilespmem:s26+$0x90];
	v1 =	vmul.f32 v1, v0  }
0x264: {  	v7 =	vld [tilespmem:s26+$0xB0];
	v2 =	vmul.f32 v2, v0  }
0x265: {  	v8 =	vld [tilespmem:s26+$0xD0];
	[tilespmem:s26+$0x80] =	vst v1;
	v1 =	vmul.f32 v3, v0  }
0x266: {  	[tilespmem:s26+$0xA0] =	vst v2;
	v2 =	vmul.f32 v4, v0  }
0x267: {  	v3 =	vmul.f32 v5, v0;
	[tilespmem:s26+$0xC0] =	vst v1  }
0x268: {  	v1 =	vmul.f32 v6, v0;
	[tilespmem:s26+$0xF0] =	vst v2  }
0x269: {  	v2 =	vmul.f32 v7, v0;
	[tilespmem:s26+$0xE0] =	vst v3  }
0x26a: {  	v0 =	vmul.f32 v8, v0;
	[tilespmem:s26+$0x90] =	vst v1  }
0x26b: {  	[tilespmem:s26+$0xB0] =	vst v2  }
0x26c: {  	s5 =	simm.s32 $0x980;
	[tilespmem:s26+$0xD0] =	vst v0  }
0x26d: {  	[spmem:s3] =	stream.indirect.scatter.add.f32 [tilespmem:s20], [sflag:$0x6], $0x80, s5, s17, $0xb8;
	[tilespmem:$0x1CD00] =	vst v63  }
0x26e: {  	_ =	swait.ge [sflag:s0], $0x4000  }
0x26f: {  	[sflag:s0] =	ssyncset.done $0x0  }
0x270: {  	s12 =	simm.s32 $0x280;
	[sflag:s0] =	ssyncadd.s32 $0xFFFFC000  }
0x271: {  	[tilespmem:s20], [sflag:$0x2] =	stream.indirect.gather [hbm4b:s11+s17], $0x80, s12, s17, $0xb8;
	[tilespmem:$0x1CD00] =	vst v63  }
0x272: {  	s28 =	simm.s32 $0x0;
	s26 =	simm.s32 $0x680  }
0x273: {  	v0 =	vmov s28;
	[tilespmem:s22], [sflag:$0x4] =	stream.indirect.gather [hbm4b:s13+s17], $0x1, s26, s17, $0xb8;
	[tilespmem:$0x1CD00] =	vst v63  }
0x274: {  	v0 =	vand.u32 $0xFFFFFFFC, v0;
	_ =	swait.ge [sflag:s23], $0x4000  }
0x275: {  	v0 =	vbroadcast v0, $0x0;
	[sflag:s23] =	ssyncset.done $0x0  }
0x276: {  	[sflag:s23] =	ssyncadd.s32 $0xFFFFC000  }
0x277: {  	_ =	swait.ge [sflag:s24], $0x80  }
0x278: {  	[sflag:s24] =	ssyncset.done $0x0  }
0x279: {  	s26 =	simm.s32 $0xD00;
	[sflag:s24] =	ssyncadd.s32 $0xFFFFFF80  }
0x27a: {  	v1 =	vld [tilespmem:s26+$0xFFFFFF70]  }
0x27b: {  	v0 =	vld.idx.msk [tilespmem:v0+s19+$0x0], $0xffff  }
0x27c: {  	v2 =	vld [tilespmem:s26+$0xFFFFFF00]  }
0x27d: {  	v3 =	vld [tilespmem:s26+$0xFFFFFF20]  }
0x27e: {  	v4 =	vld [tilespmem:s26+$0xFFFFFF50]  }
0x27f: {  	v5 =	vld [tilespmem:s26+$0xFFFFFF40]  }
0x280: {  	v6 =	vld [tilespmem:s26+$0xFFFFFF60];
	v1 =	vmul.f32 v1, v0  }
0x281: {  	s5 =	simm.s32 $0x1;
	v7 =	vld [tilespmem:s26+$0xFFFFFF30];
	v2 =	vmul.f32 v2, v0  }
0x282: {  	v8 =	vld [tilespmem:s26+$0xFFFFFF10];
	v3 =	vmul.f32 v3, v0;
	[tilespmem:s26+$0xFFFFFF70] =	vst v1;
	v1 =	vmov s5  }
0x283: {  	v4 =	vmul.f32 v4, v0;
	[tilespmem:s26+$0xFFFFFF00] =	vst v2;
	v1 =	vand.u32 $0xFFFFFFFD, v1  }
0x284: {  	v2 =	vmul.f32 v5, v0;
	[tilespmem:s26+$0xFFFFFF20] =	vst v3;
	v1 =	vbroadcast v1, $0x0  }
0x285: {  	v3 =	vmul.f32 v6, v0;
	[tilespmem:s26+$0xFFFFFF50] =	vst v4  }
0x286: {  	v4 =	vmul.f32 v7, v0;
	[tilespmem:s26+$0xFFFFFF40] =	vst v2  }
0x287: {  	v0 =	vmul.f32 v8, v0;
	[tilespmem:s26+$0xFFFFFF60] =	vst v3  }
0x288: {  	[tilespmem:s26+$0xFFFFFF30] =	vst v4  }
0x289: {  	[tilespmem:s26+$0xFFFFFF10] =	vst v0;
	v0 =	vld [tilespmem:s26+$0xFFFFFF90]  }
0x28a: {  	v2 =	vld.idx.msk [tilespmem:v1+s19+$0x0], $0xffff  }
0x28b: {  	v1 =	vld [tilespmem:s26+$0xFFFFFFA0]  }
0x28c: {  	v3 =	vld [tilespmem:s26+$0xFFFFFF80]  }
0x28d: {  	v4 =	vld [tilespmem:s26+$0xFFFFFFB0]  }
0x28e: {  	v5 =	vld [tilespmem:s26+$0xFFFFFFC0]  }
0x28f: {  	v6 =	vld [tilespmem:s26+$0xFFFFFFD0];
	v0 =	vmul.f32 v0, v2  }
0x290: {  	s12 =	simm.s32 $0x2;
	v7 =	vld [tilespmem:s26+$0xFFFFFFF0];
	v1 =	vmul.f32 v1, v2  }
0x291: {  	v8 =	vld [tilespmem:s26+$0xFFFFFFE0];
	v3 =	vmul.f32 v3, v2;
	[tilespmem:s26+$0xFFFFFF90] =	vst v0;
	v0 =	vmov s12  }
0x292: {  	v4 =	vmul.f32 v4, v2;
	[tilespmem:s26+$0xFFFFFFA0] =	vst v1;
	v0 =	vand.u32 $0xFFFFFFFE, v0  }
0x293: {  	v1 =	vmul.f32 v5, v2;
	[tilespmem:s26+$0xFFFFFF80] =	vst v3;
	v5 =	vld [tilespmem:s26+$0x60];
	v9 =	vbroadcast v0, $0x0  }
0x294: {  	v3 =	vmul.f32 v6, v2;
	[tilespmem:s26+$0xFFFFFFB0] =	vst v4;
	v6 =	vld [tilespmem:s26+$0x0]  }
0x295: {  	v4 =	vmul.f32 v7, v2;
	v0 =	vld [tilespmem:s26+$0x20];
	[tilespmem:s26+$0xFFFFFFC0] =	vst v1  }
0x296: {  	v2 =	vmul.f32 v8, v2;
	v1 =	vld [tilespmem:s26+$0x30];
	[tilespmem:s26+$0xFFFFFFD0] =	vst v3  }
0x297: {  	[tilespmem:s26+$0xFFFFFFF0] =	vst v4;
	v3 =	vld [tilespmem:s26+$0x40]  }
0x298: {  	[tilespmem:s26+$0xFFFFFFE0] =	vst v2;
	v4 =	vld [tilespmem:s26+$0x10]  }
0x299: {  	s31 =	simm.s32 $0x4;
	s12 =	simm.s32 $0xD00;
	v2 =	vld.idx.msk [tilespmem:v9+s19+$0x0], $0xffff  }
.LBB2_12:
0x29a: {  	p0 =	sne.s32 s31, $0x7C  }
0x29b: {  	v7 =	vld [tilespmem:s26+$0x50];
	s12 =	sadd.s32 $0x200, s12;
	s1 =	smov.u32 s31;
	s31 =	sadd.s32 $0x4, s31  }
0x29c: {  	v8 =	vld [tilespmem:s26+$0x70];
	_ =	sdelay $0x1  }
0x29d: {  	v5 =	vmul.f32 v5, v2;
	v6 =	vmul.f32 v6, v2  }
0x29e: {  	v3 =	vmul.f32 v3, v2;
	v4 =	vmul.f32 v4, v2  }
0x29f: {  	v0 =	vmul.f32 v0, v2;
	v1 =	vmul.f32 v1, v2;
	[tilespmem:s26+$0x60] =	vst v5  }
0x2a0: {  	[tilespmem:s26+$0x40] =	vst v3;
	v3 =	vmul.f32 v7, v2;
	v2 =	vmul.f32 v8, v2  }
0x2a1: {  	s5 =	sadd.s32 $0x3, s28;
	s28 =	smov.u32 s1;
	[tilespmem:s26+$0x20] =	vst v0;
	v5 =	vld [tilespmem:s26+$0x80]  }
0x2a2: {  	v0 =	vld [tilespmem:s12+$0x20];
	[tilespmem:s26+$0x0] =	vst v6;
	v6 =	vmov s5  }
0x2a3: {  	[tilespmem:s26+$0x50] =	vst v3;
	v3 =	vld [tilespmem:s26+$0xE0]  }
0x2a4: {  	[tilespmem:s26+$0x30] =	vst v1;
	v7 =	vld [tilespmem:s26+$0xC0]  }
0x2a5: {  	v1 =	vld [tilespmem:s12+$0x30];
	[tilespmem:s26+$0x10] =	vst v4  }
0x2a6: {  	[tilespmem:s26+$0x70] =	vst v2;
	v2 =	vld [tilespmem:s26+$0xA0]  }
0x2a7: {  	v4 =	vld.idx.msk [tilespmem:v6+s19+$0x0], $0xffff  }
0x2a8: {  	v6 =	vld [tilespmem:s26+$0x90]  }
0x2a9: {  	v8 =	vld [tilespmem:s26+$0xB0]  }
0x2aa: {  	v9 =	vld [tilespmem:s26+$0xD0]  }
0x2ab: {  	v10 =	vld [tilespmem:s26+$0xF0];
	_ =	sdelay $0x1  }
0x2ac: {  	v5 =	vmul.f32 v5, v4;
	v6 =	vmul.f32 v6, v4  }
0x2ad: {  	v2 =	vmul.f32 v2, v4;
	v8 =	vmul.f32 v8, v4  }
0x2ae: {  	v11 =	vmov s28;
	[tilespmem:s26+$0x80] =	vst v5;
	v5 =	vmul.f32 v7, v4;
	v7 =	vmul.f32 v9, v4  }
0x2af: {  	v9 =	vand.u32 $0xFFFFFFFC, v11;
	[tilespmem:s26+$0xA0] =	vst v2;
	v2 =	vmul.f32 v3, v4;
	v3 =	vmul.f32 v10, v4  }
0x2b0: {  	v4 =	vbroadcast v9, $0x0;
	[tilespmem:s26+$0xC0] =	vst v5  }
0x2b1: {  	[tilespmem:s26+$0xF0] =	vst v3  }
0x2b2: {  	v3 =	vld [tilespmem:s12+$0xFFFFFF40];
	[tilespmem:s26+$0xE0] =	vst v2  }
0x2b3: {  	v2 =	vld [tilespmem:s12+$0xFFFFFF50];
	[tilespmem:s26+$0x90] =	vst v6  }
0x2b4: {  	v5 =	vld [tilespmem:s12+$0xFFFFFF60];
	[tilespmem:s26+$0xB0] =	vst v8  }
0x2b5: {  	v6 =	vld [tilespmem:s12+$0xFFFFFF70];
	[tilespmem:s26+$0xD0] =	vst v7;
	s26 =	smov.u32 s12  }
0x2b6: {  	v4 =	vld.idx.msk [tilespmem:v4+s19+$0x0], $0xffff  }
0x2b7: {  	v7 =	vld [tilespmem:s12+$0xFFFFFF00]  }
0x2b8: {  	v8 =	vld [tilespmem:s12+$0xFFFFFF20]  }
0x2b9: {  	v9 =	vld [tilespmem:s12+$0xFFFFFF10]  }
0x2ba: {  	v10 =	vld [tilespmem:s12+$0xFFFFFF30];
	_ =	sdelay $0x1  }
0x2bb: {  	v6 =	vmul.f32 v6, v4;
	v7 =	vmul.f32 v7, v4  }
0x2bc: {  	s1 =	sadd.s32 $0x1, s28;
	v5 =	vmul.f32 v5, v4;
	v8 =	vmul.f32 v8, v4  }
0x2bd: {  	v2 =	vmul.f32 v2, v4;
	v9 =	vmul.f32 v9, v4;
	[tilespmem:s12+$0xFFFFFF70] =	vst v6;
	v6 =	vmov s1  }
0x2be: {  	v3 =	vmul.f32 v3, v4;
	[tilespmem:s12+$0xFFFFFF00] =	vst v7;
	v7 =	vmul.f32 v10, v4;
	v4 =	vand.u32 $0xFFFFFFFD, v6  }
0x2bf: {  	[tilespmem:s12+$0xFFFFFF20] =	vst v8;
	v4 =	vbroadcast v4, $0x0  }
0x2c0: {  	[tilespmem:s12+$0xFFFFFF50] =	vst v2  }
0x2c1: {  	[tilespmem:s12+$0xFFFFFF40] =	vst v3;
	v2 =	vld [tilespmem:s12+$0xFFFFFFF0]  }
0x2c2: {  	[tilespmem:s12+$0xFFFFFF60] =	vst v5;
	v3 =	vld [tilespmem:s12+$0xFFFFFFC0]  }
0x2c3: {  	[tilespmem:s12+$0xFFFFFF30] =	vst v7;
	v5 =	vld [tilespmem:s12+$0xFFFFFFD0]  }
0x2c4: {  	[tilespmem:s12+$0xFFFFFF10] =	vst v9;
	v6 =	vld [tilespmem:s12+$0xFFFFFF90]  }
0x2c5: {  	v4 =	vld.idx.msk [tilespmem:v4+s19+$0x0], $0xffff  }
0x2c6: {  	v7 =	vld [tilespmem:s12+$0xFFFFFF80]  }
0x2c7: {  	v8 =	vld [tilespmem:s12+$0xFFFFFFA0]  }
0x2c8: {  	v9 =	vld [tilespmem:s12+$0xFFFFFFB0]  }
0x2c9: {  	v10 =	vld [tilespmem:s12+$0xFFFFFFE0];
	_ =	sdelay $0x1  }
0x2ca: {  	v6 =	vmul.f32 v6, v4;
	v7 =	vmul.f32 v7, v4  }
0x2cb: {  	s1 =	sadd.s32 $0x2, s28;
	v5 =	vmul.f32 v5, v4;
	v8 =	vmul.f32 v8, v4  }
0x2cc: {  	v3 =	vmul.f32 v3, v4;
	[tilespmem:s12+$0xFFFFFF90] =	vst v6;
	v6 =	vmul.f32 v9, v4;
	v9 =	vmov s1  }
0x2cd: {  	v2 =	vmul.f32 v2, v4;
	[tilespmem:s12+$0xFFFFFFA0] =	vst v8;
	v8 =	vmul.f32 v10, v4;
	v4 =	vand.u32 $0xFFFFFFFE, v9  }
0x2ce: {  	[tilespmem:s12+$0xFFFFFF80] =	vst v7;
	v4 =	vbroadcast v4, $0x0  }
0x2cf: {  	[tilespmem:s12+$0xFFFFFFB0] =	vst v6  }
0x2d0: {  	[tilespmem:s12+$0xFFFFFFC0] =	vst v3  }
0x2d1: {  	[tilespmem:s12+$0xFFFFFFD0] =	vst v5  }
.Ltmp5:
0x2d2: {  	[tilespmem:s12+$0xFFFFFFF0] =	vst v2;
	v3 =	vld [tilespmem:s12+$0x40];
	(pc) =	sbr.rel @p0 .LBB2_12-.Ltmp5, $4  }
0x2d3: {  	[tilespmem:s12+$0xFFFFFFE0] =	vst v8;
	v5 =	vld [tilespmem:s12+$0x60]  }
0x2d4: {  	v2 =	vld.idx.msk [tilespmem:v4+s19+$0x0], $0xffff  }
0x2d5: {  	v6 =	vld [tilespmem:s12+$0x0]  }
0x2d6: {  	v4 =	vld [tilespmem:s12+$0x10]  }
0x2d7: {  	_ =	sdelay $0x1  }
0x2d8: {  	v5 =	vmul.f32 v5, v2  }
0x2d9: {  	v7 =	vld [tilespmem:s26+$0x50];
	v3 =	vmul.f32 v3, v2  }
0x2da: {  	v8 =	vld [tilespmem:s26+$0x70];
	v0 =	vmul.f32 v0, v2;
	[tilespmem:s26+$0x60] =	vst v5  }
0x2db: {  	v5 =	vmul.f32 v6, v2;
	[tilespmem:s26+$0x40] =	vst v3  }
0x2dc: {  	s1 =	sadd.s32 $0x3, s28;
	[tilespmem:s26+$0x20] =	vst v0;
	v0 =	vmul.f32 v1, v2  }
0x2dd: {  	v4 =	vmul.f32 v4, v2;
	[tilespmem:s26+$0x0] =	vst v5;
	v5 =	vmov s1  }
0x2de: {  	v3 =	vmul.f32 v7, v2;
	[tilespmem:s26+$0x30] =	vst v0  }
0x2df: {  	v2 =	vmul.f32 v8, v2;
	[tilespmem:s26+$0x10] =	vst v4  }
0x2e0: {  	[tilespmem:s26+$0x50] =	vst v3  }
0x2e1: {  	v1 =	vld [tilespmem:s26+$0x80];
	[tilespmem:s26+$0x70] =	vst v2  }
0x2e2: {  	v0 =	vld.idx.msk [tilespmem:v5+s19+$0x0], $0xffff  }
0x2e3: {  	v2 =	vld [tilespmem:s26+$0xA0]  }
0x2e4: {  	v3 =	vld [tilespmem:s26+$0xC0]  }
0x2e5: {  	v4 =	vld [tilespmem:s26+$0xF0]  }
0x2e6: {  	v5 =	vld [tilespmem:s26+$0xE0]  }
0x2e7: {  	v6 =	vld [tilespmem:s26+$0x90];
	v1 =	vmul.f32 v1, v0  }
0x2e8: {  	v7 =	vld [tilespmem:s26+$0xB0];
	v2 =	vmul.f32 v2, v0  }
0x2e9: {  	v8 =	vld [tilespmem:s26+$0xD0];
	[tilespmem:s26+$0x80] =	vst v1;
	v1 =	vmul.f32 v3, v0  }
0x2ea: {  	[tilespmem:s26+$0xA0] =	vst v2;
	v2 =	vmul.f32 v4, v0  }
0x2eb: {  	v3 =	vmul.f32 v5, v0;
	[tilespmem:s26+$0xC0] =	vst v1  }
0x2ec: {  	v1 =	vmul.f32 v6, v0;
	[tilespmem:s26+$0xF0] =	vst v2  }
0x2ed: {  	v2 =	vmul.f32 v7, v0;
	[tilespmem:s26+$0xE0] =	vst v3  }
0x2ee: {  	v0 =	vmul.f32 v8, v0;
	[tilespmem:s26+$0x90] =	vst v1  }
0x2ef: {  	[tilespmem:s26+$0xB0] =	vst v2  }
0x2f0: {  	s5 =	simm.s32 $0xA00;
	[tilespmem:s26+$0xD0] =	vst v0  }
0x2f1: {  	[spmem:s3] =	stream.indirect.scatter.add.f32 [tilespmem:s18], [sflag:$0x5], $0x80, s5, s17, $0xb8;
	[tilespmem:$0x1CD00] =	vst v63  }
0x2f2: {  	_ =	swait.ge [sflag:s25], $0x4000  }
0x2f3: {  	[sflag:s25] =	ssyncset.done $0x0  }
0x2f4: {  	s12 =	simm.s32 $0x300;
	[sflag:s25] =	ssyncadd.s32 $0xFFFFC000  }
0x2f5: {  	[tilespmem:s18], [sflag:$0x1] =	stream.indirect.gather [hbm4b:s11+s17], $0x80, s12, s17, $0xb8;
	[tilespmem:$0x1CD00] =	vst v63  }
0x2f6: {  	s28 =	simm.s32 $0x0;
	s26 =	simm.s32 $0x700  }
0x2f7: {  	v0 =	vmov s28;
	[tilespmem:s19], [sflag:$0x3] =	stream.indirect.gather [hbm4b:s13+s17], $0x1, s26, s17, $0xb8;
	[tilespmem:$0x1CD00] =	vst v63  }
0x2f8: {  	v0 =	vand.u32 $0xFFFFFFFC, v0;
	_ =	swait.ge [sflag:s29], $0x4000  }
0x2f9: {  	v0 =	vbroadcast v0, $0x0;
	[sflag:s29] =	ssyncset.done $0x0  }
0x2fa: {  	[sflag:s29] =	ssyncadd.s32 $0xFFFFC000  }
0x2fb: {  	_ =	swait.ge [sflag:s30], $0x80  }
0x2fc: {  	[sflag:s30] =	ssyncset.done $0x0  }
0x2fd: {  	s26 =	simm.s32 $0x4D00;
	[sflag:s30] =	ssyncadd.s32 $0xFFFFFF80  }
0x2fe: {  	v1 =	vld [tilespmem:s26+$0xFFFFFF70]  }
0x2ff: {  	v0 =	vld.idx.msk [tilespmem:v0+s22+$0x0], $0xffff  }
0x300: {  	v2 =	vld [tilespmem:s26+$0xFFFFFF00]  }
0x301: {  	v3 =	vld [tilespmem:s26+$0xFFFFFF20]  }
0x302: {  	v4 =	vld [tilespmem:s26+$0xFFFFFF50]  }
0x303: {  	v5 =	vld [tilespmem:s26+$0xFFFFFF40]  }
0x304: {  	v6 =	vld [tilespmem:s26+$0xFFFFFF60];
	v1 =	vmul.f32 v1, v0  }
0x305: {  	s5 =	simm.s32 $0x1;
	v7 =	vld [tilespmem:s26+$0xFFFFFF30];
	v2 =	vmul.f32 v2, v0  }
0x306: {  	v8 =	vld [tilespmem:s26+$0xFFFFFF10];
	v3 =	vmul.f32 v3, v0;
	[tilespmem:s26+$0xFFFFFF70] =	vst v1;
	v1 =	vmov s5  }
0x307: {  	v4 =	vmul.f32 v4, v0;
	[tilespmem:s26+$0xFFFFFF00] =	vst v2;
	v1 =	vand.u32 $0xFFFFFFFD, v1  }
0x308: {  	v2 =	vmul.f32 v5, v0;
	[tilespmem:s26+$0xFFFFFF20] =	vst v3;
	v1 =	vbroadcast v1, $0x0  }
0x309: {  	v3 =	vmul.f32 v6, v0;
	[tilespmem:s26+$0xFFFFFF50] =	vst v4  }
0x30a: {  	v4 =	vmul.f32 v7, v0;
	[tilespmem:s26+$0xFFFFFF40] =	vst v2  }
0x30b: {  	v0 =	vmul.f32 v8, v0;
	[tilespmem:s26+$0xFFFFFF60] =	vst v3  }
0x30c: {  	[tilespmem:s26+$0xFFFFFF30] =	vst v4  }
0x30d: {  	[tilespmem:s26+$0xFFFFFF10] =	vst v0;
	v0 =	vld [tilespmem:s26+$0xFFFFFF90]  }
0x30e: {  	v2 =	vld.idx.msk [tilespmem:v1+s22+$0x0], $0xffff  }
0x30f: {  	v1 =	vld [tilespmem:s26+$0xFFFFFFA0]  }
0x310: {  	v3 =	vld [tilespmem:s26+$0xFFFFFF80]  }
0x311: {  	v4 =	vld [tilespmem:s26+$0xFFFFFFB0]  }
0x312: {  	v5 =	vld [tilespmem:s26+$0xFFFFFFC0]  }
0x313: {  	v6 =	vld [tilespmem:s26+$0xFFFFFFD0];
	v0 =	vmul.f32 v0, v2  }
0x314: {  	s12 =	simm.s32 $0x2;
	v7 =	vld [tilespmem:s26+$0xFFFFFFF0];
	v1 =	vmul.f32 v1, v2  }
0x315: {  	v8 =	vld [tilespmem:s26+$0xFFFFFFE0];
	v3 =	vmul.f32 v3, v2;
	[tilespmem:s26+$0xFFFFFF90] =	vst v0;
	v0 =	vmov s12  }
0x316: {  	v4 =	vmul.f32 v4, v2;
	[tilespmem:s26+$0xFFFFFFA0] =	vst v1;
	v0 =	vand.u32 $0xFFFFFFFE, v0  }
0x317: {  	v1 =	vmul.f32 v5, v2;
	[tilespmem:s26+$0xFFFFFF80] =	vst v3;
	v5 =	vld [tilespmem:s26+$0x60];
	v9 =	vbroadcast v0, $0x0  }
0x318: {  	v3 =	vmul.f32 v6, v2;
	[tilespmem:s26+$0xFFFFFFB0] =	vst v4;
	v6 =	vld [tilespmem:s26+$0x0]  }
0x319: {  	v4 =	vmul.f32 v7, v2;
	v0 =	vld [tilespmem:s26+$0x20];
	[tilespmem:s26+$0xFFFFFFC0] =	vst v1  }
0x31a: {  	v2 =	vmul.f32 v8, v2;
	v1 =	vld [tilespmem:s26+$0x30];
	[tilespmem:s26+$0xFFFFFFD0] =	vst v3  }
0x31b: {  	[tilespmem:s26+$0xFFFFFFF0] =	vst v4;
	v3 =	vld [tilespmem:s26+$0x40]  }
0x31c: {  	[tilespmem:s26+$0xFFFFFFE0] =	vst v2;
	v4 =	vld [tilespmem:s26+$0x10]  }
0x31d: {  	s31 =	simm.s32 $0x4;
	s12 =	simm.s32 $0x4D00;
	v2 =	vld.idx.msk [tilespmem:v9+s22+$0x0], $0xffff  }
.LBB2_14:
0x31e: {  	p0 =	sne.s32 s31, $0x7C  }
0x31f: {  	v7 =	vld [tilespmem:s26+$0x50];
	s12 =	sadd.s32 $0x200, s12;
	s1 =	smov.u32 s31;
	s31 =	sadd.s32 $0x4, s31  }
0x320: {  	v8 =	vld [tilespmem:s26+$0x70];
	_ =	sdelay $0x1  }
0x321: {  	v5 =	vmul.f32 v5, v2;
	v6 =	vmul.f32 v6, v2  }
0x322: {  	v3 =	vmul.f32 v3, v2;
	v4 =	vmul.f32 v4, v2  }
0x323: {  	v0 =	vmul.f32 v0, v2;
	v1 =	vmul.f32 v1, v2;
	[tilespmem:s26+$0x60] =	vst v5  }
0x324: {  	[tilespmem:s26+$0x40] =	vst v3;
	v3 =	vmul.f32 v7, v2;
	v2 =	vmul.f32 v8, v2  }
0x325: {  	s5 =	sadd.s32 $0x3, s28;
	s28 =	smov.u32 s1;
	[tilespmem:s26+$0x20] =	vst v0;
	v5 =	vld [tilespmem:s26+$0x80]  }
0x326: {  	v0 =	vld [tilespmem:s12+$0x20];
	[tilespmem:s26+$0x0] =	vst v6;
	v6 =	vmov s5  }
0x327: {  	[tilespmem:s26+$0x50] =	vst v3;
	v3 =	vld [tilespmem:s26+$0xE0]  }
0x328: {  	[tilespmem:s26+$0x30] =	vst v1;
	v7 =	vld [tilespmem:s26+$0xC0]  }
0x329: {  	v1 =	vld [tilespmem:s12+$0x30];
	[tilespmem:s26+$0x10] =	vst v4  }
0x32a: {  	[tilespmem:s26+$0x70] =	vst v2;
	v2 =	vld [tilespmem:s26+$0xA0]  }
0x32b: {  	v4 =	vld.idx.msk [tilespmem:v6+s22+$0x0], $0xffff  }
0x32c: {  	v6 =	vld [tilespmem:s26+$0x90]  }
0x32d: {  	v8 =	vld [tilespmem:s26+$0xB0]  }
0x32e: {  	v9 =	vld [tilespmem:s26+$0xD0]  }
0x32f: {  	v10 =	vld [tilespmem:s26+$0xF0];
	_ =	sdelay $0x1  }
0x330: {  	v5 =	vmul.f32 v5, v4;
	v6 =	vmul.f32 v6, v4  }
0x331: {  	v2 =	vmul.f32 v2, v4;
	v8 =	vmul.f32 v8, v4  }
0x332: {  	v11 =	vmov s28;
	[tilespmem:s26+$0x80] =	vst v5;
	v5 =	vmul.f32 v7, v4;
	v7 =	vmul.f32 v9, v4  }
0x333: {  	v9 =	vand.u32 $0xFFFFFFFC, v11;
	[tilespmem:s26+$0xA0] =	vst v2;
	v2 =	vmul.f32 v3, v4;
	v3 =	vmul.f32 v10, v4  }
0x334: {  	v4 =	vbroadcast v9, $0x0;
	[tilespmem:s26+$0xC0] =	vst v5  }
0x335: {  	[tilespmem:s26+$0xF0] =	vst v3  }
0x336: {  	v3 =	vld [tilespmem:s12+$0xFFFFFF40];
	[tilespmem:s26+$0xE0] =	vst v2  }
0x337: {  	v2 =	vld [tilespmem:s12+$0xFFFFFF50];
	[tilespmem:s26+$0x90] =	vst v6  }
0x338: {  	v5 =	vld [tilespmem:s12+$0xFFFFFF60];
	[tilespmem:s26+$0xB0] =	vst v8  }
0x339: {  	v6 =	vld [tilespmem:s12+$0xFFFFFF70];
	[tilespmem:s26+$0xD0] =	vst v7;
	s26 =	smov.u32 s12  }
0x33a: {  	v4 =	vld.idx.msk [tilespmem:v4+s22+$0x0], $0xffff  }
0x33b: {  	v7 =	vld [tilespmem:s12+$0xFFFFFF00]  }
0x33c: {  	v8 =	vld [tilespmem:s12+$0xFFFFFF20]  }
0x33d: {  	v9 =	vld [tilespmem:s12+$0xFFFFFF10]  }
0x33e: {  	v10 =	vld [tilespmem:s12+$0xFFFFFF30];
	_ =	sdelay $0x1  }
0x33f: {  	v6 =	vmul.f32 v6, v4;
	v7 =	vmul.f32 v7, v4  }
0x340: {  	s1 =	sadd.s32 $0x1, s28;
	v5 =	vmul.f32 v5, v4;
	v8 =	vmul.f32 v8, v4  }
0x341: {  	v2 =	vmul.f32 v2, v4;
	v9 =	vmul.f32 v9, v4;
	[tilespmem:s12+$0xFFFFFF70] =	vst v6;
	v6 =	vmov s1  }
0x342: {  	v3 =	vmul.f32 v3, v4;
	[tilespmem:s12+$0xFFFFFF00] =	vst v7;
	v7 =	vmul.f32 v10, v4;
	v4 =	vand.u32 $0xFFFFFFFD, v6  }
0x343: {  	[tilespmem:s12+$0xFFFFFF20] =	vst v8;
	v4 =	vbroadcast v4, $0x0  }
0x344: {  	[tilespmem:s12+$0xFFFFFF50] =	vst v2  }
0x345: {  	[tilespmem:s12+$0xFFFFFF40] =	vst v3;
	v2 =	vld [tilespmem:s12+$0xFFFFFFF0]  }
0x346: {  	[tilespmem:s12+$0xFFFFFF60] =	vst v5;
	v3 =	vld [tilespmem:s12+$0xFFFFFFC0]  }
0x347: {  	[tilespmem:s12+$0xFFFFFF30] =	vst v7;
	v5 =	vld [tilespmem:s12+$0xFFFFFFD0]  }
0x348: {  	[tilespmem:s12+$0xFFFFFF10] =	vst v9;
	v6 =	vld [tilespmem:s12+$0xFFFFFF90]  }
0x349: {  	v4 =	vld.idx.msk [tilespmem:v4+s22+$0x0], $0xffff  }
0x34a: {  	v7 =	vld [tilespmem:s12+$0xFFFFFF80]  }
0x34b: {  	v8 =	vld [tilespmem:s12+$0xFFFFFFA0]  }
0x34c: {  	v9 =	vld [tilespmem:s12+$0xFFFFFFB0]  }
0x34d: {  	v10 =	vld [tilespmem:s12+$0xFFFFFFE0];
	_ =	sdelay $0x1  }
0x34e: {  	v6 =	vmul.f32 v6, v4;
	v7 =	vmul.f32 v7, v4  }
0x34f: {  	s1 =	sadd.s32 $0x2, s28;
	v5 =	vmul.f32 v5, v4;
	v8 =	vmul.f32 v8, v4  }
0x350: {  	v3 =	vmul.f32 v3, v4;
	[tilespmem:s12+$0xFFFFFF90] =	vst v6;
	v6 =	vmul.f32 v9, v4;
	v9 =	vmov s1  }
0x351: {  	v2 =	vmul.f32 v2, v4;
	[tilespmem:s12+$0xFFFFFFA0] =	vst v8;
	v8 =	vmul.f32 v10, v4;
	v4 =	vand.u32 $0xFFFFFFFE, v9  }
0x352: {  	[tilespmem:s12+$0xFFFFFF80] =	vst v7;
	v4 =	vbroadcast v4, $0x0  }
0x353: {  	[tilespmem:s12+$0xFFFFFFB0] =	vst v6  }
0x354: {  	[tilespmem:s12+$0xFFFFFFC0] =	vst v3  }
0x355: {  	[tilespmem:s12+$0xFFFFFFD0] =	vst v5  }
.Ltmp6:
0x356: {  	[tilespmem:s12+$0xFFFFFFF0] =	vst v2;
	v3 =	vld [tilespmem:s12+$0x40];
	(pc) =	sbr.rel @p0 .LBB2_14-.Ltmp6, $4  }
0x357: {  	[tilespmem:s12+$0xFFFFFFE0] =	vst v8;
	v5 =	vld [tilespmem:s12+$0x60]  }
0x358: {  	v2 =	vld.idx.msk [tilespmem:v4+s22+$0x0], $0xffff  }
0x359: {  	v6 =	vld [tilespmem:s12+$0x0]  }
0x35a: {  	v4 =	vld [tilespmem:s12+$0x10]  }
0x35b: {  	_ =	sdelay $0x1  }
0x35c: {  	v5 =	vmul.f32 v5, v2  }
0x35d: {  	v7 =	vld [tilespmem:s26+$0x50];
	v3 =	vmul.f32 v3, v2  }
0x35e: {  	v8 =	vld [tilespmem:s26+$0x70];
	v0 =	vmul.f32 v0, v2;
	[tilespmem:s26+$0x60] =	vst v5  }
0x35f: {  	v5 =	vmul.f32 v6, v2;
	[tilespmem:s26+$0x40] =	vst v3  }
0x360: {  	s1 =	sadd.s32 $0x3, s28;
	[tilespmem:s26+$0x20] =	vst v0;
	v0 =	vmul.f32 v1, v2  }
0x361: {  	v4 =	vmul.f32 v4, v2;
	[tilespmem:s26+$0x0] =	vst v5;
	v5 =	vmov s1  }
0x362: {  	v3 =	vmul.f32 v7, v2;
	[tilespmem:s26+$0x30] =	vst v0  }
0x363: {  	v2 =	vmul.f32 v8, v2;
	[tilespmem:s26+$0x10] =	vst v4  }
0x364: {  	[tilespmem:s26+$0x50] =	vst v3  }
0x365: {  	v1 =	vld [tilespmem:s26+$0x80];
	[tilespmem:s26+$0x70] =	vst v2  }
0x366: {  	v0 =	vld.idx.msk [tilespmem:v5+s22+$0x0], $0xffff  }
0x367: {  	v2 =	vld [tilespmem:s26+$0xA0]  }
0x368: {  	v3 =	vld [tilespmem:s26+$0xC0]  }
0x369: {  	v4 =	vld [tilespmem:s26+$0xF0]  }
0x36a: {  	v5 =	vld [tilespmem:s26+$0xE0]  }
0x36b: {  	v6 =	vld [tilespmem:s26+$0x90];
	v1 =	vmul.f32 v1, v0  }
0x36c: {  	v7 =	vld [tilespmem:s26+$0xB0];
	v2 =	vmul.f32 v2, v0  }
0x36d: {  	v8 =	vld [tilespmem:s26+$0xD0];
	[tilespmem:s26+$0x80] =	vst v1;
	v1 =	vmul.f32 v3, v0  }
0x36e: {  	[tilespmem:s26+$0xA0] =	vst v2;
	v2 =	vmul.f32 v4, v0  }
0x36f: {  	v3 =	vmul.f32 v5, v0;
	[tilespmem:s26+$0xC0] =	vst v1  }
0x370: {  	v1 =	vmul.f32 v6, v0;
	[tilespmem:s26+$0xF0] =	vst v2  }
0x371: {  	v2 =	vmul.f32 v7, v0;
	[tilespmem:s26+$0xE0] =	vst v3  }
0x372: {  	v0 =	vmul.f32 v8, v0;
	[tilespmem:s26+$0x90] =	vst v1  }
0x373: {  	[tilespmem:s26+$0xB0] =	vst v2  }
0x374: {  	s12 =	simm.s32 $0xA80;
	[tilespmem:s26+$0xD0] =	vst v0  }
0x375: {  	[spmem:s3] =	stream.indirect.scatter.add.f32 [tilespmem:s20], [sflag:$0x6], $0x80, s12, s17, $0xb8;
	[tilespmem:$0x1CD00] =	vst v63  }
0x376: {  	_ =	swait.ge [sflag:s0], $0x4000  }
0x377: {  	[sflag:s0] =	ssyncset.done $0x0  }
0x378: {  	s26 =	simm.s32 $0x380;
	[sflag:s0] =	ssyncadd.s32 $0xFFFFC000  }
0x379: {  	[tilespmem:s20], [sflag:$0x2] =	stream.indirect.gather [hbm4b:s11+s17], $0x80, s26, s17, $0xb8;
	[tilespmem:$0x1CD00] =	vst v63  }
0x37a: {  	s28 =	simm.s32 $0x0  }
0x37b: {  	v0 =	vmov s28;
	[tilespmem:s22], [sflag:$0x4] =	stream.indirect.gather [hbm4b:s13+s17], $0x1, s6, s17, $0xb8;
	[tilespmem:$0x1CD00] =	vst v63  }
0x37c: {  	v0 =	vand.u32 $0xFFFFFFFC, v0;
	_ =	swait.ge [sflag:s23], $0x4000  }
0x37d: {  	v0 =	vbroadcast v0, $0x0;
	[sflag:s23] =	ssyncset.done $0x0  }
0x37e: {  	[sflag:s23] =	ssyncadd.s32 $0xFFFFC000  }
0x37f: {  	_ =	swait.ge [sflag:s24], $0x80  }
0x380: {  	[sflag:s24] =	ssyncset.done $0x0  }
0x381: {  	s26 =	simm.s32 $0xD00;
	[sflag:s24] =	ssyncadd.s32 $0xFFFFFF80  }
0x382: {  	v1 =	vld [tilespmem:s26+$0xFFFFFF70]  }
0x383: {  	v0 =	vld.idx.msk [tilespmem:v0+s19+$0x0], $0xffff  }
0x384: {  	v2 =	vld [tilespmem:s26+$0xFFFFFF00]  }
0x385: {  	v3 =	vld [tilespmem:s26+$0xFFFFFF20]  }
0x386: {  	v4 =	vld [tilespmem:s26+$0xFFFFFF50]  }
0x387: {  	v5 =	vld [tilespmem:s26+$0xFFFFFF40]  }
0x388: {  	v6 =	vld [tilespmem:s26+$0xFFFFFF60];
	v1 =	vmul.f32 v1, v0  }
0x389: {  	s5 =	simm.s32 $0x1;
	v7 =	vld [tilespmem:s26+$0xFFFFFF30];
	v2 =	vmul.f32 v2, v0  }
0x38a: {  	v8 =	vld [tilespmem:s26+$0xFFFFFF10];
	v3 =	vmul.f32 v3, v0;
	[tilespmem:s26+$0xFFFFFF70] =	vst v1;
	v1 =	vmov s5  }
0x38b: {  	v4 =	vmul.f32 v4, v0;
	[tilespmem:s26+$0xFFFFFF00] =	vst v2;
	v1 =	vand.u32 $0xFFFFFFFD, v1  }
0x38c: {  	v2 =	vmul.f32 v5, v0;
	[tilespmem:s26+$0xFFFFFF20] =	vst v3;
	v1 =	vbroadcast v1, $0x0  }
0x38d: {  	v3 =	vmul.f32 v6, v0;
	[tilespmem:s26+$0xFFFFFF50] =	vst v4  }
0x38e: {  	v4 =	vmul.f32 v7, v0;
	[tilespmem:s26+$0xFFFFFF40] =	vst v2  }
0x38f: {  	v0 =	vmul.f32 v8, v0;
	[tilespmem:s26+$0xFFFFFF60] =	vst v3  }
0x390: {  	[tilespmem:s26+$0xFFFFFF30] =	vst v4  }
0x391: {  	[tilespmem:s26+$0xFFFFFF10] =	vst v0;
	v0 =	vld [tilespmem:s26+$0xFFFFFF90]  }
0x392: {  	v2 =	vld.idx.msk [tilespmem:v1+s19+$0x0], $0xffff  }
0x393: {  	v1 =	vld [tilespmem:s26+$0xFFFFFFA0]  }
0x394: {  	v3 =	vld [tilespmem:s26+$0xFFFFFF80]  }
0x395: {  	v4 =	vld [tilespmem:s26+$0xFFFFFFB0]  }
0x396: {  	v5 =	vld [tilespmem:s26+$0xFFFFFFC0]  }
0x397: {  	v6 =	vld [tilespmem:s26+$0xFFFFFFD0];
	v0 =	vmul.f32 v0, v2  }
0x398: {  	s12 =	simm.s32 $0x2;
	v7 =	vld [tilespmem:s26+$0xFFFFFFF0];
	v1 =	vmul.f32 v1, v2  }
0x399: {  	v8 =	vld [tilespmem:s26+$0xFFFFFFE0];
	v3 =	vmul.f32 v3, v2;
	[tilespmem:s26+$0xFFFFFF90] =	vst v0;
	v0 =	vmov s12  }
0x39a: {  	v4 =	vmul.f32 v4, v2;
	[tilespmem:s26+$0xFFFFFFA0] =	vst v1;
	v0 =	vand.u32 $0xFFFFFFFE, v0  }
0x39b: {  	v1 =	vmul.f32 v5, v2;
	[tilespmem:s26+$0xFFFFFF80] =	vst v3;
	v5 =	vld [tilespmem:s26+$0x60];
	v9 =	vbroadcast v0, $0x0  }
0x39c: {  	v3 =	vmul.f32 v6, v2;
	[tilespmem:s26+$0xFFFFFFB0] =	vst v4;
	v6 =	vld [tilespmem:s26+$0x0]  }
0x39d: {  	v4 =	vmul.f32 v7, v2;
	v0 =	vld [tilespmem:s26+$0x20];
	[tilespmem:s26+$0xFFFFFFC0] =	vst v1  }
0x39e: {  	v2 =	vmul.f32 v8, v2;
	v1 =	vld [tilespmem:s26+$0x30];
	[tilespmem:s26+$0xFFFFFFD0] =	vst v3  }
0x39f: {  	[tilespmem:s26+$0xFFFFFFF0] =	vst v4;
	v3 =	vld [tilespmem:s26+$0x40]  }
0x3a0: {  	[tilespmem:s26+$0xFFFFFFE0] =	vst v2;
	v4 =	vld [tilespmem:s26+$0x10]  }
0x3a1: {  	s31 =	simm.s32 $0x4;
	s12 =	simm.s32 $0xD00;
	v2 =	vld.idx.msk [tilespmem:v9+s19+$0x0], $0xffff  }
.LBB2_16:
0x3a2: {  	p0 =	sne.s32 s31, $0x7C  }
0x3a3: {  	v7 =	vld [tilespmem:s26+$0x50];
	s12 =	sadd.s32 $0x200, s12;
	s1 =	smov.u32 s31;
	s31 =	sadd.s32 $0x4, s31  }
0x3a4: {  	v8 =	vld [tilespmem:s26+$0x70];
	_ =	sdelay $0x1  }
0x3a5: {  	v5 =	vmul.f32 v5, v2;
	v6 =	vmul.f32 v6, v2  }
0x3a6: {  	v3 =	vmul.f32 v3, v2;
	v4 =	vmul.f32 v4, v2  }
0x3a7: {  	v0 =	vmul.f32 v0, v2;
	v1 =	vmul.f32 v1, v2;
	[tilespmem:s26+$0x60] =	vst v5  }
0x3a8: {  	[tilespmem:s26+$0x40] =	vst v3;
	v3 =	vmul.f32 v7, v2;
	v2 =	vmul.f32 v8, v2  }
0x3a9: {  	s5 =	sadd.s32 $0x3, s28;
	s28 =	smov.u32 s1;
	[tilespmem:s26+$0x20] =	vst v0;
	v5 =	vld [tilespmem:s26+$0x80]  }
0x3aa: {  	v0 =	vld [tilespmem:s12+$0x20];
	[tilespmem:s26+$0x0] =	vst v6;
	v6 =	vmov s5  }
0x3ab: {  	[tilespmem:s26+$0x50] =	vst v3;
	v3 =	vld [tilespmem:s26+$0xE0]  }
0x3ac: {  	[tilespmem:s26+$0x30] =	vst v1;
	v7 =	vld [tilespmem:s26+$0xC0]  }
0x3ad: {  	v1 =	vld [tilespmem:s12+$0x30];
	[tilespmem:s26+$0x10] =	vst v4  }
0x3ae: {  	[tilespmem:s26+$0x70] =	vst v2;
	v2 =	vld [tilespmem:s26+$0xA0]  }
0x3af: {  	v4 =	vld.idx.msk [tilespmem:v6+s19+$0x0], $0xffff  }
0x3b0: {  	v6 =	vld [tilespmem:s26+$0x90]  }
0x3b1: {  	v8 =	vld [tilespmem:s26+$0xB0]  }
0x3b2: {  	v9 =	vld [tilespmem:s26+$0xD0]  }
0x3b3: {  	v10 =	vld [tilespmem:s26+$0xF0];
	_ =	sdelay $0x1  }
0x3b4: {  	v5 =	vmul.f32 v5, v4;
	v6 =	vmul.f32 v6, v4  }
0x3b5: {  	v2 =	vmul.f32 v2, v4;
	v8 =	vmul.f32 v8, v4  }
0x3b6: {  	v11 =	vmov s28;
	[tilespmem:s26+$0x80] =	vst v5;
	v5 =	vmul.f32 v7, v4;
	v7 =	vmul.f32 v9, v4  }
0x3b7: {  	v9 =	vand.u32 $0xFFFFFFFC, v11;
	[tilespmem:s26+$0xA0] =	vst v2;
	v2 =	vmul.f32 v3, v4;
	v3 =	vmul.f32 v10, v4  }
0x3b8: {  	v4 =	vbroadcast v9, $0x0;
	[tilespmem:s26+$0xC0] =	vst v5  }
0x3b9: {  	[tilespmem:s26+$0xF0] =	vst v3  }
0x3ba: {  	v3 =	vld [tilespmem:s12+$0xFFFFFF40];
	[tilespmem:s26+$0xE0] =	vst v2  }
0x3bb: {  	v2 =	vld [tilespmem:s12+$0xFFFFFF50];
	[tilespmem:s26+$0x90] =	vst v6  }
0x3bc: {  	v5 =	vld [tilespmem:s12+$0xFFFFFF60];
	[tilespmem:s26+$0xB0] =	vst v8  }
0x3bd: {  	v6 =	vld [tilespmem:s12+$0xFFFFFF70];
	[tilespmem:s26+$0xD0] =	vst v7;
	s26 =	smov.u32 s12  }
0x3be: {  	v4 =	vld.idx.msk [tilespmem:v4+s19+$0x0], $0xffff  }
0x3bf: {  	v7 =	vld [tilespmem:s12+$0xFFFFFF00]  }
0x3c0: {  	v8 =	vld [tilespmem:s12+$0xFFFFFF20]  }
0x3c1: {  	v9 =	vld [tilespmem:s12+$0xFFFFFF10]  }
0x3c2: {  	v10 =	vld [tilespmem:s12+$0xFFFFFF30];
	_ =	sdelay $0x1  }
0x3c3: {  	v6 =	vmul.f32 v6, v4;
	v7 =	vmul.f32 v7, v4  }
0x3c4: {  	s1 =	sadd.s32 $0x1, s28;
	v5 =	vmul.f32 v5, v4;
	v8 =	vmul.f32 v8, v4  }
0x3c5: {  	v2 =	vmul.f32 v2, v4;
	v9 =	vmul.f32 v9, v4;
	[tilespmem:s12+$0xFFFFFF70] =	vst v6;
	v6 =	vmov s1  }
0x3c6: {  	v3 =	vmul.f32 v3, v4;
	[tilespmem:s12+$0xFFFFFF00] =	vst v7;
	v7 =	vmul.f32 v10, v4;
	v4 =	vand.u32 $0xFFFFFFFD, v6  }
0x3c7: {  	[tilespmem:s12+$0xFFFFFF20] =	vst v8;
	v4 =	vbroadcast v4, $0x0  }
0x3c8: {  	[tilespmem:s12+$0xFFFFFF50] =	vst v2  }
0x3c9: {  	[tilespmem:s12+$0xFFFFFF40] =	vst v3;
	v2 =	vld [tilespmem:s12+$0xFFFFFFF0]  }
0x3ca: {  	[tilespmem:s12+$0xFFFFFF60] =	vst v5;
	v3 =	vld [tilespmem:s12+$0xFFFFFFC0]  }
0x3cb: {  	[tilespmem:s12+$0xFFFFFF30] =	vst v7;
	v5 =	vld [tilespmem:s12+$0xFFFFFFD0]  }
0x3cc: {  	[tilespmem:s12+$0xFFFFFF10] =	vst v9;
	v6 =	vld [tilespmem:s12+$0xFFFFFF90]  }
0x3cd: {  	v4 =	vld.idx.msk [tilespmem:v4+s19+$0x0], $0xffff  }
0x3ce: {  	v7 =	vld [tilespmem:s12+$0xFFFFFF80]  }
0x3cf: {  	v8 =	vld [tilespmem:s12+$0xFFFFFFA0]  }
0x3d0: {  	v9 =	vld [tilespmem:s12+$0xFFFFFFB0]  }
0x3d1: {  	v10 =	vld [tilespmem:s12+$0xFFFFFFE0];
	_ =	sdelay $0x1  }
0x3d2: {  	v6 =	vmul.f32 v6, v4;
	v7 =	vmul.f32 v7, v4  }
0x3d3: {  	s1 =	sadd.s32 $0x2, s28;
	v5 =	vmul.f32 v5, v4;
	v8 =	vmul.f32 v8, v4  }
0x3d4: {  	v3 =	vmul.f32 v3, v4;
	[tilespmem:s12+$0xFFFFFF90] =	vst v6;
	v6 =	vmul.f32 v9, v4;
	v9 =	vmov s1  }
0x3d5: {  	v2 =	vmul.f32 v2, v4;
	[tilespmem:s12+$0xFFFFFFA0] =	vst v8;
	v8 =	vmul.f32 v10, v4;
	v4 =	vand.u32 $0xFFFFFFFE, v9  }
0x3d6: {  	[tilespmem:s12+$0xFFFFFF80] =	vst v7;
	v4 =	vbroadcast v4, $0x0  }
0x3d7: {  	[tilespmem:s12+$0xFFFFFFB0] =	vst v6  }
0x3d8: {  	[tilespmem:s12+$0xFFFFFFC0] =	vst v3  }
0x3d9: {  	[tilespmem:s12+$0xFFFFFFD0] =	vst v5  }
.Ltmp7:
0x3da: {  	[tilespmem:s12+$0xFFFFFFF0] =	vst v2;
	v3 =	vld [tilespmem:s12+$0x40];
	(pc) =	sbr.rel @p0 .LBB2_16-.Ltmp7, $4  }
0x3db: {  	[tilespmem:s12+$0xFFFFFFE0] =	vst v8;
	v5 =	vld [tilespmem:s12+$0x60]  }
0x3dc: {  	v2 =	vld.idx.msk [tilespmem:v4+s19+$0x0], $0xffff  }
0x3dd: {  	v6 =	vld [tilespmem:s12+$0x0]  }
0x3de: {  	v4 =	vld [tilespmem:s12+$0x10]  }
0x3df: {  	_ =	sdelay $0x1  }
0x3e0: {  	v5 =	vmul.f32 v5, v2  }
0x3e1: {  	v7 =	vld [tilespmem:s26+$0x50];
	v3 =	vmul.f32 v3, v2  }
0x3e2: {  	v8 =	vld [tilespmem:s26+$0x70];
	v0 =	vmul.f32 v0, v2;
	[tilespmem:s26+$0x60] =	vst v5  }
0x3e3: {  	v5 =	vmul.f32 v6, v2;
	[tilespmem:s26+$0x40] =	vst v3  }
0x3e4: {  	s1 =	sadd.s32 $0x3, s28;
	[tilespmem:s26+$0x20] =	vst v0;
	v0 =	vmul.f32 v1, v2  }
0x3e5: {  	v4 =	vmul.f32 v4, v2;
	[tilespmem:s26+$0x0] =	vst v5;
	v5 =	vmov s1  }
0x3e6: {  	v3 =	vmul.f32 v7, v2;
	[tilespmem:s26+$0x30] =	vst v0  }
0x3e7: {  	v2 =	vmul.f32 v8, v2;
	[tilespmem:s26+$0x10] =	vst v4  }
0x3e8: {  	[tilespmem:s26+$0x50] =	vst v3  }
0x3e9: {  	v1 =	vld [tilespmem:s26+$0x80];
	[tilespmem:s26+$0x70] =	vst v2  }
0x3ea: {  	v0 =	vld.idx.msk [tilespmem:v5+s19+$0x0], $0xffff  }
0x3eb: {  	v2 =	vld [tilespmem:s26+$0xA0]  }
0x3ec: {  	v3 =	vld [tilespmem:s26+$0xC0]  }
0x3ed: {  	v4 =	vld [tilespmem:s26+$0xF0]  }
0x3ee: {  	v5 =	vld [tilespmem:s26+$0xE0]  }
0x3ef: {  	v6 =	vld [tilespmem:s26+$0x90];
	v1 =	vmul.f32 v1, v0  }
0x3f0: {  	v7 =	vld [tilespmem:s26+$0xB0];
	v2 =	vmul.f32 v2, v0  }
0x3f1: {  	v8 =	vld [tilespmem:s26+$0xD0];
	[tilespmem:s26+$0x80] =	vst v1;
	v1 =	vmul.f32 v3, v0  }
0x3f2: {  	[tilespmem:s26+$0xA0] =	vst v2;
	v2 =	vmul.f32 v4, v0  }
0x3f3: {  	v3 =	vmul.f32 v5, v0;
	[tilespmem:s26+$0xC0] =	vst v1  }
0x3f4: {  	v1 =	vmul.f32 v6, v0;
	[tilespmem:s26+$0xF0] =	vst v2  }
0x3f5: {  	v2 =	vmul.f32 v7, v0;
	[tilespmem:s26+$0xE0] =	vst v3  }
0x3f6: {  	v0 =	vmul.f32 v8, v0;
	[tilespmem:s26+$0x90] =	vst v1  }
0x3f7: {  	[tilespmem:s26+$0xB0] =	vst v2  }
0x3f8: {  	[tilespmem:s26+$0xD0] =	vst v0  }
0x3f9: {  	[spmem:s3] =	stream.indirect.scatter.add.f32 [tilespmem:s18], [sflag:$0x5], $0x80, s7, s17, $0xb8;
	[tilespmem:$0x1CD00] =	vst v63  }
0x3fa: {  	_ =	swait.ge [sflag:s25], $0x4000  }
0x3fb: {  	s28 =	simm.s32 $0x0;
	[sflag:s25] =	ssyncset.done $0x0  }
0x3fc: {  	v0 =	vmov s28;
	[sflag:s25] =	ssyncadd.s32 $0xFFFFC000  }
0x3fd: {  	v0 =	vand.u32 $0xFFFFFFFC, v0;
	_ =	swait.ge [sflag:s29], $0x4000  }
0x3fe: {  	v0 =	vbroadcast v0, $0x0;
	[sflag:s29] =	ssyncset.done $0x0  }
0x3ff: {  	[sflag:s29] =	ssyncadd.s32 $0xFFFFC000  }
0x400: {  	_ =	swait.ge [sflag:s30], $0x80  }
0x401: {  	[sflag:s30] =	ssyncset.done $0x0  }
0x402: {  	s26 =	simm.s32 $0x4D00;
	[sflag:s30] =	ssyncadd.s32 $0xFFFFFF80  }
0x403: {  	v1 =	vld [tilespmem:s26+$0xFFFFFF70]  }
0x404: {  	v0 =	vld.idx.msk [tilespmem:v0+s22+$0x0], $0xffff  }
0x405: {  	v2 =	vld [tilespmem:s26+$0xFFFFFF00]  }
0x406: {  	v3 =	vld [tilespmem:s26+$0xFFFFFF20]  }
0x407: {  	v4 =	vld [tilespmem:s26+$0xFFFFFF50]  }
0x408: {  	v5 =	vld [tilespmem:s26+$0xFFFFFF40]  }
0x409: {  	v6 =	vld [tilespmem:s26+$0xFFFFFF60];
	v1 =	vmul.f32 v1, v0  }
0x40a: {  	s5 =	simm.s32 $0x1;
	v7 =	vld [tilespmem:s26+$0xFFFFFF30];
	v2 =	vmul.f32 v2, v0  }
0x40b: {  	v8 =	vld [tilespmem:s26+$0xFFFFFF10];
	v3 =	vmul.f32 v3, v0;
	[tilespmem:s26+$0xFFFFFF70] =	vst v1;
	v1 =	vmov s5  }
0x40c: {  	v4 =	vmul.f32 v4, v0;
	[tilespmem:s26+$0xFFFFFF00] =	vst v2;
	v1 =	vand.u32 $0xFFFFFFFD, v1  }
0x40d: {  	v2 =	vmul.f32 v5, v0;
	[tilespmem:s26+$0xFFFFFF20] =	vst v3;
	v1 =	vbroadcast v1, $0x0  }
0x40e: {  	v3 =	vmul.f32 v6, v0;
	[tilespmem:s26+$0xFFFFFF50] =	vst v4  }
0x40f: {  	v4 =	vmul.f32 v7, v0;
	[tilespmem:s26+$0xFFFFFF40] =	vst v2  }
0x410: {  	v0 =	vmul.f32 v8, v0;
	[tilespmem:s26+$0xFFFFFF60] =	vst v3  }
0x411: {  	[tilespmem:s26+$0xFFFFFF30] =	vst v4  }
0x412: {  	[tilespmem:s26+$0xFFFFFF10] =	vst v0;
	v0 =	vld [tilespmem:s26+$0xFFFFFF90]  }
0x413: {  	v2 =	vld.idx.msk [tilespmem:v1+s22+$0x0], $0xffff  }
0x414: {  	v1 =	vld [tilespmem:s26+$0xFFFFFFA0]  }
0x415: {  	v3 =	vld [tilespmem:s26+$0xFFFFFF80]  }
0x416: {  	v4 =	vld [tilespmem:s26+$0xFFFFFFB0]  }
0x417: {  	v5 =	vld [tilespmem:s26+$0xFFFFFFC0]  }
0x418: {  	v6 =	vld [tilespmem:s26+$0xFFFFFFD0];
	v0 =	vmul.f32 v0, v2  }
0x419: {  	s12 =	simm.s32 $0x2;
	v7 =	vld [tilespmem:s26+$0xFFFFFFF0];
	v1 =	vmul.f32 v1, v2  }
0x41a: {  	v8 =	vld [tilespmem:s26+$0xFFFFFFE0];
	v3 =	vmul.f32 v3, v2;
	[tilespmem:s26+$0xFFFFFF90] =	vst v0;
	v0 =	vmov s12  }
0x41b: {  	v4 =	vmul.f32 v4, v2;
	[tilespmem:s26+$0xFFFFFFA0] =	vst v1;
	v0 =	vand.u32 $0xFFFFFFFE, v0  }
0x41c: {  	v1 =	vmul.f32 v5, v2;
	[tilespmem:s26+$0xFFFFFF80] =	vst v3;
	v5 =	vld [tilespmem:s26+$0x60];
	v9 =	vbroadcast v0, $0x0  }
0x41d: {  	v3 =	vmul.f32 v6, v2;
	[tilespmem:s26+$0xFFFFFFB0] =	vst v4;
	v6 =	vld [tilespmem:s26+$0x0]  }
0x41e: {  	v4 =	vmul.f32 v7, v2;
	v0 =	vld [tilespmem:s26+$0x20];
	[tilespmem:s26+$0xFFFFFFC0] =	vst v1  }
0x41f: {  	v2 =	vmul.f32 v8, v2;
	v1 =	vld [tilespmem:s26+$0x30];
	[tilespmem:s26+$0xFFFFFFD0] =	vst v3  }
0x420: {  	[tilespmem:s26+$0xFFFFFFF0] =	vst v4;
	v3 =	vld [tilespmem:s26+$0x40]  }
0x421: {  	[tilespmem:s26+$0xFFFFFFE0] =	vst v2;
	v4 =	vld [tilespmem:s26+$0x10]  }
0x422: {  	s31 =	simm.s32 $0x4;
	s12 =	simm.s32 $0x4D00;
	v2 =	vld.idx.msk [tilespmem:v9+s22+$0x0], $0xffff  }
.LBB2_18:
0x423: {  	p0 =	sne.s32 s31, $0x7C  }
0x424: {  	v7 =	vld [tilespmem:s26+$0x50];
	s12 =	sadd.s32 $0x200, s12;
	s1 =	smov.u32 s31;
	s31 =	sadd.s32 $0x4, s31  }
0x425: {  	v8 =	vld [tilespmem:s26+$0x70];
	_ =	sdelay $0x1  }
0x426: {  	v5 =	vmul.f32 v5, v2;
	v6 =	vmul.f32 v6, v2  }
0x427: {  	v3 =	vmul.f32 v3, v2;
	v4 =	vmul.f32 v4, v2  }
0x428: {  	v0 =	vmul.f32 v0, v2;
	v1 =	vmul.f32 v1, v2;
	[tilespmem:s26+$0x60] =	vst v5  }
0x429: {  	[tilespmem:s26+$0x40] =	vst v3;
	v3 =	vmul.f32 v7, v2;
	v2 =	vmul.f32 v8, v2  }
0x42a: {  	s5 =	sadd.s32 $0x3, s28;
	s28 =	smov.u32 s1;
	[tilespmem:s26+$0x20] =	vst v0;
	v5 =	vld [tilespmem:s26+$0x80]  }
0x42b: {  	v0 =	vld [tilespmem:s12+$0x20];
	[tilespmem:s26+$0x0] =	vst v6;
	v6 =	vmov s5  }
0x42c: {  	[tilespmem:s26+$0x50] =	vst v3;
	v3 =	vld [tilespmem:s26+$0xE0]  }
0x42d: {  	[tilespmem:s26+$0x30] =	vst v1;
	v7 =	vld [tilespmem:s26+$0xC0]  }
0x42e: {  	v1 =	vld [tilespmem:s12+$0x30];
	[tilespmem:s26+$0x10] =	vst v4  }
0x42f: {  	[tilespmem:s26+$0x70] =	vst v2;
	v2 =	vld [tilespmem:s26+$0xA0]  }
0x430: {  	v4 =	vld.idx.msk [tilespmem:v6+s22+$0x0], $0xffff  }
0x431: {  	v6 =	vld [tilespmem:s26+$0x90]  }
0x432: {  	v8 =	vld [tilespmem:s26+$0xB0]  }
0x433: {  	v9 =	vld [tilespmem:s26+$0xD0]  }
0x434: {  	v10 =	vld [tilespmem:s26+$0xF0];
	_ =	sdelay $0x1  }
0x435: {  	v5 =	vmul.f32 v5, v4;
	v6 =	vmul.f32 v6, v4  }
0x436: {  	v2 =	vmul.f32 v2, v4;
	v8 =	vmul.f32 v8, v4  }
0x437: {  	v11 =	vmov s28;
	[tilespmem:s26+$0x80] =	vst v5;
	v5 =	vmul.f32 v7, v4;
	v7 =	vmul.f32 v9, v4  }
0x438: {  	v9 =	vand.u32 $0xFFFFFFFC, v11;
	[tilespmem:s26+$0xA0] =	vst v2;
	v2 =	vmul.f32 v3, v4;
	v3 =	vmul.f32 v10, v4  }
0x439: {  	v4 =	vbroadcast v9, $0x0;
	[tilespmem:s26+$0xC0] =	vst v5  }
0x43a: {  	[tilespmem:s26+$0xF0] =	vst v3  }
0x43b: {  	v3 =	vld [tilespmem:s12+$0xFFFFFF40];
	[tilespmem:s26+$0xE0] =	vst v2  }
0x43c: {  	v2 =	vld [tilespmem:s12+$0xFFFFFF50];
	[tilespmem:s26+$0x90] =	vst v6  }
0x43d: {  	v5 =	vld [tilespmem:s12+$0xFFFFFF60];
	[tilespmem:s26+$0xB0] =	vst v8  }
0x43e: {  	v6 =	vld [tilespmem:s12+$0xFFFFFF70];
	[tilespmem:s26+$0xD0] =	vst v7;
	s26 =	smov.u32 s12  }
0x43f: {  	v4 =	vld.idx.msk [tilespmem:v4+s22+$0x0], $0xffff  }
0x440: {  	v7 =	vld [tilespmem:s12+$0xFFFFFF00]  }
0x441: {  	v8 =	vld [tilespmem:s12+$0xFFFFFF20]  }
0x442: {  	v9 =	vld [tilespmem:s12+$0xFFFFFF10]  }
0x443: {  	v10 =	vld [tilespmem:s12+$0xFFFFFF30];
	_ =	sdelay $0x1  }
0x444: {  	v6 =	vmul.f32 v6, v4;
	v7 =	vmul.f32 v7, v4  }
0x445: {  	s1 =	sadd.s32 $0x1, s28;
	v5 =	vmul.f32 v5, v4;
	v8 =	vmul.f32 v8, v4  }
0x446: {  	v2 =	vmul.f32 v2, v4;
	v9 =	vmul.f32 v9, v4;
	[tilespmem:s12+$0xFFFFFF70] =	vst v6;
	v6 =	vmov s1  }
0x447: {  	v3 =	vmul.f32 v3, v4;
	[tilespmem:s12+$0xFFFFFF00] =	vst v7;
	v7 =	vmul.f32 v10, v4;
	v4 =	vand.u32 $0xFFFFFFFD, v6  }
0x448: {  	[tilespmem:s12+$0xFFFFFF20] =	vst v8;
	v4 =	vbroadcast v4, $0x0  }
0x449: {  	[tilespmem:s12+$0xFFFFFF50] =	vst v2  }
0x44a: {  	[tilespmem:s12+$0xFFFFFF40] =	vst v3;
	v2 =	vld [tilespmem:s12+$0xFFFFFFF0]  }
0x44b: {  	[tilespmem:s12+$0xFFFFFF60] =	vst v5;
	v3 =	vld [tilespmem:s12+$0xFFFFFFC0]  }
0x44c: {  	[tilespmem:s12+$0xFFFFFF30] =	vst v7;
	v5 =	vld [tilespmem:s12+$0xFFFFFFD0]  }
0x44d: {  	[tilespmem:s12+$0xFFFFFF10] =	vst v9;
	v6 =	vld [tilespmem:s12+$0xFFFFFF90]  }
0x44e: {  	v4 =	vld.idx.msk [tilespmem:v4+s22+$0x0], $0xffff  }
0x44f: {  	v7 =	vld [tilespmem:s12+$0xFFFFFF80]  }
0x450: {  	v8 =	vld [tilespmem:s12+$0xFFFFFFA0]  }
0x451: {  	v9 =	vld [tilespmem:s12+$0xFFFFFFB0]  }
0x452: {  	v10 =	vld [tilespmem:s12+$0xFFFFFFE0];
	_ =	sdelay $0x1  }
0x453: {  	v6 =	vmul.f32 v6, v4;
	v7 =	vmul.f32 v7, v4  }
0x454: {  	s1 =	sadd.s32 $0x2, s28;
	v5 =	vmul.f32 v5, v4;
	v8 =	vmul.f32 v8, v4  }
0x455: {  	v3 =	vmul.f32 v3, v4;
	[tilespmem:s12+$0xFFFFFF90] =	vst v6;
	v6 =	vmul.f32 v9, v4;
	v9 =	vmov s1  }
0x456: {  	v2 =	vmul.f32 v2, v4;
	[tilespmem:s12+$0xFFFFFFA0] =	vst v8;
	v8 =	vmul.f32 v10, v4;
	v4 =	vand.u32 $0xFFFFFFFE, v9  }
0x457: {  	[tilespmem:s12+$0xFFFFFF80] =	vst v7;
	v4 =	vbroadcast v4, $0x0  }
0x458: {  	[tilespmem:s12+$0xFFFFFFB0] =	vst v6  }
0x459: {  	[tilespmem:s12+$0xFFFFFFC0] =	vst v3  }
0x45a: {  	[tilespmem:s12+$0xFFFFFFD0] =	vst v5  }
.Ltmp8:
0x45b: {  	[tilespmem:s12+$0xFFFFFFF0] =	vst v2;
	v3 =	vld [tilespmem:s12+$0x40];
	(pc) =	sbr.rel @p0 .LBB2_18-.Ltmp8, $4  }
0x45c: {  	[tilespmem:s12+$0xFFFFFFE0] =	vst v8;
	v5 =	vld [tilespmem:s12+$0x60]  }
0x45d: {  	v2 =	vld.idx.msk [tilespmem:v4+s22+$0x0], $0xffff  }
0x45e: {  	v6 =	vld [tilespmem:s12+$0x0]  }
0x45f: {  	v4 =	vld [tilespmem:s12+$0x10]  }
0x460: {  	_ =	sdelay $0x1  }
0x461: {  	v5 =	vmul.f32 v5, v2  }
0x462: {  	v7 =	vld [tilespmem:s26+$0x50];
	v3 =	vmul.f32 v3, v2  }
0x463: {  	v8 =	vld [tilespmem:s26+$0x70];
	v0 =	vmul.f32 v0, v2;
	[tilespmem:s26+$0x60] =	vst v5  }
0x464: {  	v48 =	vmul.f32 v1, v2;
	[tilespmem:s26+$0x40] =	vst v3  }
0x465: {  	s1 =	sadd.s32 $0x3, s28;
	v46 =	vmul.f32 v6, v2;
	[tilespmem:s26+$0x20] =	vst v0  }
0x466: {  	v50 =	vmov s1;
	v4 =	vmul.f32 v4, v2;
	[tilespmem:s26+$0x30] =	vst v48  }
0x467: {  	v47 =	vmul.f32 v7, v2;
	[tilespmem:s26+$0x0] =	vst v46  }
0x468: {  	v51 =	vmul.f32 v8, v2;
	[tilespmem:s26+$0x10] =	vst v4  }
0x469: {  	[tilespmem:s26+$0x50] =	vst v47  }
0x46a: {  	v49 =	vld [tilespmem:s26+$0x80];
	[tilespmem:s26+$0x70] =	vst v51  }
0x46b: {  	v0 =	vld.idx.msk [tilespmem:v50+s22+$0x0], $0xffff  }
0x46c: {  	v52 =	vld [tilespmem:s26+$0xA0]  }
0x46d: {  	v53 =	vld [tilespmem:s26+$0xC0]  }
0x46e: {  	v54 =	vld [tilespmem:s26+$0xF0]  }
0x46f: {  	v55 =	vld [tilespmem:s26+$0xE0]  }
0x470: {  	v56 =	vld [tilespmem:s26+$0x90];
	v1 =	vmul.f32 v49, v0  }
0x471: {  	v57 =	vld [tilespmem:s26+$0xB0];
	v2 =	vmul.f32 v52, v0  }
0x472: {  	v58 =	vld [tilespmem:s26+$0xD0];
	v59 =	vmul.f32 v53, v0;
	[tilespmem:s26+$0x80] =	vst v1  }
0x473: {  	v60 =	vmul.f32 v54, v0;
	[tilespmem:s26+$0xA0] =	vst v2  }
0x474: {  	v61 =	vmul.f32 v55, v0;
	[tilespmem:s26+$0xC0] =	vst v59  }
0x475: {  	v62 =	vmul.f32 v56, v0;
	[tilespmem:s26+$0xF0] =	vst v60  }
0x476: {  	v63 =	vmul.f32 v57, v0;
	[tilespmem:s26+$0xE0] =	vst v61  }
0x477: {  	s21 =	sadd.s32 $0x1, s21;
	v0 =	vmul.f32 v58, v0;
	[tilespmem:s26+$0x90] =	vst v62  }
0x478: {  	p0 =	sne.s32 s21, $0x14;
	[tilespmem:s26+$0xB0] =	vst v63  }
.Ltmp9:
0x479: {  	[tilespmem:s26+$0xD0] =	vst v0;
	(pc) =	sbr.rel @p0 .LBB2_1-.Ltmp9, $4  }
0x47a: {  	[spmem:s3] =	stream.indirect.scatter.add.f32 [tilespmem:s20], [sflag:$0x6], $0x80, s2, s17, $0xb8;
	[tilespmem:$0x1CD00] =	vst v63  }
0x47b: {  	_ =	swait.ge [sflag:s0], $0x4000  }
0x47c: {  	[sflag:s0] =	ssyncset.done $0x0  }
0x47d: {  	[sflag:s0] =	ssyncadd.s32 $0xFFFFC000  }
0x47e: {  	s0 =	rddreg [dreg:$0x4]  }
0x47f: {  	s1 =	rddreg [dreg:$0x7];
	[bflag:$0x0] =	sbarrier.arrive $0xFFFF  }
0x480: {  	s29 =	rddreg [dreg:$0x5]  }
0x481: {  	s30 =	simm.s32 $0x7;
	s0 =	sadd.s32 s1, s0;
	s2 =	rddreg [dreg:$0x6]  }
0x482: {  	[hbm:s0], [sflag:s29] =	dma.local [spmem:s2], $0x2800  }
0x483: {  	_ =	swait.ge [sflag:s30], $0x2800  }
0x484: {  	[sflag:s30] =	ssyncset.done $0x0  }
0x485: {  	[sflag:s30] =	ssyncadd.s32 $0xFFFFD800  }
0x486: {  	_ =	sfence.sel $0x180000  }
0x487: {  	[bflag:$0x0] =	sbarrier.arrive $0xFFFF  }
0x488: {  	_ =	strace $0x9000004A  }
0x489: {  	s31 =	stileid.u32;
	[bflag:$0x2] =	sbarrier.arrive $0xFFFF  }
0x48a: {  	p0 =	sne.s32 s31, $0x0;
	s0 =	rddreg [dreg:$0x3]  }
0x48b: {  	s0 =	sadd.s32 @!p0 $0x100000, s0  }
0x48c: {  	[sflag:s0] =	ssyncadd.tile.s32 @!p0 $0x1;
	_ =	shalt  }
.Lfunc_end2:
_tile_overlayer_lowered:
.L_overlay_start_2:
0x48d: {  	(tag) =	ssettag $0x2  }
0x48e: {  	s0 =	rddreg [dreg:$0x0];
	s2 =	stileid.u32  }
0x48f: {  	s1 =	rddreg [dreg:$0x1];
	p0 =	sne.s32 s2, $0x0  }
0x490: {  	s3 =	rddreg [dreg:$0x2];
	[bflag:$0x3] =	sbarrier.arrive $0xFFFF;
	s2 =	simm.s32 @!p0 $0x1C07  }
0x491: {  	[timem:s3], [sflag:s2] =	dma.local @!p0 [hbm:s0], s1  }
0x492: {  	s0 =	simm.s32 @!p0 $0x7  }
0x493: {  	_ =	swait.ge @!p0 [sflag:s0], s1  }
0x494: {  	s1 =	ssub.s32 @!p0 $0x0, s1;
	[sflag:s0] =	ssyncset.done @!p0 $0x0  }
0x495: {  	[sflag:s0] =	ssyncadd.s32 @!p0 s1  }
0x496: {  	[bflag:$0x3] =	sbarrier.arrive $0xFFFF  }
0x497: {  	_ =	shalt  }

// kernel: kernel.8.cloned.1.call-start
scs
__scs_entry_jumppad:
0x0: {  	(pc) =	sbr.rel $0x88, $3  }
0x1: {  	(tag) =	ssettag $0x0;
	lr =	simm.s32 $0x1  }
0x2: {  	[smem:$0x3F9A] =	sst lr;
	_ =	strace $0xD0000000  }
0x3: {  	_ = 	snop  }
0x4: {  	_ = 	snop  }
0x5: {  	_ = 	snop  }
0x6: {  	_ = 	snop  }
0x7: {  	_ = 	snop  }
__scs_overlays_trampoline_lowered:
0x8: {  	[smem:$0x3FA9] =	sst s0  }
0x9: {  	[smem:$0x3FAA] =	sst s1  }
0xa: {  	[smem:$0x3FAB] =	sst s2  }
0xb: {  	[smem:$0x3FAC] =	sst s3  }
0xc: {  	[smem:$0x3FAD] =	sst s4  }
0xd: {  	[smem:$0x3FAE] =	sst s5  }
0xe: {  	[smem:$0x3FAF] =	sst s6  }
0xf: {  	[smem:$0x3FB0] =	sst s7  }
0x10: {  	[smem:$0x3FB1] =	sst s8  }
0x11: {  	[smem:$0x3FB2] =	sst s9;
	s0 =	simm.s32 @!p0 $0x0  }
0x12: {  	s1 =	sld [smem:$0x3F98];
	s0 =	simm.s32 @p0 $0x1  }
0x13: {  	[smem:$0x3FB3] =	sst s0;
	s0 =	simm.s32 @!p1 $0x0  }
0x14: {  	s2 =	sld [smem:$0x3F97];
	s0 =	simm.s32 @p1 $0x1  }
0x15: {  	[smem:$0x3FB4] =	sst s0;
	s0 =	simm.s32 @!p2 $0x0  }
0x16: {  	s3 =	sld [smem:$0x3FDB];
	s0 =	simm.s32 @p2 $0x1  }
0x17: {  	s4 =	simm.s32 $0x1BF5;
	[smem:$0x3FB6] =	sst s0  }
0x18: {  	s0 =	sld [smem:$0x3F99];
	_ =	swait.ge [sflag:s4], $0x0  }
0x19: {  	s7 =	sld [smem:$0x3F9A]  }
0x1a: {  	s8 =	sadd.s32 $0xFFFFE003, lr  }
0x1b: {  	s9 =	sadd.s32 $0xFFFFFEF7, lr;
	s5 =	simm.s32 $0xFFFFFFFF;
	p2 =	slt.u32 s8, $0xFFFFF086  }
0x1c: {  	p1 =	slt.u32 s9, $0xF7A;
	s5 =	simm.s32 @!p2 $0x0  }
0x1d: {  	s5 =	simm.s32 @p1 $0x1;
	p0 =	seq.s32 s7, s2  }
0x1e: {  	s7 =	smul.u32 @!p0 $0xF7A, s2;
	p2 =	seq.s32 @!p0 s5, $0x0  }
0x1f: {  	s9 =	smul.u32 $0xF7A, s1;
	s8 =	simm.s32 @!p0 $0x1BF5;
	p2 =	por !p2, p0  }
0x20: {  	[sflag:s8] =	ssyncset.s32 @!p0 $0xFFFFF086;
	s6 =	sadd.s32 @!p0 s3, s7;
	s7 =	simm.s32 @!p0 $0x108  }
0x21: {  	s3 =	sadd.s32 s3, s9;
	s6 =	sadd.s32 @!p0 $0x88, s6;
	s7 =	simm.s32 @p2 $0x1082  }
0x22: {  	[simem:s7], [sflag:s8] =	dma.local @!p0 [hbm:s6], $0xF7A  }
0x23: {  	s9 =	sor.u32 $0xD0000000, s2;
	s6 =	simm.s32 $0x108;
	_ =	swait.ge @!p0 [sflag:s8], $0x0  }
0x24: {  	s3 =	sadd.s32 $0x88, s3;
	s6 =	simm.s32 @!p1 $0x1082;
	[sflag:s4] =	ssyncset.s32 $0xFFFFF086  }
0x25: {  	[simem:s6], [sflag:s4] =	dma.local [hbm:s3], $0xF7A  }
0x26: {  	[smem:$0x3F9A] =	sst s1;
	(tag) =	ssettag s2;
	_ =	strace s9  }
0x27: {  	s1 =	sld [smem:$0x3FAA]  }
0x28: {  	s2 =	sld [smem:$0x3FAB]  }
0x29: {  	s4 =	sld [smem:$0x3FAD]  }
0x2a: {  	p0 =	seq.s32 s5, $0x0;
	s5 =	sld [smem:$0x3FAE]  }
0x2b: {  	s6 =	sld [smem:$0x3FAF]  }
0x2c: {  	s7 =	sld [smem:$0x3FB0]  }
0x2d: {  	s3 =	simm.s32 $0x108;
	s8 =	sld [smem:$0x3FB1]  }
0x2e: {  	s3 =	simm.s32 @!p0 $0x1082;
	s9 =	sld [smem:$0x3FB2]  }
0x2f: {  	lr =	sadd.s32 s0, s3;
	s0 =	sld [smem:$0x3FA9]  }
0x30: {  	s3 =	sld [smem:$0x3FAC]  }
0x31: {  	[smem:$0x3FB5] =	sst s10  }
0x32: {  	s10 =	sld [smem:$0x3FB3];
	_ =	sdelay $0x3  }
0x33: {  	p0 =	seq.s32 s10, $0x1;
	s10 =	sld [smem:$0x3FB5];
	_ =	sdelay $0x3  }
0x34: {  	[smem:$0x3FB5] =	sst s10  }
0x35: {  	s10 =	sld [smem:$0x3FB4];
	_ =	sdelay $0x3  }
0x36: {  	p1 =	seq.s32 s10, $0x1;
	s10 =	sld [smem:$0x3FB5];
	_ =	sdelay $0x3  }
0x37: {  	[smem:$0x3FB5] =	sst s10  }
0x38: {  	s10 =	sld [smem:$0x3FB6]  }
0x39: {  	_ = 	snop;
	(pc) =	sbr.ind lr, $3  }
0x3a: {  	_ = 	snop  }
0x3b: {  	_ = 	snop  }
0x3c: {  	p2 =	seq.s32 s10, $0x1;
	s10 =	sld [smem:$0x3FB5]  }
0x3d: {  	_ =	shalt  }
0x3e: {  	_ =	shalt  }
0x3f: {  	_ =	shalt  }
0x40: {  	_ =	shalt  }
0x41: {  	_ =	shalt  }
0x42: {  	_ =	shalt  }
0x43: {  	_ =	shalt  }
0x44: {  	_ =	shalt  }
0x45: {  	_ =	shalt  }
0x46: {  	_ =	shalt  }
0x47: {  	_ =	shalt  }
0x48: {  	_ =	shalt  }
0x49: {  	_ =	shalt  }
0x4a: {  	_ =	shalt  }
0x4b: {  	_ =	shalt  }
0x4c: {  	_ =	shalt  }
0x4d: {  	_ =	shalt  }
0x4e: {  	_ =	shalt  }
0x4f: {  	_ =	shalt  }
0x50: {  	_ =	shalt  }
0x51: {  	_ =	shalt  }
0x52: {  	_ =	shalt  }
0x53: {  	_ =	shalt  }
0x54: {  	_ =	shalt  }
0x55: {  	_ =	shalt  }
0x56: {  	_ =	shalt  }
0x57: {  	_ =	shalt  }
0x58: {  	_ =	shalt  }
0x59: {  	_ =	shalt  }
0x5a: {  	_ =	shalt  }
0x5b: {  	_ =	shalt  }
0x5c: {  	_ =	shalt  }
0x5d: {  	_ =	shalt  }
0x5e: {  	_ =	shalt  }
0x5f: {  	_ =	shalt  }
0x60: {  	_ =	shalt  }
0x61: {  	_ =	shalt  }
0x62: {  	_ =	shalt  }
0x63: {  	_ =	shalt  }
0x64: {  	_ =	shalt  }
0x65: {  	_ =	shalt  }
0x66: {  	_ =	shalt  }
0x67: {  	_ =	shalt  }
0x68: {  	_ =	shalt  }
0x69: {  	_ =	shalt  }
0x6a: {  	_ =	shalt  }
0x6b: {  	_ =	shalt  }
0x6c: {  	_ =	shalt  }
0x6d: {  	_ =	shalt  }
0x6e: {  	_ =	shalt  }
0x6f: {  	_ =	shalt  }
0x70: {  	_ =	shalt  }
0x71: {  	_ =	shalt  }
0x72: {  	_ =	shalt  }
0x73: {  	_ =	shalt  }
0x74: {  	_ =	shalt  }
0x75: {  	_ =	shalt  }
0x76: {  	_ =	shalt  }
0x77: {  	_ =	shalt  }
0x78: {  	_ =	shalt  }
0x79: {  	_ =	shalt  }
0x7a: {  	_ =	shalt  }
0x7b: {  	_ =	shalt  }
0x7c: {  	_ =	shalt  }
0x7d: {  	_ =	shalt  }
0x7e: {  	_ =	shalt  }
0x7f: {  	_ =	shalt  }
0x80: {  	_ =	shalt  }
0x81: {  	_ =	shalt  }
0x82: {  	_ =	shalt  }
0x83: {  	_ =	shalt  }
0x84: {  	_ =	shalt  }
0x85: {  	_ =	shalt  }
0x86: {  	_ =	shalt  }
0x87: {  	_ =	shalt  }
.Lfunc_end0:
.L_simem_size_0:
called_computation_lowered:
.L_overlay_start_0:
0x88: {  	s0 =	sld [smem:$0x3FD9]  }
0x89: {  	s1 =	sld [smem:$0x3FFE];
	_ =	sdelay $0x3  }
0x8a: {  	s0 =	sadd.s32 s1, s0  }
0x8b: {  	[smem:$0x3FC1] =	sst s0  }
0x8c: {  	_ = 	snop  }
0x8d: {  	(tm) =	ssettm $0x1  }
0x8e: {  	s15 =	sld [smem:$0x3FFB];
	_ =	sdelay $0x3  }
0x8f: {  	_ =	strace s15  }
0x90: {  	s0 =	sld [smem:$0x3FFC];
	_ =	sdelay $0x3  }
0x91: {  	_ =	strace s0  }
0x92: {  	s0 =	sld [smem:$0x3FFD];
	_ =	sdelay $0x3  }
0x93: {  	_ =	strace s0  }
0x94: {  	_ =	strace $0x8FFFFFFF  }
0x95: {  	s16 =	sld [smem:$0x3FDB];
	_ =	sdelay $0x1  }
0x96: {  	s17 =	simm.s32 $_scs_section_size  }
0x97: {  	s2 =	simm.s32 $_size__tile_overlayer_lowered;
	s3 =	simm.s32 $_tile_overlayer_lowered  }
0x98: {  	s20 =	simm.s32 $0x1BFF;
	s19 =	sshll.u32 s3, $0x1;
	s0 =	sadd.s32 s17, s16  }
0x99: {  	s4 =	simm.s32 $0x0;
	s18 =	sshll.u32 s2, $0x1;
	s2 =	sadd.s32 s19, s0  }
0x9a: {  	[timem:s4], [sflag:s20] =	dma.local [hbm:s2], s18  }
0x9b: {  	_ =	swait.ge [sflag:s20], s18  }
0x9c: {  	s1 =	ssub.s32 $0x0, s18;
	[sflag:s20] =	ssyncset.done $0x0  }
0x9d: {  	[sflag:s20] =	ssyncadd.s32 s1;
	_ =	sdelay $0x1  }
0x9e: {  	s21 =	simm.s32 $0x1B8B  }
0x9f: {  	_ =	swait.ge [sflag:s21], $0x1  }
0xa0: {  	[sflag:s21] =	ssyncset.done $0x0  }
0xa1: {  	s23 =	simm.s32 $0x1B8E;
	s22 =	sld [smem:$0x3FFE];
	[sflag:s21] =	ssyncadd.s32 $0xFFFFFFFF  }
0xa2: {  	s24 =	simm.s32 $execute0_lowered;
	[smem:$0x3FD2] =	sst s23  }
0xa3: {  	s2 =	sshll.u32 s24, $0x1;
	_ =	strace $0x80000046;
	[dreg:$0x1] =	wrdreg $0xFFFFFFFF  }
0xa4: {  	s25 =	simm.s32 $_size_execute0_lowered;
	s0 =	sadd.s32 s0, s2;
	[dreg:$0x0] =	wrdreg $0x0  }
0xa5: {  	s2 =	sshll.u32 s25, $0x1;
	[dreg:$0x2] =	wrdreg s0  }
0xa6: {  	[dreg:$0x3] =	wrdreg s2  }
0xa7: {  	[dreg:$0x4] =	wrdreg $0xC0  }
0xa8: {  	_ =	task [dreg:s4], $0x5FFFF  }
0xa9: {  	[dreg:$0x1] =	wrdreg $0xFFFFFFFF  }
0xaa: {  	[dreg:$0x0] =	wrdreg $0x60  }
0xab: {  	[dreg:$0x2] =	wrdreg s22  }
0xac: {  	[dreg:$0x3] =	wrdreg $0x8800  }
0xad: {  	[dreg:$0x4] =	wrdreg $0x9  }
0xae: {  	_ =	task.clear_ibuf [dreg:s4], $0x5FFFF;
	_ =	strace $0x90000046  }
0xaf: {  	s26 =	simm.s32 $0x9;
	_ =	strace $0x80000048  }
0xb0: {  	_ =	swait.ge [sflag:s26], $0x1  }
0xb1: {  	[sflag:s26] =	ssyncadd.s32 $0xFFFFFFFF  }
0xb2: {  	_ =	strace $0x90000048  }
0xb3: {  	_ =	sfence  }
0xb4: {  	s28 =	sld [smem:$0x0];
	_ =	sdelay $0x1  }
0xb5: {  	s29 =	srdreg.scid  }
0xb6: {  	s30 =	sshll.u32 s29, $0xD;
	s31 =	sshrl.u32 s29, $0x2  }
0xb7: {  	s1 =	sand.u32 $0x1, s29;
	s2 =	sand.u32 $0x4000, s30;
	s0 =	sadd.s32 s31, s28  }
0xb8: {  	s1 =	sor.u32 s2, s1;
	s0 =	sshll.u32 s0, $0x11  }
0xb9: {  	s0 =	sor.u32 s0, s1  }
0xba: {  	s0 =	sadd.s32 $0x8F2B, s0  }
0xbb: {  	[sflag:s0] =	ssyncadd.remote.s32 $0x1  }
0xbc: {  	_ =	sfence.sel $0xFFFF  }
0xbd: {  	[dreg:$0x0] =	wrdreg $0xFFFFFFFF;
	(pc) =	sbr.abs _section_cstart, $3  }
0xbe: {  	[dreg:$0x1] =	wrdreg $0xFFFFFFFF  }
0xbf: {  	_ =	task.clear_ibuf [dreg:s4], $0x2FFFF;
	_ =	strace $0x9FFFFFFF  }
0xc0: {  	(tm) =	ssettm $0x7FFFFFFF  }
0xc1: {  	_ =	shalt  }
tec
execute0_lowered:
.L_overlay_start_1:
0x0: {  	(tag) =	ssettag $0x1  }
0x1: {  	s10 =	rddreg [dreg:$0x0]  }
0x2: {  	s2 =	rddreg [dreg:$0x1];
	s1 =	stileid.u32  }
0x3: {  	s0 =	rddreg [dreg:$0x2];
	s3 =	simm.s32 $0x0;
	s5 =	smul.u32 $0x3200, s1  }
0x4: {  	[smem:$0x7FF] =	sst s3  }
0x5: {  	s31 =	sshll.u32 s1, $0x6;
	_ =	strace $0x80000047;
	s4 =	sshrl.u32 s5, $0x3  }
0x6: {  	s7 =	sadd.s32 s5, s2;
	s5 =	sor.u32 $0x1C02, s31;
	s6 =	sadd.s32 s4, s10  }
0x7: {  	s8 =	sadd.s32 $0x15800, s6;
	s6 =	sshrl.u32 s7, $0x3;
	s7 =	simm.s32 $0x2  }
0x8: {  	[spmem:s6], [sflag:s5] =	dma.local [hbm:s8], $0x640  }
0x9: {  	_ =	swait.ge [sflag:s7], $0x640  }
0xa: {  	[sflag:s7] =	ssyncset.done $0x0  }
0xb: {  	v0 =	vimm.f32 $1.000000000e+00;
	[sflag:s7] =	ssyncadd.s32 $0xFFFFF9C0  }
0xc: {  	[tilespmem:$0x800] =	vst v0  }
0xd: {  	[tilespmem:$0x810] =	vst v0  }
0xe: {  	[tilespmem:$0x820] =	vst v0  }
0xf: {  	s12 =	simm.s32 $0x400;
	s13 =	simm.s32 $0x80;
	[tilespmem:$0x830] =	vst v0  }
0x10: {  	s14 =	simm.s32 $0x800;
	s15 =	simm.s32 $0x480;
	s16 =	simm.s32 $0x500;
	[tilespmem:$0x840] =	vst v0  }
0x11: {  	s17 =	simm.s32 $0x580;
	s18 =	simm.s32 $0x600;
	s19 =	simm.s32 $0x680;
	[tilespmem:$0x850] =	vst v0  }
0x12: {  	s20 =	simm.s32 $0x700;
	s21 =	simm.s32 $0x780;
	s22 =	simm.s32 $0x1;
	[tilespmem:$0x860] =	vst v0  }
0x13: {  	s23 =	simm.s32 $0x0;
	s9 =	sadd.s32 $0xB800, s10;
	s11 =	smul.u32 $0x5000, s1;
	[tilespmem:$0x870] =	vst v0  }
0x14: {  	s8 =	sadd.s32 $0x1800, s10;
	s10 =	sadd.s32 $0x1BC00, s10;
	[bflag:$0x0] =	sbarrier.arrive $0xFFFF  }
.LBB2_1:
0x15: {  	s24 =	sshll.u32 s23, $0xA  }
0x16: {  	s24 =	sadd.s32 s11, s24  }
0x17: {  	s24 =	sshrl.u32 s24, $0x3  }
0x18: {  	s25 =	sadd.s32 s8, s24  }
0x19: {  	[tilespmem:s3], [sflag:$0x2] =	stream.linear.gather [hbm4b:s25+s3], $0x400, $0x38;
	[tilespmem:$0x3A80] =	vst v63  }
0x1a: {  	_ =	swait.ge [sflag:s7], $0x400  }
0x1b: {  	[sflag:s7] =	ssyncset.done $0x0  }
0x1c: {  	s24 =	sadd.s32 s9, s24;
	[sflag:s7] =	ssyncadd.s32 $0xFFFFFC00  }
0x1d: {  	[tilespmem:s12], [sflag:$0x2] =	stream.linear.gather [hbm4b:s24+s3], $0x400, $0x38;
	[tilespmem:$0x3A80] =	vst v63  }
0x1e: {  	_ =	swait.ge [sflag:s7], $0x400  }
0x1f: {  	[sflag:s7] =	ssyncset.done $0x0  }
0x20: {  	s24 =	simm.s32 $0x0;
	[sflag:s7] =	ssyncadd.s32 $0xFFFFFC00  }
0x21: {  	v6 =	vld [tilespmem:s24+$0x0]  }
0x22: {  	v11 =	vld [tilespmem:s24+$0x10]  }
0x23: {  	v5 =	vld [tilespmem:s24+$0x20]  }
0x24: {  	v4 =	vld [tilespmem:s24+$0x30]  }
0x25: {  	v3 =	vld [tilespmem:s24+$0x40]  }
0x26: {  	v2 =	vld [tilespmem:s24+$0x50]  }
0x27: {  	v1 =	vld [tilespmem:s24+$0x60]  }
0x28: {  	v0 =	vld [tilespmem:s24+$0x70]  }
0x29: {  	v10 =	vld [tilespmem:s24+$0x400]  }
0x2a: {  	v9 =	vld [tilespmem:s24+$0x410]  }
0x2b: {  	v8 =	vld [tilespmem:s24+$0x420]  }
0x2c: {  	v7 =	vld [tilespmem:s24+$0x430];
	v12 =	vmul.u32 $0x14, v6  }
0x2d: {  	s25 =	simm.s32 $0x200;
	v11 =	vmul.u32 $0x14, v11;
	v6 =	vld [tilespmem:s24+$0x440]  }
.LBB2_2:
0x2e: {  	p0 =	sne.s32 s25, $0xE00;
	v10 =	vadd.s32 v10, v12;
	v5 =	vmul.u32 $0x14, v5;
	v12 =	vld [tilespmem:s24+$0x450]  }
0x2f: {  	v4 =	vmul.u32 $0x14, v4;
	[tilespmem:s24+$0x400] =	vst v10;
	v9 =	vadd.s32 v9, v11;
	v10 =	vld [tilespmem:s24+$0x460]  }
0x30: {  	s26 =	sshra.s32 s25, $0x2;
	v3 =	vmul.u32 $0x14, v3;
	[tilespmem:s24+$0x410] =	vst v9;
	v5 =	vadd.s32 v8, v5;
	v8 =	vld [tilespmem:s24+$0x470]  }
0x31: {  	v2 =	vmul.u32 $0x14, v2;
	v11 =	vld [tilespmem:s26+$0x0];
	[tilespmem:s24+$0x420] =	vst v5;
	v4 =	vadd.s32 v7, v4  }
0x32: {  	v1 =	vmul.u32 $0x14, v1;
	v13 =	vld [tilespmem:s26+$0x10];
	[tilespmem:s24+$0x430] =	vst v4;
	v3 =	vadd.s32 v6, v3  }
0x33: {  	v0 =	vmul.u32 $0x14, v0;
	v5 =	vld [tilespmem:s26+$0x20];
	[tilespmem:s24+$0x440] =	vst v3;
	v2 =	vadd.s32 v12, v2  }
0x34: {  	v4 =	vld [tilespmem:s26+$0x30];
	[tilespmem:s24+$0x450] =	vst v2;
	v1 =	vadd.s32 v10, v1  }
0x35: {  	v3 =	vld [tilespmem:s26+$0x40];
	[tilespmem:s24+$0x460] =	vst v1;
	v0 =	vadd.s32 v8, v0  }
0x36: {  	v2 =	vld [tilespmem:s26+$0x50];
	[tilespmem:s24+$0x470] =	vst v0;
	s24 =	smov.u32 s26  }
0x37: {  	v1 =	vld [tilespmem:s24+$0x60]  }
0x38: {  	v0 =	vld [tilespmem:s24+$0x70]  }
.Ltmp0:
0x39: {  	v10 =	vld [tilespmem:s24+$0x400];
	(pc) =	sbr.rel @p0 .LBB2_2-.Ltmp0, $4  }
0x3a: {  	v9 =	vld [tilespmem:s24+$0x410]  }
0x3b: {  	v8 =	vld [tilespmem:s24+$0x420]  }
0x3c: {  	v12 =	vmul.u32 $0x14, v11;
	v7 =	vld [tilespmem:s24+$0x430]  }
0x3d: {  	s25 =	sadd.s32 $0x200, s25;
	v11 =	vmul.u32 $0x14, v13;
	v6 =	vld [tilespmem:s24+$0x440]  }
0x3e: {  	v10 =	vadd.s32 v10, v12;
	v61 =	vld [tilespmem:s24+$0x450];
	v5 =	vmul.u32 $0x14, v5  }
0x3f: {  	v62 =	vld [tilespmem:s24+$0x460];
	v4 =	vmul.u32 $0x14, v4;
	[tilespmem:s24+$0x400] =	vst v10;
	v9 =	vadd.s32 v9, v11  }
0x40: {  	v3 =	vmul.u32 $0x14, v3;
	v63 =	vld [tilespmem:s24+$0x470];
	[tilespmem:s24+$0x410] =	vst v9;
	v5 =	vadd.s32 v8, v5  }
0x41: {  	v2 =	vmul.u32 $0x14, v2;
	[tilespmem:s24+$0x420] =	vst v5;
	v4 =	vadd.s32 v7, v4  }
0x42: {  	v1 =	vmul.u32 $0x14, v1;
	[tilespmem:s24+$0x430] =	vst v4;
	v3 =	vadd.s32 v6, v3  }
0x43: {  	v0 =	vmul.u32 $0x14, v0;
	[tilespmem:s24+$0x440] =	vst v3;
	v2 =	vadd.s32 v61, v2  }
0x44: {  	v1 =	vadd.s32 v62, v1;
	[tilespmem:s24+$0x450] =	vst v2  }
0x45: {  	v0 =	vadd.s32 v63, v0;
	[tilespmem:s24+$0x460] =	vst v1  }
0x46: {  	[tilespmem:s24+$0x470] =	vst v0  }
0x47: {  	[spmem:s2] =	stream.indirect.scatter.add.f32 [tilespmem:s14], [sflag:$0x1], $0x1, s12, s13, $0xb8;
	[tilespmem:$0x3A80] =	vst v63  }
0x48: {  	_ = 	snop  }
0x49: {  	[spmem:s2] =	stream.indirect.scatter.add.f32 [tilespmem:s14], [sflag:$0x1], $0x1, s15, s13, $0xb8;
	[tilespmem:$0x3A80] =	vst v63  }
0x4a: {  	_ = 	snop  }
0x4b: {  	[spmem:s2] =	stream.indirect.scatter.add.f32 [tilespmem:s14], [sflag:$0x1], $0x1, s16, s13, $0xb8;
	[tilespmem:$0x3A80] =	vst v63  }
0x4c: {  	_ = 	snop  }
0x4d: {  	[spmem:s2] =	stream.indirect.scatter.add.f32 [tilespmem:s14], [sflag:$0x1], $0x1, s17, s13, $0xb8;
	[tilespmem:$0x3A80] =	vst v63  }
0x4e: {  	_ = 	snop  }
0x4f: {  	[spmem:s2] =	stream.indirect.scatter.add.f32 [tilespmem:s14], [sflag:$0x1], $0x1, s18, s13, $0xb8;
	[tilespmem:$0x3A80] =	vst v63  }
0x50: {  	_ = 	snop  }
0x51: {  	[spmem:s2] =	stream.indirect.scatter.add.f32 [tilespmem:s14], [sflag:$0x1], $0x1, s19, s13, $0xb8;
	[tilespmem:$0x3A80] =	vst v63  }
0x52: {  	_ = 	snop  }
0x53: {  	[spmem:s2] =	stream.indirect.scatter.add.f32 [tilespmem:s14], [sflag:$0x1], $0x1, s20, s13, $0xb8;
	[tilespmem:$0x3A80] =	vst v63  }
0x54: {  	_ = 	snop  }
0x55: {  	[spmem:s2] =	stream.indirect.scatter.add.f32 [tilespmem:s14], [sflag:$0x1], $0x1, s21, s13, $0xb8;
	[tilespmem:$0x3A80] =	vst v63  }
0x56: {  	_ =	swait.ge [sflag:s22], $0x80  }
0x57: {  	[sflag:s22] =	ssyncset.done $0x0  }
0x58: {  	[sflag:s22] =	ssyncadd.s32 $0xFFFFFF80  }
0x59: {  	_ =	swait.ge [sflag:s22], $0x80  }
0x5a: {  	[sflag:s22] =	ssyncset.done $0x0  }
0x5b: {  	[sflag:s22] =	ssyncadd.s32 $0xFFFFFF80  }
0x5c: {  	_ =	swait.ge [sflag:s22], $0x80  }
0x5d: {  	[sflag:s22] =	ssyncset.done $0x0  }
0x5e: {  	[sflag:s22] =	ssyncadd.s32 $0xFFFFFF80  }
0x5f: {  	_ =	swait.ge [sflag:s22], $0x80  }
0x60: {  	[sflag:s22] =	ssyncset.done $0x0  }
0x61: {  	[sflag:s22] =	ssyncadd.s32 $0xFFFFFF80  }
0x62: {  	_ =	swait.ge [sflag:s22], $0x80  }
0x63: {  	[sflag:s22] =	ssyncset.done $0x0  }
0x64: {  	[sflag:s22] =	ssyncadd.s32 $0xFFFFFF80  }
0x65: {  	_ =	swait.ge [sflag:s22], $0x80  }
0x66: {  	[sflag:s22] =	ssyncset.done $0x0  }
0x67: {  	s23 =	sadd.s32 $0x1, s23;
	[sflag:s22] =	ssyncadd.s32 $0xFFFFFF80  }
0x68: {  	p0 =	sne.s32 s23, $0x14;
	_ =	swait.ge [sflag:s22], $0x80  }
.Ltmp1:
0x69: {  	[sflag:s22] =	ssyncset.done $0x0;
	(pc) =	sbr.rel @p0 .LBB2_1-.Ltmp1, $4  }
0x6a: {  	[sflag:s22] =	ssyncadd.s32 $0xFFFFFF80  }
0x6b: {  	_ =	swait.ge [sflag:s22], $0x80  }
0x6c: {  	[sflag:s22] =	ssyncset.done $0x0  }
0x6d: {  	[sflag:s22] =	ssyncadd.s32 $0xFFFFFF80  }
0x6e: {  	s2 =	sadd.s32 s10, s4;
	[bflag:$0x0] =	sbarrier.arrive $0xFFFF;
	s31 =	simm.s32 $0x2  }
0x6f: {  	[hbm:s2], [sflag:s5] =	dma.local [spmem:s6], $0x640  }
0x70: {  	_ =	swait.ge [sflag:s31], $0x640  }
0x71: {  	[sflag:s31] =	ssyncset.done $0x0  }
0x72: {  	[sflag:s31] =	ssyncadd.s32 $0xFFFFF9C0  }
0x73: {  	_ =	sfence.sel $0x180000  }
0x74: {  	[bflag:$0x0] =	sbarrier.arrive $0xFFFF  }
0x75: {  	p0 =	sne.s32 s1, $0x0;
	_ =	strace $0x90000047  }
0x76: {  	s0 =	sadd.s32 @!p0 $0x100000, s0;
	[bflag:$0x2] =	sbarrier.arrive $0xFFFF  }
0x77: {  	[sflag:s0] =	ssyncadd.tile.s32 @!p0 $0x1;
	_ =	shalt  }
.Lfunc_end2:
_tile_overlayer_lowered:
.L_overlay_start_2:
0x78: {  	(tag) =	ssettag $0x2  }
0x79: {  	s0 =	rddreg [dreg:$0x0];
	s2 =	stileid.u32  }
0x7a: {  	s1 =	rddreg [dreg:$0x1];
	p0 =	sne.s32 s2, $0x0  }
0x7b: {  	s3 =	rddreg [dreg:$0x2];
	[bflag:$0x3] =	sbarrier.arrive $0xFFFF;
	s2 =	simm.s32 @!p0 $0x1C02  }
0x7c: {  	[timem:s3], [sflag:s2] =	dma.local @!p0 [hbm:s0], s1  }
0x7d: {  	s0 =	simm.s32 @!p0 $0x2  }
0x7e: {  	_ =	swait.ge @!p0 [sflag:s0], s1  }
0x7f: {  	s1 =	ssub.s32 @!p0 $0x0, s1;
	[sflag:s0] =	ssyncset.done @!p0 $0x0  }
0x80: {  	[sflag:s0] =	ssyncadd.s32 @!p0 s1  }
0x81: {  	[bflag:$0x3] =	sbarrier.arrive $0xFFFF  }
0x82: {  	_ =	shalt  }

</sc_bundles>
